<compile_context>
chip_gen: v7x
topology: tpu7x:2x2x1
jax: 0.10.2.dev20260603
libtpu: 0.0.44.dev20260713+nightly
codegen_flags: <defaults>
</compile_context>

<pallas_src>
import functools

import jax
import jax.numpy as jnp
from jax import lax
from jax.experimental import pallas as pl
from jax.experimental.pallas import tpu as pltpu
from jax.experimental.pallas import tpu_sc as plsc

N = 10000
IN = 128
HID = 256
M = 64
OUT = 64

_R = 256
_C = 512
_RB = 1000
_INF = float('inf')

_SELU_SCALE = 1.0507009873554804934193349852946
_SELU_ALPHA = 1.6732632423543772848170429916717


def _selu(x):
    return _SELU_SCALE * jnp.where(x > 0, x, _SELU_ALPHA * (jnp.exp(x) - 1.0))



def _knn3_body(xr_ref, xt_ref, sqr_ref, sqc_ref, out_ref):
    i = pl.program_id(0)
    xr = xr_ref[...]
    sqr = sqr_ref[...]
    grow = i * _R + lax.broadcasted_iota(jnp.int32, (_R, 1), 0)
    npad = xt_ref.shape[1]

    def chunk_step(c, carry):
        b0, b1, b2, i0, i1, i2 = carry
        xc = xt_ref[:, pl.ds(c * _C, _C)]
        sqc = sqc_ref[:, pl.ds(c * _C, _C)]
        dot = jnp.dot(xr, xc, preferred_element_type=jnp.float32)
        s = (sqr - 2.0 * dot) + sqc
        gc = c * _C + lax.broadcasted_iota(jnp.int32, (1, _C), 1)
        s = jnp.where((grow == gc) | (gc >= N), _INF, s)

        def insert(v, ix, b0, b1, b2, i0, i1, i2):
            lt0, lt1, lt2 = v < b0, v < b1, v < b2
            nb0 = jnp.where(lt0, v, b0)
            ni0 = jnp.where(lt0, ix, i0)
            nb1 = jnp.where(lt0, b0, jnp.where(lt1, v, b1))
            ni1 = jnp.where(lt0, i0, jnp.where(lt1, ix, i1))
            nb2 = jnp.where(lt1, b1, jnp.where(lt2, v, b2))
            ni2 = jnp.where(lt1, i1, jnp.where(lt2, ix, i2))
            return nb0, nb1, nb2, ni0, ni1, ni2

        for t in range(3):
            m = jnp.min(s, axis=1, keepdims=True)
            ix = jnp.min(jnp.where(s == m, gc, N), axis=1, keepdims=True)
            b0, b1, b2, i0, i1, i2 = insert(m, ix, b0, b1, b2, i0, i1, i2)
            if t < 2:
                s = jnp.where(gc == ix, _INF, s)
        return b0, b1, b2, i0, i1, i2

    finf = jnp.full((_R, 1), _INF, jnp.float32)
    zi = jnp.zeros((_R, 1), jnp.int32)
    carry = (finf, finf, finf, zi, zi, zi)
    _, _, _, i0, i1, i2 = lax.fori_loop(0, npad // _C, chunk_step, carry)
    out_ref[...] = jnp.concatenate([i0, i1, i2, i0, i0, i0, i0, i0], axis=1)


def _knn3(x):
    n, f = x.shape
    npad = ((n + _C - 1) // _C) * _C
    xt = jnp.pad(x.T, ((0, 0), (0, npad - n)))
    sq = jnp.sum(x * x, axis=1)
    out = pl.pallas_call(
        _knn3_body,
        grid=((n + _R - 1) // _R,),
        in_specs=[
            pl.BlockSpec((_R, f), lambda i: (i, 0)),
            pl.BlockSpec((f, npad), lambda i: (0, 0)),
            pl.BlockSpec((_R, 1), lambda i: (i, 0)),
            pl.BlockSpec((1, npad), lambda i: (0, 0)),
        ],
        out_specs=pl.BlockSpec((_R, 8), lambda i: (i, 0)),
        out_shape=jax.ShapeDtypeStruct((n, 8), jnp.int32),
    )(x, xt, sq[:, None], jnp.pad(sq[None, :], ((0, 0), (0, npad - n))))
    return out[:, :3]



_B_PAD = 30720
_CHUNK = 240


def _sc_gather(table, idx):
    V, D = table.shape
    B = idx.shape[0]
    nw = 32
    b_per_w = B // nw
    nch = b_per_w // _CHUNK
    mesh = plsc.VectorSubcoreMesh(core_axis_name="c", subcore_axis_name="s")

    @functools.partial(
        pl.kernel, mesh=mesh,
        out_type=jax.ShapeDtypeStruct((B, D), jnp.float32),
        scratch_types=[
            pltpu.VMEM((b_per_w,), jnp.int32),
            pltpu.VMEM((_CHUNK, D), jnp.float32),
            pltpu.SemaphoreType.DMA,
        ],
    )
    def k(table_hbm, idx_hbm, out_hbm, idx_v, rows_v, sem):
        wid = lax.axis_index("s") * 2 + lax.axis_index("c")
        base = wid * b_per_w
        pltpu.sync_copy(idx_hbm.at[pl.ds(base, b_per_w)], idx_v)

        def step(c, _):
            pltpu.async_copy(
                table_hbm.at[idx_v.at[pl.ds(c * _CHUNK, _CHUNK)]],
                rows_v, sem).wait()
            pltpu.sync_copy(rows_v, out_hbm.at[pl.ds(base + c * _CHUNK, _CHUNK)])
            return 0

        lax.fori_loop(0, nch, step, 0, unroll=False)

    return k(table, idx)



def _deg_body(w_ref, out_ref):
    deg = (w_ref[:, 0:1] + w_ref[:, 1:2]) + w_ref[:, 2:3]
    dinv = 1.0 / jnp.sqrt(deg + 1e-12)
    out_ref[...] = jnp.broadcast_to(dinv, out_ref.shape)


def _k_deg(w8):
    return pl.pallas_call(
        _deg_body,
        grid=(N // _RB,),
        in_specs=[pl.BlockSpec((_RB, 8), lambda i: (i, 0))],
        out_specs=pl.BlockSpec((_RB, 8), lambda i: (i, 0)),
        out_shape=jax.ShapeDtypeStruct((N, 8), jnp.float32),
    )(w8)


def _prop_body(rows_ref, din_ref, w_ref, dv_ref, out_ref, *, F):
    p = None
    dvs = dv_ref[:, 0:1]
    for j in range(3):
        wj = w_ref[:, j:j + 1]
        dsj = din_ref[:, 128 * j:128 * j + 1]
        nj = (wj * dsj) * dvs
        aj = nj * rows_ref[:, F * j:F * (j + 1)]
        p = aj if p is None else p + aj
    out_ref[...] = p


def _k_prop(rows, din, w8, dinv8, F):
    return pl.pallas_call(
        functools.partial(_prop_body, F=F),
        grid=(N // _RB,),
        in_specs=[
            pl.BlockSpec((_RB, 3 * F), lambda i: (i, 0)),
            pl.BlockSpec((_RB, 384), lambda i: (i, 0)),
            pl.BlockSpec((_RB, 8), lambda i: (i, 0)),
            pl.BlockSpec((_RB, 8), lambda i: (i, 0)),
        ],
        out_specs=pl.BlockSpec((_RB, F), lambda i: (i, 0)),
        out_shape=jax.ShapeDtypeStruct((N, F), jnp.float32),
    )(rows, din, w8, dinv8)


def _cheb_body(x_ref, p1_ref, p2_ref, w_ref, b_ref, out_ref, *, F):
    x = x_ref[...]
    t2 = 2.0 * p2_ref[...] - x
    out = jnp.dot(x, w_ref[0:F], preferred_element_type=jnp.float32)
    out = out + jnp.dot(-p1_ref[...], w_ref[F:2 * F],
                        preferred_element_type=jnp.float32)
    out = out + jnp.dot(t2, w_ref[2 * F:3 * F],
                        preferred_element_type=jnp.float32)
    out_ref[...] = out + b_ref[...]


def _k_cheb(x, p1, p2, W2d, b, F, G):
    return pl.pallas_call(
        functools.partial(_cheb_body, F=F),
        grid=(N // _RB,),
        in_specs=[
            pl.BlockSpec((_RB, F), lambda i: (i, 0)),
            pl.BlockSpec((_RB, F), lambda i: (i, 0)),
            pl.BlockSpec((_RB, F), lambda i: (i, 0)),
            pl.BlockSpec((3 * F, G), lambda i: (0, 0)),
            pl.BlockSpec((1, G), lambda i: (0, 0)),
        ],
        out_specs=pl.BlockSpec((_RB, G), lambda i: (i, 0)),
        out_shape=jax.ShapeDtypeStruct((N, G), jnp.float32),
    )(x, p1, p2, W2d, b)


def _cheb_layer(t, nbr, w8, dinv8, dinv128, W, b):
    F = t.shape[1]
    G = W.shape[2]
    src = jnp.pad(nbr.reshape(-1), (0, _B_PAD - 3 * N))
    gdin = _sc_gather(dinv128, src)[:3 * N].reshape(N, 384)
    gt = _sc_gather(t, src)[:3 * N].reshape(N, 3 * F)
    p1 = _k_prop(gt, gdin, w8, dinv8, F)
    gp1 = _sc_gather(p1, src)[:3 * N].reshape(N, 3 * F)
    p2 = _k_prop(gp1, gdin, w8, dinv8, F)
    return _k_cheb(t, p1, p2, W.reshape(3 * F, G), b[None, :], F, G)



def _gsum_body(a_ref, out_ref, acc):
    @pl.when(pl.program_id(0) == 0)
    def _():
        acc[...] = jnp.zeros_like(acc)
    acc[...] += jnp.sum(a_ref[...], axis=0, keepdims=True)
    @pl.when(pl.program_id(0) == pl.num_programs(0) - 1)
    def _():
        out_ref[...] = acc[...] * (1.0 / N)


def _k_mean(u):
    G = u.shape[1]
    return pl.pallas_call(
        _gsum_body,
        grid=(N // _RB,),
        in_specs=[pl.BlockSpec((_RB, G), lambda i: (i, 0))],
        out_specs=pl.BlockSpec((1, G), lambda i: (0, 0)),
        out_shape=jax.ShapeDtypeStruct((1, G), jnp.float32),
        scratch_shapes=[pltpu.VMEM((1, G), jnp.float32)],
    )(u)


def _gvar_body(a_ref, m_ref, al_ref, out_ref, acc):
    @pl.when(pl.program_id(0) == 0)
    def _():
        acc[...] = jnp.zeros_like(acc)
    uc = a_ref[...] - al_ref[...] * m_ref[...]
    acc[...] += jnp.sum(uc * uc, axis=0, keepdims=True)
    @pl.when(pl.program_id(0) == pl.num_programs(0) - 1)
    def _():
        out_ref[...] = acc[...] * (1.0 / N)


def _k_var(u, mean, alpha):
    G = u.shape[1]
    return pl.pallas_call(
        _gvar_body,
        grid=(N // _RB,),
        in_specs=[pl.BlockSpec((_RB, G), lambda i: (i, 0)),
                  pl.BlockSpec((1, G), lambda i: (0, 0)),
                  pl.BlockSpec((1, G), lambda i: (0, 0))],
        out_specs=pl.BlockSpec((1, G), lambda i: (0, 0)),
        out_shape=jax.ShapeDtypeStruct((1, G), jnp.float32),
        scratch_shapes=[pltpu.VMEM((1, G), jnp.float32)],
    )(u, mean, alpha[None, :])


def _gnorm_body(a_ref, m_ref, v_ref, al_ref, g_ref, be_ref, out_ref):
    uc = a_ref[...] - al_ref[...] * m_ref[...]
    out_ref[...] = g_ref[...] * uc / jnp.sqrt(v_ref[...] + 1e-5) + be_ref[...]


def _k_gnorm(u, mean, var, alpha, gamma, beta):
    G = u.shape[1]
    one = lambda a: a[None, :]
    return pl.pallas_call(
        _gnorm_body,
        grid=(N // _RB,),
        in_specs=[pl.BlockSpec((_RB, G), lambda i: (i, 0))] +
                 [pl.BlockSpec((1, G), lambda i: (0, 0))] * 5,
        out_specs=pl.BlockSpec((_RB, G), lambda i: (i, 0)),
        out_shape=jax.ShapeDtypeStruct((N, G), jnp.float32),
    )(u, mean, var, one(alpha), one(gamma), one(beta))



def _fc1_body(u_ref, w1, b1, w2, b2, w3, b3, out_ref):
    h = _selu(jnp.dot(u_ref[...], w1[...], preferred_element_type=jnp.float32)
              + b1[...])
    h = _selu(jnp.dot(h, w2[...], preferred_element_type=jnp.float32) + b2[...])
    out_ref[...] = jnp.dot(h, w3[...], preferred_element_type=jnp.float32) + b3[...]


def _k_fc1(u, p):
    one = lambda a: a[None, :]
    ws = [p['fc1_w1'], one(p['fc1_b1']), p['fc1_w2'], one(p['fc1_b2']),
          p['fc1_w3'], one(p['fc1_b3'])]
    specs = [pl.BlockSpec(w.shape, lambda i: (0, 0)) for w in ws]
    return pl.pallas_call(
        _fc1_body,
        grid=(N // _RB,),
        in_specs=[pl.BlockSpec((_RB, 4 * M), lambda i: (i, 0))] + specs,
        out_specs=pl.BlockSpec((_RB, M), lambda i: (i, 0)),
        out_shape=jax.ShapeDtypeStruct((N, M), jnp.float32),
    )(u, *ws)


def _pool_body(l_ref, x_ref, xp_ref, cs_ref, axp, acs):
    @pl.when(pl.program_id(0) == 0)
    def _():
        axp[...] = jnp.zeros_like(axp)
        acs[...] = jnp.zeros_like(acs)
    z = l_ref[...]
    z = z - jnp.max(z, axis=1, keepdims=True)
    e = jnp.exp(z)
    S = e / jnp.sum(e, axis=1, keepdims=True)
    axp[...] += lax.dot_general(S, x_ref[...], (((0,), (0,)), ((), ())),
                                preferred_element_type=jnp.float32)
    acs[...] += lax.dot_general(S, jnp.ones((S.shape[0], 8), jnp.float32),
                                (((0,), (0,)), ((), ())),
                                precision=lax.Precision.HIGHEST,
                                preferred_element_type=jnp.float32)
    @pl.when(pl.program_id(0) == pl.num_programs(0) - 1)
    def _():
        xp_ref[...] = axp[...]
        cs_ref[...] = acs[...]


def _k_pool(logits, x):
    return pl.pallas_call(
        _pool_body,
        grid=(N // _RB,),
        in_specs=[pl.BlockSpec((_RB, M), lambda i: (i, 0)),
                  pl.BlockSpec((_RB, IN), lambda i: (i, 0))],
        out_specs=[pl.BlockSpec((M, IN), lambda i: (0, 0)),
                   pl.BlockSpec((M, 8), lambda i: (0, 0))],
        out_shape=[jax.ShapeDtypeStruct((M, IN), jnp.float32),
                   jax.ShapeDtypeStruct((M, 8), jnp.float32)],
        scratch_shapes=[pltpu.VMEM((M, IN), jnp.float32),
                        pltpu.VMEM((M, 8), jnp.float32)],
    )(logits, x)



def _topk_small(d, k):
    gc = lax.broadcasted_iota(jnp.int32, (1, M), 1)
    idxs = []
    for t in range(k):
        m = jnp.min(d, axis=1, keepdims=True)
        ix = jnp.min(jnp.where(d == m, gc, M), axis=1, keepdims=True)
        idxs.append(ix)
        if t < k - 1:
            d = jnp.where(gc == ix, _INF, d)
    return idxs


def _onehot_gather(t, ix):
    gc = lax.broadcasted_iota(jnp.int32, (1, M), 1)
    oh = (ix == gc).astype(jnp.float32)
    return lax.dot_general(oh, t, (((1,), (0,)), ((), ())),
                           precision=lax.Precision.HIGHEST,
                           preferred_element_type=jnp.float32)


def _sq_cols(t):
    ts = t * t
    return lax.dot_general(jnp.ones((1, t.shape[1]), jnp.float32), ts,
                           (((1,), (1,)), ((), ())),
                           precision=lax.Precision.HIGHEST,
                           preferred_element_type=jnp.float32)


def _edgeconv_small(t, k, w_ref, b_ref):
    sqr = jnp.sum(t * t, axis=1, keepdims=True)
    dotm = lax.dot_general(t, t, (((1,), (1,)), ((), ())),
                           preferred_element_type=jnp.float32)
    d = (sqr - 2.0 * dotm) + _sq_cols(t)
    diag = (lax.broadcasted_iota(jnp.int32, (M, 1), 0) ==
            lax.broadcasted_iota(jnp.int32, (1, M), 1))
    d = jnp.where(diag, _INF, d)
    idxs = _topk_small(d, k)
    h = None
    for ix in idxs:
        ts = _onehot_gather(t, ix)
        cat = jnp.concatenate([t, ts - t], axis=1)
        msg = _selu(jnp.dot(cat, w_ref[...], preferred_element_type=jnp.float32)
                    + b_ref[...])
        h = msg if h is None else jnp.maximum(h, msg)
    return h


def _tail_body(xpn_ref, cs_ref, w2, b2, w3, b3, f1w, f1b, f2w, f2b, f3w, f3b,
               out_ref):
    xp = xpn_ref[...] / (cs_ref[:, 0:1] + 1e-12)
    h = _edgeconv_small(xp, 8, w2, b2)
    y = _edgeconv_small(h, 3, w3, b3)
    z = h + y
    v = _selu(jnp.dot(z, f1w[...], preferred_element_type=jnp.float32) + f1b[...])
    v = _selu(jnp.dot(v, f2w[...], preferred_element_type=jnp.float32) + f2b[...])
    out_ref[...] = jnp.dot(v, f3w[...], preferred_element_type=jnp.float32) + f3b[...]


def _k_tail(xpn, cs, p):
    one = lambda a: a[None, :]
    ws = [p['conv2_w'], one(p['conv2_b']), p['conv3_w'], one(p['conv3_b']),
          p['fc2_w1'], one(p['fc2_b1']), p['fc2_w2'], one(p['fc2_b2']),
          p['fc2_w3'], one(p['fc2_b3'])]
    specs = [pl.BlockSpec(w.shape, lambda i: (0, 0)) for w in ws]
    return pl.pallas_call(
        _tail_body,
        grid=(1,),
        in_specs=[pl.BlockSpec((M, IN), lambda i: (0, 0)),
                  pl.BlockSpec((M, 8), lambda i: (0, 0))] + specs,
        out_specs=pl.BlockSpec((M, OUT), lambda i: (0, 0)),
        out_shape=jax.ShapeDtypeStruct((M, OUT), jnp.float32),
    )(xpn, cs, *ws)



def kernel(x, edge_weight, batch, params):
    p = params
    w8 = jnp.pad(edge_weight.reshape(N, 3), ((0, 0), (0, 5)))
    dinv8 = _k_deg(w8)
    dinv128 = jnp.broadcast_to(dinv8[:, 0:1], (N, 128))

    nbr1 = _knn3(x)
    u = _cheb_layer(x, nbr1, w8, dinv8, dinv128, p['conv0_W'], p['conv0_b'])

    mean = _k_mean(u)
    var = _k_var(u, mean, p['gn_alpha'])
    u = _k_gnorm(u, mean, var, p['gn_alpha'], p['gn_gamma'], p['gn_beta'])

    nbr2 = _knn3(u)
    u = _cheb_layer(u, nbr2, w8, dinv8, dinv128, p['conv1_W'], p['conv1_b'])

    logits = _k_fc1(u, p)
    xpn, cs = _k_pool(logits, x)
    v = _k_tail(xpn, cs, p)
    return (logits, v)

# --- scband reference (transcript-rebuilt; emitter-appended) ---
"""Pipeline reference for scband-stx-encoder-79731772883228 (READ-ONLY COPY).

The authoritative reference and input builder live on the scoring server;
editing this copy changes nothing except your own understanding.
"""

import jax, jax.numpy as jnp
import numpy as np

N = 10000
IN = 128
HID = 256
M = 64
OUT = 64
KCHEB = 3
CONNECT = 8


def knn_graph(x, k):
    n = x.shape[0]
    sq = jnp.sum(x * x, axis=1)
    chunk = 2048
    nbrs = []
    for s in range(0, n, chunk):
        xs = x[s:s + chunk]
        m = xs.shape[0]
        d = sq[s:s + m][:, None] - 2.0 * (xs @ x.T) + sq[None, :]
        d = d.at[jnp.arange(m), jnp.arange(s, s + m)].set(jnp.inf)
        _, idx = jax.lax.top_k(-d, k)
        nbrs.append(idx)
    nbr = jnp.concatenate(nbrs, axis=0)
    src = nbr.reshape(-1)
    dst = jnp.repeat(jnp.arange(n), k)
    return src, dst


def cheb(x, src, dst, w, Ws, b):
    n = x.shape[0]
    deg = jax.ops.segment_sum(w, dst, num_segments=n)
    dinv = 1.0 / jnp.sqrt(deg + 1e-12)
    norm = w * dinv[src] * dinv[dst]

    def prop(t):
        return jax.ops.segment_sum(norm[:, None] * t[src], dst, num_segments=n)

    Tx0 = x
    out = Tx0 @ Ws[0]
    Tx1 = -prop(Tx0)
    out = out + Tx1 @ Ws[1]
    for kk in range(2, Ws.shape[0]):
        Tx2 = -2.0 * prop(Tx1) - Tx0
        out = out + Tx2 @ Ws[kk]
        Tx0, Tx1 = Tx1, Tx2
    return out + b


def edgeconv(x, src, dst, w, b):
    n = x.shape[0]
    msg = jax.nn.selu(jnp.concatenate([x[dst], x[src] - x[dst]], axis=1) @ w + b)
    return jax.ops.segment_max(msg, dst, num_segments=n)


def _lin(key, fin, fout):
    return jax.random.normal(key, (fin, fout), jnp.float32) / np.sqrt(fin)


def setup_inputs(seed: int = 0):
    key = jax.random.key(seed)
    ks = jax.random.split(key, 16)
    x = jax.random.normal(ks[0], (N, IN), jnp.float32)
    edge_weight = jax.random.uniform(ks[1], (N * 3,), jnp.float32)
    batch = jnp.zeros((N,), jnp.int32)
    params = {
        'conv0_W': jnp.stack([_lin(jax.random.fold_in(ks[2], i), IN, HID) for i in range(KCHEB)]),
        'conv0_b': jnp.zeros((HID,), jnp.float32),
        'gn_alpha': jnp.ones((HID,), jnp.float32),
        'gn_gamma': jnp.ones((HID,), jnp.float32),
        'gn_beta': jnp.zeros((HID,), jnp.float32),
        'conv1_W': jnp.stack([_lin(jax.random.fold_in(ks[3], i), HID, 4 * M) for i in range(KCHEB)]),
        'conv1_b': jnp.zeros((4 * M,), jnp.float32),
        'fc1_w1': _lin(ks[4], 4 * M, 2 * M), 'fc1_b1': jnp.zeros((2 * M,), jnp.float32),
        'fc1_w2': _lin(ks[5], 2 * M, M), 'fc1_b2': jnp.zeros((M,), jnp.float32),
        'fc1_w3': _lin(ks[6], M, M), 'fc1_b3': jnp.zeros((M,), jnp.float32),
        'conv2_w': _lin(ks[7], 2 * IN, HID), 'conv2_b': jnp.zeros((HID,), jnp.float32),
        'conv3_w': _lin(ks[8], 2 * HID, HID), 'conv3_b': jnp.zeros((HID,), jnp.float32),
        'fc2_w1': _lin(ks[9], HID, HID // 2), 'fc2_b1': jnp.zeros((HID // 2,), jnp.float32),
        'fc2_w2': _lin(ks[10], HID // 2, HID // 4), 'fc2_b2': jnp.zeros((HID // 4,), jnp.float32),
        'fc2_w3': _lin(ks[11], HID // 4, OUT), 'fc2_b3': jnp.zeros((OUT,), jnp.float32),
    }
    return {'x': x, 'edge_weight': edge_weight, 'batch': batch, 'params': params}


def _forward(x, edge_weight, params):
    src, dst = knn_graph(x, 3)
    u = cheb(x, src, dst, edge_weight, params['conv0_W'], params['conv0_b'])
    mean = jnp.mean(u, axis=0, keepdims=True)
    uc = u - params['gn_alpha'] * mean
    var = jnp.mean(uc * uc, axis=0, keepdims=True)
    u = params['gn_gamma'] * uc / jnp.sqrt(var + 1e-5) + params['gn_beta']
    src2, dst2 = knn_graph(u, 3)
    u = cheb(u, src2, dst2, edge_weight, params['conv1_W'], params['conv1_b'])
    u = jax.nn.selu(u @ params['fc1_w1'] + params['fc1_b1'])
    u = jax.nn.selu(u @ params['fc1_w2'] + params['fc1_b2'])
    u = u @ params['fc1_w3'] + params['fc1_b3']
    S = jax.nn.softmax(u, axis=-1)
    xp = (S.T @ x) / (jnp.sum(S, axis=0)[:, None] + 1e-12)
    s3, d3 = knn_graph(xp, CONNECT)
    h = edgeconv(xp, s3, d3, params['conv2_w'], params['conv2_b'])
    s4, d4 = knn_graph(h, 3)
    y = edgeconv(h, s4, d4, params['conv3_w'], params['conv3_b'])
    z = h + y
    v = jax.nn.selu(z @ params['fc2_w1'] + params['fc2_b1'])
    v = jax.nn.selu(v @ params['fc2_w2'] + params['fc2_b2'])
    v = v @ params['fc2_w3'] + params['fc2_b3']
    return (u, v)


def reference(x, edge_weight, batch, params):
    return _forward(x, edge_weight, params)

if __name__ == "__main__":
    import jax
    _d = setup_inputs()
    print(jax.jit(kernel)(*tuple(_d.values())))

</pallas_src>

<mosaic_0001>
#map = affine_map<(d0, d1) -> (0, 0)>
#map1 = affine_map<(d0, d1) -> (0)>
module attributes {stable_mosaic.version = 14 : i64} {
  func.func @k(%arg0: i32, %arg1: i32, %arg2: memref<10000x128xf32, #tpu.memory_space<hbm>>, %arg3: memref<30720xi32, #tpu.memory_space<hbm>>, %arg4: memref<30720x128xf32, #tpu.memory_space<hbm>>, %arg5: memref<960xi32, #tpu.memory_space<vmem>>, %arg6: memref<240x128xf32, #tpu.memory_space<vmem>>, %arg7: memref<!tpu.dma_semaphore, #tpu.memory_space<semaphore_mem>>) attributes {dimension_semantics = [#tpu.dimension_semantics<core_parallel>, #tpu.dimension_semantics<subcore_parallel>], iteration_bounds = array<i64: 2, 16>, scalar_prefetch = 0 : i64, scratch_operands = 3 : i64, tpu.core_type = #tpu.core_type<sc_vector_subcore>, window_params = [{transform_indices = #map}, {transform_indices = #map1}, {transform_indices = #map}]} {
    %mul3A = arith.constant 2 : i32
    %mul3A_0 = arith.muli %arg1, %mul3A : i32
    %add3A = arith.addi %mul3A_0, %arg0 : i32
    %mul3A_1 = arith.constant 960 : i32
    %mul3A_2 = arith.muli %add3A, %mul3A_1 : i32
    "tpu.region"() ({
      %run_scoped3A = tpu.sem_alloc : memref<!tpu.dma_semaphore, #tpu.memory_space<semaphore_mem>>
      %dma_start3A = tpu.memref_slice %arg3[%mul3A_2] : memref<30720xi32, #tpu.memory_space<hbm>> -> memref<960xi32, #tpu.memory_space<hbm>>
      %dma_start3A_9 = tpu.memref_slice %arg3[%mul3A_2] : memref<30720xi32, #tpu.memory_space<hbm>> -> memref<960xi32, #tpu.memory_space<hbm>>
      tpu.enqueue_dma source(%dma_start3A_9 : memref<960xi32, #tpu.memory_space<hbm>>) target(%arg5 : memref<960xi32, #tpu.memory_space<vmem>>) target_semaphore(%run_scoped3A : memref<!tpu.dma_semaphore, #tpu.memory_space<semaphore_mem>>)
      %dma_wait3A = tpu.memref_slice %arg3[%mul3A_2] : memref<30720xi32, #tpu.memory_space<hbm>> -> memref<960xi32, #tpu.memory_space<hbm>>
      %dma_wait3A_10 = tpu.memref_slice %arg3[%mul3A_2] : memref<30720xi32, #tpu.memory_space<hbm>> -> memref<960xi32, #tpu.memory_space<hbm>>
      tpu.wait_dma2 semaphore(%run_scoped3A : memref<!tpu.dma_semaphore, #tpu.memory_space<semaphore_mem>>) src(%dma_wait3A_10 : memref<960xi32, #tpu.memory_space<hbm>>) dst(%arg5 : memref<960xi32, #tpu.memory_space<vmem>>)
      tpu.yield
    }) : () -> ()
    %scan3A = arith.constant 0 : i32
    %scan3A_3 = arith.constant 0 : i32
    %scan3A_4 = arith.constant 4 : i32
    %scan3A_5 = arith.addi %scan3A_3, %scan3A_4 : i32
    %scan3A_6 = arith.constant 1 : i32
    %scan3A_7 = scf.for %scan3A_9 = %scan3A_3 to %scan3A_5 step %scan3A_6 iter_args(%scan3A_10 = %scan3A) -> (i32)  : i32 {
      %mul3A_11 = arith.constant 240 : i32
      %mul3A_12 = arith.muli %scan3A_9, %mul3A_11 : i32
      %dma_start3A = tpu.memref_slice %arg5[%mul3A_12] : memref<960xi32, #tpu.memory_space<vmem>> -> memref<240xi32, #tpu.memory_space<vmem>>
      %dma_start3A_13 = arith.constant 0 : i32
      %dma_start3A_14 = arith.constant 0 : i32
      %dma_start3A_15 = tpu.memref_slice %arg2[%dma_start3A_13, %dma_start3A_14] : memref<10000x128xf32, #tpu.memory_space<hbm>> -> memref<10000x128xf32, #tpu.memory_space<hbm>>
      tpu.enqueue_indirect_dma source(%dma_start3A_15 : memref<10000x128xf32, #tpu.memory_space<hbm>>) target(%arg6 : memref<240x128xf32, #tpu.memory_space<vmem>>) offsets(%dma_start3A : memref<240xi32, #tpu.memory_space<vmem>>) semaphore(%arg7 : memref<!tpu.dma_semaphore, #tpu.memory_space<semaphore_mem>>)
      %dma_wait3A = tpu.memref_slice %arg5[%mul3A_12] : memref<960xi32, #tpu.memory_space<vmem>> -> memref<240xi32, #tpu.memory_space<vmem>>
      %dma_wait3A_16 = arith.constant 0 : i32
      %dma_wait3A_17 = arith.constant 0 : i32
      %dma_wait3A_18 = tpu.memref_slice %arg2[%dma_wait3A_16, %dma_wait3A_17] : memref<10000x128xf32, #tpu.memory_space<hbm>> -> memref<10000x128xf32, #tpu.memory_space<hbm>>
      tpu.wait_indirect_dma semaphore(%arg7 : memref<!tpu.dma_semaphore, #tpu.memory_space<semaphore_mem>>) src(%dma_wait3A_18 : memref<10000x128xf32, #tpu.memory_space<hbm>>) dst(%arg6 : memref<240x128xf32, #tpu.memory_space<vmem>>)
      %mul3A_19 = arith.constant 240 : i32
      %mul3A_20 = arith.muli %scan3A_9, %mul3A_19 : i32
      %add3A_21 = arith.addi %mul3A_2, %mul3A_20 : i32
      "tpu.region"() ({
        %run_scoped3A = tpu.sem_alloc : memref<!tpu.dma_semaphore, #tpu.memory_space<semaphore_mem>>
        %dma_start3A_23 = arith.constant 0 : i32
        %dma_start3A_24 = tpu.memref_slice %arg4[%add3A_21, %dma_start3A_23] : memref<30720x128xf32, #tpu.memory_space<hbm>> -> memref<240x128xf32, #tpu.memory_space<hbm>>
        %dma_start3A_25 = arith.constant 0 : i32
        %dma_start3A_26 = tpu.memref_slice %arg4[%add3A_21, %dma_start3A_25] : memref<30720x128xf32, #tpu.memory_space<hbm>> -> memref<240x128xf32, #tpu.memory_space<hbm>>
        tpu.enqueue_dma source(%arg6 : memref<240x128xf32, #tpu.memory_space<vmem>>) target(%dma_start3A_26 : memref<240x128xf32, #tpu.memory_space<hbm>>) target_semaphore(%run_scoped3A : memref<!tpu.dma_semaphore, #tpu.memory_space<semaphore_mem>>)
        %dma_wait3A_27 = arith.constant 0 : i32
        %dma_wait3A_28 = tpu.memref_slice %arg4[%add3A_21, %dma_wait3A_27] : memref<30720x128xf32, #tpu.memory_space<hbm>> -> memref<240x128xf32, #tpu.memory_space<hbm>>
        %dma_wait3A_29 = arith.constant 0 : i32
        %dma_wait3A_30 = tpu.memref_slice %arg4[%add3A_21, %dma_wait3A_29] : memref<30720x128xf32, #tpu.memory_space<hbm>> -> memref<240x128xf32, #tpu.memory_space<hbm>>
        tpu.wait_dma2 semaphore(%run_scoped3A : memref<!tpu.dma_semaphore, #tpu.memory_space<semaphore_mem>>) src(%arg6 : memref<240x128xf32, #tpu.memory_space<vmem>>) dst(%dma_wait3A_30 : memref<240x128xf32, #tpu.memory_space<hbm>>)
        tpu.yield
      }) : () -> ()
      %scan3A_22 = arith.constant 0 : i32
      scf.yield %scan3A_22 : i32
    }
    %scan3A_8 = arith.constant 4 : i32
    return
  }
}

#map = affine_map<(d0, d1) -> (0, 0)>
#map1 = affine_map<(d0, d1) -> (0)>
module attributes {stable_mosaic.version = 14 : i64} {
  func.func @k(%arg0: i32, %arg1: i32, %arg2: memref<10000x128xf32, #tpu.memory_space<hbm>>, %arg3: memref<30720xi32, #tpu.memory_space<hbm>>, %arg4: memref<30720x128xf32, #tpu.memory_space<hbm>>, %arg5: memref<960xi32, #tpu.memory_space<vmem>>, %arg6: memref<240x128xf32, #tpu.memory_space<vmem>>, %arg7: memref<!tpu.dma_semaphore, #tpu.memory_space<semaphore_mem>>) attributes {dimension_semantics = [#tpu.dimension_semantics<core_parallel>, #tpu.dimension_semantics<subcore_parallel>], iteration_bounds = array<i64: 2, 16>, scalar_prefetch = 0 : i64, scratch_operands = 3 : i64, tpu.core_type = #tpu.core_type<sc_vector_subcore>, window_params = [{transform_indices = #map}, {transform_indices = #map1}, {transform_indices = #map}]} {
    %mul3A = arith.constant 2 : i32
    %mul3A_0 = arith.muli %arg1, %mul3A : i32
    %add3A = arith.addi %mul3A_0, %arg0 : i32
    %mul3A_1 = arith.constant 960 : i32
    %mul3A_2 = arith.muli %add3A, %mul3A_1 : i32
    "tpu.region"() ({
      %run_scoped3A = tpu.sem_alloc : memref<!tpu.dma_semaphore, #tpu.memory_space<semaphore_mem>>
      %dma_start3A = tpu.memref_slice %arg3[%mul3A_2] : memref<30720xi32, #tpu.memory_space<hbm>> -> memref<960xi32, #tpu.memory_space<hbm>>
      %dma_start3A_9 = tpu.memref_slice %arg3[%mul3A_2] : memref<30720xi32, #tpu.memory_space<hbm>> -> memref<960xi32, #tpu.memory_space<hbm>>
      tpu.enqueue_dma source(%dma_start3A_9 : memref<960xi32, #tpu.memory_space<hbm>>) target(%arg5 : memref<960xi32, #tpu.memory_space<vmem>>) target_semaphore(%run_scoped3A : memref<!tpu.dma_semaphore, #tpu.memory_space<semaphore_mem>>)
      %dma_wait3A = tpu.memref_slice %arg3[%mul3A_2] : memref<30720xi32, #tpu.memory_space<hbm>> -> memref<960xi32, #tpu.memory_space<hbm>>
      %dma_wait3A_10 = tpu.memref_slice %arg3[%mul3A_2] : memref<30720xi32, #tpu.memory_space<hbm>> -> memref<960xi32, #tpu.memory_space<hbm>>
      tpu.wait_dma2 semaphore(%run_scoped3A : memref<!tpu.dma_semaphore, #tpu.memory_space<semaphore_mem>>) src(%dma_wait3A_10 : memref<960xi32, #tpu.memory_space<hbm>>) dst(%arg5 : memref<960xi32, #tpu.memory_space<vmem>>)
      tpu.yield
    }) : () -> ()
    %scan3A = arith.constant 0 : i32
    %scan3A_3 = arith.constant 0 : i32
    %scan3A_4 = arith.constant 4 : i32
    %scan3A_5 = arith.addi %scan3A_3, %scan3A_4 : i32
    %scan3A_6 = arith.constant 1 : i32
    %scan3A_7 = scf.for %scan3A_9 = %scan3A_3 to %scan3A_5 step %scan3A_6 iter_args(%scan3A_10 = %scan3A) -> (i32)  : i32 {
      %mul3A_11 = arith.constant 240 : i32
      %mul3A_12 = arith.muli %scan3A_9, %mul3A_11 : i32
      %dma_start3A = tpu.memref_slice %arg5[%mul3A_12] : memref<960xi32, #tpu.memory_space<vmem>> -> memref<240xi32, #tpu.memory_space<vmem>>
      %dma_start3A_13 = arith.constant 0 : i32
      %dma_start3A_14 = arith.constant 0 : i32
      %dma_start3A_15 = tpu.memref_slice %arg2[%dma_start3A_13, %dma_start3A_14] : memref<10000x128xf32, #tpu.memory_space<hbm>> -> memref<10000x128xf32, #tpu.memory_space<hbm>>
      tpu.enqueue_indirect_dma source(%dma_start3A_15 : memref<10000x128xf32, #tpu.memory_space<hbm>>) target(%arg6 : memref<240x128xf32, #tpu.memory_space<vmem>>) offsets(%dma_start3A : memref<240xi32, #tpu.memory_space<vmem>>) semaphore(%arg7 : memref<!tpu.dma_semaphore, #tpu.memory_space<semaphore_mem>>)
      %dma_wait3A = tpu.memref_slice %arg5[%mul3A_12] : memref<960xi32, #tpu.memory_space<vmem>> -> memref<240xi32, #tpu.memory_space<vmem>>
      %dma_wait3A_16 = arith.constant 0 : i32
      %dma_wait3A_17 = arith.constant 0 : i32
      %dma_wait3A_18 = tpu.memref_slice %arg2[%dma_wait3A_16, %dma_wait3A_17] : memref<10000x128xf32, #tpu.memory_space<hbm>> -> memref<10000x128xf32, #tpu.memory_space<hbm>>
      tpu.wait_indirect_dma semaphore(%arg7 : memref<!tpu.dma_semaphore, #tpu.memory_space<semaphore_mem>>) src(%dma_wait3A_18 : memref<10000x128xf32, #tpu.memory_space<hbm>>) dst(%arg6 : memref<240x128xf32, #tpu.memory_space<vmem>>)
      %mul3A_19 = arith.constant 240 : i32
      %mul3A_20 = arith.muli %scan3A_9, %mul3A_19 : i32
      %add3A_21 = arith.addi %mul3A_2, %mul3A_20 : i32
      "tpu.region"() ({
        %run_scoped3A = tpu.sem_alloc : memref<!tpu.dma_semaphore, #tpu.memory_space<semaphore_mem>>
        %dma_start3A_23 = arith.constant 0 : i32
        %dma_start3A_24 = tpu.memref_slice %arg4[%add3A_21, %dma_start3A_23] : memref<30720x128xf32, #tpu.memory_space<hbm>> -> memref<240x128xf32, #tpu.memory_space<hbm>>
        %dma_start3A_25 = arith.constant 0 : i32
        %dma_start3A_26 = tpu.memref_slice %arg4[%add3A_21, %dma_start3A_25] : memref<30720x128xf32, #tpu.memory_space<hbm>> -> memref<240x128xf32, #tpu.memory_space<hbm>>
        tpu.enqueue_dma source(%arg6 : memref<240x128xf32, #tpu.memory_space<vmem>>) target(%dma_start3A_26 : memref<240x128xf32, #tpu.memory_space<hbm>>) target_semaphore(%run_scoped3A : memref<!tpu.dma_semaphore, #tpu.memory_space<semaphore_mem>>)
        %dma_wait3A_27 = arith.constant 0 : i32
        %dma_wait3A_28 = tpu.memref_slice %arg4[%add3A_21, %dma_wait3A_27] : memref<30720x128xf32, #tpu.memory_space<hbm>> -> memref<240x128xf32, #tpu.memory_space<hbm>>
        %dma_wait3A_29 = arith.constant 0 : i32
        %dma_wait3A_30 = tpu.memref_slice %arg4[%add3A_21, %dma_wait3A_29] : memref<30720x128xf32, #tpu.memory_space<hbm>> -> memref<240x128xf32, #tpu.memory_space<hbm>>
        tpu.wait_dma2 semaphore(%run_scoped3A : memref<!tpu.dma_semaphore, #tpu.memory_space<semaphore_mem>>) src(%arg6 : memref<240x128xf32, #tpu.memory_space<vmem>>) dst(%dma_wait3A_30 : memref<240x128xf32, #tpu.memory_space<hbm>>)
        tpu.yield
      }) : () -> ()
      %scan3A_22 = arith.constant 0 : i32
      scf.yield %scan3A_22 : i32
    }
    %scan3A_8 = arith.constant 4 : i32
    return
  }
}

#map = affine_map<(d0, d1) -> (0, 0)>
#map1 = affine_map<(d0, d1) -> (0)>
module attributes {stable_mosaic.version = 14 : i64} {
  func.func @k(%arg0: i32, %arg1: i32, %arg2: memref<10000x256xf32, #tpu.memory_space<hbm>>, %arg3: memref<30720xi32, #tpu.memory_space<hbm>>, %arg4: memref<30720x256xf32, #tpu.memory_space<hbm>>, %arg5: memref<960xi32, #tpu.memory_space<vmem>>, %arg6: memref<240x256xf32, #tpu.memory_space<vmem>>, %arg7: memref<!tpu.dma_semaphore, #tpu.memory_space<semaphore_mem>>) attributes {dimension_semantics = [#tpu.dimension_semantics<core_parallel>, #tpu.dimension_semantics<subcore_parallel>], iteration_bounds = array<i64: 2, 16>, scalar_prefetch = 0 : i64, scratch_operands = 3 : i64, tpu.core_type = #tpu.core_type<sc_vector_subcore>, window_params = [{transform_indices = #map}, {transform_indices = #map1}, {transform_indices = #map}]} {
    %mul3A = arith.constant 2 : i32
    %mul3A_0 = arith.muli %arg1, %mul3A : i32
    %add3A = arith.addi %mul3A_0, %arg0 : i32
    %mul3A_1 = arith.constant 960 : i32
    %mul3A_2 = arith.muli %add3A, %mul3A_1 : i32
    "tpu.region"() ({
      %run_scoped3A = tpu.sem_alloc : memref<!tpu.dma_semaphore, #tpu.memory_space<semaphore_mem>>
      %dma_start3A = tpu.memref_slice %arg3[%mul3A_2] : memref<30720xi32, #tpu.memory_space<hbm>> -> memref<960xi32, #tpu.memory_space<hbm>>
      %dma_start3A_9 = tpu.memref_slice %arg3[%mul3A_2] : memref<30720xi32, #tpu.memory_space<hbm>> -> memref<960xi32, #tpu.memory_space<hbm>>
      tpu.enqueue_dma source(%dma_start3A_9 : memref<960xi32, #tpu.memory_space<hbm>>) target(%arg5 : memref<960xi32, #tpu.memory_space<vmem>>) target_semaphore(%run_scoped3A : memref<!tpu.dma_semaphore, #tpu.memory_space<semaphore_mem>>)
      %dma_wait3A = tpu.memref_slice %arg3[%mul3A_2] : memref<30720xi32, #tpu.memory_space<hbm>> -> memref<960xi32, #tpu.memory_space<hbm>>
      %dma_wait3A_10 = tpu.memref_slice %arg3[%mul3A_2] : memref<30720xi32, #tpu.memory_space<hbm>> -> memref<960xi32, #tpu.memory_space<hbm>>
      tpu.wait_dma2 semaphore(%run_scoped3A : memref<!tpu.dma_semaphore, #tpu.memory_space<semaphore_mem>>) src(%dma_wait3A_10 : memref<960xi32, #tpu.memory_space<hbm>>) dst(%arg5 : memref<960xi32, #tpu.memory_space<vmem>>)
      tpu.yield
    }) : () -> ()
    %scan3A = arith.constant 0 : i32
    %scan3A_3 = arith.constant 0 : i32
    %scan3A_4 = arith.constant 4 : i32
    %scan3A_5 = arith.addi %scan3A_3, %scan3A_4 : i32
    %scan3A_6 = arith.constant 1 : i32
    %scan3A_7 = scf.for %scan3A_9 = %scan3A_3 to %scan3A_5 step %scan3A_6 iter_args(%scan3A_10 = %scan3A) -> (i32)  : i32 {
      %mul3A_11 = arith.constant 240 : i32
      %mul3A_12 = arith.muli %scan3A_9, %mul3A_11 : i32
      %dma_start3A = tpu.memref_slice %arg5[%mul3A_12] : memref<960xi32, #tpu.memory_space<vmem>> -> memref<240xi32, #tpu.memory_space<vmem>>
      %dma_start3A_13 = arith.constant 0 : i32
      %dma_start3A_14 = arith.constant 0 : i32
      %dma_start3A_15 = tpu.memref_slice %arg2[%dma_start3A_13, %dma_start3A_14] : memref<10000x256xf32, #tpu.memory_space<hbm>> -> memref<10000x256xf32, #tpu.memory_space<hbm>>
      tpu.enqueue_indirect_dma source(%dma_start3A_15 : memref<10000x256xf32, #tpu.memory_space<hbm>>) target(%arg6 : memref<240x256xf32, #tpu.memory_space<vmem>>) offsets(%dma_start3A : memref<240xi32, #tpu.memory_space<vmem>>) semaphore(%arg7 : memref<!tpu.dma_semaphore, #tpu.memory_space<semaphore_mem>>)
      %dma_wait3A = tpu.memref_slice %arg5[%mul3A_12] : memref<960xi32, #tpu.memory_space<vmem>> -> memref<240xi32, #tpu.memory_space<vmem>>
      %dma_wait3A_16 = arith.constant 0 : i32
      %dma_wait3A_17 = arith.constant 0 : i32
      %dma_wait3A_18 = tpu.memref_slice %arg2[%dma_wait3A_16, %dma_wait3A_17] : memref<10000x256xf32, #tpu.memory_space<hbm>> -> memref<10000x256xf32, #tpu.memory_space<hbm>>
      tpu.wait_indirect_dma semaphore(%arg7 : memref<!tpu.dma_semaphore, #tpu.memory_space<semaphore_mem>>) src(%dma_wait3A_18 : memref<10000x256xf32, #tpu.memory_space<hbm>>) dst(%arg6 : memref<240x256xf32, #tpu.memory_space<vmem>>)
      %mul3A_19 = arith.constant 240 : i32
      %mul3A_20 = arith.muli %scan3A_9, %mul3A_19 : i32
      %add3A_21 = arith.addi %mul3A_2, %mul3A_20 : i32
      "tpu.region"() ({
        %run_scoped3A = tpu.sem_alloc : memref<!tpu.dma_semaphore, #tpu.memory_space<semaphore_mem>>
        %dma_start3A_23 = arith.constant 0 : i32
        %dma_start3A_24 = tpu.memref_slice %arg4[%add3A_21, %dma_start3A_23] : memref<30720x256xf32, #tpu.memory_space<hbm>> -> memref<240x256xf32, #tpu.memory_space<hbm>>
        %dma_start3A_25 = arith.constant 0 : i32
        %dma_start3A_26 = tpu.memref_slice %arg4[%add3A_21, %dma_start3A_25] : memref<30720x256xf32, #tpu.memory_space<hbm>> -> memref<240x256xf32, #tpu.memory_space<hbm>>
        tpu.enqueue_dma source(%arg6 : memref<240x256xf32, #tpu.memory_space<vmem>>) target(%dma_start3A_26 : memref<240x256xf32, #tpu.memory_space<hbm>>) target_semaphore(%run_scoped3A : memref<!tpu.dma_semaphore, #tpu.memory_space<semaphore_mem>>)
        %dma_wait3A_27 = arith.constant 0 : i32
        %dma_wait3A_28 = tpu.memref_slice %arg4[%add3A_21, %dma_wait3A_27] : memref<30720x256xf32, #tpu.memory_space<hbm>> -> memref<240x256xf32, #tpu.memory_space<hbm>>
        %dma_wait3A_29 = arith.constant 0 : i32
        %dma_wait3A_30 = tpu.memref_slice %arg4[%add3A_21, %dma_wait3A_29] : memref<30720x256xf32, #tpu.memory_space<hbm>> -> memref<240x256xf32, #tpu.memory_space<hbm>>
        tpu.wait_dma2 semaphore(%run_scoped3A : memref<!tpu.dma_semaphore, #tpu.memory_space<semaphore_mem>>) src(%arg6 : memref<240x256xf32, #tpu.memory_space<vmem>>) dst(%dma_wait3A_30 : memref<240x256xf32, #tpu.memory_space<hbm>>)
        tpu.yield
      }) : () -> ()
      %scan3A_22 = arith.constant 0 : i32
      scf.yield %scan3A_22 : i32
    }
    %scan3A_8 = arith.constant 4 : i32
    return
  }
}

#map = affine_map<(d0, d1) -> (0, 0)>
#map1 = affine_map<(d0, d1) -> (0)>
module attributes {stable_mosaic.version = 14 : i64} {
  func.func @k(%arg0: i32, %arg1: i32, %arg2: memref<10000x128xf32, #tpu.memory_space<hbm>>, %arg3: memref<30720xi32, #tpu.memory_space<hbm>>, %arg4: memref<30720x128xf32, #tpu.memory_space<hbm>>, %arg5: memref<960xi32, #tpu.memory_space<vmem>>, %arg6: memref<240x128xf32, #tpu.memory_space<vmem>>, %arg7: memref<!tpu.dma_semaphore, #tpu.memory_space<semaphore_mem>>) attributes {dimension_semantics = [#tpu.dimension_semantics<core_parallel>, #tpu.dimension_semantics<subcore_parallel>], iteration_bounds = array<i64: 2, 16>, scalar_prefetch = 0 : i64, scratch_operands = 3 : i64, tpu.core_type = #tpu.core_type<sc_vector_subcore>, window_params = [{transform_indices = #map}, {transform_indices = #map1}, {transform_indices = #map}]} {
    %mul3A = arith.constant 2 : i32
    %mul3A_0 = arith.muli %arg1, %mul3A : i32
    %add3A = arith.addi %mul3A_0, %arg0 : i32
    %mul3A_1 = arith.constant 960 : i32
    %mul3A_2 = arith.muli %add3A, %mul3A_1 : i32
    "tpu.region"() ({
      %run_scoped3A = tpu.sem_alloc : memref<!tpu.dma_semaphore, #tpu.memory_space<semaphore_mem>>
      %dma_start3A = tpu.memref_slice %arg3[%mul3A_2] : memref<30720xi32, #tpu.memory_space<hbm>> -> memref<960xi32, #tpu.memory_space<hbm>>
      %dma_start3A_9 = tpu.memref_slice %arg3[%mul3A_2] : memref<30720xi32, #tpu.memory_space<hbm>> -> memref<960xi32, #tpu.memory_space<hbm>>
      tpu.enqueue_dma source(%dma_start3A_9 : memref<960xi32, #tpu.memory_space<hbm>>) target(%arg5 : memref<960xi32, #tpu.memory_space<vmem>>) target_semaphore(%run_scoped3A : memref<!tpu.dma_semaphore, #tpu.memory_space<semaphore_mem>>)
      %dma_wait3A = tpu.memref_slice %arg3[%mul3A_2] : memref<30720xi32, #tpu.memory_space<hbm>> -> memref<960xi32, #tpu.memory_space<hbm>>
      %dma_wait3A_10 = tpu.memref_slice %arg3[%mul3A_2] : memref<30720xi32, #tpu.memory_space<hbm>> -> memref<960xi32, #tpu.memory_space<hbm>>
      tpu.wait_dma2 semaphore(%run_scoped3A : memref<!tpu.dma_semaphore, #tpu.memory_space<semaphore_mem>>) src(%dma_wait3A_10 : memref<960xi32, #tpu.memory_space<hbm>>) dst(%arg5 : memref<960xi32, #tpu.memory_space<vmem>>)
      tpu.yield
    }) : () -> ()
    %scan3A = arith.constant 0 : i32
    %scan3A_3 = arith.constant 0 : i32
    %scan3A_4 = arith.constant 4 : i32
    %scan3A_5 = arith.addi %scan3A_3, %scan3A_4 : i32
    %scan3A_6 = arith.constant 1 : i32
    %scan3A_7 = scf.for %scan3A_9 = %scan3A_3 to %scan3A_5 step %scan3A_6 iter_args(%scan3A_10 = %scan3A) -> (i32)  : i32 {
      %mul3A_11 = arith.constant 240 : i32
      %mul3A_12 = arith.muli %scan3A_9, %mul3A_11 : i32
      %dma_start3A = tpu.memref_slice %arg5[%mul3A_12] : memref<960xi32, #tpu.memory_space<vmem>> -> memref<240xi32, #tpu.memory_space<vmem>>
      %dma_start3A_13 = arith.constant 0 : i32
      %dma_start3A_14 = arith.constant 0 : i32
      %dma_start3A_15 = tpu.memref_slice %arg2[%dma_start3A_13, %dma_start3A_14] : memref<10000x128xf32, #tpu.memory_space<hbm>> -> memref<10000x128xf32, #tpu.memory_space<hbm>>
      tpu.enqueue_indirect_dma source(%dma_start3A_15 : memref<10000x128xf32, #tpu.memory_space<hbm>>) target(%arg6 : memref<240x128xf32, #tpu.memory_space<vmem>>) offsets(%dma_start3A : memref<240xi32, #tpu.memory_space<vmem>>) semaphore(%arg7 : memref<!tpu.dma_semaphore, #tpu.memory_space<semaphore_mem>>)
      %dma_wait3A = tpu.memref_slice %arg5[%mul3A_12] : memref<960xi32, #tpu.memory_space<vmem>> -> memref<240xi32, #tpu.memory_space<vmem>>
      %dma_wait3A_16 = arith.constant 0 : i32
      %dma_wait3A_17 = arith.constant 0 : i32
      %dma_wait3A_18 = tpu.memref_slice %arg2[%dma_wait3A_16, %dma_wait3A_17] : memref<10000x128xf32, #tpu.memory_space<hbm>> -> memref<10000x128xf32, #tpu.memory_space<hbm>>
      tpu.wait_indirect_dma semaphore(%arg7 : memref<!tpu.dma_semaphore, #tpu.memory_space<semaphore_mem>>) src(%dma_wait3A_18 : memref<10000x128xf32, #tpu.memory_space<hbm>>) dst(%arg6 : memref<240x128xf32, #tpu.memory_space<vmem>>)
      %mul3A_19 = arith.constant 240 : i32
      %mul3A_20 = arith.muli %scan3A_9, %mul3A_19 : i32
      %add3A_21 = arith.addi %mul3A_2, %mul3A_20 : i32
      "tpu.region"() ({
        %run_scoped3A = tpu.sem_alloc : memref<!tpu.dma_semaphore, #tpu.memory_space<semaphore_mem>>
        %dma_start3A_23 = arith.constant 0 : i32
        %dma_start3A_24 = tpu.memref_slice %arg4[%add3A_21, %dma_start3A_23] : memref<30720x128xf32, #tpu.memory_space<hbm>> -> memref<240x128xf32, #tpu.memory_space<hbm>>
        %dma_start3A_25 = arith.constant 0 : i32
        %dma_start3A_26 = tpu.memref_slice %arg4[%add3A_21, %dma_start3A_25] : memref<30720x128xf32, #tpu.memory_space<hbm>> -> memref<240x128xf32, #tpu.memory_space<hbm>>
        tpu.enqueue_dma source(%arg6 : memref<240x128xf32, #tpu.memory_space<vmem>>) target(%dma_start3A_26 : memref<240x128xf32, #tpu.memory_space<hbm>>) target_semaphore(%run_scoped3A : memref<!tpu.dma_semaphore, #tpu.memory_space<semaphore_mem>>)
        %dma_wait3A_27 = arith.constant 0 : i32
        %dma_wait3A_28 = tpu.memref_slice %arg4[%add3A_21, %dma_wait3A_27] : memref<30720x128xf32, #tpu.memory_space<hbm>> -> memref<240x128xf32, #tpu.memory_space<hbm>>
        %dma_wait3A_29 = arith.constant 0 : i32
        %dma_wait3A_30 = tpu.memref_slice %arg4[%add3A_21, %dma_wait3A_29] : memref<30720x128xf32, #tpu.memory_space<hbm>> -> memref<240x128xf32, #tpu.memory_space<hbm>>
        tpu.wait_dma2 semaphore(%run_scoped3A : memref<!tpu.dma_semaphore, #tpu.memory_space<semaphore_mem>>) src(%arg6 : memref<240x128xf32, #tpu.memory_space<vmem>>) dst(%dma_wait3A_30 : memref<240x128xf32, #tpu.memory_space<hbm>>)
        tpu.yield
      }) : () -> ()
      %scan3A_22 = arith.constant 0 : i32
      scf.yield %scan3A_22 : i32
    }
    %scan3A_8 = arith.constant 4 : i32
    return
  }
}

#map = affine_map<(d0, d1) -> (0, 0)>
#map1 = affine_map<(d0, d1) -> (0)>
module attributes {stable_mosaic.version = 14 : i64} {
  func.func @k(%arg0: i32, %arg1: i32, %arg2: memref<10000x128xf32, #tpu.memory_space<hbm>>, %arg3: memref<30720xi32, #tpu.memory_space<hbm>>, %arg4: memref<30720x128xf32, #tpu.memory_space<hbm>>, %arg5: memref<960xi32, #tpu.memory_space<vmem>>, %arg6: memref<240x128xf32, #tpu.memory_space<vmem>>, %arg7: memref<!tpu.dma_semaphore, #tpu.memory_space<semaphore_mem>>) attributes {dimension_semantics = [#tpu.dimension_semantics<core_parallel>, #tpu.dimension_semantics<subcore_parallel>], iteration_bounds = array<i64: 2, 16>, scalar_prefetch = 0 : i64, scratch_operands = 3 : i64, tpu.core_type = #tpu.core_type<sc_vector_subcore>, window_params = [{transform_indices = #map}, {transform_indices = #map1}, {transform_indices = #map}]} {
    %mul3A = arith.constant 2 : i32
    %mul3A_0 = arith.muli %arg1, %mul3A : i32
    %add3A = arith.addi %mul3A_0, %arg0 : i32
    %mul3A_1 = arith.constant 960 : i32
    %mul3A_2 = arith.muli %add3A, %mul3A_1 : i32
    "tpu.region"() ({
      %run_scoped3A = tpu.sem_alloc : memref<!tpu.dma_semaphore, #tpu.memory_space<semaphore_mem>>
      %dma_start3A = tpu.memref_slice %arg3[%mul3A_2] : memref<30720xi32, #tpu.memory_space<hbm>> -> memref<960xi32, #tpu.memory_space<hbm>>
      %dma_start3A_9 = tpu.memref_slice %arg3[%mul3A_2] : memref<30720xi32, #tpu.memory_space<hbm>> -> memref<960xi32, #tpu.memory_space<hbm>>
      tpu.enqueue_dma source(%dma_start3A_9 : memref<960xi32, #tpu.memory_space<hbm>>) target(%arg5 : memref<960xi32, #tpu.memory_space<vmem>>) target_semaphore(%run_scoped3A : memref<!tpu.dma_semaphore, #tpu.memory_space<semaphore_mem>>)
      %dma_wait3A = tpu.memref_slice %arg3[%mul3A_2] : memref<30720xi32, #tpu.memory_space<hbm>> -> memref<960xi32, #tpu.memory_space<hbm>>
      %dma_wait3A_10 = tpu.memref_slice %arg3[%mul3A_2] : memref<30720xi32, #tpu.memory_space<hbm>> -> memref<960xi32, #tpu.memory_space<hbm>>
      tpu.wait_dma2 semaphore(%run_scoped3A : memref<!tpu.dma_semaphore, #tpu.memory_space<semaphore_mem>>) src(%dma_wait3A_10 : memref<960xi32, #tpu.memory_space<hbm>>) dst(%arg5 : memref<960xi32, #tpu.memory_space<vmem>>)
      tpu.yield
    }) : () -> ()
    %scan3A = arith.constant 0 : i32
    %scan3A_3 = arith.constant 0 : i32
    %scan3A_4 = arith.constant 4 : i32
    %scan3A_5 = arith.addi %scan3A_3, %scan3A_4 : i32
    %scan3A_6 = arith.constant 1 : i32
    %scan3A_7 = scf.for %scan3A_9 = %scan3A_3 to %scan3A_5 step %scan3A_6 iter_args(%scan3A_10 = %scan3A) -> (i32)  : i32 {
      %mul3A_11 = arith.constant 240 : i32
      %mul3A_12 = arith.muli %scan3A_9, %mul3A_11 : i32
      %dma_start3A = tpu.memref_slice %arg5[%mul3A_12] : memref<960xi32, #tpu.memory_space<vmem>> -> memref<240xi32, #tpu.memory_space<vmem>>
      %dma_start3A_13 = arith.constant 0 : i32
      %dma_start3A_14 = arith.constant 0 : i32
      %dma_start3A_15 = tpu.memref_slice %arg2[%dma_start3A_13, %dma_start3A_14] : memref<10000x128xf32, #tpu.memory_space<hbm>> -> memref<10000x128xf32, #tpu.memory_space<hbm>>
      tpu.enqueue_indirect_dma source(%dma_start3A_15 : memref<10000x128xf32, #tpu.memory_space<hbm>>) target(%arg6 : memref<240x128xf32, #tpu.memory_space<vmem>>) offsets(%dma_start3A : memref<240xi32, #tpu.memory_space<vmem>>) semaphore(%arg7 : memref<!tpu.dma_semaphore, #tpu.memory_space<semaphore_mem>>)
      %dma_wait3A = tpu.memref_slice %arg5[%mul3A_12] : memref<960xi32, #tpu.memory_space<vmem>> -> memref<240xi32, #tpu.memory_space<vmem>>
      %dma_wait3A_16 = arith.constant 0 : i32
      %dma_wait3A_17 = arith.constant 0 : i32
      %dma_wait3A_18 = tpu.memref_slice %arg2[%dma_wait3A_16, %dma_wait3A_17] : memref<10000x128xf32, #tpu.memory_space<hbm>> -> memref<10000x128xf32, #tpu.memory_space<hbm>>
      tpu.wait_indirect_dma semaphore(%arg7 : memref<!tpu.dma_semaphore, #tpu.memory_space<semaphore_mem>>) src(%dma_wait3A_18 : memref<10000x128xf32, #tpu.memory_space<hbm>>) dst(%arg6 : memref<240x128xf32, #tpu.memory_space<vmem>>)
      %mul3A_19 = arith.constant 240 : i32
      %mul3A_20 = arith.muli %scan3A_9, %mul3A_19 : i32
      %add3A_21 = arith.addi %mul3A_2, %mul3A_20 : i32
      "tpu.region"() ({
        %run_scoped3A = tpu.sem_alloc : memref<!tpu.dma_semaphore, #tpu.memory_space<semaphore_mem>>
        %dma_start3A_23 = arith.constant 0 : i32
        %dma_start3A_24 = tpu.memref_slice %arg4[%add3A_21, %dma_start3A_23] : memref<30720x128xf32, #tpu.memory_space<hbm>> -> memref<240x128xf32, #tpu.memory_space<hbm>>
        %dma_start3A_25 = arith.constant 0 : i32
        %dma_start3A_26 = tpu.memref_slice %arg4[%add3A_21, %dma_start3A_25] : memref<30720x128xf32, #tpu.memory_space<hbm>> -> memref<240x128xf32, #tpu.memory_space<hbm>>
        tpu.enqueue_dma source(%arg6 : memref<240x128xf32, #tpu.memory_space<vmem>>) target(%dma_start3A_26 : memref<240x128xf32, #tpu.memory_space<hbm>>) target_semaphore(%run_scoped3A : memref<!tpu.dma_semaphore, #tpu.memory_space<semaphore_mem>>)
        %dma_wait3A_27 = arith.constant 0 : i32
        %dma_wait3A_28 = tpu.memref_slice %arg4[%add3A_21, %dma_wait3A_27] : memref<30720x128xf32, #tpu.memory_space<hbm>> -> memref<240x128xf32, #tpu.memory_space<hbm>>
        %dma_wait3A_29 = arith.constant 0 : i32
        %dma_wait3A_30 = tpu.memref_slice %arg4[%add3A_21, %dma_wait3A_29] : memref<30720x128xf32, #tpu.memory_space<hbm>> -> memref<240x128xf32, #tpu.memory_space<hbm>>
        tpu.wait_dma2 semaphore(%run_scoped3A : memref<!tpu.dma_semaphore, #tpu.memory_space<semaphore_mem>>) src(%arg6 : memref<240x128xf32, #tpu.memory_space<vmem>>) dst(%dma_wait3A_30 : memref<240x128xf32, #tpu.memory_space<hbm>>)
        tpu.yield
      }) : () -> ()
      %scan3A_22 = arith.constant 0 : i32
      scf.yield %scan3A_22 : i32
    }
    %scan3A_8 = arith.constant 4 : i32
    return
  }
}

#map = affine_map<(d0, d1) -> (0, 0)>
#map1 = affine_map<(d0, d1) -> (0)>
module attributes {stable_mosaic.version = 14 : i64} {
  func.func @k(%arg0: i32, %arg1: i32, %arg2: memref<10000x256xf32, #tpu.memory_space<hbm>>, %arg3: memref<30720xi32, #tpu.memory_space<hbm>>, %arg4: memref<30720x256xf32, #tpu.memory_space<hbm>>, %arg5: memref<960xi32, #tpu.memory_space<vmem>>, %arg6: memref<240x256xf32, #tpu.memory_space<vmem>>, %arg7: memref<!tpu.dma_semaphore, #tpu.memory_space<semaphore_mem>>) attributes {dimension_semantics = [#tpu.dimension_semantics<core_parallel>, #tpu.dimension_semantics<subcore_parallel>], iteration_bounds = array<i64: 2, 16>, scalar_prefetch = 0 : i64, scratch_operands = 3 : i64, tpu.core_type = #tpu.core_type<sc_vector_subcore>, window_params = [{transform_indices = #map}, {transform_indices = #map1}, {transform_indices = #map}]} {
    %mul3A = arith.constant 2 : i32
    %mul3A_0 = arith.muli %arg1, %mul3A : i32
    %add3A = arith.addi %mul3A_0, %arg0 : i32
    %mul3A_1 = arith.constant 960 : i32
    %mul3A_2 = arith.muli %add3A, %mul3A_1 : i32
    "tpu.region"() ({
      %run_scoped3A = tpu.sem_alloc : memref<!tpu.dma_semaphore, #tpu.memory_space<semaphore_mem>>
      %dma_start3A = tpu.memref_slice %arg3[%mul3A_2] : memref<30720xi32, #tpu.memory_space<hbm>> -> memref<960xi32, #tpu.memory_space<hbm>>
      %dma_start3A_9 = tpu.memref_slice %arg3[%mul3A_2] : memref<30720xi32, #tpu.memory_space<hbm>> -> memref<960xi32, #tpu.memory_space<hbm>>
      tpu.enqueue_dma source(%dma_start3A_9 : memref<960xi32, #tpu.memory_space<hbm>>) target(%arg5 : memref<960xi32, #tpu.memory_space<vmem>>) target_semaphore(%run_scoped3A : memref<!tpu.dma_semaphore, #tpu.memory_space<semaphore_mem>>)
      %dma_wait3A = tpu.memref_slice %arg3[%mul3A_2] : memref<30720xi32, #tpu.memory_space<hbm>> -> memref<960xi32, #tpu.memory_space<hbm>>
      %dma_wait3A_10 = tpu.memref_slice %arg3[%mul3A_2] : memref<30720xi32, #tpu.memory_space<hbm>> -> memref<960xi32, #tpu.memory_space<hbm>>
      tpu.wait_dma2 semaphore(%run_scoped3A : memref<!tpu.dma_semaphore, #tpu.memory_space<semaphore_mem>>) src(%dma_wait3A_10 : memref<960xi32, #tpu.memory_space<hbm>>) dst(%arg5 : memref<960xi32, #tpu.memory_space<vmem>>)
      tpu.yield
    }) : () -> ()
    %scan3A = arith.constant 0 : i32
    %scan3A_3 = arith.constant 0 : i32
    %scan3A_4 = arith.constant 4 : i32
    %scan3A_5 = arith.addi %scan3A_3, %scan3A_4 : i32
    %scan3A_6 = arith.constant 1 : i32
    %scan3A_7 = scf.for %scan3A_9 = %scan3A_3 to %scan3A_5 step %scan3A_6 iter_args(%scan3A_10 = %scan3A) -> (i32)  : i32 {
      %mul3A_11 = arith.constant 240 : i32
      %mul3A_12 = arith.muli %scan3A_9, %mul3A_11 : i32
      %dma_start3A = tpu.memref_slice %arg5[%mul3A_12] : memref<960xi32, #tpu.memory_space<vmem>> -> memref<240xi32, #tpu.memory_space<vmem>>
      %dma_start3A_13 = arith.constant 0 : i32
      %dma_start3A_14 = arith.constant 0 : i32
      %dma_start3A_15 = tpu.memref_slice %arg2[%dma_start3A_13, %dma_start3A_14] : memref<10000x256xf32, #tpu.memory_space<hbm>> -> memref<10000x256xf32, #tpu.memory_space<hbm>>
      tpu.enqueue_indirect_dma source(%dma_start3A_15 : memref<10000x256xf32, #tpu.memory_space<hbm>>) target(%arg6 : memref<240x256xf32, #tpu.memory_space<vmem>>) offsets(%dma_start3A : memref<240xi32, #tpu.memory_space<vmem>>) semaphore(%arg7 : memref<!tpu.dma_semaphore, #tpu.memory_space<semaphore_mem>>)
      %dma_wait3A = tpu.memref_slice %arg5[%mul3A_12] : memref<960xi32, #tpu.memory_space<vmem>> -> memref<240xi32, #tpu.memory_space<vmem>>
      %dma_wait3A_16 = arith.constant 0 : i32
      %dma_wait3A_17 = arith.constant 0 : i32
      %dma_wait3A_18 = tpu.memref_slice %arg2[%dma_wait3A_16, %dma_wait3A_17] : memref<10000x256xf32, #tpu.memory_space<hbm>> -> memref<10000x256xf32, #tpu.memory_space<hbm>>
      tpu.wait_indirect_dma semaphore(%arg7 : memref<!tpu.dma_semaphore, #tpu.memory_space<semaphore_mem>>) src(%dma_wait3A_18 : memref<10000x256xf32, #tpu.memory_space<hbm>>) dst(%arg6 : memref<240x256xf32, #tpu.memory_space<vmem>>)
      %mul3A_19 = arith.constant 240 : i32
      %mul3A_20 = arith.muli %scan3A_9, %mul3A_19 : i32
      %add3A_21 = arith.addi %mul3A_2, %mul3A_20 : i32
      "tpu.region"() ({
        %run_scoped3A = tpu.sem_alloc : memref<!tpu.dma_semaphore, #tpu.memory_space<semaphore_mem>>
        %dma_start3A_23 = arith.constant 0 : i32
        %dma_start3A_24 = tpu.memref_slice %arg4[%add3A_21, %dma_start3A_23] : memref<30720x256xf32, #tpu.memory_space<hbm>> -> memref<240x256xf32, #tpu.memory_space<hbm>>
        %dma_start3A_25 = arith.constant 0 : i32
        %dma_start3A_26 = tpu.memref_slice %arg4[%add3A_21, %dma_start3A_25] : memref<30720x256xf32, #tpu.memory_space<hbm>> -> memref<240x256xf32, #tpu.memory_space<hbm>>
        tpu.enqueue_dma source(%arg6 : memref<240x256xf32, #tpu.memory_space<vmem>>) target(%dma_start3A_26 : memref<240x256xf32, #tpu.memory_space<hbm>>) target_semaphore(%run_scoped3A : memref<!tpu.dma_semaphore, #tpu.memory_space<semaphore_mem>>)
        %dma_wait3A_27 = arith.constant 0 : i32
        %dma_wait3A_28 = tpu.memref_slice %arg4[%add3A_21, %dma_wait3A_27] : memref<30720x256xf32, #tpu.memory_space<hbm>> -> memref<240x256xf32, #tpu.memory_space<hbm>>
        %dma_wait3A_29 = arith.constant 0 : i32
        %dma_wait3A_30 = tpu.memref_slice %arg4[%add3A_21, %dma_wait3A_29] : memref<30720x256xf32, #tpu.memory_space<hbm>> -> memref<240x256xf32, #tpu.memory_space<hbm>>
        tpu.wait_dma2 semaphore(%run_scoped3A : memref<!tpu.dma_semaphore, #tpu.memory_space<semaphore_mem>>) src(%arg6 : memref<240x256xf32, #tpu.memory_space<vmem>>) dst(%dma_wait3A_30 : memref<240x256xf32, #tpu.memory_space<hbm>>)
        tpu.yield
      }) : () -> ()
      %scan3A_22 = arith.constant 0 : i32
      scf.yield %scan3A_22 : i32
    }
    %scan3A_8 = arith.constant 4 : i32
    return
  }
}

module attributes {stable_mosaic.version = 14 : i64} {
  func.func @_deg_body(%arg0: i32, %arg1: memref<1000x8xf32, #tpu.memory_space<vmem>>, %arg2: memref<1000x8xf32, #tpu.memory_space<vmem>>) attributes {dimension_semantics = [#tpu.dimension_semantics<arbitrary>], iteration_bounds = array<i64: 10>, scalar_prefetch = 0 : i64, scratch_operands = 0 : i64, tpu.core_type = #tpu.core_type<tc>, window_params = [{transform_indices = @transform_0, window_bounds = array<i64: 1000, 8>}, {transform_indices = @transform_1, window_bounds = array<i64: 1000, 8>}]} {
    %get3A = arith.constant 0 : index
    %get3A_0 = arith.constant 0 : index
    %get3A_1 = vector.load %arg1[%get3A, %get3A_0] : memref<1000x8xf32, #tpu.memory_space<vmem>>, vector<1000x1xf32>
    %get3A_2 = arith.constant 0 : index
    %get3A_3 = arith.constant 1 : index
    %get3A_4 = vector.load %arg1[%get3A_2, %get3A_3] : memref<1000x8xf32, #tpu.memory_space<vmem>>, vector<1000x1xf32>
    %add3A = arith.addf %get3A_1, %get3A_4 : vector<1000x1xf32>
    %get3A_5 = arith.constant 0 : index
    %get3A_6 = arith.constant 2 : index
    %get3A_7 = vector.load %arg1[%get3A_5, %get3A_6] : memref<1000x8xf32, #tpu.memory_space<vmem>>, vector<1000x1xf32>
    %add3A_8 = arith.addf %add3A, %get3A_7 : vector<1000x1xf32>
    %add3A_9 = arith.constant 9.99999996E-13 : f32
    %add3A_10 = vector.broadcast %add3A_9 : f32 to vector<1000x1xf32>
    %add3A_11 = arith.addf %add3A_8, %add3A_10 : vector<1000x1xf32>
    %sqrt3A = math.sqrt %add3A_11 : vector<1000x1xf32>
    %div3A = arith.constant 1.000000e+00 : f32
    %div3A_12 = vector.broadcast %div3A : f32 to vector<1000x1xf32>
    %div3A_13 = arith.divf %div3A_12, %sqrt3A : vector<1000x1xf32>
    %broadcast_in_dim3A = vector.shape_cast %div3A_13 : vector<1000x1xf32> to vector<1000x1xf32>
    %broadcast_in_dim3A_14 = vector.broadcast %broadcast_in_dim3A : vector<1000x1xf32> to vector<1000x8xf32>
    %swap3A = arith.constant 0 : index
    %swap3A_15 = arith.constant 0 : index
    %swap3A_16 = vector.load %arg2[%swap3A, %swap3A_15] : memref<1000x8xf32, #tpu.memory_space<vmem>>, vector<1000x8xf32>
    tpu.vector_store %arg2[%swap3A, %swap3A_15], %broadcast_in_dim3A_14 {strides = array<i32>} : memref<1000x8xf32, #tpu.memory_space<vmem>>, vector<1000x8xf32>,
    return
  }
  func.func @transform_0(%arg0: i32) -> (i32, i32) {
    %c0_i32 = arith.constant 0 : i32
    %c0_i32_0 = arith.constant 0 : i32
    return %arg0, %c0_i32 : i32, i32
  }
  func.func @transform_1(%arg0: i32) -> (i32, i32) {
    %c0_i32 = arith.constant 0 : i32
    %c0_i32_0 = arith.constant 0 : i32
    return %arg0, %c0_i32 : i32, i32
  }
}

module attributes {stable_mosaic.version = 14 : i64} {
  func.func @_knn3_body(%arg0: i32, %arg1: memref<256x128xf32, #tpu.memory_space<vmem>>, %arg2: memref<128x10240xf32, #tpu.memory_space<vmem>>, %arg3: memref<256x1xf32, #tpu.memory_space<vmem>>, %arg4: memref<1x10240xf32, #tpu.memory_space<vmem>>, %arg5: memref<256x8xi32, #tpu.memory_space<vmem>>) attributes {dimension_semantics = [#tpu.dimension_semantics<arbitrary>], iteration_bounds = array<i64: 40>, scalar_prefetch = 0 : i64, scratch_operands = 0 : i64, tpu.core_type = #tpu.core_type<tc>, window_params = [{transform_indices = @transform_0, window_bounds = array<i64: 256, 128>}, {pipeline_mode = #tpu.pipeline_mode<synchronous>, transform_indices = @transform_1, window_bounds = array<i64: 128, 10240>}, {transform_indices = @transform_2, window_bounds = array<i64: 256, 1>}, {pipeline_mode = #tpu.pipeline_mode<synchronous>, transform_indices = @transform_3, window_bounds = array<i64: 1, 10240>}, {transform_indices = @transform_4, window_bounds = array<i64: 256, 8>}]} {
    %get3A = arith.constant 0 : index
    %get3A_0 = arith.constant 0 : index
    %get3A_1 = vector.load %arg1[%get3A, %get3A_0] : memref<256x128xf32, #tpu.memory_space<vmem>>, vector<256x128xf32>
    %get3A_2 = arith.constant 0 : index
    %get3A_3 = arith.constant 0 : index
    %get3A_4 = vector.load %arg3[%get3A_2, %get3A_3] : memref<256x1xf32, #tpu.memory_space<vmem>>, vector<256x1xf32>
    %mul3A = arith.constant 256 : i32
    %mul3A_5 = arith.muli %arg0, %mul3A : i32
    %iota3A = tpu.iota {dimensions = array<i32: 0>} : vector<256x1xi32>
    %add3A = vector.broadcast %mul3A_5 : i32 to vector<256x1xi32>
    %add3A_6 = arith.addi %add3A, %iota3A : vector<256x1xi32>
    %broadcast_in_dim3A = arith.constant 0x7F800000 : f32
    %broadcast_in_dim3A_7 = vector.broadcast %broadcast_in_dim3A : f32 to vector<256x1xf32>
    %broadcast_in_dim3A_8 = arith.constant 0 : i32
    %broadcast_in_dim3A_9 = vector.broadcast %broadcast_in_dim3A_8 : i32 to vector<256x1xi32>
    %scan3A = arith.constant 0 : i32
    %scan3A_10 = arith.constant 20 : i32
    %scan3A_11 = arith.addi %scan3A, %scan3A_10 : i32
    %scan3A_12 = arith.constant 1 : i32
    %scan3A_13:6 = scf.for %scan3A_17 = %scan3A to %scan3A_11 step %scan3A_12 iter_args(%scan3A_18 = %broadcast_in_dim3A_7, %scan3A_19 = %broadcast_in_dim3A_7, %scan3A_20 = %broadcast_in_dim3A_7, %scan3A_21 = %broadcast_in_dim3A_9, %scan3A_22 = %broadcast_in_dim3A_9, %scan3A_23 = %broadcast_in_dim3A_9) -> (vector<256x1xf32>, vector<256x1xf32>, vector<256x1xf32>, vector<256x1xi32>, vector<256x1xi32>, vector<256x1xi32>)  : i32 {
      %mul3A_24 = arith.constant 512 : i32
      %mul3A_25 = arith.muli %scan3A_17, %mul3A_24 : i32
      %get3A_26 = arith.constant 0 : index
      %get3A_27 = arith.index_cast %mul3A_25 : i32 to index
      %get3A_28 = vector.load %arg2[%get3A_26, %get3A_27] : memref<128x10240xf32, #tpu.memory_space<vmem>>, vector<128x512xf32>
      %mul3A_29 = arith.constant 512 : i32
      %mul3A_30 = arith.muli %scan3A_17, %mul3A_29 : i32
      %get3A_31 = arith.constant 0 : index
      %get3A_32 = arith.index_cast %mul3A_30 : i32 to index
      %get3A_33 = vector.load %arg4[%get3A_31, %get3A_32] : memref<1x10240xf32, #tpu.memory_space<vmem>>, vector<1x512xf32>
      %dot_general3A = arith.constant dense<0.000000e+00> : vector<256x512xf32>
      %dot_general3A_34 = tpu.matmul %get3A_1, %get3A_28, %dot_general3A {dimension_numbers = #tpu.dot_dimension_numbers<[1], [0], [0], [1], [0, 0, 1, 1], [], []>, transpose_lhs_hint = false} : vector<256x128xf32>, vector<128x512xf32>, vector<256x512xf32> -> vector<256x512xf32>
      %mul3A_35 = arith.constant 2.000000e+00 : f32
      %mul3A_36 = vector.broadcast %mul3A_35 : f32 to vector<256x512xf32>
      %mul3A_37 = arith.mulf %mul3A_36, %dot_general3A_34 : vector<256x512xf32>
      %sub3A = vector.broadcast %get3A_4 : vector<256x1xf32> to vector<256x512xf32>
      %sub3A_38 = arith.subf %sub3A, %mul3A_37 : vector<256x512xf32>
      %add3A_39 = vector.broadcast %get3A_33 : vector<1x512xf32> to vector<256x512xf32>
      %add3A_40 = arith.addf %sub3A_38, %add3A_39 : vector<256x512xf32>
      %mul3A_41 = arith.constant 512 : i32
      %mul3A_42 = arith.muli %scan3A_17, %mul3A_41 : i32
      %iota3A_43 = tpu.iota {dimensions = array<i32: 1>} : vector<1x512xi32>
      %add3A_44 = vector.broadcast %mul3A_42 : i32 to vector<1x512xi32>
      %add3A_45 = arith.addi %add3A_44, %iota3A_43 : vector<1x512xi32>
      %eq3A = vector.broadcast %add3A_6 : vector<256x1xi32> to vector<256x512xi32>
      %eq3A_46 = vector.broadcast %add3A_45 : vector<1x512xi32> to vector<256x512xi32>
      %eq3A_47 = arith.cmpi eq, %eq3A, %eq3A_46 : vector<256x512xi32>
      %ge3A = arith.constant 10000 : i32
      %ge3A_48 = vector.broadcast %ge3A : i32 to vector<1x512xi32>
      %ge3A_49 = arith.cmpi sge, %add3A_45, %ge3A_48 : vector<1x512xi32>
      %or3A = vector.broadcast %ge3A_49 : vector<1x512xi1> to vector<256x512xi1>
      %or3A_50 = arith.ori %eq3A_47, %or3A : vector<256x512xi1>
      %jit3A = arith.constant 0x7F800000 : f32
      %broadcast_in_dim3A_51 = vector.broadcast %jit3A : f32 to vector<256x512xf32>
      %select_n3A = arith.select %or3A_50, %broadcast_in_dim3A_51, %add3A_40 : vector<256x512xi1>, vector<256x512xf32>
      %reduce_min3A = arith.constant dense<0x7F800000> : vector<256xf32>
      %reduce_min3A_52 = vector.multi_reduction <minimumf>, %select_n3A, %reduce_min3A [1] : vector<256x512xf32> to vector<256xf32>
      %broadcast_in_dim3A_53 = vector.shape_cast %reduce_min3A_52 : vector<256xf32> to vector<256x1xf32>
      %eq3A_54 = vector.broadcast %broadcast_in_dim3A_53 : vector<256x1xf32> to vector<256x512xf32>
      %eq3A_55 = arith.cmpf oeq, %select_n3A, %eq3A_54 : vector<256x512xf32>
      %jit3A_56 = arith.constant 10000 : i32
      %broadcast_in_dim3A_57 = vector.shape_cast %add3A_45 : vector<1x512xi32> to vector<1x512xi32>
      %broadcast_in_dim3A_58 = vector.broadcast %broadcast_in_dim3A_57 : vector<1x512xi32> to vector<256x512xi32>
      %broadcast_in_dim3A_59 = vector.broadcast %jit3A_56 : i32 to vector<256x512xi32>
      %select_n3A_60 = arith.select %eq3A_55, %broadcast_in_dim3A_58, %broadcast_in_dim3A_59 : vector<256x512xi1>, vector<256x512xi32>
      %reduce_min3A_61 = arith.constant dense<2147483647> : vector<256xi32>
      %reduce_min3A_62 = vector.multi_reduction <minsi>, %select_n3A_60, %reduce_min3A_61 [1] : vector<256x512xi32> to vector<256xi32>
      %broadcast_in_dim3A_63 = vector.shape_cast %reduce_min3A_62 : vector<256xi32> to vector<256x1xi32>
      %lt3A = arith.cmpf olt, %broadcast_in_dim3A_53, %scan3A_18 : vector<256x1xf32>
      %lt3A_64 = arith.cmpf olt, %broadcast_in_dim3A_53, %scan3A_19 : vector<256x1xf32>
      %lt3A_65 = arith.cmpf olt, %broadcast_in_dim3A_53, %scan3A_20 : vector<256x1xf32>
      %select_n3A_66 = arith.select %lt3A, %broadcast_in_dim3A_53, %scan3A_18 : vector<256x1xi1>, vector<256x1xf32>
      %select_n3A_67 = arith.select %lt3A, %broadcast_in_dim3A_63, %scan3A_21 : vector<256x1xi1>, vector<256x1xi32>
      %select_n3A_68 = arith.select %lt3A_64, %broadcast_in_dim3A_53, %scan3A_19 : vector<256x1xi1>, vector<256x1xf32>
      %select_n3A_69 = arith.select %lt3A, %scan3A_18, %select_n3A_68 : vector<256x1xi1>, vector<256x1xf32>
      %select_n3A_70 = arith.select %lt3A_64, %broadcast_in_dim3A_63, %scan3A_22 : vector<256x1xi1>, vector<256x1xi32>
      %select_n3A_71 = arith.select %lt3A, %scan3A_21, %select_n3A_70 : vector<256x1xi1>, vector<256x1xi32>
      %select_n3A_72 = arith.select %lt3A_65, %broadcast_in_dim3A_53, %scan3A_20 : vector<256x1xi1>, vector<256x1xf32>
      %select_n3A_73 = arith.select %lt3A_64, %scan3A_19, %select_n3A_72 : vector<256x1xi1>, vector<256x1xf32>
      %select_n3A_74 = arith.select %lt3A_65, %broadcast_in_dim3A_63, %scan3A_23 : vector<256x1xi1>, vector<256x1xi32>
      %select_n3A_75 = arith.select %lt3A_64, %scan3A_22, %select_n3A_74 : vector<256x1xi1>, vector<256x1xi32>
      %eq3A_76 = vector.broadcast %add3A_45 : vector<1x512xi32> to vector<256x512xi32>
      %eq3A_77 = vector.broadcast %broadcast_in_dim3A_63 : vector<256x1xi32> to vector<256x512xi32>
      %eq3A_78 = arith.cmpi eq, %eq3A_76, %eq3A_77 : vector<256x512xi32>
      %jit3A_79 = arith.constant 0x7F800000 : f32
      %broadcast_in_dim3A_80 = vector.broadcast %jit3A_79 : f32 to vector<256x512xf32>
      %select_n3A_81 = arith.select %eq3A_78, %broadcast_in_dim3A_80, %select_n3A : vector<256x512xi1>, vector<256x512xf32>
      %reduce_min3A_82 = arith.constant dense<0x7F800000> : vector<256xf32>
      %reduce_min3A_83 = vector.multi_reduction <minimumf>, %select_n3A_81, %reduce_min3A_82 [1] : vector<256x512xf32> to vector<256xf32>
      %broadcast_in_dim3A_84 = vector.shape_cast %reduce_min3A_83 : vector<256xf32> to vector<256x1xf32>
      %eq3A_85 = vector.broadcast %broadcast_in_dim3A_84 : vector<256x1xf32> to vector<256x512xf32>
      %eq3A_86 = arith.cmpf oeq, %select_n3A_81, %eq3A_85 : vector<256x512xf32>
      %jit3A_87 = arith.constant 10000 : i32
      %broadcast_in_dim3A_88 = vector.shape_cast %add3A_45 : vector<1x512xi32> to vector<1x512xi32>
      %broadcast_in_dim3A_89 = vector.broadcast %broadcast_in_dim3A_88 : vector<1x512xi32> to vector<256x512xi32>
      %broadcast_in_dim3A_90 = vector.broadcast %jit3A_87 : i32 to vector<256x512xi32>
      %select_n3A_91 = arith.select %eq3A_86, %broadcast_in_dim3A_89, %broadcast_in_dim3A_90 : vector<256x512xi1>, vector<256x512xi32>
      %reduce_min3A_92 = arith.constant dense<2147483647> : vector<256xi32>
      %reduce_min3A_93 = vector.multi_reduction <minsi>, %select_n3A_91, %reduce_min3A_92 [1] : vector<256x512xi32> to vector<256xi32>
      %broadcast_in_dim3A_94 = vector.shape_cast %reduce_min3A_93 : vector<256xi32> to vector<256x1xi32>
      %lt3A_95 = arith.cmpf olt, %broadcast_in_dim3A_84, %select_n3A_66 : vector<256x1xf32>
      %lt3A_96 = arith.cmpf olt, %broadcast_in_dim3A_84, %select_n3A_69 : vector<256x1xf32>
      %lt3A_97 = arith.cmpf olt, %broadcast_in_dim3A_84, %select_n3A_73 : vector<256x1xf32>
      %select_n3A_98 = arith.select %lt3A_95, %broadcast_in_dim3A_84, %select_n3A_66 : vector<256x1xi1>, vector<256x1xf32>
      %select_n3A_99 = arith.select %lt3A_95, %broadcast_in_dim3A_94, %select_n3A_67 : vector<256x1xi1>, vector<256x1xi32>
      %select_n3A_100 = arith.select %lt3A_96, %broadcast_in_dim3A_84, %select_n3A_69 : vector<256x1xi1>, vector<256x1xf32>
      %select_n3A_101 = arith.select %lt3A_95, %select_n3A_66, %select_n3A_100 : vector<256x1xi1>, vector<256x1xf32>
      %select_n3A_102 = arith.select %lt3A_96, %broadcast_in_dim3A_94, %select_n3A_71 : vector<256x1xi1>, vector<256x1xi32>
      %select_n3A_103 = arith.select %lt3A_95, %select_n3A_67, %select_n3A_102 : vector<256x1xi1>, vector<256x1xi32>
      %select_n3A_104 = arith.select %lt3A_97, %broadcast_in_dim3A_84, %select_n3A_73 : vector<256x1xi1>, vector<256x1xf32>
      %select_n3A_105 = arith.select %lt3A_96, %select_n3A_69, %select_n3A_104 : vector<256x1xi1>, vector<256x1xf32>
      %select_n3A_106 = arith.select %lt3A_97, %broadcast_in_dim3A_94, %select_n3A_75 : vector<256x1xi1>, vector<256x1xi32>
      %select_n3A_107 = arith.select %lt3A_96, %select_n3A_71, %select_n3A_106 : vector<256x1xi1>, vector<256x1xi32>
      %eq3A_108 = vector.broadcast %add3A_45 : vector<1x512xi32> to vector<256x512xi32>
      %eq3A_109 = vector.broadcast %broadcast_in_dim3A_94 : vector<256x1xi32> to vector<256x512xi32>
      %eq3A_110 = arith.cmpi eq, %eq3A_108, %eq3A_109 : vector<256x512xi32>
      %jit3A_111 = arith.constant 0x7F800000 : f32
      %broadcast_in_dim3A_112 = vector.broadcast %jit3A_111 : f32 to vector<256x512xf32>
      %select_n3A_113 = arith.select %eq3A_110, %broadcast_in_dim3A_112, %select_n3A_81 : vector<256x512xi1>, vector<256x512xf32>
      %reduce_min3A_114 = arith.constant dense<0x7F800000> : vector<256xf32>
      %reduce_min3A_115 = vector.multi_reduction <minimumf>, %select_n3A_113, %reduce_min3A_114 [1] : vector<256x512xf32> to vector<256xf32>
      %broadcast_in_dim3A_116 = vector.shape_cast %reduce_min3A_115 : vector<256xf32> to vector<256x1xf32>
      %eq3A_117 = vector.broadcast %broadcast_in_dim3A_116 : vector<256x1xf32> to vector<256x512xf32>
      %eq3A_118 = arith.cmpf oeq, %select_n3A_113, %eq3A_117 : vector<256x512xf32>
      %jit3A_119 = arith.constant 10000 : i32
      %broadcast_in_dim3A_120 = vector.shape_cast %add3A_45 : vector<1x512xi32> to vector<1x512xi32>
      %broadcast_in_dim3A_121 = vector.broadcast %broadcast_in_dim3A_120 : vector<1x512xi32> to vector<256x512xi32>
      %broadcast_in_dim3A_122 = vector.broadcast %jit3A_119 : i32 to vector<256x512xi32>
      %select_n3A_123 = arith.select %eq3A_118, %broadcast_in_dim3A_121, %broadcast_in_dim3A_122 : vector<256x512xi1>, vector<256x512xi32>
      %reduce_min3A_124 = arith.constant dense<2147483647> : vector<256xi32>
      %reduce_min3A_125 = vector.multi_reduction <minsi>, %select_n3A_123, %reduce_min3A_124 [1] : vector<256x512xi32> to vector<256xi32>
      %broadcast_in_dim3A_126 = vector.shape_cast %reduce_min3A_125 : vector<256xi32> to vector<256x1xi32>
      %lt3A_127 = arith.cmpf olt, %broadcast_in_dim3A_116, %select_n3A_98 : vector<256x1xf32>
      %lt3A_128 = arith.cmpf olt, %broadcast_in_dim3A_116, %select_n3A_101 : vector<256x1xf32>
      %lt3A_129 = arith.cmpf olt, %broadcast_in_dim3A_116, %select_n3A_105 : vector<256x1xf32>
      %select_n3A_130 = arith.select %lt3A_127, %broadcast_in_dim3A_116, %select_n3A_98 : vector<256x1xi1>, vector<256x1xf32>
      %select_n3A_131 = arith.select %lt3A_127, %broadcast_in_dim3A_126, %select_n3A_99 : vector<256x1xi1>, vector<256x1xi32>
      %select_n3A_132 = arith.select %lt3A_128, %broadcast_in_dim3A_116, %select_n3A_101 : vector<256x1xi1>, vector<256x1xf32>
      %select_n3A_133 = arith.select %lt3A_127, %select_n3A_98, %select_n3A_132 : vector<256x1xi1>, vector<256x1xf32>
      %select_n3A_134 = arith.select %lt3A_128, %broadcast_in_dim3A_126, %select_n3A_103 : vector<256x1xi1>, vector<256x1xi32>
      %select_n3A_135 = arith.select %lt3A_127, %select_n3A_99, %select_n3A_134 : vector<256x1xi1>, vector<256x1xi32>
      %select_n3A_136 = arith.select %lt3A_129, %broadcast_in_dim3A_116, %select_n3A_105 : vector<256x1xi1>, vector<256x1xf32>
      %select_n3A_137 = arith.select %lt3A_128, %select_n3A_101, %select_n3A_136 : vector<256x1xi1>, vector<256x1xf32>
      %select_n3A_138 = arith.select %lt3A_129, %broadcast_in_dim3A_126, %select_n3A_107 : vector<256x1xi1>, vector<256x1xi32>
      %select_n3A_139 = arith.select %lt3A_128, %select_n3A_103, %select_n3A_138 : vector<256x1xi1>, vector<256x1xi32>
      scf.yield %select_n3A_130, %select_n3A_133, %select_n3A_137, %select_n3A_131, %select_n3A_135, %select_n3A_139 : vector<256x1xf32>, vector<256x1xf32>, vector<256x1xf32>, vector<256x1xi32>, vector<256x1xi32>, vector<256x1xi32>
    }
    %scan3A_14 = arith.constant 20 : i32
    %concatenate3A = tpu.concatenate %scan3A_13#3, %scan3A_13#4, %scan3A_13#5, %scan3A_13#3, %scan3A_13#3, %scan3A_13#3, %scan3A_13#3, %scan3A_13#3 in 1 : vector<256x1xi32>, vector<256x1xi32>, vector<256x1xi32>, vector<256x1xi32>, vector<256x1xi32>, vector<256x1xi32>, vector<256x1xi32>, vector<256x1xi32> -> vector<256x8xi32>
    %swap3A = arith.constant 0 : index
    %swap3A_15 = arith.constant 0 : index
    %swap3A_16 = vector.load %arg5[%swap3A, %swap3A_15] : memref<256x8xi32, #tpu.memory_space<vmem>>, vector<256x8xi32>
    tpu.vector_store %arg5[%swap3A, %swap3A_15], %concatenate3A {strides = array<i32>} : memref<256x8xi32, #tpu.memory_space<vmem>>, vector<256x8xi32>,
    return
  }
  func.func @transform_0(%arg0: i32) -> (i32, i32) {
    %c0_i32 = arith.constant 0 : i32
    %c0_i32_0 = arith.constant 0 : i32
    return %arg0, %c0_i32 : i32, i32
  }
  func.func @transform_1(%arg0: i32) -> (i32, i32) {
    %c0_i32 = arith.constant 0 : i32
    %c0_i32_0 = arith.constant 0 : i32
    %c0_i32_1 = arith.constant 0 : i32
    return %c0_i32, %c0_i32_0 : i32, i32
  }
  func.func @transform_2(%arg0: i32) -> (i32, i32) {
    %c0_i32 = arith.constant 0 : i32
    %c0_i32_0 = arith.constant 0 : i32
    return %arg0, %c0_i32 : i32, i32
  }
  func.func @transform_3(%arg0: i32) -> (i32, i32) {
    %c0_i32 = arith.constant 0 : i32
    %c0_i32_0 = arith.constant 0 : i32
    %c0_i32_1 = arith.constant 0 : i32
    return %c0_i32, %c0_i32_0 : i32, i32
  }
  func.func @transform_4(%arg0: i32) -> (i32, i32) {
    %c0_i32 = arith.constant 0 : i32
    %c0_i32_0 = arith.constant 0 : i32
    return %arg0, %c0_i32 : i32, i32
  }
}

module attributes {stable_mosaic.version = 14 : i64} {
  func.func @_prop_body(%arg0: i32, %arg1: memref<1000x384xf32, #tpu.memory_space<vmem>>, %arg2: memref<1000x384xf32, #tpu.memory_space<vmem>>, %arg3: memref<1000x8xf32, #tpu.memory_space<vmem>>, %arg4: memref<1000x8xf32, #tpu.memory_space<vmem>>, %arg5: memref<1000x128xf32, #tpu.memory_space<vmem>>) attributes {dimension_semantics = [#tpu.dimension_semantics<arbitrary>], iteration_bounds = array<i64: 10>, scalar_prefetch = 0 : i64, scratch_operands = 0 : i64, tpu.core_type = #tpu.core_type<tc>, window_params = [{transform_indices = @transform_0, window_bounds = array<i64: 1000, 384>}, {transform_indices = @transform_1, window_bounds = array<i64: 1000, 384>}, {transform_indices = @transform_2, window_bounds = array<i64: 1000, 8>}, {transform_indices = @transform_3, window_bounds = array<i64: 1000, 8>}, {transform_indices = @transform_4, window_bounds = array<i64: 1000, 128>}]} {
    %get3A = arith.constant 0 : index
    %get3A_0 = arith.constant 0 : index
    %get3A_1 = vector.load %arg4[%get3A, %get3A_0] : memref<1000x8xf32, #tpu.memory_space<vmem>>, vector<1000x1xf32>
    %get3A_2 = arith.constant 0 : index
    %get3A_3 = arith.constant 0 : index
    %get3A_4 = vector.load %arg3[%get3A_2, %get3A_3] : memref<1000x8xf32, #tpu.memory_space<vmem>>, vector<1000x1xf32>
    %get3A_5 = arith.constant 0 : index
    %get3A_6 = arith.constant 0 : index
    %get3A_7 = vector.load %arg2[%get3A_5, %get3A_6] : memref<1000x384xf32, #tpu.memory_space<vmem>>, vector<1000x1xf32>
    %mul3A = arith.mulf %get3A_4, %get3A_7 : vector<1000x1xf32>
    %mul3A_8 = arith.mulf %mul3A, %get3A_1 : vector<1000x1xf32>
    %get3A_9 = arith.constant 0 : index
    %get3A_10 = arith.constant 0 : index
    %get3A_11 = vector.load %arg1[%get3A_9, %get3A_10] : memref<1000x384xf32, #tpu.memory_space<vmem>>, vector<1000x128xf32>
    %mul3A_12 = vector.broadcast %mul3A_8 : vector<1000x1xf32> to vector<1000x128xf32>
    %mul3A_13 = arith.mulf %mul3A_12, %get3A_11 : vector<1000x128xf32>
    %get3A_14 = arith.constant 0 : index
    %get3A_15 = arith.constant 1 : index
    %get3A_16 = vector.load %arg3[%get3A_14, %get3A_15] : memref<1000x8xf32, #tpu.memory_space<vmem>>, vector<1000x1xf32>
    %get3A_17 = arith.constant 0 : index
    %get3A_18 = arith.constant 128 : index
    %get3A_19 = vector.load %arg2[%get3A_17, %get3A_18] : memref<1000x384xf32, #tpu.memory_space<vmem>>, vector<1000x1xf32>
    %mul3A_20 = arith.mulf %get3A_16, %get3A_19 : vector<1000x1xf32>
    %mul3A_21 = arith.mulf %mul3A_20, %get3A_1 : vector<1000x1xf32>
    %get3A_22 = arith.constant 0 : index
    %get3A_23 = arith.constant 128 : index
    %get3A_24 = vector.load %arg1[%get3A_22, %get3A_23] : memref<1000x384xf32, #tpu.memory_space<vmem>>, vector<1000x128xf32>
    %mul3A_25 = vector.broadcast %mul3A_21 : vector<1000x1xf32> to vector<1000x128xf32>
    %mul3A_26 = arith.mulf %mul3A_25, %get3A_24 : vector<1000x128xf32>
    %add3A = arith.addf %mul3A_13, %mul3A_26 : vector<1000x128xf32>
    %get3A_27 = arith.constant 0 : index
    %get3A_28 = arith.constant 2 : index
    %get3A_29 = vector.load %arg3[%get3A_27, %get3A_28] : memref<1000x8xf32, #tpu.memory_space<vmem>>, vector<1000x1xf32>
    %get3A_30 = arith.constant 0 : index
    %get3A_31 = arith.constant 256 : index
    %get3A_32 = vector.load %arg2[%get3A_30, %get3A_31] : memref<1000x384xf32, #tpu.memory_space<vmem>>, vector<1000x1xf32>
    %mul3A_33 = arith.mulf %get3A_29, %get3A_32 : vector<1000x1xf32>
    %mul3A_34 = arith.mulf %mul3A_33, %get3A_1 : vector<1000x1xf32>
    %get3A_35 = arith.constant 0 : index
    %get3A_36 = arith.constant 256 : index
    %get3A_37 = vector.load %arg1[%get3A_35, %get3A_36] : memref<1000x384xf32, #tpu.memory_space<vmem>>, vector<1000x128xf32>
    %mul3A_38 = vector.broadcast %mul3A_34 : vector<1000x1xf32> to vector<1000x128xf32>
    %mul3A_39 = arith.mulf %mul3A_38, %get3A_37 : vector<1000x128xf32>
    %add3A_40 = arith.addf %add3A, %mul3A_39 : vector<1000x128xf32>
    %swap3A = arith.constant 0 : index
    %swap3A_41 = arith.constant 0 : index
    %swap3A_42 = vector.load %arg5[%swap3A, %swap3A_41] : memref<1000x128xf32, #tpu.memory_space<vmem>>, vector<1000x128xf32>
    tpu.vector_store %arg5[%swap3A, %swap3A_41], %add3A_40 {strides = array<i32>} : memref<1000x128xf32, #tpu.memory_space<vmem>>, vector<1000x128xf32>,
    return
  }
  func.func @transform_0(%arg0: i32) -> (i32, i32) {
    %c0_i32 = arith.constant 0 : i32
    %c0_i32_0 = arith.constant 0 : i32
    return %arg0, %c0_i32 : i32, i32
  }
  func.func @transform_1(%arg0: i32) -> (i32, i32) {
    %c0_i32 = arith.constant 0 : i32
    %c0_i32_0 = arith.constant 0 : i32
    return %arg0, %c0_i32 : i32, i32
  }
  func.func @transform_2(%arg0: i32) -> (i32, i32) {
    %c0_i32 = arith.constant 0 : i32
    %c0_i32_0 = arith.constant 0 : i32
    return %arg0, %c0_i32 : i32, i32
  }
  func.func @transform_3(%arg0: i32) -> (i32, i32) {
    %c0_i32 = arith.constant 0 : i32
    %c0_i32_0 = arith.constant 0 : i32
    return %arg0, %c0_i32 : i32, i32
  }
  func.func @transform_4(%arg0: i32) -> (i32, i32) {
    %c0_i32 = arith.constant 0 : i32
    %c0_i32_0 = arith.constant 0 : i32
    return %arg0, %c0_i32 : i32, i32
  }
}

module attributes {stable_mosaic.version = 14 : i64} {
  func.func @_cheb_body(%arg0: i32, %arg1: memref<1000x128xf32, #tpu.memory_space<vmem>>, %arg2: memref<1000x128xf32, #tpu.memory_space<vmem>>, %arg3: memref<1000x128xf32, #tpu.memory_space<vmem>>, %arg4: memref<384x256xf32, #tpu.memory_space<vmem>>, %arg5: memref<1x256xf32, #tpu.memory_space<vmem>>, %arg6: memref<1000x256xf32, #tpu.memory_space<vmem>>) attributes {dimension_semantics = [#tpu.dimension_semantics<arbitrary>], iteration_bounds = array<i64: 10>, scalar_prefetch = 0 : i64, scratch_operands = 0 : i64, tpu.core_type = #tpu.core_type<tc>, window_params = [{transform_indices = @transform_0, window_bounds = array<i64: 1000, 128>}, {transform_indices = @transform_1, window_bounds = array<i64: 1000, 128>}, {transform_indices = @transform_2, window_bounds = array<i64: 1000, 128>}, {pipeline_mode = #tpu.pipeline_mode<synchronous>, transform_indices = @transform_3, window_bounds = array<i64: 384, 256>}, {pipeline_mode = #tpu.pipeline_mode<synchronous>, transform_indices = @transform_4, window_bounds = array<i64: 1, 256>}, {transform_indices = @transform_5, window_bounds = array<i64: 1000, 256>}]} {
    %get3A = arith.constant 0 : index
    %get3A_0 = arith.constant 0 : index
    %get3A_1 = vector.load %arg1[%get3A, %get3A_0] : memref<1000x128xf32, #tpu.memory_space<vmem>>, vector<1000x128xf32>
    %get3A_2 = arith.constant 0 : index
    %get3A_3 = arith.constant 0 : index
    %get3A_4 = vector.load %arg3[%get3A_2, %get3A_3] : memref<1000x128xf32, #tpu.memory_space<vmem>>, vector<1000x128xf32>
    %mul3A = arith.constant 2.000000e+00 : f32
    %mul3A_5 = vector.broadcast %mul3A : f32 to vector<1000x128xf32>
    %mul3A_6 = arith.mulf %mul3A_5, %get3A_4 : vector<1000x128xf32>
    %sub3A = arith.subf %mul3A_6, %get3A_1 : vector<1000x128xf32>
    %get3A_7 = arith.constant 0 : index
    %get3A_8 = arith.constant 0 : index
    %get3A_9 = vector.load %arg4[%get3A_7, %get3A_8] : memref<384x256xf32, #tpu.memory_space<vmem>>, vector<128x256xf32>
    %dot_general3A = arith.constant dense<0.000000e+00> : vector<1000x256xf32>
    %dot_general3A_10 = tpu.matmul %get3A_1, %get3A_9, %dot_general3A {dimension_numbers = #tpu.dot_dimension_numbers<[1], [0], [0], [1], [0, 0, 1, 1], [], []>, transpose_lhs_hint = false} : vector<1000x128xf32>, vector<128x256xf32>, vector<1000x256xf32> -> vector<1000x256xf32>
    %get3A_11 = arith.constant 0 : index
    %get3A_12 = arith.constant 0 : index
    %get3A_13 = vector.load %arg2[%get3A_11, %get3A_12] : memref<1000x128xf32, #tpu.memory_space<vmem>>, vector<1000x128xf32>
    %neg3A = arith.constant 0.000000e+00 : f32
    %neg3A_14 = vector.broadcast %neg3A : f32 to vector<1000x128xf32>
    %neg3A_15 = arith.subf %neg3A_14, %get3A_13 : vector<1000x128xf32>
    %get3A_16 = arith.constant 128 : index
    %get3A_17 = arith.constant 0 : index
    %get3A_18 = vector.load %arg4[%get3A_16, %get3A_17] : memref<384x256xf32, #tpu.memory_space<vmem>>, vector<128x256xf32>
    %dot_general3A_19 = arith.constant dense<0.000000e+00> : vector<1000x256xf32>
    %dot_general3A_20 = tpu.matmul %neg3A_15, %get3A_18, %dot_general3A_19 {dimension_numbers = #tpu.dot_dimension_numbers<[1], [0], [0], [1], [0, 0, 1, 1], [], []>, transpose_lhs_hint = false} : vector<1000x128xf32>, vector<128x256xf32>, vector<1000x256xf32> -> vector<1000x256xf32>
    %add3A = arith.addf %dot_general3A_10, %dot_general3A_20 : vector<1000x256xf32>
    %get3A_21 = arith.constant 256 : index
    %get3A_22 = arith.constant 0 : index
    %get3A_23 = vector.load %arg4[%get3A_21, %get3A_22] : memref<384x256xf32, #tpu.memory_space<vmem>>, vector<128x256xf32>
    %dot_general3A_24 = arith.constant dense<0.000000e+00> : vector<1000x256xf32>
    %dot_general3A_25 = tpu.matmul %sub3A, %get3A_23, %dot_general3A_24 {dimension_numbers = #tpu.dot_dimension_numbers<[1], [0], [0], [1], [0, 0, 1, 1], [], []>, transpose_lhs_hint = false} : vector<1000x128xf32>, vector<128x256xf32>, vector<1000x256xf32> -> vector<1000x256xf32>
    %add3A_26 = arith.addf %add3A, %dot_general3A_25 : vector<1000x256xf32>
    %get3A_27 = arith.constant 0 : index
    %get3A_28 = arith.constant 0 : index
    %get3A_29 = vector.load %arg5[%get3A_27, %get3A_28] : memref<1x256xf32, #tpu.memory_space<vmem>>, vector<1x256xf32>
    %add3A_30 = vector.broadcast %get3A_29 : vector<1x256xf32> to vector<1000x256xf32>
    %add3A_31 = arith.addf %add3A_26, %add3A_30 : vector<1000x256xf32>
    %swap3A = arith.constant 0 : index
    %swap3A_32 = arith.constant 0 : index
    %swap3A_33 = vector.load %arg6[%swap3A, %swap3A_32] : memref<1000x256xf32, #tpu.memory_space<vmem>>, vector<1000x256xf32>
    tpu.vector_store %arg6[%swap3A, %swap3A_32], %add3A_31 {strides = array<i32>} : memref<1000x256xf32, #tpu.memory_space<vmem>>, vector<1000x256xf32>,
    return
  }
  func.func @transform_0(%arg0: i32) -> (i32, i32) {
    %c0_i32 = arith.constant 0 : i32
    %c0_i32_0 = arith.constant 0 : i32
    return %arg0, %c0_i32 : i32, i32
  }
  func.func @transform_1(%arg0: i32) -> (i32, i32) {
    %c0_i32 = arith.constant 0 : i32
    %c0_i32_0 = arith.constant 0 : i32
    return %arg0, %c0_i32 : i32, i32
  }
  func.func @transform_2(%arg0: i32) -> (i32, i32) {
    %c0_i32 = arith.constant 0 : i32
    %c0_i32_0 = arith.constant 0 : i32
    return %arg0, %c0_i32 : i32, i32
  }
  func.func @transform_3(%arg0: i32) -> (i32, i32) {
    %c0_i32 = arith.constant 0 : i32
    %c0_i32_0 = arith.constant 0 : i32
    %c0_i32_1 = arith.constant 0 : i32
    return %c0_i32, %c0_i32_0 : i32, i32
  }
  func.func @transform_4(%arg0: i32) -> (i32, i32) {
    %c0_i32 = arith.constant 0 : i32
    %c0_i32_0 = arith.constant 0 : i32
    %c0_i32_1 = arith.constant 0 : i32
    return %c0_i32, %c0_i32_0 : i32, i32
  }
  func.func @transform_5(%arg0: i32) -> (i32, i32) {
    %c0_i32 = arith.constant 0 : i32
    %c0_i32_0 = arith.constant 0 : i32
    return %arg0, %c0_i32 : i32, i32
  }
}

module attributes {stable_mosaic.version = 14 : i64} {
  func.func @_gsum_body(%arg0: i32, %arg1: memref<1000x256xf32, #tpu.memory_space<vmem>>, %arg2: memref<1x256xf32, #tpu.memory_space<vmem>>, %arg3: memref<1x256xf32, #tpu.memory_space<vmem>>) attributes {dimension_semantics = [#tpu.dimension_semantics<arbitrary>], iteration_bounds = array<i64: 10>, scalar_prefetch = 0 : i64, scratch_operands = 1 : i64, tpu.core_type = #tpu.core_type<tc>, window_params = [{transform_indices = @transform_0, window_bounds = array<i64: 1000, 256>}, {pipeline_mode = #tpu.pipeline_mode<synchronous>, transform_indices = @transform_1, window_bounds = array<i64: 1, 256>}]} {
    %eq3A = arith.constant 0 : i32
    %eq3A_0 = arith.cmpi eq, %arg0, %eq3A : i32
    %convert_element_type3A = arith.extui %eq3A_0 : i1 to i32
    %cond3A = arith.constant 0 : i32
    %cond3A_1 = arith.cmpi ne, %convert_element_type3A, %cond3A : i32
    scf.if %cond3A_1 {
      %broadcast_in_dim3A_15 = arith.constant 0.000000e+00 : f32
      %broadcast_in_dim3A_16 = vector.broadcast %broadcast_in_dim3A_15 : f32 to vector<1x256xf32>
      %swap3A_17 = arith.constant 0 : index
      %swap3A_18 = arith.constant 0 : index
      %swap3A_19 = vector.load %arg3[%swap3A_17, %swap3A_18] : memref<1x256xf32, #tpu.memory_space<vmem>>, vector<1x256xf32>
      tpu.vector_store %arg3[%swap3A_17, %swap3A_18], %broadcast_in_dim3A_16 {strides = array<i32>} : memref<1x256xf32, #tpu.memory_space<vmem>>, vector<1x256xf32>,
    } else {
    }
    %get3A = arith.constant 0 : index
    %get3A_2 = arith.constant 0 : index
    %get3A_3 = vector.load %arg3[%get3A, %get3A_2] : memref<1x256xf32, #tpu.memory_space<vmem>>, vector<1x256xf32>
    %get3A_4 = arith.constant 0 : index
    %get3A_5 = arith.constant 0 : index
    %get3A_6 = vector.load %arg1[%get3A_4, %get3A_5] : memref<1000x256xf32, #tpu.memory_space<vmem>>, vector<1000x256xf32>
    %reduce_sum3A = arith.constant dense<0.000000e+00> : vector<256xf32>
    %reduce_sum3A_7 = vector.multi_reduction <add>, %get3A_6, %reduce_sum3A [0] : vector<1000x256xf32> to vector<256xf32>
    %broadcast_in_dim3A = vector.shape_cast %reduce_sum3A_7 : vector<256xf32> to vector<1x256xf32>
    %add3A = arith.addf %get3A_3, %broadcast_in_dim3A : vector<1x256xf32>
    %swap3A = arith.constant 0 : index
    %swap3A_8 = arith.constant 0 : index
    %swap3A_9 = vector.load %arg3[%swap3A, %swap3A_8] : memref<1x256xf32, #tpu.memory_space<vmem>>, vector<1x256xf32>
    tpu.vector_store %arg3[%swap3A, %swap3A_8], %add3A {strides = array<i32>} : memref<1x256xf32, #tpu.memory_space<vmem>>, vector<1x256xf32>,
    %eq3A_10 = arith.constant 9 : i32
    %eq3A_11 = arith.cmpi eq, %arg0, %eq3A_10 : i32
    %convert_element_type3A_12 = arith.extui %eq3A_11 : i1 to i32
    %cond3A_13 = arith.constant 0 : i32
    %cond3A_14 = arith.cmpi ne, %convert_element_type3A_12, %cond3A_13 : i32
    scf.if %cond3A_14 {
      %get3A_15 = arith.constant 0 : index
      %get3A_16 = arith.constant 0 : index
      %get3A_17 = vector.load %arg3[%get3A_15, %get3A_16] : memref<1x256xf32, #tpu.memory_space<vmem>>, vector<1x256xf32>
      %mul3A = arith.constant 9.99999974E-5 : f32
      %mul3A_18 = vector.broadcast %mul3A : f32 to vector<1x256xf32>
      %mul3A_19 = arith.mulf %get3A_17, %mul3A_18 : vector<1x256xf32>
      %swap3A_20 = arith.constant 0 : index
      %swap3A_21 = arith.constant 0 : index
      %swap3A_22 = vector.load %arg2[%swap3A_20, %swap3A_21] : memref<1x256xf32, #tpu.memory_space<vmem>>, vector<1x256xf32>
      tpu.vector_store %arg2[%swap3A_20, %swap3A_21], %mul3A_19 {strides = array<i32>} : memref<1x256xf32, #tpu.memory_space<vmem>>, vector<1x256xf32>,
    } else {
    }
    return
  }
  func.func @transform_0(%arg0: i32) -> (i32, i32) {
    %c0_i32 = arith.constant 0 : i32
    %c0_i32_0 = arith.constant 0 : i32
    return %arg0, %c0_i32 : i32, i32
  }
  func.func @transform_1(%arg0: i32) -> (i32, i32) {
    %c0_i32 = arith.constant 0 : i32
    %c0_i32_0 = arith.constant 0 : i32
    %c0_i32_1 = arith.constant 0 : i32
    return %c0_i32, %c0_i32_0 : i32, i32
  }
}

module attributes {stable_mosaic.version = 14 : i64} {
  func.func @_gvar_body(%arg0: i32, %arg1: memref<1000x256xf32, #tpu.memory_space<vmem>>, %arg2: memref<1x256xf32, #tpu.memory_space<vmem>>, %arg3: memref<1x256xf32, #tpu.memory_space<vmem>>, %arg4: memref<1x256xf32, #tpu.memory_space<vmem>>, %arg5: memref<1x256xf32, #tpu.memory_space<vmem>>) attributes {dimension_semantics = [#tpu.dimension_semantics<arbitrary>], iteration_bounds = array<i64: 10>, scalar_prefetch = 0 : i64, scratch_operands = 1 : i64, tpu.core_type = #tpu.core_type<tc>, window_params = [{transform_indices = @transform_0, window_bounds = array<i64: 1000, 256>}, {pipeline_mode = #tpu.pipeline_mode<synchronous>, transform_indices = @transform_1, window_bounds = array<i64: 1, 256>}, {pipeline_mode = #tpu.pipeline_mode<synchronous>, transform_indices = @transform_2, window_bounds = array<i64: 1, 256>}, {pipeline_mode = #tpu.pipeline_mode<synchronous>, transform_indices = @transform_3, window_bounds = array<i64: 1, 256>}]} {
    %eq3A = arith.constant 0 : i32
    %eq3A_0 = arith.cmpi eq, %arg0, %eq3A : i32
    %convert_element_type3A = arith.extui %eq3A_0 : i1 to i32
    %cond3A = arith.constant 0 : i32
    %cond3A_1 = arith.cmpi ne, %convert_element_type3A, %cond3A : i32
    scf.if %cond3A_1 {
      %broadcast_in_dim3A_23 = arith.constant 0.000000e+00 : f32
      %broadcast_in_dim3A_24 = vector.broadcast %broadcast_in_dim3A_23 : f32 to vector<1x256xf32>
      %swap3A_25 = arith.constant 0 : index
      %swap3A_26 = arith.constant 0 : index
      %swap3A_27 = vector.load %arg5[%swap3A_25, %swap3A_26] : memref<1x256xf32, #tpu.memory_space<vmem>>, vector<1x256xf32>
      tpu.vector_store %arg5[%swap3A_25, %swap3A_26], %broadcast_in_dim3A_24 {strides = array<i32>} : memref<1x256xf32, #tpu.memory_space<vmem>>, vector<1x256xf32>,
    } else {
    }
    %get3A = arith.constant 0 : index
    %get3A_2 = arith.constant 0 : index
    %get3A_3 = vector.load %arg1[%get3A, %get3A_2] : memref<1000x256xf32, #tpu.memory_space<vmem>>, vector<1000x256xf32>
    %get3A_4 = arith.constant 0 : index
    %get3A_5 = arith.constant 0 : index
    %get3A_6 = vector.load %arg3[%get3A_4, %get3A_5] : memref<1x256xf32, #tpu.memory_space<vmem>>, vector<1x256xf32>
    %get3A_7 = arith.constant 0 : index
    %get3A_8 = arith.constant 0 : index
    %get3A_9 = vector.load %arg2[%get3A_7, %get3A_8] : memref<1x256xf32, #tpu.memory_space<vmem>>, vector<1x256xf32>
    %mul3A = arith.mulf %get3A_6, %get3A_9 : vector<1x256xf32>
    %sub3A = vector.broadcast %mul3A : vector<1x256xf32> to vector<1000x256xf32>
    %sub3A_10 = arith.subf %get3A_3, %sub3A : vector<1000x256xf32>
    %get3A_11 = arith.constant 0 : index
    %get3A_12 = arith.constant 0 : index
    %get3A_13 = vector.load %arg5[%get3A_11, %get3A_12] : memref<1x256xf32, #tpu.memory_space<vmem>>, vector<1x256xf32>
    %mul3A_14 = arith.mulf %sub3A_10, %sub3A_10 : vector<1000x256xf32>
    %reduce_sum3A = arith.constant dense<0.000000e+00> : vector<256xf32>
    %reduce_sum3A_15 = vector.multi_reduction <add>, %mul3A_14, %reduce_sum3A [0] : vector<1000x256xf32> to vector<256xf32>
    %broadcast_in_dim3A = vector.shape_cast %reduce_sum3A_15 : vector<256xf32> to vector<1x256xf32>
    %add3A = arith.addf %get3A_13, %broadcast_in_dim3A : vector<1x256xf32>
    %swap3A = arith.constant 0 : index
    %swap3A_16 = arith.constant 0 : index
    %swap3A_17 = vector.load %arg5[%swap3A, %swap3A_16] : memref<1x256xf32, #tpu.memory_space<vmem>>, vector<1x256xf32>
    tpu.vector_store %arg5[%swap3A, %swap3A_16], %add3A {strides = array<i32>} : memref<1x256xf32, #tpu.memory_space<vmem>>, vector<1x256xf32>,
    %eq3A_18 = arith.constant 9 : i32
    %eq3A_19 = arith.cmpi eq, %arg0, %eq3A_18 : i32
    %convert_element_type3A_20 = arith.extui %eq3A_19 : i1 to i32
    %cond3A_21 = arith.constant 0 : i32
    %cond3A_22 = arith.cmpi ne, %convert_element_type3A_20, %cond3A_21 : i32
    scf.if %cond3A_22 {
      %get3A_23 = arith.constant 0 : index
      %get3A_24 = arith.constant 0 : index
      %get3A_25 = vector.load %arg5[%get3A_23, %get3A_24] : memref<1x256xf32, #tpu.memory_space<vmem>>, vector<1x256xf32>
      %mul3A_26 = arith.constant 9.99999974E-5 : f32
      %mul3A_27 = vector.broadcast %mul3A_26 : f32 to vector<1x256xf32>
      %mul3A_28 = arith.mulf %get3A_25, %mul3A_27 : vector<1x256xf32>
      %swap3A_29 = arith.constant 0 : index
      %swap3A_30 = arith.constant 0 : index
      %swap3A_31 = vector.load %arg4[%swap3A_29, %swap3A_30] : memref<1x256xf32, #tpu.memory_space<vmem>>, vector<1x256xf32>
      tpu.vector_store %arg4[%swap3A_29, %swap3A_30], %mul3A_28 {strides = array<i32>} : memref<1x256xf32, #tpu.memory_space<vmem>>, vector<1x256xf32>,
    } else {
    }
    return
  }
  func.func @transform_0(%arg0: i32) -> (i32, i32) {
    %c0_i32 = arith.constant 0 : i32
    %c0_i32_0 = arith.constant 0 : i32
    return %arg0, %c0_i32 : i32, i32
  }
  func.func @transform_1(%arg0: i32) -> (i32, i32) {
    %c0_i32 = arith.constant 0 : i32
    %c0_i32_0 = arith.constant 0 : i32
    %c0_i32_1 = arith.constant 0 : i32
    return %c0_i32, %c0_i32_0 : i32, i32
  }
  func.func @transform_2(%arg0: i32) -> (i32, i32) {
    %c0_i32 = arith.constant 0 : i32
    %c0_i32_0 = arith.constant 0 : i32
    %c0_i32_1 = arith.constant 0 : i32
    return %c0_i32, %c0_i32_0 : i32, i32
  }
  func.func @transform_3(%arg0: i32) -> (i32, i32) {
    %c0_i32 = arith.constant 0 : i32
    %c0_i32_0 = arith.constant 0 : i32
    %c0_i32_1 = arith.constant 0 : i32
    return %c0_i32, %c0_i32_0 : i32, i32
  }
}

module attributes {stable_mosaic.version = 14 : i64} {
  func.func @_gnorm_body(%arg0: i32, %arg1: memref<1000x256xf32, #tpu.memory_space<vmem>>, %arg2: memref<1x256xf32, #tpu.memory_space<vmem>>, %arg3: memref<1x256xf32, #tpu.memory_space<vmem>>, %arg4: memref<1x256xf32, #tpu.memory_space<vmem>>, %arg5: memref<1x256xf32, #tpu.memory_space<vmem>>, %arg6: memref<1x256xf32, #tpu.memory_space<vmem>>, %arg7: memref<1000x256xf32, #tpu.memory_space<vmem>>) attributes {dimension_semantics = [#tpu.dimension_semantics<arbitrary>], iteration_bounds = array<i64: 10>, scalar_prefetch = 0 : i64, scratch_operands = 0 : i64, tpu.core_type = #tpu.core_type<tc>, window_params = [{transform_indices = @transform_0, window_bounds = array<i64: 1000, 256>}, {pipeline_mode = #tpu.pipeline_mode<synchronous>, transform_indices = @transform_1, window_bounds = array<i64: 1, 256>}, {pipeline_mode = #tpu.pipeline_mode<synchronous>, transform_indices = @transform_2, window_bounds = array<i64: 1, 256>}, {pipeline_mode = #tpu.pipeline_mode<synchronous>, transform_indices = @transform_3, window_bounds = array<i64: 1, 256>}, {pipeline_mode = #tpu.pipeline_mode<synchronous>, transform_indices = @transform_4, window_bounds = array<i64: 1, 256>}, {pipeline_mode = #tpu.pipeline_mode<synchronous>, transform_indices = @transform_5, window_bounds = array<i64: 1, 256>}, {transform_indices = @transform_6, window_bounds = array<i64: 1000, 256>}]} {
    %get3A = arith.constant 0 : index
    %get3A_0 = arith.constant 0 : index
    %get3A_1 = vector.load %arg1[%get3A, %get3A_0] : memref<1000x256xf32, #tpu.memory_space<vmem>>, vector<1000x256xf32>
    %get3A_2 = arith.constant 0 : index
    %get3A_3 = arith.constant 0 : index
    %get3A_4 = vector.load %arg4[%get3A_2, %get3A_3] : memref<1x256xf32, #tpu.memory_space<vmem>>, vector<1x256xf32>
    %get3A_5 = arith.constant 0 : index
    %get3A_6 = arith.constant 0 : index
    %get3A_7 = vector.load %arg2[%get3A_5, %get3A_6] : memref<1x256xf32, #tpu.memory_space<vmem>>, vector<1x256xf32>
    %mul3A = arith.mulf %get3A_4, %get3A_7 : vector<1x256xf32>
    %sub3A = vector.broadcast %mul3A : vector<1x256xf32> to vector<1000x256xf32>
    %sub3A_8 = arith.subf %get3A_1, %sub3A : vector<1000x256xf32>
    %get3A_9 = arith.constant 0 : index
    %get3A_10 = arith.constant 0 : index
    %get3A_11 = vector.load %arg5[%get3A_9, %get3A_10] : memref<1x256xf32, #tpu.memory_space<vmem>>, vector<1x256xf32>
    %mul3A_12 = vector.broadcast %get3A_11 : vector<1x256xf32> to vector<1000x256xf32>
    %mul3A_13 = arith.mulf %mul3A_12, %sub3A_8 : vector<1000x256xf32>
    %get3A_14 = arith.constant 0 : index
    %get3A_15 = arith.constant 0 : index
    %get3A_16 = vector.load %arg3[%get3A_14, %get3A_15] : memref<1x256xf32, #tpu.memory_space<vmem>>, vector<1x256xf32>
    %add3A = arith.constant 9.99999974E-6 : f32
    %add3A_17 = vector.broadcast %add3A : f32 to vector<1x256xf32>
    %add3A_18 = arith.addf %get3A_16, %add3A_17 : vector<1x256xf32>
    %sqrt3A = math.sqrt %add3A_18 : vector<1x256xf32>
    %div3A = vector.broadcast %sqrt3A : vector<1x256xf32> to vector<1000x256xf32>
    %div3A_19 = arith.divf %mul3A_13, %div3A : vector<1000x256xf32>
    %get3A_20 = arith.constant 0 : index
    %get3A_21 = arith.constant 0 : index
    %get3A_22 = vector.load %arg6[%get3A_20, %get3A_21] : memref<1x256xf32, #tpu.memory_space<vmem>>, vector<1x256xf32>
    %add3A_23 = vector.broadcast %get3A_22 : vector<1x256xf32> to vector<1000x256xf32>
    %add3A_24 = arith.addf %div3A_19, %add3A_23 : vector<1000x256xf32>
    %swap3A = arith.constant 0 : index
    %swap3A_25 = arith.constant 0 : index
    %swap3A_26 = vector.load %arg7[%swap3A, %swap3A_25] : memref<1000x256xf32, #tpu.memory_space<vmem>>, vector<1000x256xf32>
    tpu.vector_store %arg7[%swap3A, %swap3A_25], %add3A_24 {strides = array<i32>} : memref<1000x256xf32, #tpu.memory_space<vmem>>, vector<1000x256xf32>,
    return
  }
  func.func @transform_0(%arg0: i32) -> (i32, i32) {
    %c0_i32 = arith.constant 0 : i32
    %c0_i32_0 = arith.constant 0 : i32
    return %arg0, %c0_i32 : i32, i32
  }
  func.func @transform_1(%arg0: i32) -> (i32, i32) {
    %c0_i32 = arith.constant 0 : i32
    %c0_i32_0 = arith.constant 0 : i32
    %c0_i32_1 = arith.constant 0 : i32
    return %c0_i32, %c0_i32_0 : i32, i32
  }
  func.func @transform_2(%arg0: i32) -> (i32, i32) {
    %c0_i32 = arith.constant 0 : i32
    %c0_i32_0 = arith.constant 0 : i32
    %c0_i32_1 = arith.constant 0 : i32
    return %c0_i32, %c0_i32_0 : i32, i32
  }
  func.func @transform_3(%arg0: i32) -> (i32, i32) {
    %c0_i32 = arith.constant 0 : i32
    %c0_i32_0 = arith.constant 0 : i32
    %c0_i32_1 = arith.constant 0 : i32
    return %c0_i32, %c0_i32_0 : i32, i32
  }
  func.func @transform_4(%arg0: i32) -> (i32, i32) {
    %c0_i32 = arith.constant 0 : i32
    %c0_i32_0 = arith.constant 0 : i32
    %c0_i32_1 = arith.constant 0 : i32
    return %c0_i32, %c0_i32_0 : i32, i32
  }
  func.func @transform_5(%arg0: i32) -> (i32, i32) {
    %c0_i32 = arith.constant 0 : i32
    %c0_i32_0 = arith.constant 0 : i32
    %c0_i32_1 = arith.constant 0 : i32
    return %c0_i32, %c0_i32_0 : i32, i32
  }
  func.func @transform_6(%arg0: i32) -> (i32, i32) {
    %c0_i32 = arith.constant 0 : i32
    %c0_i32_0 = arith.constant 0 : i32
    return %arg0, %c0_i32 : i32, i32
  }
}

module attributes {stable_mosaic.version = 14 : i64} {
  func.func @_knn3_body(%arg0: i32, %arg1: memref<256x256xf32, #tpu.memory_space<vmem>>, %arg2: memref<256x10240xf32, #tpu.memory_space<vmem>>, %arg3: memref<256x1xf32, #tpu.memory_space<vmem>>, %arg4: memref<1x10240xf32, #tpu.memory_space<vmem>>, %arg5: memref<256x8xi32, #tpu.memory_space<vmem>>) attributes {dimension_semantics = [#tpu.dimension_semantics<arbitrary>], iteration_bounds = array<i64: 40>, scalar_prefetch = 0 : i64, scratch_operands = 0 : i64, tpu.core_type = #tpu.core_type<tc>, window_params = [{transform_indices = @transform_0, window_bounds = array<i64: 256, 256>}, {pipeline_mode = #tpu.pipeline_mode<synchronous>, transform_indices = @transform_1, window_bounds = array<i64: 256, 10240>}, {transform_indices = @transform_2, window_bounds = array<i64: 256, 1>}, {pipeline_mode = #tpu.pipeline_mode<synchronous>, transform_indices = @transform_3, window_bounds = array<i64: 1, 10240>}, {transform_indices = @transform_4, window_bounds = array<i64: 256, 8>}]} {
    %get3A = arith.constant 0 : index
    %get3A_0 = arith.constant 0 : index
    %get3A_1 = vector.load %arg1[%get3A, %get3A_0] : memref<256x256xf32, #tpu.memory_space<vmem>>, vector<256x256xf32>
    %get3A_2 = arith.constant 0 : index
    %get3A_3 = arith.constant 0 : index
    %get3A_4 = vector.load %arg3[%get3A_2, %get3A_3] : memref<256x1xf32, #tpu.memory_space<vmem>>, vector<256x1xf32>
    %mul3A = arith.constant 256 : i32
    %mul3A_5 = arith.muli %arg0, %mul3A : i32
    %iota3A = tpu.iota {dimensions = array<i32: 0>} : vector<256x1xi32>
    %add3A = vector.broadcast %mul3A_5 : i32 to vector<256x1xi32>
    %add3A_6 = arith.addi %add3A, %iota3A : vector<256x1xi32>
    %broadcast_in_dim3A = arith.constant 0x7F800000 : f32
    %broadcast_in_dim3A_7 = vector.broadcast %broadcast_in_dim3A : f32 to vector<256x1xf32>
    %broadcast_in_dim3A_8 = arith.constant 0 : i32
    %broadcast_in_dim3A_9 = vector.broadcast %broadcast_in_dim3A_8 : i32 to vector<256x1xi32>
    %scan3A = arith.constant 0 : i32
    %scan3A_10 = arith.constant 20 : i32
    %scan3A_11 = arith.addi %scan3A, %scan3A_10 : i32
    %scan3A_12 = arith.constant 1 : i32
    %scan3A_13:6 = scf.for %scan3A_17 = %scan3A to %scan3A_11 step %scan3A_12 iter_args(%scan3A_18 = %broadcast_in_dim3A_7, %scan3A_19 = %broadcast_in_dim3A_7, %scan3A_20 = %broadcast_in_dim3A_7, %scan3A_21 = %broadcast_in_dim3A_9, %scan3A_22 = %broadcast_in_dim3A_9, %scan3A_23 = %broadcast_in_dim3A_9) -> (vector<256x1xf32>, vector<256x1xf32>, vector<256x1xf32>, vector<256x1xi32>, vector<256x1xi32>, vector<256x1xi32>)  : i32 {
      %mul3A_24 = arith.constant 512 : i32
      %mul3A_25 = arith.muli %scan3A_17, %mul3A_24 : i32
      %get3A_26 = arith.constant 0 : index
      %get3A_27 = arith.index_cast %mul3A_25 : i32 to index
      %get3A_28 = vector.load %arg2[%get3A_26, %get3A_27] : memref<256x10240xf32, #tpu.memory_space<vmem>>, vector<256x512xf32>
      %mul3A_29 = arith.constant 512 : i32
      %mul3A_30 = arith.muli %scan3A_17, %mul3A_29 : i32
      %get3A_31 = arith.constant 0 : index
      %get3A_32 = arith.index_cast %mul3A_30 : i32 to index
      %get3A_33 = vector.load %arg4[%get3A_31, %get3A_32] : memref<1x10240xf32, #tpu.memory_space<vmem>>, vector<1x512xf32>
      %dot_general3A = arith.constant dense<0.000000e+00> : vector<256x512xf32>
      %dot_general3A_34 = tpu.matmul %get3A_1, %get3A_28, %dot_general3A {dimension_numbers = #tpu.dot_dimension_numbers<[1], [0], [0], [1], [0, 0, 1, 1], [], []>, transpose_lhs_hint = false} : vector<256x256xf32>, vector<256x512xf32>, vector<256x512xf32> -> vector<256x512xf32>
      %mul3A_35 = arith.constant 2.000000e+00 : f32
      %mul3A_36 = vector.broadcast %mul3A_35 : f32 to vector<256x512xf32>
      %mul3A_37 = arith.mulf %mul3A_36, %dot_general3A_34 : vector<256x512xf32>
      %sub3A = vector.broadcast %get3A_4 : vector<256x1xf32> to vector<256x512xf32>
      %sub3A_38 = arith.subf %sub3A, %mul3A_37 : vector<256x512xf32>
      %add3A_39 = vector.broadcast %get3A_33 : vector<1x512xf32> to vector<256x512xf32>
      %add3A_40 = arith.addf %sub3A_38, %add3A_39 : vector<256x512xf32>
      %mul3A_41 = arith.constant 512 : i32
      %mul3A_42 = arith.muli %scan3A_17, %mul3A_41 : i32
      %iota3A_43 = tpu.iota {dimensions = array<i32: 1>} : vector<1x512xi32>
      %add3A_44 = vector.broadcast %mul3A_42 : i32 to vector<1x512xi32>
      %add3A_45 = arith.addi %add3A_44, %iota3A_43 : vector<1x512xi32>
      %eq3A = vector.broadcast %add3A_6 : vector<256x1xi32> to vector<256x512xi32>
      %eq3A_46 = vector.broadcast %add3A_45 : vector<1x512xi32> to vector<256x512xi32>
      %eq3A_47 = arith.cmpi eq, %eq3A, %eq3A_46 : vector<256x512xi32>
      %ge3A = arith.constant 10000 : i32
      %ge3A_48 = vector.broadcast %ge3A : i32 to vector<1x512xi32>
      %ge3A_49 = arith.cmpi sge, %add3A_45, %ge3A_48 : vector<1x512xi32>
      %or3A = vector.broadcast %ge3A_49 : vector<1x512xi1> to vector<256x512xi1>
      %or3A_50 = arith.ori %eq3A_47, %or3A : vector<256x512xi1>
      %jit3A = arith.constant 0x7F800000 : f32
      %broadcast_in_dim3A_51 = vector.broadcast %jit3A : f32 to vector<256x512xf32>
      %select_n3A = arith.select %or3A_50, %broadcast_in_dim3A_51, %add3A_40 : vector<256x512xi1>, vector<256x512xf32>
      %reduce_min3A = arith.constant dense<0x7F800000> : vector<256xf32>
      %reduce_min3A_52 = vector.multi_reduction <minimumf>, %select_n3A, %reduce_min3A [1] : vector<256x512xf32> to vector<256xf32>
      %broadcast_in_dim3A_53 = vector.shape_cast %reduce_min3A_52 : vector<256xf32> to vector<256x1xf32>
      %eq3A_54 = vector.broadcast %broadcast_in_dim3A_53 : vector<256x1xf32> to vector<256x512xf32>
      %eq3A_55 = arith.cmpf oeq, %select_n3A, %eq3A_54 : vector<256x512xf32>
      %jit3A_56 = arith.constant 10000 : i32
      %broadcast_in_dim3A_57 = vector.shape_cast %add3A_45 : vector<1x512xi32> to vector<1x512xi32>
      %broadcast_in_dim3A_58 = vector.broadcast %broadcast_in_dim3A_57 : vector<1x512xi32> to vector<256x512xi32>
      %broadcast_in_dim3A_59 = vector.broadcast %jit3A_56 : i32 to vector<256x512xi32>
      %select_n3A_60 = arith.select %eq3A_55, %broadcast_in_dim3A_58, %broadcast_in_dim3A_59 : vector<256x512xi1>, vector<256x512xi32>
      %reduce_min3A_61 = arith.constant dense<2147483647> : vector<256xi32>
      %reduce_min3A_62 = vector.multi_reduction <minsi>, %select_n3A_60, %reduce_min3A_61 [1] : vector<256x512xi32> to vector<256xi32>
      %broadcast_in_dim3A_63 = vector.shape_cast %reduce_min3A_62 : vector<256xi32> to vector<256x1xi32>
      %lt3A = arith.cmpf olt, %broadcast_in_dim3A_53, %scan3A_18 : vector<256x1xf32>
      %lt3A_64 = arith.cmpf olt, %broadcast_in_dim3A_53, %scan3A_19 : vector<256x1xf32>
      %lt3A_65 = arith.cmpf olt, %broadcast_in_dim3A_53, %scan3A_20 : vector<256x1xf32>
      %select_n3A_66 = arith.select %lt3A, %broadcast_in_dim3A_53, %scan3A_18 : vector<256x1xi1>, vector<256x1xf32>
      %select_n3A_67 = arith.select %lt3A, %broadcast_in_dim3A_63, %scan3A_21 : vector<256x1xi1>, vector<256x1xi32>
      %select_n3A_68 = arith.select %lt3A_64, %broadcast_in_dim3A_53, %scan3A_19 : vector<256x1xi1>, vector<256x1xf32>
      %select_n3A_69 = arith.select %lt3A, %scan3A_18, %select_n3A_68 : vector<256x1xi1>, vector<256x1xf32>
      %select_n3A_70 = arith.select %lt3A_64, %broadcast_in_dim3A_63, %scan3A_22 : vector<256x1xi1>, vector<256x1xi32>
      %select_n3A_71 = arith.select %lt3A, %scan3A_21, %select_n3A_70 : vector<256x1xi1>, vector<256x1xi32>
      %select_n3A_72 = arith.select %lt3A_65, %broadcast_in_dim3A_53, %scan3A_20 : vector<256x1xi1>, vector<256x1xf32>
      %select_n3A_73 = arith.select %lt3A_64, %scan3A_19, %select_n3A_72 : vector<256x1xi1>, vector<256x1xf32>
      %select_n3A_74 = arith.select %lt3A_65, %broadcast_in_dim3A_63, %scan3A_23 : vector<256x1xi1>, vector<256x1xi32>
      %select_n3A_75 = arith.select %lt3A_64, %scan3A_22, %select_n3A_74 : vector<256x1xi1>, vector<256x1xi32>
      %eq3A_76 = vector.broadcast %add3A_45 : vector<1x512xi32> to vector<256x512xi32>
      %eq3A_77 = vector.broadcast %broadcast_in_dim3A_63 : vector<256x1xi32> to vector<256x512xi32>
      %eq3A_78 = arith.cmpi eq, %eq3A_76, %eq3A_77 : vector<256x512xi32>
      %jit3A_79 = arith.constant 0x7F800000 : f32
      %broadcast_in_dim3A_80 = vector.broadcast %jit3A_79 : f32 to vector<256x512xf32>
      %select_n3A_81 = arith.select %eq3A_78, %broadcast_in_dim3A_80, %select_n3A : vector<256x512xi1>, vector<256x512xf32>
      %reduce_min3A_82 = arith.constant dense<0x7F800000> : vector<256xf32>
      %reduce_min3A_83 = vector.multi_reduction <minimumf>, %select_n3A_81, %reduce_min3A_82 [1] : vector<256x512xf32> to vector<256xf32>
      %broadcast_in_dim3A_84 = vector.shape_cast %reduce_min3A_83 : vector<256xf32> to vector<256x1xf32>
      %eq3A_85 = vector.broadcast %broadcast_in_dim3A_84 : vector<256x1xf32> to vector<256x512xf32>
      %eq3A_86 = arith.cmpf oeq, %select_n3A_81, %eq3A_85 : vector<256x512xf32>
      %jit3A_87 = arith.constant 10000 : i32
      %broadcast_in_dim3A_88 = vector.shape_cast %add3A_45 : vector<1x512xi32> to vector<1x512xi32>
      %broadcast_in_dim3A_89 = vector.broadcast %broadcast_in_dim3A_88 : vector<1x512xi32> to vector<256x512xi32>
      %broadcast_in_dim3A_90 = vector.broadcast %jit3A_87 : i32 to vector<256x512xi32>
      %select_n3A_91 = arith.select %eq3A_86, %broadcast_in_dim3A_89, %broadcast_in_dim3A_90 : vector<256x512xi1>, vector<256x512xi32>
      %reduce_min3A_92 = arith.constant dense<2147483647> : vector<256xi32>
      %reduce_min3A_93 = vector.multi_reduction <minsi>, %select_n3A_91, %reduce_min3A_92 [1] : vector<256x512xi32> to vector<256xi32>
      %broadcast_in_dim3A_94 = vector.shape_cast %reduce_min3A_93 : vector<256xi32> to vector<256x1xi32>
      %lt3A_95 = arith.cmpf olt, %broadcast_in_dim3A_84, %select_n3A_66 : vector<256x1xf32>
      %lt3A_96 = arith.cmpf olt, %broadcast_in_dim3A_84, %select_n3A_69 : vector<256x1xf32>
      %lt3A_97 = arith.cmpf olt, %broadcast_in_dim3A_84, %select_n3A_73 : vector<256x1xf32>
      %select_n3A_98 = arith.select %lt3A_95, %broadcast_in_dim3A_84, %select_n3A_66 : vector<256x1xi1>, vector<256x1xf32>
      %select_n3A_99 = arith.select %lt3A_95, %broadcast_in_dim3A_94, %select_n3A_67 : vector<256x1xi1>, vector<256x1xi32>
      %select_n3A_100 = arith.select %lt3A_96, %broadcast_in_dim3A_84, %select_n3A_69 : vector<256x1xi1>, vector<256x1xf32>
      %select_n3A_101 = arith.select %lt3A_95, %select_n3A_66, %select_n3A_100 : vector<256x1xi1>, vector<256x1xf32>
      %select_n3A_102 = arith.select %lt3A_96, %broadcast_in_dim3A_94, %select_n3A_71 : vector<256x1xi1>, vector<256x1xi32>
      %select_n3A_103 = arith.select %lt3A_95, %select_n3A_67, %select_n3A_102 : vector<256x1xi1>, vector<256x1xi32>
      %select_n3A_104 = arith.select %lt3A_97, %broadcast_in_dim3A_84, %select_n3A_73 : vector<256x1xi1>, vector<256x1xf32>
      %select_n3A_105 = arith.select %lt3A_96, %select_n3A_69, %select_n3A_104 : vector<256x1xi1>, vector<256x1xf32>
      %select_n3A_106 = arith.select %lt3A_97, %broadcast_in_dim3A_94, %select_n3A_75 : vector<256x1xi1>, vector<256x1xi32>
      %select_n3A_107 = arith.select %lt3A_96, %select_n3A_71, %select_n3A_106 : vector<256x1xi1>, vector<256x1xi32>
      %eq3A_108 = vector.broadcast %add3A_45 : vector<1x512xi32> to vector<256x512xi32>
      %eq3A_109 = vector.broadcast %broadcast_in_dim3A_94 : vector<256x1xi32> to vector<256x512xi32>
      %eq3A_110 = arith.cmpi eq, %eq3A_108, %eq3A_109 : vector<256x512xi32>
      %jit3A_111 = arith.constant 0x7F800000 : f32
      %broadcast_in_dim3A_112 = vector.broadcast %jit3A_111 : f32 to vector<256x512xf32>
      %select_n3A_113 = arith.select %eq3A_110, %broadcast_in_dim3A_112, %select_n3A_81 : vector<256x512xi1>, vector<256x512xf32>
      %reduce_min3A_114 = arith.constant dense<0x7F800000> : vector<256xf32>
      %reduce_min3A_115 = vector.multi_reduction <minimumf>, %select_n3A_113, %reduce_min3A_114 [1] : vector<256x512xf32> to vector<256xf32>
      %broadcast_in_dim3A_116 = vector.shape_cast %reduce_min3A_115 : vector<256xf32> to vector<256x1xf32>
      %eq3A_117 = vector.broadcast %broadcast_in_dim3A_116 : vector<256x1xf32> to vector<256x512xf32>
      %eq3A_118 = arith.cmpf oeq, %select_n3A_113, %eq3A_117 : vector<256x512xf32>
      %jit3A_119 = arith.constant 10000 : i32
      %broadcast_in_dim3A_120 = vector.shape_cast %add3A_45 : vector<1x512xi32> to vector<1x512xi32>
      %broadcast_in_dim3A_121 = vector.broadcast %broadcast_in_dim3A_120 : vector<1x512xi32> to vector<256x512xi32>
      %broadcast_in_dim3A_122 = vector.broadcast %jit3A_119 : i32 to vector<256x512xi32>
      %select_n3A_123 = arith.select %eq3A_118, %broadcast_in_dim3A_121, %broadcast_in_dim3A_122 : vector<256x512xi1>, vector<256x512xi32>
      %reduce_min3A_124 = arith.constant dense<2147483647> : vector<256xi32>
      %reduce_min3A_125 = vector.multi_reduction <minsi>, %select_n3A_123, %reduce_min3A_124 [1] : vector<256x512xi32> to vector<256xi32>
      %broadcast_in_dim3A_126 = vector.shape_cast %reduce_min3A_125 : vector<256xi32> to vector<256x1xi32>
      %lt3A_127 = arith.cmpf olt, %broadcast_in_dim3A_116, %select_n3A_98 : vector<256x1xf32>
      %lt3A_128 = arith.cmpf olt, %broadcast_in_dim3A_116, %select_n3A_101 : vector<256x1xf32>
      %lt3A_129 = arith.cmpf olt, %broadcast_in_dim3A_116, %select_n3A_105 : vector<256x1xf32>
      %select_n3A_130 = arith.select %lt3A_127, %broadcast_in_dim3A_116, %select_n3A_98 : vector<256x1xi1>, vector<256x1xf32>
      %select_n3A_131 = arith.select %lt3A_127, %broadcast_in_dim3A_126, %select_n3A_99 : vector<256x1xi1>, vector<256x1xi32>
      %select_n3A_132 = arith.select %lt3A_128, %broadcast_in_dim3A_116, %select_n3A_101 : vector<256x1xi1>, vector<256x1xf32>
      %select_n3A_133 = arith.select %lt3A_127, %select_n3A_98, %select_n3A_132 : vector<256x1xi1>, vector<256x1xf32>
      %select_n3A_134 = arith.select %lt3A_128, %broadcast_in_dim3A_126, %select_n3A_103 : vector<256x1xi1>, vector<256x1xi32>
      %select_n3A_135 = arith.select %lt3A_127, %select_n3A_99, %select_n3A_134 : vector<256x1xi1>, vector<256x1xi32>
      %select_n3A_136 = arith.select %lt3A_129, %broadcast_in_dim3A_116, %select_n3A_105 : vector<256x1xi1>, vector<256x1xf32>
      %select_n3A_137 = arith.select %lt3A_128, %select_n3A_101, %select_n3A_136 : vector<256x1xi1>, vector<256x1xf32>
      %select_n3A_138 = arith.select %lt3A_129, %broadcast_in_dim3A_126, %select_n3A_107 : vector<256x1xi1>, vector<256x1xi32>
      %select_n3A_139 = arith.select %lt3A_128, %select_n3A_103, %select_n3A_138 : vector<256x1xi1>, vector<256x1xi32>
      scf.yield %select_n3A_130, %select_n3A_133, %select_n3A_137, %select_n3A_131, %select_n3A_135, %select_n3A_139 : vector<256x1xf32>, vector<256x1xf32>, vector<256x1xf32>, vector<256x1xi32>, vector<256x1xi32>, vector<256x1xi32>
    }
    %scan3A_14 = arith.constant 20 : i32
    %concatenate3A = tpu.concatenate %scan3A_13#3, %scan3A_13#4, %scan3A_13#5, %scan3A_13#3, %scan3A_13#3, %scan3A_13#3, %scan3A_13#3, %scan3A_13#3 in 1 : vector<256x1xi32>, vector<256x1xi32>, vector<256x1xi32>, vector<256x1xi32>, vector<256x1xi32>, vector<256x1xi32>, vector<256x1xi32>, vector<256x1xi32> -> vector<256x8xi32>
    %swap3A = arith.constant 0 : index
    %swap3A_15 = arith.constant 0 : index
    %swap3A_16 = vector.load %arg5[%swap3A, %swap3A_15] : memref<256x8xi32, #tpu.memory_space<vmem>>, vector<256x8xi32>
    tpu.vector_store %arg5[%swap3A, %swap3A_15], %concatenate3A {strides = array<i32>} : memref<256x8xi32, #tpu.memory_space<vmem>>, vector<256x8xi32>,
    return
  }
  func.func @transform_0(%arg0: i32) -> (i32, i32) {
    %c0_i32 = arith.constant 0 : i32
    %c0_i32_0 = arith.constant 0 : i32
    return %arg0, %c0_i32 : i32, i32
  }
  func.func @transform_1(%arg0: i32) -> (i32, i32) {
    %c0_i32 = arith.constant 0 : i32
    %c0_i32_0 = arith.constant 0 : i32
    %c0_i32_1 = arith.constant 0 : i32
    return %c0_i32, %c0_i32_0 : i32, i32
  }
  func.func @transform_2(%arg0: i32) -> (i32, i32) {
    %c0_i32 = arith.constant 0 : i32
    %c0_i32_0 = arith.constant 0 : i32
    return %arg0, %c0_i32 : i32, i32
  }
  func.func @transform_3(%arg0: i32) -> (i32, i32) {
    %c0_i32 = arith.constant 0 : i32
    %c0_i32_0 = arith.constant 0 : i32
    %c0_i32_1 = arith.constant 0 : i32
    return %c0_i32, %c0_i32_0 : i32, i32
  }
  func.func @transform_4(%arg0: i32) -> (i32, i32) {
    %c0_i32 = arith.constant 0 : i32
    %c0_i32_0 = arith.constant 0 : i32
    return %arg0, %c0_i32 : i32, i32
  }
}

module attributes {stable_mosaic.version = 14 : i64} {
  func.func @_prop_body(%arg0: i32, %arg1: memref<1000x768xf32, #tpu.memory_space<vmem>>, %arg2: memref<1000x384xf32, #tpu.memory_space<vmem>>, %arg3: memref<1000x8xf32, #tpu.memory_space<vmem>>, %arg4: memref<1000x8xf32, #tpu.memory_space<vmem>>, %arg5: memref<1000x256xf32, #tpu.memory_space<vmem>>) attributes {dimension_semantics = [#tpu.dimension_semantics<arbitrary>], iteration_bounds = array<i64: 10>, scalar_prefetch = 0 : i64, scratch_operands = 0 : i64, tpu.core_type = #tpu.core_type<tc>, window_params = [{transform_indices = @transform_0, window_bounds = array<i64: 1000, 768>}, {transform_indices = @transform_1, window_bounds = array<i64: 1000, 384>}, {transform_indices = @transform_2, window_bounds = array<i64: 1000, 8>}, {transform_indices = @transform_3, window_bounds = array<i64: 1000, 8>}, {transform_indices = @transform_4, window_bounds = array<i64: 1000, 256>}]} {
    %get3A = arith.constant 0 : index
    %get3A_0 = arith.constant 0 : index
    %get3A_1 = vector.load %arg4[%get3A, %get3A_0] : memref<1000x8xf32, #tpu.memory_space<vmem>>, vector<1000x1xf32>
    %get3A_2 = arith.constant 0 : index
    %get3A_3 = arith.constant 0 : index
    %get3A_4 = vector.load %arg3[%get3A_2, %get3A_3] : memref<1000x8xf32, #tpu.memory_space<vmem>>, vector<1000x1xf32>
    %get3A_5 = arith.constant 0 : index
    %get3A_6 = arith.constant 0 : index
    %get3A_7 = vector.load %arg2[%get3A_5, %get3A_6] : memref<1000x384xf32, #tpu.memory_space<vmem>>, vector<1000x1xf32>
    %mul3A = arith.mulf %get3A_4, %get3A_7 : vector<1000x1xf32>
    %mul3A_8 = arith.mulf %mul3A, %get3A_1 : vector<1000x1xf32>
    %get3A_9 = arith.constant 0 : index
    %get3A_10 = arith.constant 0 : index
    %get3A_11 = vector.load %arg1[%get3A_9, %get3A_10] : memref<1000x768xf32, #tpu.memory_space<vmem>>, vector<1000x256xf32>
    %mul3A_12 = vector.broadcast %mul3A_8 : vector<1000x1xf32> to vector<1000x256xf32>
    %mul3A_13 = arith.mulf %mul3A_12, %get3A_11 : vector<1000x256xf32>
    %get3A_14 = arith.constant 0 : index
    %get3A_15 = arith.constant 1 : index
    %get3A_16 = vector.load %arg3[%get3A_14, %get3A_15] : memref<1000x8xf32, #tpu.memory_space<vmem>>, vector<1000x1xf32>
    %get3A_17 = arith.constant 0 : index
    %get3A_18 = arith.constant 128 : index
    %get3A_19 = vector.load %arg2[%get3A_17, %get3A_18] : memref<1000x384xf32, #tpu.memory_space<vmem>>, vector<1000x1xf32>
    %mul3A_20 = arith.mulf %get3A_16, %get3A_19 : vector<1000x1xf32>
    %mul3A_21 = arith.mulf %mul3A_20, %get3A_1 : vector<1000x1xf32>
    %get3A_22 = arith.constant 0 : index
    %get3A_23 = arith.constant 256 : index
    %get3A_24 = vector.load %arg1[%get3A_22, %get3A_23] : memref<1000x768xf32, #tpu.memory_space<vmem>>, vector<1000x256xf32>
    %mul3A_25 = vector.broadcast %mul3A_21 : vector<1000x1xf32> to vector<1000x256xf32>
    %mul3A_26 = arith.mulf %mul3A_25, %get3A_24 : vector<1000x256xf32>
    %add3A = arith.addf %mul3A_13, %mul3A_26 : vector<1000x256xf32>
    %get3A_27 = arith.constant 0 : index
    %get3A_28 = arith.constant 2 : index
    %get3A_29 = vector.load %arg3[%get3A_27, %get3A_28] : memref<1000x8xf32, #tpu.memory_space<vmem>>, vector<1000x1xf32>
    %get3A_30 = arith.constant 0 : index
    %get3A_31 = arith.constant 256 : index
    %get3A_32 = vector.load %arg2[%get3A_30, %get3A_31] : memref<1000x384xf32, #tpu.memory_space<vmem>>, vector<1000x1xf32>
    %mul3A_33 = arith.mulf %get3A_29, %get3A_32 : vector<1000x1xf32>
    %mul3A_34 = arith.mulf %mul3A_33, %get3A_1 : vector<1000x1xf32>
    %get3A_35 = arith.constant 0 : index
    %get3A_36 = arith.constant 512 : index
    %get3A_37 = vector.load %arg1[%get3A_35, %get3A_36] : memref<1000x768xf32, #tpu.memory_space<vmem>>, vector<1000x256xf32>
    %mul3A_38 = vector.broadcast %mul3A_34 : vector<1000x1xf32> to vector<1000x256xf32>
    %mul3A_39 = arith.mulf %mul3A_38, %get3A_37 : vector<1000x256xf32>
    %add3A_40 = arith.addf %add3A, %mul3A_39 : vector<1000x256xf32>
    %swap3A = arith.constant 0 : index
    %swap3A_41 = arith.constant 0 : index
    %swap3A_42 = vector.load %arg5[%swap3A, %swap3A_41] : memref<1000x256xf32, #tpu.memory_space<vmem>>, vector<1000x256xf32>
    tpu.vector_store %arg5[%swap3A, %swap3A_41], %add3A_40 {strides = array<i32>} : memref<1000x256xf32, #tpu.memory_space<vmem>>, vector<1000x256xf32>,
    return
  }
  func.func @transform_0(%arg0: i32) -> (i32, i32) {
    %c0_i32 = arith.constant 0 : i32
    %c0_i32_0 = arith.constant 0 : i32
    return %arg0, %c0_i32 : i32, i32
  }
  func.func @transform_1(%arg0: i32) -> (i32, i32) {
    %c0_i32 = arith.constant 0 : i32
    %c0_i32_0 = arith.constant 0 : i32
    return %arg0, %c0_i32 : i32, i32
  }
  func.func @transform_2(%arg0: i32) -> (i32, i32) {
    %c0_i32 = arith.constant 0 : i32
    %c0_i32_0 = arith.constant 0 : i32
    return %arg0, %c0_i32 : i32, i32
  }
  func.func @transform_3(%arg0: i32) -> (i32, i32) {
    %c0_i32 = arith.constant 0 : i32
    %c0_i32_0 = arith.constant 0 : i32
    return %arg0, %c0_i32 : i32, i32
  }
  func.func @transform_4(%arg0: i32) -> (i32, i32) {
    %c0_i32 = arith.constant 0 : i32
    %c0_i32_0 = arith.constant 0 : i32
    return %arg0, %c0_i32 : i32, i32
  }
}

module attributes {stable_mosaic.version = 14 : i64} {
  func.func @_cheb_body(%arg0: i32, %arg1: memref<1000x256xf32, #tpu.memory_space<vmem>>, %arg2: memref<1000x256xf32, #tpu.memory_space<vmem>>, %arg3: memref<1000x256xf32, #tpu.memory_space<vmem>>, %arg4: memref<768x256xf32, #tpu.memory_space<vmem>>, %arg5: memref<1x256xf32, #tpu.memory_space<vmem>>, %arg6: memref<1000x256xf32, #tpu.memory_space<vmem>>) attributes {dimension_semantics = [#tpu.dimension_semantics<arbitrary>], iteration_bounds = array<i64: 10>, scalar_prefetch = 0 : i64, scratch_operands = 0 : i64, tpu.core_type = #tpu.core_type<tc>, window_params = [{transform_indices = @transform_0, window_bounds = array<i64: 1000, 256>}, {transform_indices = @transform_1, window_bounds = array<i64: 1000, 256>}, {transform_indices = @transform_2, window_bounds = array<i64: 1000, 256>}, {pipeline_mode = #tpu.pipeline_mode<synchronous>, transform_indices = @transform_3, window_bounds = array<i64: 768, 256>}, {pipeline_mode = #tpu.pipeline_mode<synchronous>, transform_indices = @transform_4, window_bounds = array<i64: 1, 256>}, {transform_indices = @transform_5, window_bounds = array<i64: 1000, 256>}]} {
    %get3A = arith.constant 0 : index
    %get3A_0 = arith.constant 0 : index
    %get3A_1 = vector.load %arg1[%get3A, %get3A_0] : memref<1000x256xf32, #tpu.memory_space<vmem>>, vector<1000x256xf32>
    %get3A_2 = arith.constant 0 : index
    %get3A_3 = arith.constant 0 : index
    %get3A_4 = vector.load %arg3[%get3A_2, %get3A_3] : memref<1000x256xf32, #tpu.memory_space<vmem>>, vector<1000x256xf32>
    %mul3A = arith.constant 2.000000e+00 : f32
    %mul3A_5 = vector.broadcast %mul3A : f32 to vector<1000x256xf32>
    %mul3A_6 = arith.mulf %mul3A_5, %get3A_4 : vector<1000x256xf32>
    %sub3A = arith.subf %mul3A_6, %get3A_1 : vector<1000x256xf32>
    %get3A_7 = arith.constant 0 : index
    %get3A_8 = arith.constant 0 : index
    %get3A_9 = vector.load %arg4[%get3A_7, %get3A_8] : memref<768x256xf32, #tpu.memory_space<vmem>>, vector<256x256xf32>
    %dot_general3A = arith.constant dense<0.000000e+00> : vector<1000x256xf32>
    %dot_general3A_10 = tpu.matmul %get3A_1, %get3A_9, %dot_general3A {dimension_numbers = #tpu.dot_dimension_numbers<[1], [0], [0], [1], [0, 0, 1, 1], [], []>, transpose_lhs_hint = false} : vector<1000x256xf32>, vector<256x256xf32>, vector<1000x256xf32> -> vector<1000x256xf32>
    %get3A_11 = arith.constant 0 : index
    %get3A_12 = arith.constant 0 : index
    %get3A_13 = vector.load %arg2[%get3A_11, %get3A_12] : memref<1000x256xf32, #tpu.memory_space<vmem>>, vector<1000x256xf32>
    %neg3A = arith.constant 0.000000e+00 : f32
    %neg3A_14 = vector.broadcast %neg3A : f32 to vector<1000x256xf32>
    %neg3A_15 = arith.subf %neg3A_14, %get3A_13 : vector<1000x256xf32>
    %get3A_16 = arith.constant 256 : index
    %get3A_17 = arith.constant 0 : index
    %get3A_18 = vector.load %arg4[%get3A_16, %get3A_17] : memref<768x256xf32, #tpu.memory_space<vmem>>, vector<256x256xf32>
    %dot_general3A_19 = arith.constant dense<0.000000e+00> : vector<1000x256xf32>
    %dot_general3A_20 = tpu.matmul %neg3A_15, %get3A_18, %dot_general3A_19 {dimension_numbers = #tpu.dot_dimension_numbers<[1], [0], [0], [1], [0, 0, 1, 1], [], []>, transpose_lhs_hint = false} : vector<1000x256xf32>, vector<256x256xf32>, vector<1000x256xf32> -> vector<1000x256xf32>
    %add3A = arith.addf %dot_general3A_10, %dot_general3A_20 : vector<1000x256xf32>
    %get3A_21 = arith.constant 512 : index
    %get3A_22 = arith.constant 0 : index
    %get3A_23 = vector.load %arg4[%get3A_21, %get3A_22] : memref<768x256xf32, #tpu.memory_space<vmem>>, vector<256x256xf32>
    %dot_general3A_24 = arith.constant dense<0.000000e+00> : vector<1000x256xf32>
    %dot_general3A_25 = tpu.matmul %sub3A, %get3A_23, %dot_general3A_24 {dimension_numbers = #tpu.dot_dimension_numbers<[1], [0], [0], [1], [0, 0, 1, 1], [], []>, transpose_lhs_hint = false} : vector<1000x256xf32>, vector<256x256xf32>, vector<1000x256xf32> -> vector<1000x256xf32>
    %add3A_26 = arith.addf %add3A, %dot_general3A_25 : vector<1000x256xf32>
    %get3A_27 = arith.constant 0 : index
    %get3A_28 = arith.constant 0 : index
    %get3A_29 = vector.load %arg5[%get3A_27, %get3A_28] : memref<1x256xf32, #tpu.memory_space<vmem>>, vector<1x256xf32>
    %add3A_30 = vector.broadcast %get3A_29 : vector<1x256xf32> to vector<1000x256xf32>
    %add3A_31 = arith.addf %add3A_26, %add3A_30 : vector<1000x256xf32>
    %swap3A = arith.constant 0 : index
    %swap3A_32 = arith.constant 0 : index
    %swap3A_33 = vector.load %arg6[%swap3A, %swap3A_32] : memref<1000x256xf32, #tpu.memory_space<vmem>>, vector<1000x256xf32>
    tpu.vector_store %arg6[%swap3A, %swap3A_32], %add3A_31 {strides = array<i32>} : memref<1000x256xf32, #tpu.memory_space<vmem>>, vector<1000x256xf32>,
    return
  }
  func.func @transform_0(%arg0: i32) -> (i32, i32) {
    %c0_i32 = arith.constant 0 : i32
    %c0_i32_0 = arith.constant 0 : i32
    return %arg0, %c0_i32 : i32, i32
  }
  func.func @transform_1(%arg0: i32) -> (i32, i32) {
    %c0_i32 = arith.constant 0 : i32
    %c0_i32_0 = arith.constant 0 : i32
    return %arg0, %c0_i32 : i32, i32
  }
  func.func @transform_2(%arg0: i32) -> (i32, i32) {
    %c0_i32 = arith.constant 0 : i32
    %c0_i32_0 = arith.constant 0 : i32
    return %arg0, %c0_i32 : i32, i32
  }
  func.func @transform_3(%arg0: i32) -> (i32, i32) {
    %c0_i32 = arith.constant 0 : i32
    %c0_i32_0 = arith.constant 0 : i32
    %c0_i32_1 = arith.constant 0 : i32
    return %c0_i32, %c0_i32_0 : i32, i32
  }
  func.func @transform_4(%arg0: i32) -> (i32, i32) {
    %c0_i32 = arith.constant 0 : i32
    %c0_i32_0 = arith.constant 0 : i32
    %c0_i32_1 = arith.constant 0 : i32
    return %c0_i32, %c0_i32_0 : i32, i32
  }
  func.func @transform_5(%arg0: i32) -> (i32, i32) {
    %c0_i32 = arith.constant 0 : i32
    %c0_i32_0 = arith.constant 0 : i32
    return %arg0, %c0_i32 : i32, i32
  }
}

module attributes {stable_mosaic.version = 14 : i64} {
  func.func @_fc1_body(%arg0: i32, %arg1: memref<1000x256xf32, #tpu.memory_space<vmem>>, %arg2: memref<256x128xf32, #tpu.memory_space<vmem>>, %arg3: memref<1x128xf32, #tpu.memory_space<vmem>>, %arg4: memref<128x64xf32, #tpu.memory_space<vmem>>, %arg5: memref<1x64xf32, #tpu.memory_space<vmem>>, %arg6: memref<64x64xf32, #tpu.memory_space<vmem>>, %arg7: memref<1x64xf32, #tpu.memory_space<vmem>>, %arg8: memref<1000x64xf32, #tpu.memory_space<vmem>>) attributes {dimension_semantics = [#tpu.dimension_semantics<arbitrary>], iteration_bounds = array<i64: 10>, scalar_prefetch = 0 : i64, scratch_operands = 0 : i64, tpu.core_type = #tpu.core_type<tc>, window_params = [{transform_indices = @transform_0, window_bounds = array<i64: 1000, 256>}, {pipeline_mode = #tpu.pipeline_mode<synchronous>, transform_indices = @transform_1, window_bounds = array<i64: 256, 128>}, {pipeline_mode = #tpu.pipeline_mode<synchronous>, transform_indices = @transform_2, window_bounds = array<i64: 1, 128>}, {pipeline_mode = #tpu.pipeline_mode<synchronous>, transform_indices = @transform_3, window_bounds = array<i64: 128, 64>}, {pipeline_mode = #tpu.pipeline_mode<synchronous>, transform_indices = @transform_4, window_bounds = array<i64: 1, 64>}, {pipeline_mode = #tpu.pipeline_mode<synchronous>, transform_indices = @transform_5, window_bounds = array<i64: 64, 64>}, {pipeline_mode = #tpu.pipeline_mode<synchronous>, transform_indices = @transform_6, window_bounds = array<i64: 1, 64>}, {transform_indices = @transform_7, window_bounds = array<i64: 1000, 64>}]} {
    %get3A = arith.constant 0 : index
    %get3A_0 = arith.constant 0 : index
    %get3A_1 = vector.load %arg1[%get3A, %get3A_0] : memref<1000x256xf32, #tpu.memory_space<vmem>>, vector<1000x256xf32>
    %get3A_2 = arith.constant 0 : index
    %get3A_3 = arith.constant 0 : index
    %get3A_4 = vector.load %arg2[%get3A_2, %get3A_3] : memref<256x128xf32, #tpu.memory_space<vmem>>, vector<256x128xf32>
    %dot_general3A = arith.constant dense<0.000000e+00> : vector<1000x128xf32>
    %dot_general3A_5 = tpu.matmul %get3A_1, %get3A_4, %dot_general3A {dimension_numbers = #tpu.dot_dimension_numbers<[1], [0], [0], [1], [0, 0, 1, 1], [], []>, transpose_lhs_hint = false} : vector<1000x256xf32>, vector<256x128xf32>, vector<1000x128xf32> -> vector<1000x128xf32>
    %get3A_6 = arith.constant 0 : index
    %get3A_7 = arith.constant 0 : index
    %get3A_8 = vector.load %arg3[%get3A_6, %get3A_7] : memref<1x128xf32, #tpu.memory_space<vmem>>, vector<1x128xf32>
    %add3A = vector.broadcast %get3A_8 : vector<1x128xf32> to vector<1000x128xf32>
    %add3A_9 = arith.addf %dot_general3A_5, %add3A : vector<1000x128xf32>
    %gt3A = arith.constant 0.000000e+00 : f32
    %gt3A_10 = vector.broadcast %gt3A : f32 to vector<1000x128xf32>
    %gt3A_11 = arith.cmpf ogt, %add3A_9, %gt3A_10 : vector<1000x128xf32>
    %exp3A = math.exp %add3A_9 : vector<1000x128xf32>
    %sub3A = arith.constant 1.000000e+00 : f32
    %sub3A_12 = vector.broadcast %sub3A : f32 to vector<1000x128xf32>
    %sub3A_13 = arith.subf %exp3A, %sub3A_12 : vector<1000x128xf32>
    %mul3A = arith.constant 1.67326319 : f32
    %mul3A_14 = vector.broadcast %mul3A : f32 to vector<1000x128xf32>
    %mul3A_15 = arith.mulf %mul3A_14, %sub3A_13 : vector<1000x128xf32>
    %select_n3A = arith.select %gt3A_11, %add3A_9, %mul3A_15 : vector<1000x128xi1>, vector<1000x128xf32>
    %mul3A_16 = arith.constant 1.05070102 : f32
    %mul3A_17 = vector.broadcast %mul3A_16 : f32 to vector<1000x128xf32>
    %mul3A_18 = arith.mulf %mul3A_17, %select_n3A : vector<1000x128xf32>
    %get3A_19 = arith.constant 0 : index
    %get3A_20 = arith.constant 0 : index
    %get3A_21 = vector.load %arg4[%get3A_19, %get3A_20] : memref<128x64xf32, #tpu.memory_space<vmem>>, vector<128x64xf32>
    %dot_general3A_22 = arith.constant dense<0.000000e+00> : vector<1000x64xf32>
    %dot_general3A_23 = tpu.matmul %mul3A_18, %get3A_21, %dot_general3A_22 {dimension_numbers = #tpu.dot_dimension_numbers<[1], [0], [0], [1], [0, 0, 1, 1], [], []>, transpose_lhs_hint = false} : vector<1000x128xf32>, vector<128x64xf32>, vector<1000x64xf32> -> vector<1000x64xf32>
    %get3A_24 = arith.constant 0 : index
    %get3A_25 = arith.constant 0 : index
    %get3A_26 = vector.load %arg5[%get3A_24, %get3A_25] : memref<1x64xf32, #tpu.memory_space<vmem>>, vector<1x64xf32>
    %add3A_27 = vector.broadcast %get3A_26 : vector<1x64xf32> to vector<1000x64xf32>
    %add3A_28 = arith.addf %dot_general3A_23, %add3A_27 : vector<1000x64xf32>
    %gt3A_29 = arith.constant 0.000000e+00 : f32
    %gt3A_30 = vector.broadcast %gt3A_29 : f32 to vector<1000x64xf32>
    %gt3A_31 = arith.cmpf ogt, %add3A_28, %gt3A_30 : vector<1000x64xf32>
    %exp3A_32 = math.exp %add3A_28 : vector<1000x64xf32>
    %sub3A_33 = arith.constant 1.000000e+00 : f32
    %sub3A_34 = vector.broadcast %sub3A_33 : f32 to vector<1000x64xf32>
    %sub3A_35 = arith.subf %exp3A_32, %sub3A_34 : vector<1000x64xf32>
    %mul3A_36 = arith.constant 1.67326319 : f32
    %mul3A_37 = vector.broadcast %mul3A_36 : f32 to vector<1000x64xf32>
    %mul3A_38 = arith.mulf %mul3A_37, %sub3A_35 : vector<1000x64xf32>
    %select_n3A_39 = arith.select %gt3A_31, %add3A_28, %mul3A_38 : vector<1000x64xi1>, vector<1000x64xf32>
    %mul3A_40 = arith.constant 1.05070102 : f32
    %mul3A_41 = vector.broadcast %mul3A_40 : f32 to vector<1000x64xf32>
    %mul3A_42 = arith.mulf %mul3A_41, %select_n3A_39 : vector<1000x64xf32>
    %get3A_43 = arith.constant 0 : index
    %get3A_44 = arith.constant 0 : index
    %get3A_45 = vector.load %arg6[%get3A_43, %get3A_44] : memref<64x64xf32, #tpu.memory_space<vmem>>, vector<64x64xf32>
    %dot_general3A_46 = arith.constant dense<0.000000e+00> : vector<1000x64xf32>
    %dot_general3A_47 = tpu.matmul %mul3A_42, %get3A_45, %dot_general3A_46 {dimension_numbers = #tpu.dot_dimension_numbers<[1], [0], [0], [1], [0, 0, 1, 1], [], []>, transpose_lhs_hint = false} : vector<1000x64xf32>, vector<64x64xf32>, vector<1000x64xf32> -> vector<1000x64xf32>
    %get3A_48 = arith.constant 0 : index
    %get3A_49 = arith.constant 0 : index
    %get3A_50 = vector.load %arg7[%get3A_48, %get3A_49] : memref<1x64xf32, #tpu.memory_space<vmem>>, vector<1x64xf32>
    %add3A_51 = vector.broadcast %get3A_50 : vector<1x64xf32> to vector<1000x64xf32>
    %add3A_52 = arith.addf %dot_general3A_47, %add3A_51 : vector<1000x64xf32>
    %swap3A = arith.constant 0 : index
    %swap3A_53 = arith.constant 0 : index
    %swap3A_54 = vector.load %arg8[%swap3A, %swap3A_53] : memref<1000x64xf32, #tpu.memory_space<vmem>>, vector<1000x64xf32>
    tpu.vector_store %arg8[%swap3A, %swap3A_53], %add3A_52 {strides = array<i32>} : memref<1000x64xf32, #tpu.memory_space<vmem>>, vector<1000x64xf32>,
    return
  }
  func.func @transform_0(%arg0: i32) -> (i32, i32) {
    %c0_i32 = arith.constant 0 : i32
    %c0_i32_0 = arith.constant 0 : i32
    return %arg0, %c0_i32 : i32, i32
  }
  func.func @transform_1(%arg0: i32) -> (i32, i32) {
    %c0_i32 = arith.constant 0 : i32
    %c0_i32_0 = arith.constant 0 : i32
    %c0_i32_1 = arith.constant 0 : i32
    return %c0_i32, %c0_i32_0 : i32, i32
  }
  func.func @transform_2(%arg0: i32) -> (i32, i32) {
    %c0_i32 = arith.constant 0 : i32
    %c0_i32_0 = arith.constant 0 : i32
    %c0_i32_1 = arith.constant 0 : i32
    return %c0_i32, %c0_i32_0 : i32, i32
  }
  func.func @transform_3(%arg0: i32) -> (i32, i32) {
    %c0_i32 = arith.constant 0 : i32
    %c0_i32_0 = arith.constant 0 : i32
    %c0_i32_1 = arith.constant 0 : i32
    return %c0_i32, %c0_i32_0 : i32, i32
  }
  func.func @transform_4(%arg0: i32) -> (i32, i32) {
    %c0_i32 = arith.constant 0 : i32
    %c0_i32_0 = arith.constant 0 : i32
    %c0_i32_1 = arith.constant 0 : i32
    return %c0_i32, %c0_i32_0 : i32, i32
  }
  func.func @transform_5(%arg0: i32) -> (i32, i32) {
    %c0_i32 = arith.constant 0 : i32
    %c0_i32_0 = arith.constant 0 : i32
    %c0_i32_1 = arith.constant 0 : i32
    return %c0_i32, %c0_i32_0 : i32, i32
  }
  func.func @transform_6(%arg0: i32) -> (i32, i32) {
    %c0_i32 = arith.constant 0 : i32
    %c0_i32_0 = arith.constant 0 : i32
    %c0_i32_1 = arith.constant 0 : i32
    return %c0_i32, %c0_i32_0 : i32, i32
  }
  func.func @transform_7(%arg0: i32) -> (i32, i32) {
    %c0_i32 = arith.constant 0 : i32
    %c0_i32_0 = arith.constant 0 : i32
    return %arg0, %c0_i32 : i32, i32
  }
}

module attributes {stable_mosaic.version = 14 : i64} {
  func.func @_pool_body(%arg0: i32, %arg1: memref<1000x64xf32, #tpu.memory_space<vmem>>, %arg2: memref<1000x128xf32, #tpu.memory_space<vmem>>, %arg3: memref<64x128xf32, #tpu.memory_space<vmem>>, %arg4: memref<64x8xf32, #tpu.memory_space<vmem>>, %arg5: memref<64x128xf32, #tpu.memory_space<vmem>>, %arg6: memref<64x8xf32, #tpu.memory_space<vmem>>) attributes {dimension_semantics = [#tpu.dimension_semantics<arbitrary>], iteration_bounds = array<i64: 10>, scalar_prefetch = 0 : i64, scratch_operands = 2 : i64, tpu.core_type = #tpu.core_type<tc>, window_params = [{transform_indices = @transform_0, window_bounds = array<i64: 1000, 64>}, {transform_indices = @transform_1, window_bounds = array<i64: 1000, 128>}, {pipeline_mode = #tpu.pipeline_mode<synchronous>, transform_indices = @transform_2, window_bounds = array<i64: 64, 128>}, {pipeline_mode = #tpu.pipeline_mode<synchronous>, transform_indices = @transform_3, window_bounds = array<i64: 64, 8>}]} {
    %eq3A = arith.constant 0 : i32
    %eq3A_0 = arith.cmpi eq, %arg0, %eq3A : i32
    %convert_element_type3A = arith.extui %eq3A_0 : i1 to i32
    %cond3A = arith.constant 0 : i32
    %cond3A_1 = arith.cmpi ne, %convert_element_type3A, %cond3A : i32
    scf.if %cond3A_1 {
      %broadcast_in_dim3A_34 = arith.constant 0.000000e+00 : f32
      %broadcast_in_dim3A_35 = vector.broadcast %broadcast_in_dim3A_34 : f32 to vector<64x128xf32>
      %swap3A_36 = arith.constant 0 : index
      %swap3A_37 = arith.constant 0 : index
      %swap3A_38 = vector.load %arg5[%swap3A_36, %swap3A_37] : memref<64x128xf32, #tpu.memory_space<vmem>>, vector<64x128xf32>
      tpu.vector_store %arg5[%swap3A_36, %swap3A_37], %broadcast_in_dim3A_35 {strides = array<i32>} : memref<64x128xf32, #tpu.memory_space<vmem>>, vector<64x128xf32>,
      %broadcast_in_dim3A_39 = arith.constant 0.000000e+00 : f32
      %broadcast_in_dim3A_40 = vector.broadcast %broadcast_in_dim3A_39 : f32 to vector<64x8xf32>
      %swap3A_41 = arith.constant 0 : index
      %swap3A_42 = arith.constant 0 : index
      %swap3A_43 = vector.load %arg6[%swap3A_41, %swap3A_42] : memref<64x8xf32, #tpu.memory_space<vmem>>, vector<64x8xf32>
      tpu.vector_store %arg6[%swap3A_41, %swap3A_42], %broadcast_in_dim3A_40 {strides = array<i32>} : memref<64x8xf32, #tpu.memory_space<vmem>>, vector<64x8xf32>,
    } else {
    }
    %get3A = arith.constant 0 : index
    %get3A_2 = arith.constant 0 : index
    %get3A_3 = vector.load %arg1[%get3A, %get3A_2] : memref<1000x64xf32, #tpu.memory_space<vmem>>, vector<1000x64xf32>
    %reduce_max3A = arith.constant dense<0xFF800000> : vector<1000xf32>
    %reduce_max3A_4 = vector.multi_reduction <maximumf>, %get3A_3, %reduce_max3A [1] : vector<1000x64xf32> to vector<1000xf32>
    %broadcast_in_dim3A = vector.shape_cast %reduce_max3A_4 : vector<1000xf32> to vector<1000x1xf32>
    %sub3A = vector.broadcast %broadcast_in_dim3A : vector<1000x1xf32> to vector<1000x64xf32>
    %sub3A_5 = arith.subf %get3A_3, %sub3A : vector<1000x64xf32>
    %exp3A = math.exp %sub3A_5 : vector<1000x64xf32>
    %reduce_sum3A = arith.constant dense<0.000000e+00> : vector<1000xf32>
    %reduce_sum3A_6 = vector.multi_reduction <add>, %exp3A, %reduce_sum3A [1] : vector<1000x64xf32> to vector<1000xf32>
    %broadcast_in_dim3A_7 = vector.shape_cast %reduce_sum3A_6 : vector<1000xf32> to vector<1000x1xf32>
    %div3A = vector.broadcast %broadcast_in_dim3A_7 : vector<1000x1xf32> to vector<1000x64xf32>
    %div3A_8 = arith.divf %exp3A, %div3A : vector<1000x64xf32>
    %get3A_9 = arith.constant 0 : index
    %get3A_10 = arith.constant 0 : index
    %get3A_11 = vector.load %arg5[%get3A_9, %get3A_10] : memref<64x128xf32, #tpu.memory_space<vmem>>, vector<64x128xf32>
    %get3A_12 = arith.constant 0 : index
    %get3A_13 = arith.constant 0 : index
    %get3A_14 = vector.load %arg2[%get3A_12, %get3A_13] : memref<1000x128xf32, #tpu.memory_space<vmem>>, vector<1000x128xf32>
    %dot_general3A = arith.constant dense<0.000000e+00> : vector<64x128xf32>
    %dot_general3A_15 = tpu.matmul %div3A_8, %get3A_14, %dot_general3A {dimension_numbers = #tpu.dot_dimension_numbers<[0], [0], [1], [1], [0, 1, 1, 1], [], []>, transpose_lhs_hint = false} : vector<1000x64xf32>, vector<1000x128xf32>, vector<64x128xf32> -> vector<64x128xf32>
    %add3A = arith.addf %get3A_11, %dot_general3A_15 : vector<64x128xf32>
    %swap3A = arith.constant 0 : index
    %swap3A_16 = arith.constant 0 : index
    %swap3A_17 = vector.load %arg5[%swap3A, %swap3A_16] : memref<64x128xf32, #tpu.memory_space<vmem>>, vector<64x128xf32>
    tpu.vector_store %arg5[%swap3A, %swap3A_16], %add3A {strides = array<i32>} : memref<64x128xf32, #tpu.memory_space<vmem>>, vector<64x128xf32>,
    %get3A_18 = arith.constant 0 : index
    %get3A_19 = arith.constant 0 : index
    %get3A_20 = vector.load %arg6[%get3A_18, %get3A_19] : memref<64x8xf32, #tpu.memory_space<vmem>>, vector<64x8xf32>
    %broadcast_in_dim3A_21 = arith.constant 1.000000e+00 : f32
    %broadcast_in_dim3A_22 = vector.broadcast %broadcast_in_dim3A_21 : f32 to vector<1000x8xf32>
    %dot_general3A_23 = arith.constant dense<0.000000e+00> : vector<64x8xf32>
    %dot_general3A_24 = tpu.matmul %div3A_8, %broadcast_in_dim3A_22, %dot_general3A_23 {dimension_numbers = #tpu.dot_dimension_numbers<[0], [0], [1], [1], [0, 1, 1, 1], [], []>, precision = #tpu.contract_precision<fp32>, transpose_lhs_hint = false} : vector<1000x64xf32>, vector<1000x8xf32>, vector<64x8xf32> -> vector<64x8xf32>
    %add3A_25 = arith.addf %get3A_20, %dot_general3A_24 : vector<64x8xf32>
    %swap3A_26 = arith.constant 0 : index
    %swap3A_27 = arith.constant 0 : index
    %swap3A_28 = vector.load %arg6[%swap3A_26, %swap3A_27] : memref<64x8xf32, #tpu.memory_space<vmem>>, vector<64x8xf32>
    tpu.vector_store %arg6[%swap3A_26, %swap3A_27], %add3A_25 {strides = array<i32>} : memref<64x8xf32, #tpu.memory_space<vmem>>, vector<64x8xf32>,
    %eq3A_29 = arith.constant 9 : i32
    %eq3A_30 = arith.cmpi eq, %arg0, %eq3A_29 : i32
    %convert_element_type3A_31 = arith.extui %eq3A_30 : i1 to i32
    %cond3A_32 = arith.constant 0 : i32
    %cond3A_33 = arith.cmpi ne, %convert_element_type3A_31, %cond3A_32 : i32
    scf.if %cond3A_33 {
      %get3A_34 = arith.constant 0 : index
      %get3A_35 = arith.constant 0 : index
      %get3A_36 = vector.load %arg5[%get3A_34, %get3A_35] : memref<64x128xf32, #tpu.memory_space<vmem>>, vector<64x128xf32>
      %swap3A_37 = arith.constant 0 : index
      %swap3A_38 = arith.constant 0 : index
      %swap3A_39 = vector.load %arg3[%swap3A_37, %swap3A_38] : memref<64x128xf32, #tpu.memory_space<vmem>>, vector<64x128xf32>
      tpu.vector_store %arg3[%swap3A_37, %swap3A_38], %get3A_36 {strides = array<i32>} : memref<64x128xf32, #tpu.memory_space<vmem>>, vector<64x128xf32>,
      %get3A_40 = arith.constant 0 : index
      %get3A_41 = arith.constant 0 : index
      %get3A_42 = vector.load %arg6[%get3A_40, %get3A_41] : memref<64x8xf32, #tpu.memory_space<vmem>>, vector<64x8xf32>
      %swap3A_43 = arith.constant 0 : index
      %swap3A_44 = arith.constant 0 : index
      %swap3A_45 = vector.load %arg4[%swap3A_43, %swap3A_44] : memref<64x8xf32, #tpu.memory_space<vmem>>, vector<64x8xf32>
      tpu.vector_store %arg4[%swap3A_43, %swap3A_44], %get3A_42 {strides = array<i32>} : memref<64x8xf32, #tpu.memory_space<vmem>>, vector<64x8xf32>,
    } else {
    }
    return
  }
  func.func @transform_0(%arg0: i32) -> (i32, i32) {
    %c0_i32 = arith.constant 0 : i32
    %c0_i32_0 = arith.constant 0 : i32
    return %arg0, %c0_i32 : i32, i32
  }
  func.func @transform_1(%arg0: i32) -> (i32, i32) {
    %c0_i32 = arith.constant 0 : i32
    %c0_i32_0 = arith.constant 0 : i32
    return %arg0, %c0_i32 : i32, i32
  }
  func.func @transform_2(%arg0: i32) -> (i32, i32) {
    %c0_i32 = arith.constant 0 : i32
    %c0_i32_0 = arith.constant 0 : i32
    %c0_i32_1 = arith.constant 0 : i32
    return %c0_i32, %c0_i32_0 : i32, i32
  }
  func.func @transform_3(%arg0: i32) -> (i32, i32) {
    %c0_i32 = arith.constant 0 : i32
    %c0_i32_0 = arith.constant 0 : i32
    %c0_i32_1 = arith.constant 0 : i32
    return %c0_i32, %c0_i32_0 : i32, i32
  }
}

module attributes {stable_mosaic.version = 14 : i64} {
  func.func @_tail_body(%arg0: i32, %arg1: memref<64x128xf32, #tpu.memory_space<vmem>>, %arg2: memref<64x8xf32, #tpu.memory_space<vmem>>, %arg3: memref<256x256xf32, #tpu.memory_space<vmem>>, %arg4: memref<1x256xf32, #tpu.memory_space<vmem>>, %arg5: memref<512x256xf32, #tpu.memory_space<vmem>>, %arg6: memref<1x256xf32, #tpu.memory_space<vmem>>, %arg7: memref<256x128xf32, #tpu.memory_space<vmem>>, %arg8: memref<1x128xf32, #tpu.memory_space<vmem>>, %arg9: memref<128x64xf32, #tpu.memory_space<vmem>>, %arg10: memref<1x64xf32, #tpu.memory_space<vmem>>, %arg11: memref<64x64xf32, #tpu.memory_space<vmem>>, %arg12: memref<1x64xf32, #tpu.memory_space<vmem>>, %arg13: memref<64x64xf32, #tpu.memory_space<vmem>>) attributes {dimension_semantics = [#tpu.dimension_semantics<arbitrary>], iteration_bounds = array<i64: 1>, scalar_prefetch = 0 : i64, scratch_operands = 0 : i64, tpu.core_type = #tpu.core_type<tc>, window_params = [{pipeline_mode = #tpu.pipeline_mode<synchronous>, transform_indices = @transform_0, window_bounds = array<i64: 64, 128>}, {pipeline_mode = #tpu.pipeline_mode<synchronous>, transform_indices = @transform_1, window_bounds = array<i64: 64, 8>}, {pipeline_mode = #tpu.pipeline_mode<synchronous>, transform_indices = @transform_2, window_bounds = array<i64: 256, 256>}, {pipeline_mode = #tpu.pipeline_mode<synchronous>, transform_indices = @transform_3, window_bounds = array<i64: 1, 256>}, {pipeline_mode = #tpu.pipeline_mode<synchronous>, transform_indices = @transform_4, window_bounds = array<i64: 512, 256>}, {pipeline_mode = #tpu.pipeline_mode<synchronous>, transform_indices = @transform_5, window_bounds = array<i64: 1, 256>}, {pipeline_mode = #tpu.pipeline_mode<synchronous>, transform_indices = @transform_6, window_bounds = array<i64: 256, 128>}, {pipeline_mode = #tpu.pipeline_mode<synchronous>, transform_indices = @transform_7, window_bounds = array<i64: 1, 128>}, {pipeline_mode = #tpu.pipeline_mode<synchronous>, transform_indices = @transform_8, window_bounds = array<i64: 128, 64>}, {pipeline_mode = #tpu.pipeline_mode<synchronous>, transform_indices = @transform_9, window_bounds = array<i64: 1, 64>}, {pipeline_mode = #tpu.pipeline_mode<synchronous>, transform_indices = @transform_10, window_bounds = array<i64: 64, 64>}, {pipeline_mode = #tpu.pipeline_mode<synchronous>, transform_indices = @transform_11, window_bounds = array<i64: 1, 64>}, {pipeline_mode = #tpu.pipeline_mode<synchronous>, transform_indices = @transform_12, window_bounds = array<i64: 64, 64>}]} {
    %get3A = arith.constant 0 : index
    %get3A_0 = arith.constant 0 : index
    %get3A_1 = vector.load %arg1[%get3A, %get3A_0] : memref<64x128xf32, #tpu.memory_space<vmem>>, vector<64x128xf32>
    %get3A_2 = arith.constant 0 : index
    %get3A_3 = arith.constant 0 : index
    %get3A_4 = vector.load %arg2[%get3A_2, %get3A_3] : memref<64x8xf32, #tpu.memory_space<vmem>>, vector<64x1xf32>
    %add3A = arith.constant 9.99999996E-13 : f32
    %add3A_5 = vector.broadcast %add3A : f32 to vector<64x1xf32>
    %add3A_6 = arith.addf %get3A_4, %add3A_5 : vector<64x1xf32>
    %div3A = vector.broadcast %add3A_6 : vector<64x1xf32> to vector<64x128xf32>
    %div3A_7 = arith.divf %get3A_1, %div3A : vector<64x128xf32>
    %mul3A = arith.mulf %div3A_7, %div3A_7 : vector<64x128xf32>
    %reduce_sum3A = arith.constant dense<0.000000e+00> : vector<64xf32>
    %reduce_sum3A_8 = vector.multi_reduction <add>, %mul3A, %reduce_sum3A [1] : vector<64x128xf32> to vector<64xf32>
    %broadcast_in_dim3A = vector.shape_cast %reduce_sum3A_8 : vector<64xf32> to vector<64x1xf32>
    %dot_general3A = arith.constant dense<0.000000e+00> : vector<64x64xf32>
    %dot_general3A_9 = tpu.matmul %div3A_7, %div3A_7, %dot_general3A {dimension_numbers = #tpu.dot_dimension_numbers<[1], [1], [0], [0], [0, 0, 1, 0], [], []>, transpose_lhs_hint = false} : vector<64x128xf32>, vector<64x128xf32>, vector<64x64xf32> -> vector<64x64xf32>
    %mul3A_10 = arith.constant 2.000000e+00 : f32
    %mul3A_11 = vector.broadcast %mul3A_10 : f32 to vector<64x64xf32>
    %mul3A_12 = arith.mulf %mul3A_11, %dot_general3A_9 : vector<64x64xf32>
    %sub3A = vector.broadcast %broadcast_in_dim3A : vector<64x1xf32> to vector<64x64xf32>
    %sub3A_13 = arith.subf %sub3A, %mul3A_12 : vector<64x64xf32>
    %mul3A_14 = arith.mulf %div3A_7, %div3A_7 : vector<64x128xf32>
    %broadcast_in_dim3A_15 = arith.constant 1.000000e+00 : f32
    %broadcast_in_dim3A_16 = vector.broadcast %broadcast_in_dim3A_15 : f32 to vector<1x128xf32>
    %dot_general3A_17 = arith.constant dense<0.000000e+00> : vector<1x64xf32>
    %dot_general3A_18 = tpu.matmul %broadcast_in_dim3A_16, %mul3A_14, %dot_general3A_17 {dimension_numbers = #tpu.dot_dimension_numbers<[1], [1], [0], [0], [0, 0, 1, 0], [], []>, precision = #tpu.contract_precision<fp32>, transpose_lhs_hint = false} : vector<1x128xf32>, vector<64x128xf32>, vector<1x64xf32> -> vector<1x64xf32>
    %add3A_19 = vector.broadcast %dot_general3A_18 : vector<1x64xf32> to vector<64x64xf32>
    %add3A_20 = arith.addf %sub3A_13, %add3A_19 : vector<64x64xf32>
    %iota3A = tpu.iota {dimensions = array<i32: 0>} : vector<64x1xi32>
    %iota3A_21 = tpu.iota {dimensions = array<i32: 1>} : vector<1x64xi32>
    %eq3A = vector.broadcast %iota3A : vector<64x1xi32> to vector<64x64xi32>
    %eq3A_22 = vector.broadcast %iota3A_21 : vector<1x64xi32> to vector<64x64xi32>
    %eq3A_23 = arith.cmpi eq, %eq3A, %eq3A_22 : vector<64x64xi32>
    %jit3A = arith.constant 0x7F800000 : f32
    %broadcast_in_dim3A_24 = vector.broadcast %jit3A : f32 to vector<64x64xf32>
    %select_n3A = arith.select %eq3A_23, %broadcast_in_dim3A_24, %add3A_20 : vector<64x64xi1>, vector<64x64xf32>
    %iota3A_25 = tpu.iota {dimensions = array<i32: 1>} : vector<1x64xi32>
    %reduce_min3A = arith.constant dense<0x7F800000> : vector<64xf32>
    %reduce_min3A_26 = vector.multi_reduction <minimumf>, %select_n3A, %reduce_min3A [1] : vector<64x64xf32> to vector<64xf32>
    %broadcast_in_dim3A_27 = vector.shape_cast %reduce_min3A_26 : vector<64xf32> to vector<64x1xf32>
    %eq3A_28 = vector.broadcast %broadcast_in_dim3A_27 : vector<64x1xf32> to vector<64x64xf32>
    %eq3A_29 = arith.cmpf oeq, %select_n3A, %eq3A_28 : vector<64x64xf32>
    %jit3A_30 = arith.constant 64 : i32
    %broadcast_in_dim3A_31 = vector.shape_cast %iota3A_25 : vector<1x64xi32> to vector<1x64xi32>
    %broadcast_in_dim3A_32 = vector.broadcast %broadcast_in_dim3A_31 : vector<1x64xi32> to vector<64x64xi32>
    %broadcast_in_dim3A_33 = vector.broadcast %jit3A_30 : i32 to vector<64x64xi32>
    %select_n3A_34 = arith.select %eq3A_29, %broadcast_in_dim3A_32, %broadcast_in_dim3A_33 : vector<64x64xi1>, vector<64x64xi32>
    %reduce_min3A_35 = arith.constant dense<2147483647> : vector<64xi32>
    %reduce_min3A_36 = vector.multi_reduction <minsi>, %select_n3A_34, %reduce_min3A_35 [1] : vector<64x64xi32> to vector<64xi32>
    %broadcast_in_dim3A_37 = vector.shape_cast %reduce_min3A_36 : vector<64xi32> to vector<64x1xi32>
    %eq3A_38 = vector.broadcast %iota3A_25 : vector<1x64xi32> to vector<64x64xi32>
    %eq3A_39 = vector.broadcast %broadcast_in_dim3A_37 : vector<64x1xi32> to vector<64x64xi32>
    %eq3A_40 = arith.cmpi eq, %eq3A_38, %eq3A_39 : vector<64x64xi32>
    %jit3A_41 = arith.constant 0x7F800000 : f32
    %broadcast_in_dim3A_42 = vector.broadcast %jit3A_41 : f32 to vector<64x64xf32>
    %select_n3A_43 = arith.select %eq3A_40, %broadcast_in_dim3A_42, %select_n3A : vector<64x64xi1>, vector<64x64xf32>
    %reduce_min3A_44 = arith.constant dense<0x7F800000> : vector<64xf32>
    %reduce_min3A_45 = vector.multi_reduction <minimumf>, %select_n3A_43, %reduce_min3A_44 [1] : vector<64x64xf32> to vector<64xf32>
    %broadcast_in_dim3A_46 = vector.shape_cast %reduce_min3A_45 : vector<64xf32> to vector<64x1xf32>
    %eq3A_47 = vector.broadcast %broadcast_in_dim3A_46 : vector<64x1xf32> to vector<64x64xf32>
    %eq3A_48 = arith.cmpf oeq, %select_n3A_43, %eq3A_47 : vector<64x64xf32>
    %jit3A_49 = arith.constant 64 : i32
    %broadcast_in_dim3A_50 = vector.shape_cast %iota3A_25 : vector<1x64xi32> to vector<1x64xi32>
    %broadcast_in_dim3A_51 = vector.broadcast %broadcast_in_dim3A_50 : vector<1x64xi32> to vector<64x64xi32>
    %broadcast_in_dim3A_52 = vector.broadcast %jit3A_49 : i32 to vector<64x64xi32>
    %select_n3A_53 = arith.select %eq3A_48, %broadcast_in_dim3A_51, %broadcast_in_dim3A_52 : vector<64x64xi1>, vector<64x64xi32>
    %reduce_min3A_54 = arith.constant dense<2147483647> : vector<64xi32>
    %reduce_min3A_55 = vector.multi_reduction <minsi>, %select_n3A_53, %reduce_min3A_54 [1] : vector<64x64xi32> to vector<64xi32>
    %broadcast_in_dim3A_56 = vector.shape_cast %reduce_min3A_55 : vector<64xi32> to vector<64x1xi32>
    %eq3A_57 = vector.broadcast %iota3A_25 : vector<1x64xi32> to vector<64x64xi32>
    %eq3A_58 = vector.broadcast %broadcast_in_dim3A_56 : vector<64x1xi32> to vector<64x64xi32>
    %eq3A_59 = arith.cmpi eq, %eq3A_57, %eq3A_58 : vector<64x64xi32>
    %jit3A_60 = arith.constant 0x7F800000 : f32
    %broadcast_in_dim3A_61 = vector.broadcast %jit3A_60 : f32 to vector<64x64xf32>
    %select_n3A_62 = arith.select %eq3A_59, %broadcast_in_dim3A_61, %select_n3A_43 : vector<64x64xi1>, vector<64x64xf32>
    %reduce_min3A_63 = arith.constant dense<0x7F800000> : vector<64xf32>
    %reduce_min3A_64 = vector.multi_reduction <minimumf>, %select_n3A_62, %reduce_min3A_63 [1] : vector<64x64xf32> to vector<64xf32>
    %broadcast_in_dim3A_65 = vector.shape_cast %reduce_min3A_64 : vector<64xf32> to vector<64x1xf32>
    %eq3A_66 = vector.broadcast %broadcast_in_dim3A_65 : vector<64x1xf32> to vector<64x64xf32>
    %eq3A_67 = arith.cmpf oeq, %select_n3A_62, %eq3A_66 : vector<64x64xf32>
    %jit3A_68 = arith.constant 64 : i32
    %broadcast_in_dim3A_69 = vector.shape_cast %iota3A_25 : vector<1x64xi32> to vector<1x64xi32>
    %broadcast_in_dim3A_70 = vector.broadcast %broadcast_in_dim3A_69 : vector<1x64xi32> to vector<64x64xi32>
    %broadcast_in_dim3A_71 = vector.broadcast %jit3A_68 : i32 to vector<64x64xi32>
    %select_n3A_72 = arith.select %eq3A_67, %broadcast_in_dim3A_70, %broadcast_in_dim3A_71 : vector<64x64xi1>, vector<64x64xi32>
    %reduce_min3A_73 = arith.constant dense<2147483647> : vector<64xi32>
    %reduce_min3A_74 = vector.multi_reduction <minsi>, %select_n3A_72, %reduce_min3A_73 [1] : vector<64x64xi32> to vector<64xi32>
    %broadcast_in_dim3A_75 = vector.shape_cast %reduce_min3A_74 : vector<64xi32> to vector<64x1xi32>
    %eq3A_76 = vector.broadcast %iota3A_25 : vector<1x64xi32> to vector<64x64xi32>
    %eq3A_77 = vector.broadcast %broadcast_in_dim3A_75 : vector<64x1xi32> to vector<64x64xi32>
    %eq3A_78 = arith.cmpi eq, %eq3A_76, %eq3A_77 : vector<64x64xi32>
    %jit3A_79 = arith.constant 0x7F800000 : f32
    %broadcast_in_dim3A_80 = vector.broadcast %jit3A_79 : f32 to vector<64x64xf32>
    %select_n3A_81 = arith.select %eq3A_78, %broadcast_in_dim3A_80, %select_n3A_62 : vector<64x64xi1>, vector<64x64xf32>
    %reduce_min3A_82 = arith.constant dense<0x7F800000> : vector<64xf32>
    %reduce_min3A_83 = vector.multi_reduction <minimumf>, %select_n3A_81, %reduce_min3A_82 [1] : vector<64x64xf32> to vector<64xf32>
    %broadcast_in_dim3A_84 = vector.shape_cast %reduce_min3A_83 : vector<64xf32> to vector<64x1xf32>
    %eq3A_85 = vector.broadcast %broadcast_in_dim3A_84 : vector<64x1xf32> to vector<64x64xf32>
    %eq3A_86 = arith.cmpf oeq, %select_n3A_81, %eq3A_85 : vector<64x64xf32>
    %jit3A_87 = arith.constant 64 : i32
    %broadcast_in_dim3A_88 = vector.shape_cast %iota3A_25 : vector<1x64xi32> to vector<1x64xi32>
    %broadcast_in_dim3A_89 = vector.broadcast %broadcast_in_dim3A_88 : vector<1x64xi32> to vector<64x64xi32>
    %broadcast_in_dim3A_90 = vector.broadcast %jit3A_87 : i32 to vector<64x64xi32>
    %select_n3A_91 = arith.select %eq3A_86, %broadcast_in_dim3A_89, %broadcast_in_dim3A_90 : vector<64x64xi1>, vector<64x64xi32>
    %reduce_min3A_92 = arith.constant dense<2147483647> : vector<64xi32>
    %reduce_min3A_93 = vector.multi_reduction <minsi>, %select_n3A_91, %reduce_min3A_92 [1] : vector<64x64xi32> to vector<64xi32>
    %broadcast_in_dim3A_94 = vector.shape_cast %reduce_min3A_93 : vector<64xi32> to vector<64x1xi32>
    %eq3A_95 = vector.broadcast %iota3A_25 : vector<1x64xi32> to vector<64x64xi32>
    %eq3A_96 = vector.broadcast %broadcast_in_dim3A_94 : vector<64x1xi32> to vector<64x64xi32>
    %eq3A_97 = arith.cmpi eq, %eq3A_95, %eq3A_96 : vector<64x64xi32>
    %jit3A_98 = arith.constant 0x7F800000 : f32
    %broadcast_in_dim3A_99 = vector.broadcast %jit3A_98 : f32 to vector<64x64xf32>
    %select_n3A_100 = arith.select %eq3A_97, %broadcast_in_dim3A_99, %select_n3A_81 : vector<64x64xi1>, vector<64x64xf32>
    %reduce_min3A_101 = arith.constant dense<0x7F800000> : vector<64xf32>
    %reduce_min3A_102 = vector.multi_reduction <minimumf>, %select_n3A_100, %reduce_min3A_101 [1] : vector<64x64xf32> to vector<64xf32>
    %broadcast_in_dim3A_103 = vector.shape_cast %reduce_min3A_102 : vector<64xf32> to vector<64x1xf32>
    %eq3A_104 = vector.broadcast %broadcast_in_dim3A_103 : vector<64x1xf32> to vector<64x64xf32>
    %eq3A_105 = arith.cmpf oeq, %select_n3A_100, %eq3A_104 : vector<64x64xf32>
    %jit3A_106 = arith.constant 64 : i32
    %broadcast_in_dim3A_107 = vector.shape_cast %iota3A_25 : vector<1x64xi32> to vector<1x64xi32>
    %broadcast_in_dim3A_108 = vector.broadcast %broadcast_in_dim3A_107 : vector<1x64xi32> to vector<64x64xi32>
    %broadcast_in_dim3A_109 = vector.broadcast %jit3A_106 : i32 to vector<64x64xi32>
    %select_n3A_110 = arith.select %eq3A_105, %broadcast_in_dim3A_108, %broadcast_in_dim3A_109 : vector<64x64xi1>, vector<64x64xi32>
    %reduce_min3A_111 = arith.constant dense<2147483647> : vector<64xi32>
    %reduce_min3A_112 = vector.multi_reduction <minsi>, %select_n3A_110, %reduce_min3A_111 [1] : vector<64x64xi32> to vector<64xi32>
    %broadcast_in_dim3A_113 = vector.shape_cast %reduce_min3A_112 : vector<64xi32> to vector<64x1xi32>
    %eq3A_114 = vector.broadcast %iota3A_25 : vector<1x64xi32> to vector<64x64xi32>
    %eq3A_115 = vector.broadcast %broadcast_in_dim3A_113 : vector<64x1xi32> to vector<64x64xi32>
    %eq3A_116 = arith.cmpi eq, %eq3A_114, %eq3A_115 : vector<64x64xi32>
    %jit3A_117 = arith.constant 0x7F800000 : f32
    %broadcast_in_dim3A_118 = vector.broadcast %jit3A_117 : f32 to vector<64x64xf32>
    %select_n3A_119 = arith.select %eq3A_116, %broadcast_in_dim3A_118, %select_n3A_100 : vector<64x64xi1>, vector<64x64xf32>
    %reduce_min3A_120 = arith.constant dense<0x7F800000> : vector<64xf32>
    %reduce_min3A_121 = vector.multi_reduction <minimumf>, %select_n3A_119, %reduce_min3A_120 [1] : vector<64x64xf32> to vector<64xf32>
    %broadcast_in_dim3A_122 = vector.shape_cast %reduce_min3A_121 : vector<64xf32> to vector<64x1xf32>
    %eq3A_123 = vector.broadcast %broadcast_in_dim3A_122 : vector<64x1xf32> to vector<64x64xf32>
    %eq3A_124 = arith.cmpf oeq, %select_n3A_119, %eq3A_123 : vector<64x64xf32>
    %jit3A_125 = arith.constant 64 : i32
    %broadcast_in_dim3A_126 = vector.shape_cast %iota3A_25 : vector<1x64xi32> to vector<1x64xi32>
    %broadcast_in_dim3A_127 = vector.broadcast %broadcast_in_dim3A_126 : vector<1x64xi32> to vector<64x64xi32>
    %broadcast_in_dim3A_128 = vector.broadcast %jit3A_125 : i32 to vector<64x64xi32>
    %select_n3A_129 = arith.select %eq3A_124, %broadcast_in_dim3A_127, %broadcast_in_dim3A_128 : vector<64x64xi1>, vector<64x64xi32>
    %reduce_min3A_130 = arith.constant dense<2147483647> : vector<64xi32>
    %reduce_min3A_131 = vector.multi_reduction <minsi>, %select_n3A_129, %reduce_min3A_130 [1] : vector<64x64xi32> to vector<64xi32>
    %broadcast_in_dim3A_132 = vector.shape_cast %reduce_min3A_131 : vector<64xi32> to vector<64x1xi32>
    %eq3A_133 = vector.broadcast %iota3A_25 : vector<1x64xi32> to vector<64x64xi32>
    %eq3A_134 = vector.broadcast %broadcast_in_dim3A_132 : vector<64x1xi32> to vector<64x64xi32>
    %eq3A_135 = arith.cmpi eq, %eq3A_133, %eq3A_134 : vector<64x64xi32>
    %jit3A_136 = arith.constant 0x7F800000 : f32
    %broadcast_in_dim3A_137 = vector.broadcast %jit3A_136 : f32 to vector<64x64xf32>
    %select_n3A_138 = arith.select %eq3A_135, %broadcast_in_dim3A_137, %select_n3A_119 : vector<64x64xi1>, vector<64x64xf32>
    %reduce_min3A_139 = arith.constant dense<0x7F800000> : vector<64xf32>
    %reduce_min3A_140 = vector.multi_reduction <minimumf>, %select_n3A_138, %reduce_min3A_139 [1] : vector<64x64xf32> to vector<64xf32>
    %broadcast_in_dim3A_141 = vector.shape_cast %reduce_min3A_140 : vector<64xf32> to vector<64x1xf32>
    %eq3A_142 = vector.broadcast %broadcast_in_dim3A_141 : vector<64x1xf32> to vector<64x64xf32>
    %eq3A_143 = arith.cmpf oeq, %select_n3A_138, %eq3A_142 : vector<64x64xf32>
    %jit3A_144 = arith.constant 64 : i32
    %broadcast_in_dim3A_145 = vector.shape_cast %iota3A_25 : vector<1x64xi32> to vector<1x64xi32>
    %broadcast_in_dim3A_146 = vector.broadcast %broadcast_in_dim3A_145 : vector<1x64xi32> to vector<64x64xi32>
    %broadcast_in_dim3A_147 = vector.broadcast %jit3A_144 : i32 to vector<64x64xi32>
    %select_n3A_148 = arith.select %eq3A_143, %broadcast_in_dim3A_146, %broadcast_in_dim3A_147 : vector<64x64xi1>, vector<64x64xi32>
    %reduce_min3A_149 = arith.constant dense<2147483647> : vector<64xi32>
    %reduce_min3A_150 = vector.multi_reduction <minsi>, %select_n3A_148, %reduce_min3A_149 [1] : vector<64x64xi32> to vector<64xi32>
    %broadcast_in_dim3A_151 = vector.shape_cast %reduce_min3A_150 : vector<64xi32> to vector<64x1xi32>
    %eq3A_152 = vector.broadcast %iota3A_25 : vector<1x64xi32> to vector<64x64xi32>
    %eq3A_153 = vector.broadcast %broadcast_in_dim3A_151 : vector<64x1xi32> to vector<64x64xi32>
    %eq3A_154 = arith.cmpi eq, %eq3A_152, %eq3A_153 : vector<64x64xi32>
    %jit3A_155 = arith.constant 0x7F800000 : f32
    %broadcast_in_dim3A_156 = vector.broadcast %jit3A_155 : f32 to vector<64x64xf32>
    %select_n3A_157 = arith.select %eq3A_154, %broadcast_in_dim3A_156, %select_n3A_138 : vector<64x64xi1>, vector<64x64xf32>
    %reduce_min3A_158 = arith.constant dense<0x7F800000> : vector<64xf32>
    %reduce_min3A_159 = vector.multi_reduction <minimumf>, %select_n3A_157, %reduce_min3A_158 [1] : vector<64x64xf32> to vector<64xf32>
    %broadcast_in_dim3A_160 = vector.shape_cast %reduce_min3A_159 : vector<64xf32> to vector<64x1xf32>
    %eq3A_161 = vector.broadcast %broadcast_in_dim3A_160 : vector<64x1xf32> to vector<64x64xf32>
    %eq3A_162 = arith.cmpf oeq, %select_n3A_157, %eq3A_161 : vector<64x64xf32>
    %jit3A_163 = arith.constant 64 : i32
    %broadcast_in_dim3A_164 = vector.shape_cast %iota3A_25 : vector<1x64xi32> to vector<1x64xi32>
    %broadcast_in_dim3A_165 = vector.broadcast %broadcast_in_dim3A_164 : vector<1x64xi32> to vector<64x64xi32>
    %broadcast_in_dim3A_166 = vector.broadcast %jit3A_163 : i32 to vector<64x64xi32>
    %select_n3A_167 = arith.select %eq3A_162, %broadcast_in_dim3A_165, %broadcast_in_dim3A_166 : vector<64x64xi1>, vector<64x64xi32>
    %reduce_min3A_168 = arith.constant dense<2147483647> : vector<64xi32>
    %reduce_min3A_169 = vector.multi_reduction <minsi>, %select_n3A_167, %reduce_min3A_168 [1] : vector<64x64xi32> to vector<64xi32>
    %broadcast_in_dim3A_170 = vector.shape_cast %reduce_min3A_169 : vector<64xi32> to vector<64x1xi32>
    %iota3A_171 = tpu.iota {dimensions = array<i32: 1>} : vector<1x64xi32>
    %eq3A_172 = vector.broadcast %broadcast_in_dim3A_37 : vector<64x1xi32> to vector<64x64xi32>
    %eq3A_173 = vector.broadcast %iota3A_171 : vector<1x64xi32> to vector<64x64xi32>
    %eq3A_174 = arith.cmpi eq, %eq3A_172, %eq3A_173 : vector<64x64xi32>
    %convert_element_type3A = arith.extui %eq3A_174 : vector<64x64xi1> to vector<64x64xi32>
    %convert_element_type3A_175 = arith.sitofp %convert_element_type3A : vector<64x64xi32> to vector<64x64xf32>
    %dot_general3A_176 = arith.constant dense<0.000000e+00> : vector<64x128xf32>
    %dot_general3A_177 = tpu.matmul %convert_element_type3A_175, %div3A_7, %dot_general3A_176 {dimension_numbers = #tpu.dot_dimension_numbers<[1], [0], [0], [1], [0, 0, 1, 1], [], []>, precision = #tpu.contract_precision<fp32>, transpose_lhs_hint = false} : vector<64x64xf32>, vector<64x128xf32>, vector<64x128xf32> -> vector<64x128xf32>
    %sub3A_178 = arith.subf %dot_general3A_177, %div3A_7 : vector<64x128xf32>
    %concatenate3A = tpu.concatenate %div3A_7, %sub3A_178 in 1 : vector<64x128xf32>, vector<64x128xf32> -> vector<64x256xf32>
    %get3A_179 = arith.constant 0 : index
    %get3A_180 = arith.constant 0 : index
    %get3A_181 = vector.load %arg3[%get3A_179, %get3A_180] : memref<256x256xf32, #tpu.memory_space<vmem>>, vector<256x256xf32>
    %dot_general3A_182 = arith.constant dense<0.000000e+00> : vector<64x256xf32>
    %dot_general3A_183 = tpu.matmul %concatenate3A, %get3A_181, %dot_general3A_182 {dimension_numbers = #tpu.dot_dimension_numbers<[1], [0], [0], [1], [0, 0, 1, 1], [], []>, transpose_lhs_hint = false} : vector<64x256xf32>, vector<256x256xf32>, vector<64x256xf32> -> vector<64x256xf32>
    %get3A_184 = arith.constant 0 : index
    %get3A_185 = arith.constant 0 : index
    %get3A_186 = vector.load %arg4[%get3A_184, %get3A_185] : memref<1x256xf32, #tpu.memory_space<vmem>>, vector<1x256xf32>
    %add3A_187 = vector.broadcast %get3A_186 : vector<1x256xf32> to vector<64x256xf32>
    %add3A_188 = arith.addf %dot_general3A_183, %add3A_187 : vector<64x256xf32>
    %gt3A = arith.constant 0.000000e+00 : f32
    %gt3A_189 = vector.broadcast %gt3A : f32 to vector<64x256xf32>
    %gt3A_190 = arith.cmpf ogt, %add3A_188, %gt3A_189 : vector<64x256xf32>
    %exp3A = math.exp %add3A_188 : vector<64x256xf32>
    %sub3A_191 = arith.constant 1.000000e+00 : f32
    %sub3A_192 = vector.broadcast %sub3A_191 : f32 to vector<64x256xf32>
    %sub3A_193 = arith.subf %exp3A, %sub3A_192 : vector<64x256xf32>
    %mul3A_194 = arith.constant 1.67326319 : f32
    %mul3A_195 = vector.broadcast %mul3A_194 : f32 to vector<64x256xf32>
    %mul3A_196 = arith.mulf %mul3A_195, %sub3A_193 : vector<64x256xf32>
    %select_n3A_197 = arith.select %gt3A_190, %add3A_188, %mul3A_196 : vector<64x256xi1>, vector<64x256xf32>
    %mul3A_198 = arith.constant 1.05070102 : f32
    %mul3A_199 = vector.broadcast %mul3A_198 : f32 to vector<64x256xf32>
    %mul3A_200 = arith.mulf %mul3A_199, %select_n3A_197 : vector<64x256xf32>
    %iota3A_201 = tpu.iota {dimensions = array<i32: 1>} : vector<1x64xi32>
    %eq3A_202 = vector.broadcast %broadcast_in_dim3A_56 : vector<64x1xi32> to vector<64x64xi32>
    %eq3A_203 = vector.broadcast %iota3A_201 : vector<1x64xi32> to vector<64x64xi32>
    %eq3A_204 = arith.cmpi eq, %eq3A_202, %eq3A_203 : vector<64x64xi32>
    %convert_element_type3A_205 = arith.extui %eq3A_204 : vector<64x64xi1> to vector<64x64xi32>
    %convert_element_type3A_206 = arith.sitofp %convert_element_type3A_205 : vector<64x64xi32> to vector<64x64xf32>
    %dot_general3A_207 = arith.constant dense<0.000000e+00> : vector<64x128xf32>
    %dot_general3A_208 = tpu.matmul %convert_element_type3A_206, %div3A_7, %dot_general3A_207 {dimension_numbers = #tpu.dot_dimension_numbers<[1], [0], [0], [1], [0, 0, 1, 1], [], []>, precision = #tpu.contract_precision<fp32>, transpose_lhs_hint = false} : vector<64x64xf32>, vector<64x128xf32>, vector<64x128xf32> -> vector<64x128xf32>
    %sub3A_209 = arith.subf %dot_general3A_208, %div3A_7 : vector<64x128xf32>
    %concatenate3A_210 = tpu.concatenate %div3A_7, %sub3A_209 in 1 : vector<64x128xf32>, vector<64x128xf32> -> vector<64x256xf32>
    %get3A_211 = arith.constant 0 : index
    %get3A_212 = arith.constant 0 : index
    %get3A_213 = vector.load %arg3[%get3A_211, %get3A_212] : memref<256x256xf32, #tpu.memory_space<vmem>>, vector<256x256xf32>
    %dot_general3A_214 = arith.constant dense<0.000000e+00> : vector<64x256xf32>
    %dot_general3A_215 = tpu.matmul %concatenate3A_210, %get3A_213, %dot_general3A_214 {dimension_numbers = #tpu.dot_dimension_numbers<[1], [0], [0], [1], [0, 0, 1, 1], [], []>, transpose_lhs_hint = false} : vector<64x256xf32>, vector<256x256xf32>, vector<64x256xf32> -> vector<64x256xf32>
    %get3A_216 = arith.constant 0 : index
    %get3A_217 = arith.constant 0 : index
    %get3A_218 = vector.load %arg4[%get3A_216, %get3A_217] : memref<1x256xf32, #tpu.memory_space<vmem>>, vector<1x256xf32>
    %add3A_219 = vector.broadcast %get3A_218 : vector<1x256xf32> to vector<64x256xf32>
    %add3A_220 = arith.addf %dot_general3A_215, %add3A_219 : vector<64x256xf32>
    %gt3A_221 = arith.constant 0.000000e+00 : f32
    %gt3A_222 = vector.broadcast %gt3A_221 : f32 to vector<64x256xf32>
    %gt3A_223 = arith.cmpf ogt, %add3A_220, %gt3A_222 : vector<64x256xf32>
    %exp3A_224 = math.exp %add3A_220 : vector<64x256xf32>
    %sub3A_225 = arith.constant 1.000000e+00 : f32
    %sub3A_226 = vector.broadcast %sub3A_225 : f32 to vector<64x256xf32>
    %sub3A_227 = arith.subf %exp3A_224, %sub3A_226 : vector<64x256xf32>
    %mul3A_228 = arith.constant 1.67326319 : f32
    %mul3A_229 = vector.broadcast %mul3A_228 : f32 to vector<64x256xf32>
    %mul3A_230 = arith.mulf %mul3A_229, %sub3A_227 : vector<64x256xf32>
    %select_n3A_231 = arith.select %gt3A_223, %add3A_220, %mul3A_230 : vector<64x256xi1>, vector<64x256xf32>
    %mul3A_232 = arith.constant 1.05070102 : f32
    %mul3A_233 = vector.broadcast %mul3A_232 : f32 to vector<64x256xf32>
    %mul3A_234 = arith.mulf %mul3A_233, %select_n3A_231 : vector<64x256xf32>
    %max3A = arith.maximumf %mul3A_200, %mul3A_234 : vector<64x256xf32>
    %iota3A_235 = tpu.iota {dimensions = array<i32: 1>} : vector<1x64xi32>
    %eq3A_236 = vector.broadcast %broadcast_in_dim3A_75 : vector<64x1xi32> to vector<64x64xi32>
    %eq3A_237 = vector.broadcast %iota3A_235 : vector<1x64xi32> to vector<64x64xi32>
    %eq3A_238 = arith.cmpi eq, %eq3A_236, %eq3A_237 : vector<64x64xi32>
    %convert_element_type3A_239 = arith.extui %eq3A_238 : vector<64x64xi1> to vector<64x64xi32>
    %convert_element_type3A_240 = arith.sitofp %convert_element_type3A_239 : vector<64x64xi32> to vector<64x64xf32>
    %dot_general3A_241 = arith.constant dense<0.000000e+00> : vector<64x128xf32>
    %dot_general3A_242 = tpu.matmul %convert_element_type3A_240, %div3A_7, %dot_general3A_241 {dimension_numbers = #tpu.dot_dimension_numbers<[1], [0], [0], [1], [0, 0, 1, 1], [], []>, precision = #tpu.contract_precision<fp32>, transpose_lhs_hint = false} : vector<64x64xf32>, vector<64x128xf32>, vector<64x128xf32> -> vector<64x128xf32>
    %sub3A_243 = arith.subf %dot_general3A_242, %div3A_7 : vector<64x128xf32>
    %concatenate3A_244 = tpu.concatenate %div3A_7, %sub3A_243 in 1 : vector<64x128xf32>, vector<64x128xf32> -> vector<64x256xf32>
    %get3A_245 = arith.constant 0 : index
    %get3A_246 = arith.constant 0 : index
    %get3A_247 = vector.load %arg3[%get3A_245, %get3A_246] : memref<256x256xf32, #tpu.memory_space<vmem>>, vector<256x256xf32>
    %dot_general3A_248 = arith.constant dense<0.000000e+00> : vector<64x256xf32>
    %dot_general3A_249 = tpu.matmul %concatenate3A_244, %get3A_247, %dot_general3A_248 {dimension_numbers = #tpu.dot_dimension_numbers<[1], [0], [0], [1], [0, 0, 1, 1], [], []>, transpose_lhs_hint = false} : vector<64x256xf32>, vector<256x256xf32>, vector<64x256xf32> -> vector<64x256xf32>
    %get3A_250 = arith.constant 0 : index
    %get3A_251 = arith.constant 0 : index
    %get3A_252 = vector.load %arg4[%get3A_250, %get3A_251] : memref<1x256xf32, #tpu.memory_space<vmem>>, vector<1x256xf32>
    %add3A_253 = vector.broadcast %get3A_252 : vector<1x256xf32> to vector<64x256xf32>
    %add3A_254 = arith.addf %dot_general3A_249, %add3A_253 : vector<64x256xf32>
    %gt3A_255 = arith.constant 0.000000e+00 : f32
    %gt3A_256 = vector.broadcast %gt3A_255 : f32 to vector<64x256xf32>
    %gt3A_257 = arith.cmpf ogt, %add3A_254, %gt3A_256 : vector<64x256xf32>
    %exp3A_258 = math.exp %add3A_254 : vector<64x256xf32>
    %sub3A_259 = arith.constant 1.000000e+00 : f32
    %sub3A_260 = vector.broadcast %sub3A_259 : f32 to vector<64x256xf32>
    %sub3A_261 = arith.subf %exp3A_258, %sub3A_260 : vector<64x256xf32>
    %mul3A_262 = arith.constant 1.67326319 : f32
    %mul3A_263 = vector.broadcast %mul3A_262 : f32 to vector<64x256xf32>
    %mul3A_264 = arith.mulf %mul3A_263, %sub3A_261 : vector<64x256xf32>
    %select_n3A_265 = arith.select %gt3A_257, %add3A_254, %mul3A_264 : vector<64x256xi1>, vector<64x256xf32>
    %mul3A_266 = arith.constant 1.05070102 : f32
    %mul3A_267 = vector.broadcast %mul3A_266 : f32 to vector<64x256xf32>
    %mul3A_268 = arith.mulf %mul3A_267, %select_n3A_265 : vector<64x256xf32>
    %max3A_269 = arith.maximumf %max3A, %mul3A_268 : vector<64x256xf32>
    %iota3A_270 = tpu.iota {dimensions = array<i32: 1>} : vector<1x64xi32>
    %eq3A_271 = vector.broadcast %broadcast_in_dim3A_94 : vector<64x1xi32> to vector<64x64xi32>
    %eq3A_272 = vector.broadcast %iota3A_270 : vector<1x64xi32> to vector<64x64xi32>
    %eq3A_273 = arith.cmpi eq, %eq3A_271, %eq3A_272 : vector<64x64xi32>
    %convert_element_type3A_274 = arith.extui %eq3A_273 : vector<64x64xi1> to vector<64x64xi32>
    %convert_element_type3A_275 = arith.sitofp %convert_element_type3A_274 : vector<64x64xi32> to vector<64x64xf32>
    %dot_general3A_276 = arith.constant dense<0.000000e+00> : vector<64x128xf32>
    %dot_general3A_277 = tpu.matmul %convert_element_type3A_275, %div3A_7, %dot_general3A_276 {dimension_numbers = #tpu.dot_dimension_numbers<[1], [0], [0], [1], [0, 0, 1, 1], [], []>, precision = #tpu.contract_precision<fp32>, transpose_lhs_hint = false} : vector<64x64xf32>, vector<64x128xf32>, vector<64x128xf32> -> vector<64x128xf32>
    %sub3A_278 = arith.subf %dot_general3A_277, %div3A_7 : vector<64x128xf32>
    %concatenate3A_279 = tpu.concatenate %div3A_7, %sub3A_278 in 1 : vector<64x128xf32>, vector<64x128xf32> -> vector<64x256xf32>
    %get3A_280 = arith.constant 0 : index
    %get3A_281 = arith.constant 0 : index
    %get3A_282 = vector.load %arg3[%get3A_280, %get3A_281] : memref<256x256xf32, #tpu.memory_space<vmem>>, vector<256x256xf32>
    %dot_general3A_283 = arith.constant dense<0.000000e+00> : vector<64x256xf32>
    %dot_general3A_284 = tpu.matmul %concatenate3A_279, %get3A_282, %dot_general3A_283 {dimension_numbers = #tpu.dot_dimension_numbers<[1], [0], [0], [1], [0, 0, 1, 1], [], []>, transpose_lhs_hint = false} : vector<64x256xf32>, vector<256x256xf32>, vector<64x256xf32> -> vector<64x256xf32>
    %get3A_285 = arith.constant 0 : index
    %get3A_286 = arith.constant 0 : index
    %get3A_287 = vector.load %arg4[%get3A_285, %get3A_286] : memref<1x256xf32, #tpu.memory_space<vmem>>, vector<1x256xf32>
    %add3A_288 = vector.broadcast %get3A_287 : vector<1x256xf32> to vector<64x256xf32>
    %add3A_289 = arith.addf %dot_general3A_284, %add3A_288 : vector<64x256xf32>
    %gt3A_290 = arith.constant 0.000000e+00 : f32
    %gt3A_291 = vector.broadcast %gt3A_290 : f32 to vector<64x256xf32>
    %gt3A_292 = arith.cmpf ogt, %add3A_289, %gt3A_291 : vector<64x256xf32>
    %exp3A_293 = math.exp %add3A_289 : vector<64x256xf32>
    %sub3A_294 = arith.constant 1.000000e+00 : f32
    %sub3A_295 = vector.broadcast %sub3A_294 : f32 to vector<64x256xf32>
    %sub3A_296 = arith.subf %exp3A_293, %sub3A_295 : vector<64x256xf32>
    %mul3A_297 = arith.constant 1.67326319 : f32
    %mul3A_298 = vector.broadcast %mul3A_297 : f32 to vector<64x256xf32>
    %mul3A_299 = arith.mulf %mul3A_298, %sub3A_296 : vector<64x256xf32>
    %select_n3A_300 = arith.select %gt3A_292, %add3A_289, %mul3A_299 : vector<64x256xi1>, vector<64x256xf32>
    %mul3A_301 = arith.constant 1.05070102 : f32
    %mul3A_302 = vector.broadcast %mul3A_301 : f32 to vector<64x256xf32>
    %mul3A_303 = arith.mulf %mul3A_302, %select_n3A_300 : vector<64x256xf32>
    %max3A_304 = arith.maximumf %max3A_269, %mul3A_303 : vector<64x256xf32>
    %iota3A_305 = tpu.iota {dimensions = array<i32: 1>} : vector<1x64xi32>
    %eq3A_306 = vector.broadcast %broadcast_in_dim3A_113 : vector<64x1xi32> to vector<64x64xi32>
    %eq3A_307 = vector.broadcast %iota3A_305 : vector<1x64xi32> to vector<64x64xi32>
    %eq3A_308 = arith.cmpi eq, %eq3A_306, %eq3A_307 : vector<64x64xi32>
    %convert_element_type3A_309 = arith.extui %eq3A_308 : vector<64x64xi1> to vector<64x64xi32>
    %convert_element_type3A_310 = arith.sitofp %convert_element_type3A_309 : vector<64x64xi32> to vector<64x64xf32>
    %dot_general3A_311 = arith.constant dense<0.000000e+00> : vector<64x128xf32>
    %dot_general3A_312 = tpu.matmul %convert_element_type3A_310, %div3A_7, %dot_general3A_311 {dimension_numbers = #tpu.dot_dimension_numbers<[1], [0], [0], [1], [0, 0, 1, 1], [], []>, precision = #tpu.contract_precision<fp32>, transpose_lhs_hint = false} : vector<64x64xf32>, vector<64x128xf32>, vector<64x128xf32> -> vector<64x128xf32>
    %sub3A_313 = arith.subf %dot_general3A_312, %div3A_7 : vector<64x128xf32>
    %concatenate3A_314 = tpu.concatenate %div3A_7, %sub3A_313 in 1 : vector<64x128xf32>, vector<64x128xf32> -> vector<64x256xf32>
    %get3A_315 = arith.constant 0 : index
    %get3A_316 = arith.constant 0 : index
    %get3A_317 = vector.load %arg3[%get3A_315, %get3A_316] : memref<256x256xf32, #tpu.memory_space<vmem>>, vector<256x256xf32>
    %dot_general3A_318 = arith.constant dense<0.000000e+00> : vector<64x256xf32>
    %dot_general3A_319 = tpu.matmul %concatenate3A_314, %get3A_317, %dot_general3A_318 {dimension_numbers = #tpu.dot_dimension_numbers<[1], [0], [0], [1], [0, 0, 1, 1], [], []>, transpose_lhs_hint = false} : vector<64x256xf32>, vector<256x256xf32>, vector<64x256xf32> -> vector<64x256xf32>
    %get3A_320 = arith.constant 0 : index
    %get3A_321 = arith.constant 0 : index
    %get3A_322 = vector.load %arg4[%get3A_320, %get3A_321] : memref<1x256xf32, #tpu.memory_space<vmem>>, vector<1x256xf32>
    %add3A_323 = vector.broadcast %get3A_322 : vector<1x256xf32> to vector<64x256xf32>
    %add3A_324 = arith.addf %dot_general3A_319, %add3A_323 : vector<64x256xf32>
    %gt3A_325 = arith.constant 0.000000e+00 : f32
    %gt3A_326 = vector.broadcast %gt3A_325 : f32 to vector<64x256xf32>
    %gt3A_327 = arith.cmpf ogt, %add3A_324, %gt3A_326 : vector<64x256xf32>
    %exp3A_328 = math.exp %add3A_324 : vector<64x256xf32>
    %sub3A_329 = arith.constant 1.000000e+00 : f32
    %sub3A_330 = vector.broadcast %sub3A_329 : f32 to vector<64x256xf32>
    %sub3A_331 = arith.subf %exp3A_328, %sub3A_330 : vector<64x256xf32>
    %mul3A_332 = arith.constant 1.67326319 : f32
    %mul3A_333 = vector.broadcast %mul3A_332 : f32 to vector<64x256xf32>
    %mul3A_334 = arith.mulf %mul3A_333, %sub3A_331 : vector<64x256xf32>
    %select_n3A_335 = arith.select %gt3A_327, %add3A_324, %mul3A_334 : vector<64x256xi1>, vector<64x256xf32>
    %mul3A_336 = arith.constant 1.05070102 : f32
    %mul3A_337 = vector.broadcast %mul3A_336 : f32 to vector<64x256xf32>
    %mul3A_338 = arith.mulf %mul3A_337, %select_n3A_335 : vector<64x256xf32>
    %max3A_339 = arith.maximumf %max3A_304, %mul3A_338 : vector<64x256xf32>
    %iota3A_340 = tpu.iota {dimensions = array<i32: 1>} : vector<1x64xi32>
    %eq3A_341 = vector.broadcast %broadcast_in_dim3A_132 : vector<64x1xi32> to vector<64x64xi32>
    %eq3A_342 = vector.broadcast %iota3A_340 : vector<1x64xi32> to vector<64x64xi32>
    %eq3A_343 = arith.cmpi eq, %eq3A_341, %eq3A_342 : vector<64x64xi32>
    %convert_element_type3A_344 = arith.extui %eq3A_343 : vector<64x64xi1> to vector<64x64xi32>
    %convert_element_type3A_345 = arith.sitofp %convert_element_type3A_344 : vector<64x64xi32> to vector<64x64xf32>
    %dot_general3A_346 = arith.constant dense<0.000000e+00> : vector<64x128xf32>
    %dot_general3A_347 = tpu.matmul %convert_element_type3A_345, %div3A_7, %dot_general3A_346 {dimension_numbers = #tpu.dot_dimension_numbers<[1], [0], [0], [1], [0, 0, 1, 1], [], []>, precision = #tpu.contract_precision<fp32>, transpose_lhs_hint = false} : vector<64x64xf32>, vector<64x128xf32>, vector<64x128xf32> -> vector<64x128xf32>
    %sub3A_348 = arith.subf %dot_general3A_347, %div3A_7 : vector<64x128xf32>
    %concatenate3A_349 = tpu.concatenate %div3A_7, %sub3A_348 in 1 : vector<64x128xf32>, vector<64x128xf32> -> vector<64x256xf32>
    %get3A_350 = arith.constant 0 : index
    %get3A_351 = arith.constant 0 : index
    %get3A_352 = vector.load %arg3[%get3A_350, %get3A_351] : memref<256x256xf32, #tpu.memory_space<vmem>>, vector<256x256xf32>
    %dot_general3A_353 = arith.constant dense<0.000000e+00> : vector<64x256xf32>
    %dot_general3A_354 = tpu.matmul %concatenate3A_349, %get3A_352, %dot_general3A_353 {dimension_numbers = #tpu.dot_dimension_numbers<[1], [0], [0], [1], [0, 0, 1, 1], [], []>, transpose_lhs_hint = false} : vector<64x256xf32>, vector<256x256xf32>, vector<64x256xf32> -> vector<64x256xf32>
    %get3A_355 = arith.constant 0 : index
    %get3A_356 = arith.constant 0 : index
    %get3A_357 = vector.load %arg4[%get3A_355, %get3A_356] : memref<1x256xf32, #tpu.memory_space<vmem>>, vector<1x256xf32>
    %add3A_358 = vector.broadcast %get3A_357 : vector<1x256xf32> to vector<64x256xf32>
    %add3A_359 = arith.addf %dot_general3A_354, %add3A_358 : vector<64x256xf32>
    %gt3A_360 = arith.constant 0.000000e+00 : f32
    %gt3A_361 = vector.broadcast %gt3A_360 : f32 to vector<64x256xf32>
    %gt3A_362 = arith.cmpf ogt, %add3A_359, %gt3A_361 : vector<64x256xf32>
    %exp3A_363 = math.exp %add3A_359 : vector<64x256xf32>
    %sub3A_364 = arith.constant 1.000000e+00 : f32
    %sub3A_365 = vector.broadcast %sub3A_364 : f32 to vector<64x256xf32>
    %sub3A_366 = arith.subf %exp3A_363, %sub3A_365 : vector<64x256xf32>
    %mul3A_367 = arith.constant 1.67326319 : f32
    %mul3A_368 = vector.broadcast %mul3A_367 : f32 to vector<64x256xf32>
    %mul3A_369 = arith.mulf %mul3A_368, %sub3A_366 : vector<64x256xf32>
    %select_n3A_370 = arith.select %gt3A_362, %add3A_359, %mul3A_369 : vector<64x256xi1>, vector<64x256xf32>
    %mul3A_371 = arith.constant 1.05070102 : f32
    %mul3A_372 = vector.broadcast %mul3A_371 : f32 to vector<64x256xf32>
    %mul3A_373 = arith.mulf %mul3A_372, %select_n3A_370 : vector<64x256xf32>
    %max3A_374 = arith.maximumf %max3A_339, %mul3A_373 : vector<64x256xf32>
    %iota3A_375 = tpu.iota {dimensions = array<i32: 1>} : vector<1x64xi32>
    %eq3A_376 = vector.broadcast %broadcast_in_dim3A_151 : vector<64x1xi32> to vector<64x64xi32>
    %eq3A_377 = vector.broadcast %iota3A_375 : vector<1x64xi32> to vector<64x64xi32>
    %eq3A_378 = arith.cmpi eq, %eq3A_376, %eq3A_377 : vector<64x64xi32>
    %convert_element_type3A_379 = arith.extui %eq3A_378 : vector<64x64xi1> to vector<64x64xi32>
    %convert_element_type3A_380 = arith.sitofp %convert_element_type3A_379 : vector<64x64xi32> to vector<64x64xf32>
    %dot_general3A_381 = arith.constant dense<0.000000e+00> : vector<64x128xf32>
    %dot_general3A_382 = tpu.matmul %convert_element_type3A_380, %div3A_7, %dot_general3A_381 {dimension_numbers = #tpu.dot_dimension_numbers<[1], [0], [0], [1], [0, 0, 1, 1], [], []>, precision = #tpu.contract_precision<fp32>, transpose_lhs_hint = false} : vector<64x64xf32>, vector<64x128xf32>, vector<64x128xf32> -> vector<64x128xf32>
    %sub3A_383 = arith.subf %dot_general3A_382, %div3A_7 : vector<64x128xf32>
    %concatenate3A_384 = tpu.concatenate %div3A_7, %sub3A_383 in 1 : vector<64x128xf32>, vector<64x128xf32> -> vector<64x256xf32>
    %get3A_385 = arith.constant 0 : index
    %get3A_386 = arith.constant 0 : index
    %get3A_387 = vector.load %arg3[%get3A_385, %get3A_386] : memref<256x256xf32, #tpu.memory_space<vmem>>, vector<256x256xf32>
    %dot_general3A_388 = arith.constant dense<0.000000e+00> : vector<64x256xf32>
    %dot_general3A_389 = tpu.matmul %concatenate3A_384, %get3A_387, %dot_general3A_388 {dimension_numbers = #tpu.dot_dimension_numbers<[1], [0], [0], [1], [0, 0, 1, 1], [], []>, transpose_lhs_hint = false} : vector<64x256xf32>, vector<256x256xf32>, vector<64x256xf32> -> vector<64x256xf32>
    %get3A_390 = arith.constant 0 : index
    %get3A_391 = arith.constant 0 : index
    %get3A_392 = vector.load %arg4[%get3A_390, %get3A_391] : memref<1x256xf32, #tpu.memory_space<vmem>>, vector<1x256xf32>
    %add3A_393 = vector.broadcast %get3A_392 : vector<1x256xf32> to vector<64x256xf32>
    %add3A_394 = arith.addf %dot_general3A_389, %add3A_393 : vector<64x256xf32>
    %gt3A_395 = arith.constant 0.000000e+00 : f32
    %gt3A_396 = vector.broadcast %gt3A_395 : f32 to vector<64x256xf32>
    %gt3A_397 = arith.cmpf ogt, %add3A_394, %gt3A_396 : vector<64x256xf32>
    %exp3A_398 = math.exp %add3A_394 : vector<64x256xf32>
    %sub3A_399 = arith.constant 1.000000e+00 : f32
    %sub3A_400 = vector.broadcast %sub3A_399 : f32 to vector<64x256xf32>
    %sub3A_401 = arith.subf %exp3A_398, %sub3A_400 : vector<64x256xf32>
    %mul3A_402 = arith.constant 1.67326319 : f32
    %mul3A_403 = vector.broadcast %mul3A_402 : f32 to vector<64x256xf32>
    %mul3A_404 = arith.mulf %mul3A_403, %sub3A_401 : vector<64x256xf32>
    %select_n3A_405 = arith.select %gt3A_397, %add3A_394, %mul3A_404 : vector<64x256xi1>, vector<64x256xf32>
    %mul3A_406 = arith.constant 1.05070102 : f32
    %mul3A_407 = vector.broadcast %mul3A_406 : f32 to vector<64x256xf32>
    %mul3A_408 = arith.mulf %mul3A_407, %select_n3A_405 : vector<64x256xf32>
    %max3A_409 = arith.maximumf %max3A_374, %mul3A_408 : vector<64x256xf32>
    %iota3A_410 = tpu.iota {dimensions = array<i32: 1>} : vector<1x64xi32>
    %eq3A_411 = vector.broadcast %broadcast_in_dim3A_170 : vector<64x1xi32> to vector<64x64xi32>
    %eq3A_412 = vector.broadcast %iota3A_410 : vector<1x64xi32> to vector<64x64xi32>
    %eq3A_413 = arith.cmpi eq, %eq3A_411, %eq3A_412 : vector<64x64xi32>
    %convert_element_type3A_414 = arith.extui %eq3A_413 : vector<64x64xi1> to vector<64x64xi32>
    %convert_element_type3A_415 = arith.sitofp %convert_element_type3A_414 : vector<64x64xi32> to vector<64x64xf32>
    %dot_general3A_416 = arith.constant dense<0.000000e+00> : vector<64x128xf32>
    %dot_general3A_417 = tpu.matmul %convert_element_type3A_415, %div3A_7, %dot_general3A_416 {dimension_numbers = #tpu.dot_dimension_numbers<[1], [0], [0], [1], [0, 0, 1, 1], [], []>, precision = #tpu.contract_precision<fp32>, transpose_lhs_hint = false} : vector<64x64xf32>, vector<64x128xf32>, vector<64x128xf32> -> vector<64x128xf32>
    %sub3A_418 = arith.subf %dot_general3A_417, %div3A_7 : vector<64x128xf32>
    %concatenate3A_419 = tpu.concatenate %div3A_7, %sub3A_418 in 1 : vector<64x128xf32>, vector<64x128xf32> -> vector<64x256xf32>
    %get3A_420 = arith.constant 0 : index
    %get3A_421 = arith.constant 0 : index
    %get3A_422 = vector.load %arg3[%get3A_420, %get3A_421] : memref<256x256xf32, #tpu.memory_space<vmem>>, vector<256x256xf32>
    %dot_general3A_423 = arith.constant dense<0.000000e+00> : vector<64x256xf32>
    %dot_general3A_424 = tpu.matmul %concatenate3A_419, %get3A_422, %dot_general3A_423 {dimension_numbers = #tpu.dot_dimension_numbers<[1], [0], [0], [1], [0, 0, 1, 1], [], []>, transpose_lhs_hint = false} : vector<64x256xf32>, vector<256x256xf32>, vector<64x256xf32> -> vector<64x256xf32>
    %get3A_425 = arith.constant 0 : index
    %get3A_426 = arith.constant 0 : index
    %get3A_427 = vector.load %arg4[%get3A_425, %get3A_426] : memref<1x256xf32, #tpu.memory_space<vmem>>, vector<1x256xf32>
    %add3A_428 = vector.broadcast %get3A_427 : vector<1x256xf32> to vector<64x256xf32>
    %add3A_429 = arith.addf %dot_general3A_424, %add3A_428 : vector<64x256xf32>
    %gt3A_430 = arith.constant 0.000000e+00 : f32
    %gt3A_431 = vector.broadcast %gt3A_430 : f32 to vector<64x256xf32>
    %gt3A_432 = arith.cmpf ogt, %add3A_429, %gt3A_431 : vector<64x256xf32>
    %exp3A_433 = math.exp %add3A_429 : vector<64x256xf32>
    %sub3A_434 = arith.constant 1.000000e+00 : f32
    %sub3A_435 = vector.broadcast %sub3A_434 : f32 to vector<64x256xf32>
    %sub3A_436 = arith.subf %exp3A_433, %sub3A_435 : vector<64x256xf32>
    %mul3A_437 = arith.constant 1.67326319 : f32
    %mul3A_438 = vector.broadcast %mul3A_437 : f32 to vector<64x256xf32>
    %mul3A_439 = arith.mulf %mul3A_438, %sub3A_436 : vector<64x256xf32>
    %select_n3A_440 = arith.select %gt3A_432, %add3A_429, %mul3A_439 : vector<64x256xi1>, vector<64x256xf32>
    %mul3A_441 = arith.constant 1.05070102 : f32
    %mul3A_442 = vector.broadcast %mul3A_441 : f32 to vector<64x256xf32>
    %mul3A_443 = arith.mulf %mul3A_442, %select_n3A_440 : vector<64x256xf32>
    %max3A_444 = arith.maximumf %max3A_409, %mul3A_443 : vector<64x256xf32>
    %mul3A_445 = arith.mulf %max3A_444, %max3A_444 : vector<64x256xf32>
    %reduce_sum3A_446 = arith.constant dense<0.000000e+00> : vector<64xf32>
    %reduce_sum3A_447 = vector.multi_reduction <add>, %mul3A_445, %reduce_sum3A_446 [1] : vector<64x256xf32> to vector<64xf32>
    %broadcast_in_dim3A_448 = vector.shape_cast %reduce_sum3A_447 : vector<64xf32> to vector<64x1xf32>
    %dot_general3A_449 = arith.constant dense<0.000000e+00> : vector<64x64xf32>
    %dot_general3A_450 = tpu.matmul %max3A_444, %max3A_444, %dot_general3A_449 {dimension_numbers = #tpu.dot_dimension_numbers<[1], [1], [0], [0], [0, 0, 1, 0], [], []>, transpose_lhs_hint = false} : vector<64x256xf32>, vector<64x256xf32>, vector<64x64xf32> -> vector<64x64xf32>
    %mul3A_451 = arith.constant 2.000000e+00 : f32
    %mul3A_452 = vector.broadcast %mul3A_451 : f32 to vector<64x64xf32>
    %mul3A_453 = arith.mulf %mul3A_452, %dot_general3A_450 : vector<64x64xf32>
    %sub3A_454 = vector.broadcast %broadcast_in_dim3A_448 : vector<64x1xf32> to vector<64x64xf32>
    %sub3A_455 = arith.subf %sub3A_454, %mul3A_453 : vector<64x64xf32>
    %mul3A_456 = arith.mulf %max3A_444, %max3A_444 : vector<64x256xf32>
    %broadcast_in_dim3A_457 = arith.constant 1.000000e+00 : f32
    %broadcast_in_dim3A_458 = vector.broadcast %broadcast_in_dim3A_457 : f32 to vector<1x256xf32>
    %dot_general3A_459 = arith.constant dense<0.000000e+00> : vector<1x64xf32>
    %dot_general3A_460 = tpu.matmul %broadcast_in_dim3A_458, %mul3A_456, %dot_general3A_459 {dimension_numbers = #tpu.dot_dimension_numbers<[1], [1], [0], [0], [0, 0, 1, 0], [], []>, precision = #tpu.contract_precision<fp32>, transpose_lhs_hint = false} : vector<1x256xf32>, vector<64x256xf32>, vector<1x64xf32> -> vector<1x64xf32>
    %add3A_461 = vector.broadcast %dot_general3A_460 : vector<1x64xf32> to vector<64x64xf32>
    %add3A_462 = arith.addf %sub3A_455, %add3A_461 : vector<64x64xf32>
    %iota3A_463 = tpu.iota {dimensions = array<i32: 0>} : vector<64x1xi32>
    %iota3A_464 = tpu.iota {dimensions = array<i32: 1>} : vector<1x64xi32>
    %eq3A_465 = vector.broadcast %iota3A_463 : vector<64x1xi32> to vector<64x64xi32>
    %eq3A_466 = vector.broadcast %iota3A_464 : vector<1x64xi32> to vector<64x64xi32>
    %eq3A_467 = arith.cmpi eq, %eq3A_465, %eq3A_466 : vector<64x64xi32>
    %jit3A_468 = arith.constant 0x7F800000 : f32
    %broadcast_in_dim3A_469 = vector.broadcast %jit3A_468 : f32 to vector<64x64xf32>
    %select_n3A_470 = arith.select %eq3A_467, %broadcast_in_dim3A_469, %add3A_462 : vector<64x64xi1>, vector<64x64xf32>
    %iota3A_471 = tpu.iota {dimensions = array<i32: 1>} : vector<1x64xi32>
    %reduce_min3A_472 = arith.constant dense<0x7F800000> : vector<64xf32>
    %reduce_min3A_473 = vector.multi_reduction <minimumf>, %select_n3A_470, %reduce_min3A_472 [1] : vector<64x64xf32> to vector<64xf32>
    %broadcast_in_dim3A_474 = vector.shape_cast %reduce_min3A_473 : vector<64xf32> to vector<64x1xf32>
    %eq3A_475 = vector.broadcast %broadcast_in_dim3A_474 : vector<64x1xf32> to vector<64x64xf32>
    %eq3A_476 = arith.cmpf oeq, %select_n3A_470, %eq3A_475 : vector<64x64xf32>
    %jit3A_477 = arith.constant 64 : i32
    %broadcast_in_dim3A_478 = vector.shape_cast %iota3A_471 : vector<1x64xi32> to vector<1x64xi32>
    %broadcast_in_dim3A_479 = vector.broadcast %broadcast_in_dim3A_478 : vector<1x64xi32> to vector<64x64xi32>
    %broadcast_in_dim3A_480 = vector.broadcast %jit3A_477 : i32 to vector<64x64xi32>
    %select_n3A_481 = arith.select %eq3A_476, %broadcast_in_dim3A_479, %broadcast_in_dim3A_480 : vector<64x64xi1>, vector<64x64xi32>
    %reduce_min3A_482 = arith.constant dense<2147483647> : vector<64xi32>
    %reduce_min3A_483 = vector.multi_reduction <minsi>, %select_n3A_481, %reduce_min3A_482 [1] : vector<64x64xi32> to vector<64xi32>
    %broadcast_in_dim3A_484 = vector.shape_cast %reduce_min3A_483 : vector<64xi32> to vector<64x1xi32>
    %eq3A_485 = vector.broadcast %iota3A_471 : vector<1x64xi32> to vector<64x64xi32>
    %eq3A_486 = vector.broadcast %broadcast_in_dim3A_484 : vector<64x1xi32> to vector<64x64xi32>
    %eq3A_487 = arith.cmpi eq, %eq3A_485, %eq3A_486 : vector<64x64xi32>
    %jit3A_488 = arith.constant 0x7F800000 : f32
    %broadcast_in_dim3A_489 = vector.broadcast %jit3A_488 : f32 to vector<64x64xf32>
    %select_n3A_490 = arith.select %eq3A_487, %broadcast_in_dim3A_489, %select_n3A_470 : vector<64x64xi1>, vector<64x64xf32>
    %reduce_min3A_491 = arith.constant dense<0x7F800000> : vector<64xf32>
    %reduce_min3A_492 = vector.multi_reduction <minimumf>, %select_n3A_490, %reduce_min3A_491 [1] : vector<64x64xf32> to vector<64xf32>
    %broadcast_in_dim3A_493 = vector.shape_cast %reduce_min3A_492 : vector<64xf32> to vector<64x1xf32>
    %eq3A_494 = vector.broadcast %broadcast_in_dim3A_493 : vector<64x1xf32> to vector<64x64xf32>
    %eq3A_495 = arith.cmpf oeq, %select_n3A_490, %eq3A_494 : vector<64x64xf32>
    %jit3A_496 = arith.constant 64 : i32
    %broadcast_in_dim3A_497 = vector.shape_cast %iota3A_471 : vector<1x64xi32> to vector<1x64xi32>
    %broadcast_in_dim3A_498 = vector.broadcast %broadcast_in_dim3A_497 : vector<1x64xi32> to vector<64x64xi32>
    %broadcast_in_dim3A_499 = vector.broadcast %jit3A_496 : i32 to vector<64x64xi32>
    %select_n3A_500 = arith.select %eq3A_495, %broadcast_in_dim3A_498, %broadcast_in_dim3A_499 : vector<64x64xi1>, vector<64x64xi32>
    %reduce_min3A_501 = arith.constant dense<2147483647> : vector<64xi32>
    %reduce_min3A_502 = vector.multi_reduction <minsi>, %select_n3A_500, %reduce_min3A_501 [1] : vector<64x64xi32> to vector<64xi32>
    %broadcast_in_dim3A_503 = vector.shape_cast %reduce_min3A_502 : vector<64xi32> to vector<64x1xi32>
    %eq3A_504 = vector.broadcast %iota3A_471 : vector<1x64xi32> to vector<64x64xi32>
    %eq3A_505 = vector.broadcast %broadcast_in_dim3A_503 : vector<64x1xi32> to vector<64x64xi32>
    %eq3A_506 = arith.cmpi eq, %eq3A_504, %eq3A_505 : vector<64x64xi32>
    %jit3A_507 = arith.constant 0x7F800000 : f32
    %broadcast_in_dim3A_508 = vector.broadcast %jit3A_507 : f32 to vector<64x64xf32>
    %select_n3A_509 = arith.select %eq3A_506, %broadcast_in_dim3A_508, %select_n3A_490 : vector<64x64xi1>, vector<64x64xf32>
    %reduce_min3A_510 = arith.constant dense<0x7F800000> : vector<64xf32>
    %reduce_min3A_511 = vector.multi_reduction <minimumf>, %select_n3A_509, %reduce_min3A_510 [1] : vector<64x64xf32> to vector<64xf32>
    %broadcast_in_dim3A_512 = vector.shape_cast %reduce_min3A_511 : vector<64xf32> to vector<64x1xf32>
    %eq3A_513 = vector.broadcast %broadcast_in_dim3A_512 : vector<64x1xf32> to vector<64x64xf32>
    %eq3A_514 = arith.cmpf oeq, %select_n3A_509, %eq3A_513 : vector<64x64xf32>
    %jit3A_515 = arith.constant 64 : i32
    %broadcast_in_dim3A_516 = vector.shape_cast %iota3A_471 : vector<1x64xi32> to vector<1x64xi32>
    %broadcast_in_dim3A_517 = vector.broadcast %broadcast_in_dim3A_516 : vector<1x64xi32> to vector<64x64xi32>
    %broadcast_in_dim3A_518 = vector.broadcast %jit3A_515 : i32 to vector<64x64xi32>
    %select_n3A_519 = arith.select %eq3A_514, %broadcast_in_dim3A_517, %broadcast_in_dim3A_518 : vector<64x64xi1>, vector<64x64xi32>
    %reduce_min3A_520 = arith.constant dense<2147483647> : vector<64xi32>
    %reduce_min3A_521 = vector.multi_reduction <minsi>, %select_n3A_519, %reduce_min3A_520 [1] : vector<64x64xi32> to vector<64xi32>
    %broadcast_in_dim3A_522 = vector.shape_cast %reduce_min3A_521 : vector<64xi32> to vector<64x1xi32>
    %iota3A_523 = tpu.iota {dimensions = array<i32: 1>} : vector<1x64xi32>
    %eq3A_524 = vector.broadcast %broadcast_in_dim3A_484 : vector<64x1xi32> to vector<64x64xi32>
    %eq3A_525 = vector.broadcast %iota3A_523 : vector<1x64xi32> to vector<64x64xi32>
    %eq3A_526 = arith.cmpi eq, %eq3A_524, %eq3A_525 : vector<64x64xi32>
    %convert_element_type3A_527 = arith.extui %eq3A_526 : vector<64x64xi1> to vector<64x64xi32>
    %convert_element_type3A_528 = arith.sitofp %convert_element_type3A_527 : vector<64x64xi32> to vector<64x64xf32>
    %dot_general3A_529 = arith.constant dense<0.000000e+00> : vector<64x256xf32>
    %dot_general3A_530 = tpu.matmul %convert_element_type3A_528, %max3A_444, %dot_general3A_529 {dimension_numbers = #tpu.dot_dimension_numbers<[1], [0], [0], [1], [0, 0, 1, 1], [], []>, precision = #tpu.contract_precision<fp32>, transpose_lhs_hint = false} : vector<64x64xf32>, vector<64x256xf32>, vector<64x256xf32> -> vector<64x256xf32>
    %sub3A_531 = arith.subf %dot_general3A_530, %max3A_444 : vector<64x256xf32>
    %concatenate3A_532 = tpu.concatenate %max3A_444, %sub3A_531 in 1 : vector<64x256xf32>, vector<64x256xf32> -> vector<64x512xf32>
    %get3A_533 = arith.constant 0 : index
    %get3A_534 = arith.constant 0 : index
    %get3A_535 = vector.load %arg5[%get3A_533, %get3A_534] : memref<512x256xf32, #tpu.memory_space<vmem>>, vector<512x256xf32>
    %dot_general3A_536 = arith.constant dense<0.000000e+00> : vector<64x256xf32>
    %dot_general3A_537 = tpu.matmul %concatenate3A_532, %get3A_535, %dot_general3A_536 {dimension_numbers = #tpu.dot_dimension_numbers<[1], [0], [0], [1], [0, 0, 1, 1], [], []>, transpose_lhs_hint = false} : vector<64x512xf32>, vector<512x256xf32>, vector<64x256xf32> -> vector<64x256xf32>
    %get3A_538 = arith.constant 0 : index
    %get3A_539 = arith.constant 0 : index
    %get3A_540 = vector.load %arg6[%get3A_538, %get3A_539] : memref<1x256xf32, #tpu.memory_space<vmem>>, vector<1x256xf32>
    %add3A_541 = vector.broadcast %get3A_540 : vector<1x256xf32> to vector<64x256xf32>
    %add3A_542 = arith.addf %dot_general3A_537, %add3A_541 : vector<64x256xf32>
    %gt3A_543 = arith.constant 0.000000e+00 : f32
    %gt3A_544 = vector.broadcast %gt3A_543 : f32 to vector<64x256xf32>
    %gt3A_545 = arith.cmpf ogt, %add3A_542, %gt3A_544 : vector<64x256xf32>
    %exp3A_546 = math.exp %add3A_542 : vector<64x256xf32>
    %sub3A_547 = arith.constant 1.000000e+00 : f32
    %sub3A_548 = vector.broadcast %sub3A_547 : f32 to vector<64x256xf32>
    %sub3A_549 = arith.subf %exp3A_546, %sub3A_548 : vector<64x256xf32>
    %mul3A_550 = arith.constant 1.67326319 : f32
    %mul3A_551 = vector.broadcast %mul3A_550 : f32 to vector<64x256xf32>
    %mul3A_552 = arith.mulf %mul3A_551, %sub3A_549 : vector<64x256xf32>
    %select_n3A_553 = arith.select %gt3A_545, %add3A_542, %mul3A_552 : vector<64x256xi1>, vector<64x256xf32>
    %mul3A_554 = arith.constant 1.05070102 : f32
    %mul3A_555 = vector.broadcast %mul3A_554 : f32 to vector<64x256xf32>
    %mul3A_556 = arith.mulf %mul3A_555, %select_n3A_553 : vector<64x256xf32>
    %iota3A_557 = tpu.iota {dimensions = array<i32: 1>} : vector<1x64xi32>
    %eq3A_558 = vector.broadcast %broadcast_in_dim3A_503 : vector<64x1xi32> to vector<64x64xi32>
    %eq3A_559 = vector.broadcast %iota3A_557 : vector<1x64xi32> to vector<64x64xi32>
    %eq3A_560 = arith.cmpi eq, %eq3A_558, %eq3A_559 : vector<64x64xi32>
    %convert_element_type3A_561 = arith.extui %eq3A_560 : vector<64x64xi1> to vector<64x64xi32>
    %convert_element_type3A_562 = arith.sitofp %convert_element_type3A_561 : vector<64x64xi32> to vector<64x64xf32>
    %dot_general3A_563 = arith.constant dense<0.000000e+00> : vector<64x256xf32>
    %dot_general3A_564 = tpu.matmul %convert_element_type3A_562, %max3A_444, %dot_general3A_563 {dimension_numbers = #tpu.dot_dimension_numbers<[1], [0], [0], [1], [0, 0, 1, 1], [], []>, precision = #tpu.contract_precision<fp32>, transpose_lhs_hint = false} : vector<64x64xf32>, vector<64x256xf32>, vector<64x256xf32> -> vector<64x256xf32>
    %sub3A_565 = arith.subf %dot_general3A_564, %max3A_444 : vector<64x256xf32>
    %concatenate3A_566 = tpu.concatenate %max3A_444, %sub3A_565 in 1 : vector<64x256xf32>, vector<64x256xf32> -> vector<64x512xf32>
    %get3A_567 = arith.constant 0 : index
    %get3A_568 = arith.constant 0 : index
    %get3A_569 = vector.load %arg5[%get3A_567, %get3A_568] : memref<512x256xf32, #tpu.memory_space<vmem>>, vector<512x256xf32>
    %dot_general3A_570 = arith.constant dense<0.000000e+00> : vector<64x256xf32>
    %dot_general3A_571 = tpu.matmul %concatenate3A_566, %get3A_569, %dot_general3A_570 {dimension_numbers = #tpu.dot_dimension_numbers<[1], [0], [0], [1], [0, 0, 1, 1], [], []>, transpose_lhs_hint = false} : vector<64x512xf32>, vector<512x256xf32>, vector<64x256xf32> -> vector<64x256xf32>
    %get3A_572 = arith.constant 0 : index
    %get3A_573 = arith.constant 0 : index
    %get3A_574 = vector.load %arg6[%get3A_572, %get3A_573] : memref<1x256xf32, #tpu.memory_space<vmem>>, vector<1x256xf32>
    %add3A_575 = vector.broadcast %get3A_574 : vector<1x256xf32> to vector<64x256xf32>
    %add3A_576 = arith.addf %dot_general3A_571, %add3A_575 : vector<64x256xf32>
    %gt3A_577 = arith.constant 0.000000e+00 : f32
    %gt3A_578 = vector.broadcast %gt3A_577 : f32 to vector<64x256xf32>
    %gt3A_579 = arith.cmpf ogt, %add3A_576, %gt3A_578 : vector<64x256xf32>
    %exp3A_580 = math.exp %add3A_576 : vector<64x256xf32>
    %sub3A_581 = arith.constant 1.000000e+00 : f32
    %sub3A_582 = vector.broadcast %sub3A_581 : f32 to vector<64x256xf32>
    %sub3A_583 = arith.subf %exp3A_580, %sub3A_582 : vector<64x256xf32>
    %mul3A_584 = arith.constant 1.67326319 : f32
    %mul3A_585 = vector.broadcast %mul3A_584 : f32 to vector<64x256xf32>
    %mul3A_586 = arith.mulf %mul3A_585, %sub3A_583 : vector<64x256xf32>
    %select_n3A_587 = arith.select %gt3A_579, %add3A_576, %mul3A_586 : vector<64x256xi1>, vector<64x256xf32>
    %mul3A_588 = arith.constant 1.05070102 : f32
    %mul3A_589 = vector.broadcast %mul3A_588 : f32 to vector<64x256xf32>
    %mul3A_590 = arith.mulf %mul3A_589, %select_n3A_587 : vector<64x256xf32>
    %max3A_591 = arith.maximumf %mul3A_556, %mul3A_590 : vector<64x256xf32>
    %iota3A_592 = tpu.iota {dimensions = array<i32: 1>} : vector<1x64xi32>
    %eq3A_593 = vector.broadcast %broadcast_in_dim3A_522 : vector<64x1xi32> to vector<64x64xi32>
    %eq3A_594 = vector.broadcast %iota3A_592 : vector<1x64xi32> to vector<64x64xi32>
    %eq3A_595 = arith.cmpi eq, %eq3A_593, %eq3A_594 : vector<64x64xi32>
    %convert_element_type3A_596 = arith.extui %eq3A_595 : vector<64x64xi1> to vector<64x64xi32>
    %convert_element_type3A_597 = arith.sitofp %convert_element_type3A_596 : vector<64x64xi32> to vector<64x64xf32>
    %dot_general3A_598 = arith.constant dense<0.000000e+00> : vector<64x256xf32>
    %dot_general3A_599 = tpu.matmul %convert_element_type3A_597, %max3A_444, %dot_general3A_598 {dimension_numbers = #tpu.dot_dimension_numbers<[1], [0], [0], [1], [0, 0, 1, 1], [], []>, precision = #tpu.contract_precision<fp32>, transpose_lhs_hint = false} : vector<64x64xf32>, vector<64x256xf32>, vector<64x256xf32> -> vector<64x256xf32>
    %sub3A_600 = arith.subf %dot_general3A_599, %max3A_444 : vector<64x256xf32>
    %concatenate3A_601 = tpu.concatenate %max3A_444, %sub3A_600 in 1 : vector<64x256xf32>, vector<64x256xf32> -> vector<64x512xf32>
    %get3A_602 = arith.constant 0 : index
    %get3A_603 = arith.constant 0 : index
    %get3A_604 = vector.load %arg5[%get3A_602, %get3A_603] : memref<512x256xf32, #tpu.memory_space<vmem>>, vector<512x256xf32>
    %dot_general3A_605 = arith.constant dense<0.000000e+00> : vector<64x256xf32>
    %dot_general3A_606 = tpu.matmul %concatenate3A_601, %get3A_604, %dot_general3A_605 {dimension_numbers = #tpu.dot_dimension_numbers<[1], [0], [0], [1], [0, 0, 1, 1], [], []>, transpose_lhs_hint = false} : vector<64x512xf32>, vector<512x256xf32>, vector<64x256xf32> -> vector<64x256xf32>
    %get3A_607 = arith.constant 0 : index
    %get3A_608 = arith.constant 0 : index
    %get3A_609 = vector.load %arg6[%get3A_607, %get3A_608] : memref<1x256xf32, #tpu.memory_space<vmem>>, vector<1x256xf32>
    %add3A_610 = vector.broadcast %get3A_609 : vector<1x256xf32> to vector<64x256xf32>
    %add3A_611 = arith.addf %dot_general3A_606, %add3A_610 : vector<64x256xf32>
    %gt3A_612 = arith.constant 0.000000e+00 : f32
    %gt3A_613 = vector.broadcast %gt3A_612 : f32 to vector<64x256xf32>
    %gt3A_614 = arith.cmpf ogt, %add3A_611, %gt3A_613 : vector<64x256xf32>
    %exp3A_615 = math.exp %add3A_611 : vector<64x256xf32>
    %sub3A_616 = arith.constant 1.000000e+00 : f32
    %sub3A_617 = vector.broadcast %sub3A_616 : f32 to vector<64x256xf32>
    %sub3A_618 = arith.subf %exp3A_615, %sub3A_617 : vector<64x256xf32>
    %mul3A_619 = arith.constant 1.67326319 : f32
    %mul3A_620 = vector.broadcast %mul3A_619 : f32 to vector<64x256xf32>
    %mul3A_621 = arith.mulf %mul3A_620, %sub3A_618 : vector<64x256xf32>
    %select_n3A_622 = arith.select %gt3A_614, %add3A_611, %mul3A_621 : vector<64x256xi1>, vector<64x256xf32>
    %mul3A_623 = arith.constant 1.05070102 : f32
    %mul3A_624 = vector.broadcast %mul3A_623 : f32 to vector<64x256xf32>
    %mul3A_625 = arith.mulf %mul3A_624, %select_n3A_622 : vector<64x256xf32>
    %max3A_626 = arith.maximumf %max3A_591, %mul3A_625 : vector<64x256xf32>
    %add3A_627 = arith.addf %max3A_444, %max3A_626 : vector<64x256xf32>
    %get3A_628 = arith.constant 0 : index
    %get3A_629 = arith.constant 0 : index
    %get3A_630 = vector.load %arg7[%get3A_628, %get3A_629] : memref<256x128xf32, #tpu.memory_space<vmem>>, vector<256x128xf32>
    %dot_general3A_631 = arith.constant dense<0.000000e+00> : vector<64x128xf32>
    %dot_general3A_632 = tpu.matmul %add3A_627, %get3A_630, %dot_general3A_631 {dimension_numbers = #tpu.dot_dimension_numbers<[1], [0], [0], [1], [0, 0, 1, 1], [], []>, transpose_lhs_hint = false} : vector<64x256xf32>, vector<256x128xf32>, vector<64x128xf32> -> vector<64x128xf32>
    %get3A_633 = arith.constant 0 : index
    %get3A_634 = arith.constant 0 : index
    %get3A_635 = vector.load %arg8[%get3A_633, %get3A_634] : memref<1x128xf32, #tpu.memory_space<vmem>>, vector<1x128xf32>
    %add3A_636 = vector.broadcast %get3A_635 : vector<1x128xf32> to vector<64x128xf32>
    %add3A_637 = arith.addf %dot_general3A_632, %add3A_636 : vector<64x128xf32>
    %gt3A_638 = arith.constant 0.000000e+00 : f32
    %gt3A_639 = vector.broadcast %gt3A_638 : f32 to vector<64x128xf32>
    %gt3A_640 = arith.cmpf ogt, %add3A_637, %gt3A_639 : vector<64x128xf32>
    %exp3A_641 = math.exp %add3A_637 : vector<64x128xf32>
    %sub3A_642 = arith.constant 1.000000e+00 : f32
    %sub3A_643 = vector.broadcast %sub3A_642 : f32 to vector<64x128xf32>
    %sub3A_644 = arith.subf %exp3A_641, %sub3A_643 : vector<64x128xf32>
    %mul3A_645 = arith.constant 1.67326319 : f32
    %mul3A_646 = vector.broadcast %mul3A_645 : f32 to vector<64x128xf32>
    %mul3A_647 = arith.mulf %mul3A_646, %sub3A_644 : vector<64x128xf32>
    %select_n3A_648 = arith.select %gt3A_640, %add3A_637, %mul3A_647 : vector<64x128xi1>, vector<64x128xf32>
    %mul3A_649 = arith.constant 1.05070102 : f32
    %mul3A_650 = vector.broadcast %mul3A_649 : f32 to vector<64x128xf32>
    %mul3A_651 = arith.mulf %mul3A_650, %select_n3A_648 : vector<64x128xf32>
    %get3A_652 = arith.constant 0 : index
    %get3A_653 = arith.constant 0 : index
    %get3A_654 = vector.load %arg9[%get3A_652, %get3A_653] : memref<128x64xf32, #tpu.memory_space<vmem>>, vector<128x64xf32>
    %dot_general3A_655 = arith.constant dense<0.000000e+00> : vector<64x64xf32>
    %dot_general3A_656 = tpu.matmul %mul3A_651, %get3A_654, %dot_general3A_655 {dimension_numbers = #tpu.dot_dimension_numbers<[1], [0], [0], [1], [0, 0, 1, 1], [], []>, transpose_lhs_hint = false} : vector<64x128xf32>, vector<128x64xf32>, vector<64x64xf32> -> vector<64x64xf32>
    %get3A_657 = arith.constant 0 : index
    %get3A_658 = arith.constant 0 : index
    %get3A_659 = vector.load %arg10[%get3A_657, %get3A_658] : memref<1x64xf32, #tpu.memory_space<vmem>>, vector<1x64xf32>
    %add3A_660 = vector.broadcast %get3A_659 : vector<1x64xf32> to vector<64x64xf32>
    %add3A_661 = arith.addf %dot_general3A_656, %add3A_660 : vector<64x64xf32>
    %gt3A_662 = arith.constant 0.000000e+00 : f32
    %gt3A_663 = vector.broadcast %gt3A_662 : f32 to vector<64x64xf32>
    %gt3A_664 = arith.cmpf ogt, %add3A_661, %gt3A_663 : vector<64x64xf32>
    %exp3A_665 = math.exp %add3A_661 : vector<64x64xf32>
    %sub3A_666 = arith.constant 1.000000e+00 : f32
    %sub3A_667 = vector.broadcast %sub3A_666 : f32 to vector<64x64xf32>
    %sub3A_668 = arith.subf %exp3A_665, %sub3A_667 : vector<64x64xf32>
    %mul3A_669 = arith.constant 1.67326319 : f32
    %mul3A_670 = vector.broadcast %mul3A_669 : f32 to vector<64x64xf32>
    %mul3A_671 = arith.mulf %mul3A_670, %sub3A_668 : vector<64x64xf32>
    %select_n3A_672 = arith.select %gt3A_664, %add3A_661, %mul3A_671 : vector<64x64xi1>, vector<64x64xf32>
    %mul3A_673 = arith.constant 1.05070102 : f32
    %mul3A_674 = vector.broadcast %mul3A_673 : f32 to vector<64x64xf32>
    %mul3A_675 = arith.mulf %mul3A_674, %select_n3A_672 : vector<64x64xf32>
    %get3A_676 = arith.constant 0 : index
    %get3A_677 = arith.constant 0 : index
    %get3A_678 = vector.load %arg11[%get3A_676, %get3A_677] : memref<64x64xf32, #tpu.memory_space<vmem>>, vector<64x64xf32>
    %dot_general3A_679 = arith.constant dense<0.000000e+00> : vector<64x64xf32>
    %dot_general3A_680 = tpu.matmul %mul3A_675, %get3A_678, %dot_general3A_679 {dimension_numbers = #tpu.dot_dimension_numbers<[1], [0], [0], [1], [0, 0, 1, 1], [], []>, transpose_lhs_hint = false} : vector<64x64xf32>, vector<64x64xf32>, vector<64x64xf32> -> vector<64x64xf32>
    %get3A_681 = arith.constant 0 : index
    %get3A_682 = arith.constant 0 : index
    %get3A_683 = vector.load %arg12[%get3A_681, %get3A_682] : memref<1x64xf32, #tpu.memory_space<vmem>>, vector<1x64xf32>
    %add3A_684 = vector.broadcast %get3A_683 : vector<1x64xf32> to vector<64x64xf32>
    %add3A_685 = arith.addf %dot_general3A_680, %add3A_684 : vector<64x64xf32>
    %swap3A = arith.constant 0 : index
    %swap3A_686 = arith.constant 0 : index
    %swap3A_687 = vector.load %arg13[%swap3A, %swap3A_686] : memref<64x64xf32, #tpu.memory_space<vmem>>, vector<64x64xf32>
    tpu.vector_store %arg13[%swap3A, %swap3A_686], %add3A_685 {strides = array<i32>} : memref<64x64xf32, #tpu.memory_space<vmem>>, vector<64x64xf32>,
    return
  }
  func.func @transform_0(%arg0: i32) -> (i32, i32) {
    %c0_i32 = arith.constant 0 : i32
    %c0_i32_0 = arith.constant 0 : i32
    %c0_i32_1 = arith.constant 0 : i32
    return %c0_i32, %c0_i32_0 : i32, i32
  }
  func.func @transform_1(%arg0: i32) -> (i32, i32) {
    %c0_i32 = arith.constant 0 : i32
    %c0_i32_0 = arith.constant 0 : i32
    %c0_i32_1 = arith.constant 0 : i32
    return %c0_i32, %c0_i32_0 : i32, i32
  }
  func.func @transform_2(%arg0: i32) -> (i32, i32) {
    %c0_i32 = arith.constant 0 : i32
    %c0_i32_0 = arith.constant 0 : i32
    %c0_i32_1 = arith.constant 0 : i32
    return %c0_i32, %c0_i32_0 : i32, i32
  }
  func.func @transform_3(%arg0: i32) -> (i32, i32) {
    %c0_i32 = arith.constant 0 : i32
    %c0_i32_0 = arith.constant 0 : i32
    %c0_i32_1 = arith.constant 0 : i32
    return %c0_i32, %c0_i32_0 : i32, i32
  }
  func.func @transform_4(%arg0: i32) -> (i32, i32) {
    %c0_i32 = arith.constant 0 : i32
    %c0_i32_0 = arith.constant 0 : i32
    %c0_i32_1 = arith.constant 0 : i32
    return %c0_i32, %c0_i32_0 : i32, i32
  }
  func.func @transform_5(%arg0: i32) -> (i32, i32) {
    %c0_i32 = arith.constant 0 : i32
    %c0_i32_0 = arith.constant 0 : i32
    %c0_i32_1 = arith.constant 0 : i32
    return %c0_i32, %c0_i32_0 : i32, i32
  }
  func.func @transform_6(%arg0: i32) -> (i32, i32) {
    %c0_i32 = arith.constant 0 : i32
    %c0_i32_0 = arith.constant 0 : i32
    %c0_i32_1 = arith.constant 0 : i32
    return %c0_i32, %c0_i32_0 : i32, i32
  }
  func.func @transform_7(%arg0: i32) -> (i32, i32) {
    %c0_i32 = arith.constant 0 : i32
    %c0_i32_0 = arith.constant 0 : i32
    %c0_i32_1 = arith.constant 0 : i32
    return %c0_i32, %c0_i32_0 : i32, i32
  }
  func.func @transform_8(%arg0: i32) -> (i32, i32) {
    %c0_i32 = arith.constant 0 : i32
    %c0_i32_0 = arith.constant 0 : i32
    %c0_i32_1 = arith.constant 0 : i32
    return %c0_i32, %c0_i32_0 : i32, i32
  }
  func.func @transform_9(%arg0: i32) -> (i32, i32) {
    %c0_i32 = arith.constant 0 : i32
    %c0_i32_0 = arith.constant 0 : i32
    %c0_i32_1 = arith.constant 0 : i32
    return %c0_i32, %c0_i32_0 : i32, i32
  }
  func.func @transform_10(%arg0: i32) -> (i32, i32) {
    %c0_i32 = arith.constant 0 : i32
    %c0_i32_0 = arith.constant 0 : i32
    %c0_i32_1 = arith.constant 0 : i32
    return %c0_i32, %c0_i32_0 : i32, i32
  }
  func.func @transform_11(%arg0: i32) -> (i32, i32) {
    %c0_i32 = arith.constant 0 : i32
    %c0_i32_0 = arith.constant 0 : i32
    %c0_i32_1 = arith.constant 0 : i32
    return %c0_i32, %c0_i32_0 : i32, i32
  }
  func.func @transform_12(%arg0: i32) -> (i32, i32) {
    %c0_i32 = arith.constant 0 : i32
    %c0_i32_0 = arith.constant 0 : i32
    %c0_i32_1 = arith.constant 0 : i32
    return %c0_i32, %c0_i32_0 : i32, i32
  }
}

</mosaic_0001>

<sc_bundles>
// kernel: kernel.23.cloned.1.call-start
scs
__scs_entry_jumppad:
0x0: {  	(pc) =	sbr.rel $0x88, $3  }
0x1: {  	(tag) =	ssettag $0x0;
	lr =	simm.s32 $0x1  }
0x2: {  	[smem:$0x3F88] =	sst lr;
	_ =	strace $0xD0000000  }
0x3: {  	_ = 	snop  }
0x4: {  	_ = 	snop  }
0x5: {  	_ = 	snop  }
0x6: {  	_ = 	snop  }
0x7: {  	_ = 	snop  }
__scs_overlays_trampoline_lowered:
0x8: {  	[smem:$0x3F97] =	sst s0  }
0x9: {  	[smem:$0x3F98] =	sst s1  }
0xa: {  	[smem:$0x3F99] =	sst s2  }
0xb: {  	[smem:$0x3F9A] =	sst s3  }
0xc: {  	[smem:$0x3F9B] =	sst s4  }
0xd: {  	[smem:$0x3F9C] =	sst s5  }
0xe: {  	[smem:$0x3F9D] =	sst s6  }
0xf: {  	[smem:$0x3F9E] =	sst s7  }
0x10: {  	[smem:$0x3F9F] =	sst s8  }
0x11: {  	[smem:$0x3FA0] =	sst s9;
	s0 =	simm.s32 @!p0 $0x0  }
0x12: {  	s1 =	sld [smem:$0x3F86];
	s0 =	simm.s32 @p0 $0x1  }
0x13: {  	[smem:$0x3FA1] =	sst s0;
	s0 =	simm.s32 @!p1 $0x0  }
0x14: {  	s2 =	sld [smem:$0x3F85];
	s0 =	simm.s32 @p1 $0x1  }
0x15: {  	[smem:$0x3FA2] =	sst s0;
	s0 =	simm.s32 @!p2 $0x0  }
0x16: {  	s3 =	sld [smem:$0x3FDB];
	s0 =	simm.s32 @p2 $0x1  }
0x17: {  	s4 =	simm.s32 $0x1BF5;
	[smem:$0x3FA4] =	sst s0  }
0x18: {  	s0 =	sld [smem:$0x3F87];
	_ =	swait.ge [sflag:s4], $0x0  }
0x19: {  	s7 =	sld [smem:$0x3F88]  }
0x1a: {  	s8 =	sadd.s32 $0xFFFFE003, lr  }
0x1b: {  	s9 =	sadd.s32 $0xFFFFFEF7, lr;
	s5 =	simm.s32 $0xFFFFFFFF;
	p2 =	slt.u32 s8, $0xFFFFF086  }
0x1c: {  	p1 =	slt.u32 s9, $0xF7A;
	s5 =	simm.s32 @!p2 $0x0  }
0x1d: {  	s5 =	simm.s32 @p1 $0x1;
	p0 =	seq.s32 s7, s2  }
0x1e: {  	s7 =	smul.u32 @!p0 $0xF7A, s2;
	p2 =	seq.s32 @!p0 s5, $0x0  }
0x1f: {  	s9 =	smul.u32 $0xF7A, s1;
	s8 =	simm.s32 @!p0 $0x1BF5;
	p2 =	por !p2, p0  }
0x20: {  	[sflag:s8] =	ssyncset.s32 @!p0 $0xFFFFF086;
	s6 =	sadd.s32 @!p0 s3, s7;
	s7 =	simm.s32 @!p0 $0x108  }
0x21: {  	s3 =	sadd.s32 s3, s9;
	s6 =	sadd.s32 @!p0 $0x88, s6;
	s7 =	simm.s32 @p2 $0x1082  }
0x22: {  	[simem:s7], [sflag:s8] =	dma.local @!p0 [hbm:s6], $0xF7A  }
0x23: {  	s9 =	sor.u32 $0xD0000000, s2;
	s6 =	simm.s32 $0x108;
	_ =	swait.ge @!p0 [sflag:s8], $0x0  }
0x24: {  	s3 =	sadd.s32 $0x88, s3;
	s6 =	simm.s32 @!p1 $0x1082;
	[sflag:s4] =	ssyncset.s32 $0xFFFFF086  }
0x25: {  	[simem:s6], [sflag:s4] =	dma.local [hbm:s3], $0xF7A  }
0x26: {  	[smem:$0x3F88] =	sst s1;
	(tag) =	ssettag s2;
	_ =	strace s9  }
0x27: {  	s1 =	sld [smem:$0x3F98]  }
0x28: {  	s2 =	sld [smem:$0x3F99]  }
0x29: {  	s4 =	sld [smem:$0x3F9B]  }
0x2a: {  	p0 =	seq.s32 s5, $0x0;
	s5 =	sld [smem:$0x3F9C]  }
0x2b: {  	s6 =	sld [smem:$0x3F9D]  }
0x2c: {  	s7 =	sld [smem:$0x3F9E]  }
0x2d: {  	s3 =	simm.s32 $0x108;
	s8 =	sld [smem:$0x3F9F]  }
0x2e: {  	s3 =	simm.s32 @!p0 $0x1082;
	s9 =	sld [smem:$0x3FA0]  }
0x2f: {  	lr =	sadd.s32 s0, s3;
	s0 =	sld [smem:$0x3F97]  }
0x30: {  	s3 =	sld [smem:$0x3F9A]  }
0x31: {  	[smem:$0x3FA3] =	sst s10  }
0x32: {  	s10 =	sld [smem:$0x3FA1];
	_ =	sdelay $0x3  }
0x33: {  	p0 =	seq.s32 s10, $0x1;
	s10 =	sld [smem:$0x3FA3];
	_ =	sdelay $0x3  }
0x34: {  	[smem:$0x3FA3] =	sst s10  }
0x35: {  	s10 =	sld [smem:$0x3FA2];
	_ =	sdelay $0x3  }
0x36: {  	p1 =	seq.s32 s10, $0x1;
	s10 =	sld [smem:$0x3FA3];
	_ =	sdelay $0x3  }
0x37: {  	[smem:$0x3FA3] =	sst s10  }
0x38: {  	s10 =	sld [smem:$0x3FA4]  }
0x39: {  	_ = 	snop;
	(pc) =	sbr.ind lr, $3  }
0x3a: {  	_ = 	snop  }
0x3b: {  	_ = 	snop  }
0x3c: {  	p2 =	seq.s32 s10, $0x1;
	s10 =	sld [smem:$0x3FA3]  }
0x3d: {  	_ =	shalt  }
0x3e: {  	_ =	shalt  }
0x3f: {  	_ =	shalt  }
0x40: {  	_ =	shalt  }
0x41: {  	_ =	shalt  }
0x42: {  	_ =	shalt  }
0x43: {  	_ =	shalt  }
0x44: {  	_ =	shalt  }
0x45: {  	_ =	shalt  }
0x46: {  	_ =	shalt  }
0x47: {  	_ =	shalt  }
0x48: {  	_ =	shalt  }
0x49: {  	_ =	shalt  }
0x4a: {  	_ =	shalt  }
0x4b: {  	_ =	shalt  }
0x4c: {  	_ =	shalt  }
0x4d: {  	_ =	shalt  }
0x4e: {  	_ =	shalt  }
0x4f: {  	_ =	shalt  }
0x50: {  	_ =	shalt  }
0x51: {  	_ =	shalt  }
0x52: {  	_ =	shalt  }
0x53: {  	_ =	shalt  }
0x54: {  	_ =	shalt  }
0x55: {  	_ =	shalt  }
0x56: {  	_ =	shalt  }
0x57: {  	_ =	shalt  }
0x58: {  	_ =	shalt  }
0x59: {  	_ =	shalt  }
0x5a: {  	_ =	shalt  }
0x5b: {  	_ =	shalt  }
0x5c: {  	_ =	shalt  }
0x5d: {  	_ =	shalt  }
0x5e: {  	_ =	shalt  }
0x5f: {  	_ =	shalt  }
0x60: {  	_ =	shalt  }
0x61: {  	_ =	shalt  }
0x62: {  	_ =	shalt  }
0x63: {  	_ =	shalt  }
0x64: {  	_ =	shalt  }
0x65: {  	_ =	shalt  }
0x66: {  	_ =	shalt  }
0x67: {  	_ =	shalt  }
0x68: {  	_ =	shalt  }
0x69: {  	_ =	shalt  }
0x6a: {  	_ =	shalt  }
0x6b: {  	_ =	shalt  }
0x6c: {  	_ =	shalt  }
0x6d: {  	_ =	shalt  }
0x6e: {  	_ =	shalt  }
0x6f: {  	_ =	shalt  }
0x70: {  	_ =	shalt  }
0x71: {  	_ =	shalt  }
0x72: {  	_ =	shalt  }
0x73: {  	_ =	shalt  }
0x74: {  	_ =	shalt  }
0x75: {  	_ =	shalt  }
0x76: {  	_ =	shalt  }
0x77: {  	_ =	shalt  }
0x78: {  	_ =	shalt  }
0x79: {  	_ =	shalt  }
0x7a: {  	_ =	shalt  }
0x7b: {  	_ =	shalt  }
0x7c: {  	_ =	shalt  }
0x7d: {  	_ =	shalt  }
0x7e: {  	_ =	shalt  }
0x7f: {  	_ =	shalt  }
0x80: {  	_ =	shalt  }
0x81: {  	_ =	shalt  }
0x82: {  	_ =	shalt  }
0x83: {  	_ =	shalt  }
0x84: {  	_ =	shalt  }
0x85: {  	_ =	shalt  }
0x86: {  	_ =	shalt  }
0x87: {  	_ =	shalt  }
.Lfunc_end0:
.L_simem_size_0:
called_computation_lowered:
.L_overlay_start_0:
0x88: {  	s2 =	sld [smem:$0x3FD9]  }
0x89: {  	s3 =	sld [smem:$0x3FFE];
	_ =	sdelay $0x1  }
0x8a: {  	s1 =	srdreg.scid  }
0x8b: {  	s0 =	sand.u32 $0x1, s1  }
0x8c: {  	s14 =	sshll.u32 s0, $0xA;
	s2 =	sadd.s32 s3, s2  }
0x8d: {  	s2 =	sadd.s32 s2, s14  }
0x8e: {  	[smem:$0x3FAF] =	sst s2  }
0x8f: {  	_ = 	snop  }
0x90: {  	s2 =	sld [smem:$0x3FD0];
	_ =	sdelay $0x2  }
0x91: {  	s15 =	simm.s32 $0xB;
	s4 =	simm.s32 $0x10  }
0x92: {  	[smem:s4], [sflag:s15] =	dma.local [hbm:s2], $0x1  }
0x93: {  	_ =	swait.eq [sflag:s15], $0x1  }
0x94: {  	[sflag:s15] =	ssyncset.done $0x0  }
0x95: {  	[sflag:s15] =	ssyncadd.s32 $0xFFFFFFFF  }
0x96: {  	s16 =	sld [smem:$0x10];
	(tm) =	ssettm $0x1  }
0x97: {  	s17 =	sld [smem:$0x3FFB];
	_ =	sdelay $0x3  }
0x98: {  	_ =	strace s17  }
0x99: {  	s3 =	sld [smem:$0x3FFC];
	_ =	sdelay $0x3  }
0x9a: {  	_ =	strace s3  }
0x9b: {  	s3 =	sld [smem:$0x3FFD];
	_ =	sdelay $0x3  }
0x9c: {  	_ =	strace s3  }
0x9d: {  	_ =	strace $0x8FFFFFFF  }
0x9e: {  	s18 =	sld [smem:$0x3FDB];
	_ =	sdelay $0x1  }
0x9f: {  	s19 =	simm.s32 $_scs_section_size  }
0xa0: {  	s5 =	simm.s32 $_size__tile_overlayer_lowered;
	s6 =	simm.s32 $_tile_overlayer_lowered  }
0xa1: {  	s22 =	simm.s32 $0x1BFF;
	s21 =	sshll.u32 s6, $0x1;
	s3 =	sadd.s32 s19, s18  }
0xa2: {  	s7 =	simm.s32 $0x0;
	s20 =	sshll.u32 s5, $0x1;
	s5 =	sadd.s32 s21, s3  }
0xa3: {  	[timem:s7], [sflag:s22] =	dma.local [hbm:s5], s20  }
0xa4: {  	_ =	swait.ge [sflag:s22], s20  }
0xa5: {  	s4 =	ssub.s32 $0x0, s20;
	[sflag:s22] =	ssyncset.done $0x0  }
0xa6: {  	[sflag:s22] =	ssyncadd.s32 s4;
	_ =	sdelay $0x1  }
0xa7: {  	s23 =	simm.s32 $0x1B8B  }
0xa8: {  	_ =	swait.ge [sflag:s23], $0x1  }
0xa9: {  	[sflag:s23] =	ssyncset.done $0x0  }
0xaa: {  	s25 =	simm.s32 $0x1B8E;
	s24 =	sld [smem:$0x3FFE];
	[sflag:s23] =	ssyncadd.s32 $0xFFFFFFFF  }
0xab: {  	s26 =	simm.s32 $execute0_lowered;
	[smem:$0x3FD2] =	sst s25  }
0xac: {  	s5 =	sshll.u32 s26, $0x1;
	_ =	strace $0x80000046;
	[dreg:$0x1] =	wrdreg $0xFFFFFFFF  }
0xad: {  	s28 =	simm.s32 $_size_execute0_lowered;
	s3 =	sadd.s32 s3, s5;
	[dreg:$0x0] =	wrdreg $0x0  }
0xae: {  	s5 =	sshll.u32 s28, $0x1;
	[dreg:$0x2] =	wrdreg s3  }
0xaf: {  	[dreg:$0x3] =	wrdreg s5  }
0xb0: {  	[dreg:$0x4] =	wrdreg $0xC0  }
0xb1: {  	_ =	task [dreg:s7], $0x5FFFF  }
0xb2: {  	[dreg:$0x1] =	wrdreg $0xFFFFFFFF  }
0xb3: {  	[dreg:$0x0] =	wrdreg $0x60  }
0xb4: {  	[dreg:$0x2] =	wrdreg s24  }
0xb5: {  	[dreg:$0x3] =	wrdreg s16  }
0xb6: {  	[dreg:$0x4] =	wrdreg $0x9  }
0xb7: {  	_ =	task.clear_ibuf [dreg:s7], $0x5FFFF;
	_ =	strace $0x90000046  }
0xb8: {  	s29 =	simm.s32 $0x9;
	_ =	strace $0x80000048  }
0xb9: {  	_ =	swait.ge [sflag:s29], $0x1  }
0xba: {  	[sflag:s29] =	ssyncadd.s32 $0xFFFFFFFF  }
0xbb: {  	_ =	strace $0x90000048  }
0xbc: {  	_ =	sfence  }
0xbd: {  	s30 =	sld [smem:$0x0];
	_ =	sdelay $0x2  }
0xbe: {  	s31 =	sshll.u32 s1, $0xD;
	s1 =	sshrl.u32 s1, $0x2  }
0xbf: {  	s3 =	sand.u32 $0x4000, s31;
	s1 =	sadd.s32 s1, s30  }
0xc0: {  	s0 =	sor.u32 s3, s0;
	s1 =	sshll.u32 s1, $0x11  }
0xc1: {  	s0 =	sor.u32 s1, s0  }
0xc2: {  	s0 =	sadd.s32 $0x8F2B, s0  }
0xc3: {  	[sflag:s0] =	ssyncadd.remote.s32 $0x1  }
0xc4: {  	_ =	sfence.sel $0xFFFF  }
0xc5: {  	[dreg:$0x0] =	wrdreg $0xFFFFFFFF;
	(pc) =	sbr.abs _section_cstart, $3  }
0xc6: {  	[dreg:$0x1] =	wrdreg $0xFFFFFFFF  }
0xc7: {  	_ =	task.clear_ibuf [dreg:s7], $0x2FFFF;
	_ =	strace $0x9FFFFFFF  }
0xc8: {  	(tm) =	ssettm $0x7FFFFFFF  }
0xc9: {  	_ =	shalt  }
tec
execute0_lowered:
.L_overlay_start_1:
0x0: {  	(tag) =	ssettag $0x1  }
0x1: {  	s1 =	srdreg.scid;
	s0 =	stileid.u32  }
0x2: {  	s9 =	rddreg [dreg:$0x0];
	s13 =	sand.u32 $0x1, s1;
	s31 =	sshll.u32 s0, $0x1  }
0x3: {  	s3 =	rddreg [dreg:$0x1];
	s6 =	sor.u32 s13, s31  }
0x4: {  	s2 =	simm.s32 $0x0;
	s1 =	rddreg [dreg:$0x2];
	s4 =	smul.u32 $0x78, s6  }
0x5: {  	[smem:$0x7FF] =	sst s2  }
0x6: {  	_ =	strace $0x80000047;
	s4 =	sadd.s32 s3, s4;
	s3 =	simm.s32 $0x2  }
0x7: {  	[tilespmem:s2], [sflag:$0x2] =	stream.linear.gather [hbm4b:s4+s2], $0x3C0, $0x38;
	[tilespmem:$0x7C00] =	vst v63  }
0x8: {  	s7 =	simm.s32 $0x400;
	_ =	swait.ge [sflag:s3], $0x3C0  }
0x9: {  	s8 =	simm.s32 $0x1;
	s5 =	sadd.s32 $0xA200, s9;
	[sflag:s3] =	ssyncset.done $0x0  }
0xa: {  	s10 =	smul.u32 $0x3C00, s6;
	s6 =	simm.s32 $0xF0;
	[sflag:s3] =	ssyncadd.s32 $0xFFFFFC40  }
0xb: {  	[tilespmem:s7], [sflag:$0x1] =	stream.indirect.gather [hbm4b:s5+s6], $0x80, s2, s6, $0xb8;
	[tilespmem:$0x7C00] =	vst v63  }
0xc: {  	_ =	swait.ge [sflag:s8], $0x7800  }
0xd: {  	s14 =	sadd.s32 s10, s9;
	[sflag:s8] =	ssyncset.done $0x0  }
0xe: {  	s9 =	sadd.s32 $0x7FE00, s14;
	[sflag:s8] =	ssyncadd.s32 $0xFFFF8800  }
0xf: {  	[hbm4b:s9+s2] =	stream.linear.scatter [tilespmem:s7], [sflag:$0x2], $0x7800, $0x38;
	[tilespmem:$0x7C00] =	vst v63  }
0x10: {  	_ =	swait.ge [sflag:s3], $0x7800  }
0x11: {  	[sflag:s3] =	ssyncset.done $0x0  }
0x12: {  	[sflag:s3] =	ssyncadd.s32 $0xFFFF8800  }
0x13: {  	[tilespmem:s7], [sflag:$0x1] =	stream.indirect.gather [hbm4b:s5+s6], $0x80, s6, s6, $0xb8;
	[tilespmem:$0x7C00] =	vst v63  }
0x14: {  	_ =	swait.ge [sflag:s8], $0x7800  }
0x15: {  	[sflag:s8] =	ssyncset.done $0x0  }
0x16: {  	s10 =	sadd.s32 $0x80D00, s14;
	[sflag:s8] =	ssyncadd.s32 $0xFFFF8800  }
0x17: {  	[hbm4b:s10+s2] =	stream.linear.scatter [tilespmem:s7], [sflag:$0x2], $0x7800, $0x38;
	[tilespmem:$0x7C00] =	vst v63  }
0x18: {  	_ =	swait.ge [sflag:s3], $0x7800  }
0x19: {  	[sflag:s3] =	ssyncset.done $0x0  }
0x1a: {  	s11 =	simm.s32 $0x1E0;
	[sflag:s3] =	ssyncadd.s32 $0xFFFF8800  }
0x1b: {  	[tilespmem:s7], [sflag:$0x1] =	stream.indirect.gather [hbm4b:s5+s6], $0x80, s11, s6, $0xb8;
	[tilespmem:$0x7C00] =	vst v63  }
0x1c: {  	_ =	swait.ge [sflag:s8], $0x7800  }
0x1d: {  	[sflag:s8] =	ssyncset.done $0x0  }
0x1e: {  	s15 =	ssub.s32 $0x2, s13;
	s12 =	sadd.s32 $0x81C00, s14;
	[sflag:s8] =	ssyncadd.s32 $0xFFFF8800  }
0x1f: {  	[hbm4b:s12+s2] =	stream.linear.scatter [tilespmem:s7], [sflag:$0x2], $0x7800, $0x38;
	[tilespmem:$0x7C00] =	vst v63  }
0x20: {  	s16 =	sshrl.u32 s15, $0x1;
	_ =	swait.ge [sflag:s3], $0x7800  }
0x21: {  	s15 =	ssub.s32 s15, s16;
	[sflag:s3] =	ssyncset.done $0x0  }
0x22: {  	s13 =	simm.s32 $0x2D0;
	s15 =	smax.u32 s15, $0x1;
	[sflag:s3] =	ssyncadd.s32 $0xFFFF8800  }
0x23: {  	[tilespmem:s7], [sflag:$0x1] =	stream.indirect.gather [hbm4b:s5+s6], $0x80, s13, s6, $0xb8;
	[tilespmem:$0x7C00] =	vst v63  }
0x24: {  	p0 =	sne.s32 s15, $0x1;
	_ =	swait.ge [sflag:s8], $0x7800  }
.Ltmp0:
0x25: {  	[sflag:s8] =	ssyncset.done $0x0;
	(pc) =	sbr.rel @!p0 .LBB2_2-.Ltmp0, $4  }
0x26: {  	s14 =	sadd.s32 $0x82B00, s14;
	[sflag:s8] =	ssyncadd.s32 $0xFFFF8800  }
0x27: {  	[hbm4b:s14+s2] =	stream.linear.scatter [tilespmem:s7], [sflag:$0x2], $0x7800, $0x38;
	[tilespmem:$0x7C00] =	vst v63  }
0x28: {  	_ =	swait.ge [sflag:s3], $0x7800  }
0x29: {  	s15 =	sadd.s32 $0xFFFFFFFF, s15;
	[sflag:s3] =	ssyncset.done $0x0  }
.LBB2_1:
0x2a: {  	p0 =	sne.s32 s15, $0x1;
	s15 =	sadd.s32 $0xFFFFFFFF, s15;
	[sflag:s3] =	ssyncadd.s32 $0xFFFF8800  }
0x2b: {  	[tilespmem:s2], [sflag:$0x2] =	stream.linear.gather [hbm4b:s4+s2], $0x3C0, $0x38;
	[tilespmem:$0x7C00] =	vst v63  }
0x2c: {  	_ =	swait.ge [sflag:s3], $0x3C0  }
0x2d: {  	[sflag:s3] =	ssyncset.done $0x0  }
0x2e: {  	[sflag:s3] =	ssyncadd.s32 $0xFFFFFC40  }
0x2f: {  	[tilespmem:s7], [sflag:$0x1] =	stream.indirect.gather [hbm4b:s5+s6], $0x80, s2, s6, $0xb8;
	[tilespmem:$0x7C00] =	vst v63  }
0x30: {  	_ =	swait.ge [sflag:s8], $0x7800  }
0x31: {  	[sflag:s8] =	ssyncset.done $0x0  }
0x32: {  	[sflag:s8] =	ssyncadd.s32 $0xFFFF8800  }
0x33: {  	[hbm4b:s9+s2] =	stream.linear.scatter [tilespmem:s7], [sflag:$0x2], $0x7800, $0x38;
	[tilespmem:$0x7C00] =	vst v63  }
0x34: {  	_ =	swait.ge [sflag:s3], $0x7800  }
0x35: {  	[sflag:s3] =	ssyncset.done $0x0  }
0x36: {  	[sflag:s3] =	ssyncadd.s32 $0xFFFF8800  }
0x37: {  	[tilespmem:s7], [sflag:$0x1] =	stream.indirect.gather [hbm4b:s5+s6], $0x80, s6, s6, $0xb8;
	[tilespmem:$0x7C00] =	vst v63  }
0x38: {  	_ =	swait.ge [sflag:s8], $0x7800  }
0x39: {  	[sflag:s8] =	ssyncset.done $0x0  }
0x3a: {  	[sflag:s8] =	ssyncadd.s32 $0xFFFF8800  }
0x3b: {  	[hbm4b:s10+s2] =	stream.linear.scatter [tilespmem:s7], [sflag:$0x2], $0x7800, $0x38;
	[tilespmem:$0x7C00] =	vst v63  }
0x3c: {  	_ =	swait.ge [sflag:s3], $0x7800  }
0x3d: {  	[sflag:s3] =	ssyncset.done $0x0  }
0x3e: {  	[sflag:s3] =	ssyncadd.s32 $0xFFFF8800  }
0x3f: {  	[tilespmem:s7], [sflag:$0x1] =	stream.indirect.gather [hbm4b:s5+s6], $0x80, s11, s6, $0xb8;
	[tilespmem:$0x7C00] =	vst v63  }
0x40: {  	_ =	swait.ge [sflag:s8], $0x7800  }
0x41: {  	[sflag:s8] =	ssyncset.done $0x0  }
0x42: {  	[sflag:s8] =	ssyncadd.s32 $0xFFFF8800  }
0x43: {  	[hbm4b:s12+s2] =	stream.linear.scatter [tilespmem:s7], [sflag:$0x2], $0x7800, $0x38;
	[tilespmem:$0x7C00] =	vst v63  }
0x44: {  	_ =	swait.ge [sflag:s3], $0x7800  }
0x45: {  	[sflag:s3] =	ssyncset.done $0x0  }
0x46: {  	[sflag:s3] =	ssyncadd.s32 $0xFFFF8800  }
0x47: {  	[tilespmem:s7], [sflag:$0x1] =	stream.indirect.gather [hbm4b:s5+s6], $0x80, s13, s6, $0xb8;
	[tilespmem:$0x7C00] =	vst v63  }
0x48: {  	_ =	swait.ge [sflag:s8], $0x7800  }
.Ltmp1:
0x49: {  	[sflag:s8] =	ssyncset.done $0x0;
	(pc) =	sbr.rel @p0 .LBB2_1-.Ltmp1, $4  }
0x4a: {  	[sflag:s8] =	ssyncadd.s32 $0xFFFF8800  }
0x4b: {  	[hbm4b:s14+s2] =	stream.linear.scatter [tilespmem:s7], [sflag:$0x2], $0x7800, $0x38;
	[tilespmem:$0x7C00] =	vst v63  }
0x4c: {  	_ =	swait.ge [sflag:s3], $0x7800  }
0x4d: {  	[sflag:s3] =	ssyncset.done $0x0  }
.LBB2_2:
0x4e: {  	[sflag:s3] =	ssyncadd.s32 $0xFFFF8800  }
0x4f: {  	_ =	sfence.sel $0x180000  }
0x50: {  	[bflag:$0x0] =	sbarrier.arrive $0xFFFF  }
0x51: {  	p0 =	sne.s32 s0, $0x0;
	_ =	strace $0x90000047  }
0x52: {  	s0 =	sadd.s32 @!p0 $0x100000, s1;
	[bflag:$0x2] =	sbarrier.arrive $0xFFFF  }
0x53: {  	[sflag:s0] =	ssyncadd.tile.s32 @!p0 $0x1;
	_ =	shalt  }
.Lfunc_end2:
_tile_overlayer_lowered:
.L_overlay_start_2:
0x54: {  	(tag) =	ssettag $0x2  }
0x55: {  	s0 =	rddreg [dreg:$0x0];
	s2 =	stileid.u32  }
0x56: {  	s1 =	rddreg [dreg:$0x1];
	p0 =	sne.s32 s2, $0x0  }
0x57: {  	s3 =	rddreg [dreg:$0x2];
	[bflag:$0x3] =	sbarrier.arrive $0xFFFF;
	s2 =	simm.s32 @!p0 $0x1C02  }
0x58: {  	[timem:s3], [sflag:s2] =	dma.local @!p0 [hbm:s0], s1  }
0x59: {  	s0 =	simm.s32 @!p0 $0x2  }
0x5a: {  	_ =	swait.ge @!p0 [sflag:s0], s1  }
0x5b: {  	s1 =	ssub.s32 @!p0 $0x0, s1;
	[sflag:s0] =	ssyncset.done @!p0 $0x0  }
0x5c: {  	[sflag:s0] =	ssyncadd.s32 @!p0 s1  }
0x5d: {  	[bflag:$0x3] =	sbarrier.arrive $0xFFFF  }
0x5e: {  	_ =	shalt  }

// kernel: kernel.26.cloned.1.call-start
scs
__scs_entry_jumppad:
0x0: {  	(pc) =	sbr.rel $0x88, $3  }
0x1: {  	(tag) =	ssettag $0x0;
	lr =	simm.s32 $0x1  }
0x2: {  	[smem:$0x3F88] =	sst lr;
	_ =	strace $0xD0000000  }
0x3: {  	_ = 	snop  }
0x4: {  	_ = 	snop  }
0x5: {  	_ = 	snop  }
0x6: {  	_ = 	snop  }
0x7: {  	_ = 	snop  }
__scs_overlays_trampoline_lowered:
0x8: {  	[smem:$0x3F97] =	sst s0  }
0x9: {  	[smem:$0x3F98] =	sst s1  }
0xa: {  	[smem:$0x3F99] =	sst s2  }
0xb: {  	[smem:$0x3F9A] =	sst s3  }
0xc: {  	[smem:$0x3F9B] =	sst s4  }
0xd: {  	[smem:$0x3F9C] =	sst s5  }
0xe: {  	[smem:$0x3F9D] =	sst s6  }
0xf: {  	[smem:$0x3F9E] =	sst s7  }
0x10: {  	[smem:$0x3F9F] =	sst s8  }
0x11: {  	[smem:$0x3FA0] =	sst s9;
	s0 =	simm.s32 @!p0 $0x0  }
0x12: {  	s1 =	sld [smem:$0x3F86];
	s0 =	simm.s32 @p0 $0x1  }
0x13: {  	[smem:$0x3FA1] =	sst s0;
	s0 =	simm.s32 @!p1 $0x0  }
0x14: {  	s2 =	sld [smem:$0x3F85];
	s0 =	simm.s32 @p1 $0x1  }
0x15: {  	[smem:$0x3FA2] =	sst s0;
	s0 =	simm.s32 @!p2 $0x0  }
0x16: {  	s3 =	sld [smem:$0x3FDB];
	s0 =	simm.s32 @p2 $0x1  }
0x17: {  	s4 =	simm.s32 $0x1BF5;
	[smem:$0x3FA4] =	sst s0  }
0x18: {  	s0 =	sld [smem:$0x3F87];
	_ =	swait.ge [sflag:s4], $0x0  }
0x19: {  	s7 =	sld [smem:$0x3F88]  }
0x1a: {  	s8 =	sadd.s32 $0xFFFFE003, lr  }
0x1b: {  	s9 =	sadd.s32 $0xFFFFFEF7, lr;
	s5 =	simm.s32 $0xFFFFFFFF;
	p2 =	slt.u32 s8, $0xFFFFF086  }
0x1c: {  	p1 =	slt.u32 s9, $0xF7A;
	s5 =	simm.s32 @!p2 $0x0  }
0x1d: {  	s5 =	simm.s32 @p1 $0x1;
	p0 =	seq.s32 s7, s2  }
0x1e: {  	s7 =	smul.u32 @!p0 $0xF7A, s2;
	p2 =	seq.s32 @!p0 s5, $0x0  }
0x1f: {  	s9 =	smul.u32 $0xF7A, s1;
	s8 =	simm.s32 @!p0 $0x1BF5;
	p2 =	por !p2, p0  }
0x20: {  	[sflag:s8] =	ssyncset.s32 @!p0 $0xFFFFF086;
	s6 =	sadd.s32 @!p0 s3, s7;
	s7 =	simm.s32 @!p0 $0x108  }
0x21: {  	s3 =	sadd.s32 s3, s9;
	s6 =	sadd.s32 @!p0 $0x88, s6;
	s7 =	simm.s32 @p2 $0x1082  }
0x22: {  	[simem:s7], [sflag:s8] =	dma.local @!p0 [hbm:s6], $0xF7A  }
0x23: {  	s9 =	sor.u32 $0xD0000000, s2;
	s6 =	simm.s32 $0x108;
	_ =	swait.ge @!p0 [sflag:s8], $0x0  }
0x24: {  	s3 =	sadd.s32 $0x88, s3;
	s6 =	simm.s32 @!p1 $0x1082;
	[sflag:s4] =	ssyncset.s32 $0xFFFFF086  }
0x25: {  	[simem:s6], [sflag:s4] =	dma.local [hbm:s3], $0xF7A  }
0x26: {  	[smem:$0x3F88] =	sst s1;
	(tag) =	ssettag s2;
	_ =	strace s9  }
0x27: {  	s1 =	sld [smem:$0x3F98]  }
0x28: {  	s2 =	sld [smem:$0x3F99]  }
0x29: {  	s4 =	sld [smem:$0x3F9B]  }
0x2a: {  	p0 =	seq.s32 s5, $0x0;
	s5 =	sld [smem:$0x3F9C]  }
0x2b: {  	s6 =	sld [smem:$0x3F9D]  }
0x2c: {  	s7 =	sld [smem:$0x3F9E]  }
0x2d: {  	s3 =	simm.s32 $0x108;
	s8 =	sld [smem:$0x3F9F]  }
0x2e: {  	s3 =	simm.s32 @!p0 $0x1082;
	s9 =	sld [smem:$0x3FA0]  }
0x2f: {  	lr =	sadd.s32 s0, s3;
	s0 =	sld [smem:$0x3F97]  }
0x30: {  	s3 =	sld [smem:$0x3F9A]  }
0x31: {  	[smem:$0x3FA3] =	sst s10  }
0x32: {  	s10 =	sld [smem:$0x3FA1];
	_ =	sdelay $0x3  }
0x33: {  	p0 =	seq.s32 s10, $0x1;
	s10 =	sld [smem:$0x3FA3];
	_ =	sdelay $0x3  }
0x34: {  	[smem:$0x3FA3] =	sst s10  }
0x35: {  	s10 =	sld [smem:$0x3FA2];
	_ =	sdelay $0x3  }
0x36: {  	p1 =	seq.s32 s10, $0x1;
	s10 =	sld [smem:$0x3FA3];
	_ =	sdelay $0x3  }
0x37: {  	[smem:$0x3FA3] =	sst s10  }
0x38: {  	s10 =	sld [smem:$0x3FA4]  }
0x39: {  	_ = 	snop;
	(pc) =	sbr.ind lr, $3  }
0x3a: {  	_ = 	snop  }
0x3b: {  	_ = 	snop  }
0x3c: {  	p2 =	seq.s32 s10, $0x1;
	s10 =	sld [smem:$0x3FA3]  }
0x3d: {  	_ =	shalt  }
0x3e: {  	_ =	shalt  }
0x3f: {  	_ =	shalt  }
0x40: {  	_ =	shalt  }
0x41: {  	_ =	shalt  }
0x42: {  	_ =	shalt  }
0x43: {  	_ =	shalt  }
0x44: {  	_ =	shalt  }
0x45: {  	_ =	shalt  }
0x46: {  	_ =	shalt  }
0x47: {  	_ =	shalt  }
0x48: {  	_ =	shalt  }
0x49: {  	_ =	shalt  }
0x4a: {  	_ =	shalt  }
0x4b: {  	_ =	shalt  }
0x4c: {  	_ =	shalt  }
0x4d: {  	_ =	shalt  }
0x4e: {  	_ =	shalt  }
0x4f: {  	_ =	shalt  }
0x50: {  	_ =	shalt  }
0x51: {  	_ =	shalt  }
0x52: {  	_ =	shalt  }
0x53: {  	_ =	shalt  }
0x54: {  	_ =	shalt  }
0x55: {  	_ =	shalt  }
0x56: {  	_ =	shalt  }
0x57: {  	_ =	shalt  }
0x58: {  	_ =	shalt  }
0x59: {  	_ =	shalt  }
0x5a: {  	_ =	shalt  }
0x5b: {  	_ =	shalt  }
0x5c: {  	_ =	shalt  }
0x5d: {  	_ =	shalt  }
0x5e: {  	_ =	shalt  }
0x5f: {  	_ =	shalt  }
0x60: {  	_ =	shalt  }
0x61: {  	_ =	shalt  }
0x62: {  	_ =	shalt  }
0x63: {  	_ =	shalt  }
0x64: {  	_ =	shalt  }
0x65: {  	_ =	shalt  }
0x66: {  	_ =	shalt  }
0x67: {  	_ =	shalt  }
0x68: {  	_ =	shalt  }
0x69: {  	_ =	shalt  }
0x6a: {  	_ =	shalt  }
0x6b: {  	_ =	shalt  }
0x6c: {  	_ =	shalt  }
0x6d: {  	_ =	shalt  }
0x6e: {  	_ =	shalt  }
0x6f: {  	_ =	shalt  }
0x70: {  	_ =	shalt  }
0x71: {  	_ =	shalt  }
0x72: {  	_ =	shalt  }
0x73: {  	_ =	shalt  }
0x74: {  	_ =	shalt  }
0x75: {  	_ =	shalt  }
0x76: {  	_ =	shalt  }
0x77: {  	_ =	shalt  }
0x78: {  	_ =	shalt  }
0x79: {  	_ =	shalt  }
0x7a: {  	_ =	shalt  }
0x7b: {  	_ =	shalt  }
0x7c: {  	_ =	shalt  }
0x7d: {  	_ =	shalt  }
0x7e: {  	_ =	shalt  }
0x7f: {  	_ =	shalt  }
0x80: {  	_ =	shalt  }
0x81: {  	_ =	shalt  }
0x82: {  	_ =	shalt  }
0x83: {  	_ =	shalt  }
0x84: {  	_ =	shalt  }
0x85: {  	_ =	shalt  }
0x86: {  	_ =	shalt  }
0x87: {  	_ =	shalt  }
.Lfunc_end0:
.L_simem_size_0:
called_computation.1_lowered:
.L_overlay_start_0:
0x88: {  	s2 =	sld [smem:$0x3FD9]  }
0x89: {  	s3 =	sld [smem:$0x3FFE];
	_ =	sdelay $0x1  }
0x8a: {  	s1 =	srdreg.scid  }
0x8b: {  	s0 =	sand.u32 $0x1, s1  }
0x8c: {  	s15 =	sshll.u32 s0, $0xA;
	s2 =	sadd.s32 s3, s2  }
0x8d: {  	s2 =	sadd.s32 s2, s15  }
0x8e: {  	[smem:$0x3FAF] =	sst s2  }
0x8f: {  	_ = 	snop  }
0x90: {  	s16 =	sld [smem:$0x3FD0];
	_ =	sdelay $0x2  }
0x91: {  	s4 =	simm.s32 $0xB;
	s5 =	simm.s32 $0x10;
	s2 =	sld [smem:$0x3FC9]  }
0x92: {  	[smem:s5], [sflag:s4] =	dma.local [hbm:s16], $0x1  }
0x93: {  	_ =	swait.eq [sflag:s4], $0x1  }
0x94: {  	[sflag:s4] =	ssyncset.done $0x0  }
0x95: {  	[sflag:s4] =	ssyncadd.s32 $0xFFFFFFFF  }
0x96: {  	s17 =	sld [smem:$0x10];
	(tm) =	ssettm $0x1  }
0x97: {  	s18 =	sld [smem:$0x3FFB];
	_ =	sdelay $0x3  }
0x98: {  	_ =	strace s18  }
0x99: {  	s3 =	sld [smem:$0x3FFC];
	_ =	sdelay $0x3  }
0x9a: {  	_ =	strace s3  }
0x9b: {  	s3 =	sld [smem:$0x3FFD];
	_ =	sdelay $0x3  }
0x9c: {  	_ =	strace s3  }
0x9d: {  	_ =	strace $0x8FFFFFFF  }
0x9e: {  	s19 =	sld [smem:$0x3FDB];
	_ =	sdelay $0x1  }
0x9f: {  	s20 =	simm.s32 $_scs_section_size  }
0xa0: {  	s6 =	simm.s32 $_size__tile_overlayer_lowered;
	s7 =	simm.s32 $_tile_overlayer_lowered  }
0xa1: {  	s8 =	simm.s32 $0x1BFF;
	s21 =	sshll.u32 s7, $0x1;
	s5 =	sadd.s32 s20, s19  }
0xa2: {  	s22 =	simm.s32 $0x0;
	s6 =	sshll.u32 s6, $0x1;
	s7 =	sadd.s32 s21, s5  }
0xa3: {  	[timem:s22], [sflag:s8] =	dma.local [hbm:s7], s6  }
0xa4: {  	_ =	swait.ge [sflag:s8], s6  }
0xa5: {  	s6 =	ssub.s32 $0x0, s6;
	[sflag:s8] =	ssyncset.done $0x0  }
0xa6: {  	[sflag:s8] =	ssyncadd.s32 s6;
	_ =	sdelay $0x1  }
0xa7: {  	s23 =	simm.s32 $0x1B8B  }
0xa8: {  	_ =	swait.ge [sflag:s23], $0x1  }
0xa9: {  	[sflag:s23] =	ssyncset.done $0x0  }
0xaa: {  	[sflag:s23] =	ssyncadd.s32 $0xFFFFFFFF  }
0xab: {  	s6 =	sld [smem:$0x0]  }
0xac: {  	s7 =	sand.u32 $0xFFFFFFFE, s1  }
0xad: {  	p0 =	sne.s32 s1, s7  }
0xae: {  	s7 =	sshll.u32 @p0 s7, $0xE  }
0xaf: {  	s7 =	sadd.s32 @p0 $0x11B8D, s7;
	s8 =	sshll.u32 @p0 s6, $0x11  }
0xb0: {  	s7 =	sor.u32 @p0 s8, s7  }
0xb1: {  	[sflag:s7] =	ssyncadd.remote.s32 @p0 $0x1;
	_ =	sdelay $0x1  }
0xb2: {  	s7 =	simm.s32 @p0 $0x1B8D  }
0xb3: {  	_ =	swait.eq @p0 [sflag:s7], $0x1  }
0xb4: {  	[sflag:s7] =	ssyncadd.s32 @p0 $0xFFFFFFFF  }
0xb5: {  	s8 =	sshll.u32 @!p0 s1, $0xE  }
0xb6: {  	s8 =	sor.u32 @!p0 $0x4000, s8;
	s7 =	simm.s32 @!p0 $0x1B8D  }
0xb7: {  	s6 =	sshll.u32 @!p0 s6, $0x11;
	s8 =	sadd.s32 @!p0 $0x11B8D, s8;
	_ =	swait.eq @!p0 [sflag:s7], $0x1  }
0xb8: {  	s6 =	sor.u32 @!p0 s6, s8;
	[sflag:s7] =	ssyncadd.s32 @!p0 $0xFFFFFFFF  }
0xb9: {  	s25 =	simm.s32 $0x1B8E;
	s24 =	sld [smem:$0x3FFE];
	[sflag:s6] =	ssyncadd.remote.s32 @!p0 $0x1  }
0xba: {  	s26 =	simm.s32 $execute0_lowered;
	[smem:$0x3FD2] =	sst s25  }
0xbb: {  	s7 =	sshll.u32 s26, $0x1;
	_ =	strace $0x80000049;
	[dreg:$0x1] =	wrdreg $0xFFFFFFFF  }
0xbc: {  	s28 =	simm.s32 $_size_execute0_lowered;
	s5 =	sadd.s32 s5, s7;
	[dreg:$0x0] =	wrdreg $0x0  }
0xbd: {  	s7 =	sshll.u32 s28, $0x1;
	[dreg:$0x2] =	wrdreg s5  }
0xbe: {  	[dreg:$0x3] =	wrdreg s7  }
0xbf: {  	[dreg:$0x4] =	wrdreg $0xC0  }
0xc0: {  	_ =	task [dreg:s22], $0x5FFFF  }
0xc1: {  	[dreg:$0x1] =	wrdreg $0xFFFFFFFF  }
0xc2: {  	[dreg:$0x0] =	wrdreg $0x60  }
0xc3: {  	[dreg:$0x2] =	wrdreg s2  }
0xc4: {  	[dreg:$0x3] =	wrdreg s17  }
0xc5: {  	[dreg:$0x4] =	wrdreg s24  }
0xc6: {  	[dreg:$0x5] =	wrdreg $0xA  }
0xc7: {  	_ =	task.clear_ibuf [dreg:s22], $0x6FFFF;
	_ =	strace $0x90000049  }
0xc8: {  	s29 =	simm.s32 $0xA;
	_ =	strace $0x8000004B  }
0xc9: {  	_ =	swait.ge [sflag:s29], $0x1  }
0xca: {  	[sflag:s29] =	ssyncadd.s32 $0xFFFFFFFF  }
0xcb: {  	_ =	strace $0x9000004B  }
0xcc: {  	_ =	sfence  }
0xcd: {  	s30 =	sld [smem:$0x0];
	_ =	sdelay $0x2  }
0xce: {  	s31 =	sshll.u32 s1, $0xD;
	s1 =	sshrl.u32 s1, $0x2  }
0xcf: {  	s4 =	sand.u32 $0x4000, s31;
	s1 =	sadd.s32 s1, s30  }
0xd0: {  	s0 =	sor.u32 s4, s0;
	s1 =	sshll.u32 s1, $0x11  }
0xd1: {  	s0 =	sor.u32 s1, s0  }
0xd2: {  	s0 =	sadd.s32 $0x8F2B, s0  }
0xd3: {  	[sflag:s0] =	ssyncadd.remote.s32 $0x1  }
0xd4: {  	_ =	sfence.sel $0xFFFF  }
0xd5: {  	[dreg:$0x0] =	wrdreg $0xFFFFFFFF;
	(pc) =	sbr.abs _section_cstart, $3  }
0xd6: {  	[dreg:$0x1] =	wrdreg $0xFFFFFFFF  }
0xd7: {  	_ =	task.clear_ibuf [dreg:s22], $0x2FFFF;
	_ =	strace $0x9FFFFFFF  }
0xd8: {  	(tm) =	ssettm $0x7FFFFFFF  }
0xd9: {  	_ =	shalt  }
tec
execute0_lowered:
.L_overlay_start_1:
0x0: {  	(tag) =	ssettag $0x1  }
0x1: {  	s1 =	rddreg [dreg:$0x0]  }
0x2: {  	s2 =	srdreg.scid;
	s0 =	stileid.u32  }
0x3: {  	s4 =	rddreg [dreg:$0x1];
	s13 =	sand.u32 $0x1, s2;
	s31 =	sshll.u32 s0, $0x1  }
0x4: {  	s9 =	rddreg [dreg:$0x2];
	s6 =	sor.u32 s13, s31  }
0x5: {  	s3 =	simm.s32 $0x0;
	s2 =	rddreg [dreg:$0x3];
	s5 =	smul.u32 $0x78, s6  }
0x6: {  	[smem:$0x7FF] =	sst s3  }
0x7: {  	_ =	strace $0x8000004A;
	s5 =	sadd.s32 s4, s5;
	s4 =	simm.s32 $0x2  }
0x8: {  	[tilespmem:s3], [sflag:$0x2] =	stream.linear.gather [hbm4b:s5+s3], $0x3C0, $0x38;
	[tilespmem:$0x7C00] =	vst v63  }
0x9: {  	_ =	swait.ge [sflag:s4], $0x3C0  }
0xa: {  	s7 =	simm.s32 $0x400;
	s8 =	simm.s32 $0x1;
	[sflag:s4] =	ssyncset.done $0x0  }
0xb: {  	s10 =	smul.u32 $0x3C00, s6;
	s6 =	simm.s32 $0xF0;
	[sflag:s4] =	ssyncadd.s32 $0xFFFFFC40  }
0xc: {  	[tilespmem:s7], [sflag:$0x1] =	stream.indirect.gather [hbm4b:s1+s6], $0x80, s3, s6, $0xb8;
	[tilespmem:$0x7C00] =	vst v63  }
0xd: {  	_ =	swait.ge [sflag:s8], $0x7800  }
0xe: {  	s14 =	sadd.s32 s10, s9;
	[sflag:s8] =	ssyncset.done $0x0  }
0xf: {  	s9 =	sadd.s32 $0xF7E00, s14;
	[sflag:s8] =	ssyncadd.s32 $0xFFFF8800  }
0x10: {  	[hbm4b:s9+s3] =	stream.linear.scatter [tilespmem:s7], [sflag:$0x2], $0x7800, $0x38;
	[tilespmem:$0x7C00] =	vst v63  }
0x11: {  	_ =	swait.ge [sflag:s4], $0x7800  }
0x12: {  	[sflag:s4] =	ssyncset.done $0x0  }
0x13: {  	[sflag:s4] =	ssyncadd.s32 $0xFFFF8800  }
0x14: {  	[tilespmem:s7], [sflag:$0x1] =	stream.indirect.gather [hbm4b:s1+s6], $0x80, s6, s6, $0xb8;
	[tilespmem:$0x7C00] =	vst v63  }
0x15: {  	_ =	swait.ge [sflag:s8], $0x7800  }
0x16: {  	[sflag:s8] =	ssyncset.done $0x0  }
0x17: {  	s10 =	sadd.s32 $0xF8D00, s14;
	[sflag:s8] =	ssyncadd.s32 $0xFFFF8800  }
0x18: {  	[hbm4b:s10+s3] =	stream.linear.scatter [tilespmem:s7], [sflag:$0x2], $0x7800, $0x38;
	[tilespmem:$0x7C00] =	vst v63  }
0x19: {  	_ =	swait.ge [sflag:s4], $0x7800  }
0x1a: {  	[sflag:s4] =	ssyncset.done $0x0  }
0x1b: {  	s11 =	simm.s32 $0x1E0;
	[sflag:s4] =	ssyncadd.s32 $0xFFFF8800  }
0x1c: {  	[tilespmem:s7], [sflag:$0x1] =	stream.indirect.gather [hbm4b:s1+s6], $0x80, s11, s6, $0xb8;
	[tilespmem:$0x7C00] =	vst v63  }
0x1d: {  	_ =	swait.ge [sflag:s8], $0x7800  }
0x1e: {  	[sflag:s8] =	ssyncset.done $0x0  }
0x1f: {  	s15 =	ssub.s32 $0x2, s13;
	s12 =	sadd.s32 $0xF9C00, s14;
	[sflag:s8] =	ssyncadd.s32 $0xFFFF8800  }
0x20: {  	[hbm4b:s12+s3] =	stream.linear.scatter [tilespmem:s7], [sflag:$0x2], $0x7800, $0x38;
	[tilespmem:$0x7C00] =	vst v63  }
0x21: {  	s16 =	sshrl.u32 s15, $0x1;
	_ =	swait.ge [sflag:s4], $0x7800  }
0x22: {  	s15 =	ssub.s32 s15, s16;
	[sflag:s4] =	ssyncset.done $0x0  }
0x23: {  	s13 =	simm.s32 $0x2D0;
	s15 =	smax.u32 s15, $0x1;
	[sflag:s4] =	ssyncadd.s32 $0xFFFF8800  }
0x24: {  	[tilespmem:s7], [sflag:$0x1] =	stream.indirect.gather [hbm4b:s1+s6], $0x80, s13, s6, $0xb8;
	[tilespmem:$0x7C00] =	vst v63  }
0x25: {  	p0 =	sne.s32 s15, $0x1;
	_ =	swait.ge [sflag:s8], $0x7800  }
.Ltmp0:
0x26: {  	[sflag:s8] =	ssyncset.done $0x0;
	(pc) =	sbr.rel @!p0 .LBB2_2-.Ltmp0, $4  }
0x27: {  	s14 =	sadd.s32 $0xFAB00, s14;
	[sflag:s8] =	ssyncadd.s32 $0xFFFF8800  }
0x28: {  	[hbm4b:s14+s3] =	stream.linear.scatter [tilespmem:s7], [sflag:$0x2], $0x7800, $0x38;
	[tilespmem:$0x7C00] =	vst v63  }
0x29: {  	_ =	swait.ge [sflag:s4], $0x7800  }
0x2a: {  	s15 =	sadd.s32 $0xFFFFFFFF, s15;
	[sflag:s4] =	ssyncset.done $0x0  }
.LBB2_1:
0x2b: {  	p0 =	sne.s32 s15, $0x1;
	s15 =	sadd.s32 $0xFFFFFFFF, s15;
	[sflag:s4] =	ssyncadd.s32 $0xFFFF8800  }
0x2c: {  	[tilespmem:s3], [sflag:$0x2] =	stream.linear.gather [hbm4b:s5+s3], $0x3C0, $0x38;
	[tilespmem:$0x7C00] =	vst v63  }
0x2d: {  	_ =	swait.ge [sflag:s4], $0x3C0  }
0x2e: {  	[sflag:s4] =	ssyncset.done $0x0  }
0x2f: {  	[sflag:s4] =	ssyncadd.s32 $0xFFFFFC40  }
0x30: {  	[tilespmem:s7], [sflag:$0x1] =	stream.indirect.gather [hbm4b:s1+s6], $0x80, s3, s6, $0xb8;
	[tilespmem:$0x7C00] =	vst v63  }
0x31: {  	_ =	swait.ge [sflag:s8], $0x7800  }
0x32: {  	[sflag:s8] =	ssyncset.done $0x0  }
0x33: {  	[sflag:s8] =	ssyncadd.s32 $0xFFFF8800  }
0x34: {  	[hbm4b:s9+s3] =	stream.linear.scatter [tilespmem:s7], [sflag:$0x2], $0x7800, $0x38;
	[tilespmem:$0x7C00] =	vst v63  }
0x35: {  	_ =	swait.ge [sflag:s4], $0x7800  }
0x36: {  	[sflag:s4] =	ssyncset.done $0x0  }
0x37: {  	[sflag:s4] =	ssyncadd.s32 $0xFFFF8800  }
0x38: {  	[tilespmem:s7], [sflag:$0x1] =	stream.indirect.gather [hbm4b:s1+s6], $0x80, s6, s6, $0xb8;
	[tilespmem:$0x7C00] =	vst v63  }
0x39: {  	_ =	swait.ge [sflag:s8], $0x7800  }
0x3a: {  	[sflag:s8] =	ssyncset.done $0x0  }
0x3b: {  	[sflag:s8] =	ssyncadd.s32 $0xFFFF8800  }
0x3c: {  	[hbm4b:s10+s3] =	stream.linear.scatter [tilespmem:s7], [sflag:$0x2], $0x7800, $0x38;
	[tilespmem:$0x7C00] =	vst v63  }
0x3d: {  	_ =	swait.ge [sflag:s4], $0x7800  }
0x3e: {  	[sflag:s4] =	ssyncset.done $0x0  }
0x3f: {  	[sflag:s4] =	ssyncadd.s32 $0xFFFF8800  }
0x40: {  	[tilespmem:s7], [sflag:$0x1] =	stream.indirect.gather [hbm4b:s1+s6], $0x80, s11, s6, $0xb8;
	[tilespmem:$0x7C00] =	vst v63  }
0x41: {  	_ =	swait.ge [sflag:s8], $0x7800  }
0x42: {  	[sflag:s8] =	ssyncset.done $0x0  }
0x43: {  	[sflag:s8] =	ssyncadd.s32 $0xFFFF8800  }
0x44: {  	[hbm4b:s12+s3] =	stream.linear.scatter [tilespmem:s7], [sflag:$0x2], $0x7800, $0x38;
	[tilespmem:$0x7C00] =	vst v63  }
0x45: {  	_ =	swait.ge [sflag:s4], $0x7800  }
0x46: {  	[sflag:s4] =	ssyncset.done $0x0  }
0x47: {  	[sflag:s4] =	ssyncadd.s32 $0xFFFF8800  }
0x48: {  	[tilespmem:s7], [sflag:$0x1] =	stream.indirect.gather [hbm4b:s1+s6], $0x80, s13, s6, $0xb8;
	[tilespmem:$0x7C00] =	vst v63  }
0x49: {  	_ =	swait.ge [sflag:s8], $0x7800  }
.Ltmp1:
0x4a: {  	[sflag:s8] =	ssyncset.done $0x0;
	(pc) =	sbr.rel @p0 .LBB2_1-.Ltmp1, $4  }
0x4b: {  	[sflag:s8] =	ssyncadd.s32 $0xFFFF8800  }
0x4c: {  	[hbm4b:s14+s3] =	stream.linear.scatter [tilespmem:s7], [sflag:$0x2], $0x7800, $0x38;
	[tilespmem:$0x7C00] =	vst v63  }
0x4d: {  	_ =	swait.ge [sflag:s4], $0x7800  }
0x4e: {  	[sflag:s4] =	ssyncset.done $0x0  }
.LBB2_2:
0x4f: {  	[sflag:s4] =	ssyncadd.s32 $0xFFFF8800  }
0x50: {  	_ =	sfence.sel $0x180000  }
0x51: {  	[bflag:$0x0] =	sbarrier.arrive $0xFFFF  }
0x52: {  	p0 =	sne.s32 s0, $0x0;
	_ =	strace $0x9000004A  }
0x53: {  	s0 =	sadd.s32 @!p0 $0x100000, s2;
	[bflag:$0x2] =	sbarrier.arrive $0xFFFF  }
0x54: {  	[sflag:s0] =	ssyncadd.tile.s32 @!p0 $0x1;
	_ =	shalt  }
.Lfunc_end2:
_tile_overlayer_lowered:
.L_overlay_start_2:
0x55: {  	(tag) =	ssettag $0x2  }
0x56: {  	s0 =	rddreg [dreg:$0x0];
	s2 =	stileid.u32  }
0x57: {  	s1 =	rddreg [dreg:$0x1];
	p0 =	sne.s32 s2, $0x0  }
0x58: {  	s3 =	rddreg [dreg:$0x2];
	[bflag:$0x3] =	sbarrier.arrive $0xFFFF;
	s2 =	simm.s32 @!p0 $0x1C02  }
0x59: {  	[timem:s3], [sflag:s2] =	dma.local @!p0 [hbm:s0], s1  }
0x5a: {  	s0 =	simm.s32 @!p0 $0x2  }
0x5b: {  	_ =	swait.ge @!p0 [sflag:s0], s1  }
0x5c: {  	s1 =	ssub.s32 @!p0 $0x0, s1;
	[sflag:s0] =	ssyncset.done @!p0 $0x0  }
0x5d: {  	[sflag:s0] =	ssyncadd.s32 @!p0 s1  }
0x5e: {  	[bflag:$0x3] =	sbarrier.arrive $0xFFFF  }
0x5f: {  	_ =	shalt  }

// kernel: kernel.29.cloned.1.call-start
scs
__scs_entry_jumppad:
0x0: {  	(pc) =	sbr.rel $0x88, $3  }
0x1: {  	(tag) =	ssettag $0x0;
	lr =	simm.s32 $0x1  }
0x2: {  	[smem:$0x3F88] =	sst lr;
	_ =	strace $0xD0000000  }
0x3: {  	_ = 	snop  }
0x4: {  	_ = 	snop  }
0x5: {  	_ = 	snop  }
0x6: {  	_ = 	snop  }
0x7: {  	_ = 	snop  }
__scs_overlays_trampoline_lowered:
0x8: {  	[smem:$0x3F97] =	sst s0  }
0x9: {  	[smem:$0x3F98] =	sst s1  }
0xa: {  	[smem:$0x3F99] =	sst s2  }
0xb: {  	[smem:$0x3F9A] =	sst s3  }
0xc: {  	[smem:$0x3F9B] =	sst s4  }
0xd: {  	[smem:$0x3F9C] =	sst s5  }
0xe: {  	[smem:$0x3F9D] =	sst s6  }
0xf: {  	[smem:$0x3F9E] =	sst s7  }
0x10: {  	[smem:$0x3F9F] =	sst s8  }
0x11: {  	[smem:$0x3FA0] =	sst s9;
	s0 =	simm.s32 @!p0 $0x0  }
0x12: {  	s1 =	sld [smem:$0x3F86];
	s0 =	simm.s32 @p0 $0x1  }
0x13: {  	[smem:$0x3FA1] =	sst s0;
	s0 =	simm.s32 @!p1 $0x0  }
0x14: {  	s2 =	sld [smem:$0x3F85];
	s0 =	simm.s32 @p1 $0x1  }
0x15: {  	[smem:$0x3FA2] =	sst s0;
	s0 =	simm.s32 @!p2 $0x0  }
0x16: {  	s3 =	sld [smem:$0x3FDB];
	s0 =	simm.s32 @p2 $0x1  }
0x17: {  	s4 =	simm.s32 $0x1BF5;
	[smem:$0x3FA4] =	sst s0  }
0x18: {  	s0 =	sld [smem:$0x3F87];
	_ =	swait.ge [sflag:s4], $0x0  }
0x19: {  	s7 =	sld [smem:$0x3F88]  }
0x1a: {  	s8 =	sadd.s32 $0xFFFFE003, lr  }
0x1b: {  	s9 =	sadd.s32 $0xFFFFFEF7, lr;
	s5 =	simm.s32 $0xFFFFFFFF;
	p2 =	slt.u32 s8, $0xFFFFF086  }
0x1c: {  	p1 =	slt.u32 s9, $0xF7A;
	s5 =	simm.s32 @!p2 $0x0  }
0x1d: {  	s5 =	simm.s32 @p1 $0x1;
	p0 =	seq.s32 s7, s2  }
0x1e: {  	s7 =	smul.u32 @!p0 $0xF7A, s2;
	p2 =	seq.s32 @!p0 s5, $0x0  }
0x1f: {  	s9 =	smul.u32 $0xF7A, s1;
	s8 =	simm.s32 @!p0 $0x1BF5;
	p2 =	por !p2, p0  }
0x20: {  	[sflag:s8] =	ssyncset.s32 @!p0 $0xFFFFF086;
	s6 =	sadd.s32 @!p0 s3, s7;
	s7 =	simm.s32 @!p0 $0x108  }
0x21: {  	s3 =	sadd.s32 s3, s9;
	s6 =	sadd.s32 @!p0 $0x88, s6;
	s7 =	simm.s32 @p2 $0x1082  }
0x22: {  	[simem:s7], [sflag:s8] =	dma.local @!p0 [hbm:s6], $0xF7A  }
0x23: {  	s9 =	sor.u32 $0xD0000000, s2;
	s6 =	simm.s32 $0x108;
	_ =	swait.ge @!p0 [sflag:s8], $0x0  }
0x24: {  	s3 =	sadd.s32 $0x88, s3;
	s6 =	simm.s32 @!p1 $0x1082;
	[sflag:s4] =	ssyncset.s32 $0xFFFFF086  }
0x25: {  	[simem:s6], [sflag:s4] =	dma.local [hbm:s3], $0xF7A  }
0x26: {  	[smem:$0x3F88] =	sst s1;
	(tag) =	ssettag s2;
	_ =	strace s9  }
0x27: {  	s1 =	sld [smem:$0x3F98]  }
0x28: {  	s2 =	sld [smem:$0x3F99]  }
0x29: {  	s4 =	sld [smem:$0x3F9B]  }
0x2a: {  	p0 =	seq.s32 s5, $0x0;
	s5 =	sld [smem:$0x3F9C]  }
0x2b: {  	s6 =	sld [smem:$0x3F9D]  }
0x2c: {  	s7 =	sld [smem:$0x3F9E]  }
0x2d: {  	s3 =	simm.s32 $0x108;
	s8 =	sld [smem:$0x3F9F]  }
0x2e: {  	s3 =	simm.s32 @!p0 $0x1082;
	s9 =	sld [smem:$0x3FA0]  }
0x2f: {  	lr =	sadd.s32 s0, s3;
	s0 =	sld [smem:$0x3F97]  }
0x30: {  	s3 =	sld [smem:$0x3F9A]  }
0x31: {  	[smem:$0x3FA3] =	sst s10  }
0x32: {  	s10 =	sld [smem:$0x3FA1];
	_ =	sdelay $0x3  }
0x33: {  	p0 =	seq.s32 s10, $0x1;
	s10 =	sld [smem:$0x3FA3];
	_ =	sdelay $0x3  }
0x34: {  	[smem:$0x3FA3] =	sst s10  }
0x35: {  	s10 =	sld [smem:$0x3FA2];
	_ =	sdelay $0x3  }
0x36: {  	p1 =	seq.s32 s10, $0x1;
	s10 =	sld [smem:$0x3FA3];
	_ =	sdelay $0x3  }
0x37: {  	[smem:$0x3FA3] =	sst s10  }
0x38: {  	s10 =	sld [smem:$0x3FA4]  }
0x39: {  	_ = 	snop;
	(pc) =	sbr.ind lr, $3  }
0x3a: {  	_ = 	snop  }
0x3b: {  	_ = 	snop  }
0x3c: {  	p2 =	seq.s32 s10, $0x1;
	s10 =	sld [smem:$0x3FA3]  }
0x3d: {  	_ =	shalt  }
0x3e: {  	_ =	shalt  }
0x3f: {  	_ =	shalt  }
0x40: {  	_ =	shalt  }
0x41: {  	_ =	shalt  }
0x42: {  	_ =	shalt  }
0x43: {  	_ =	shalt  }
0x44: {  	_ =	shalt  }
0x45: {  	_ =	shalt  }
0x46: {  	_ =	shalt  }
0x47: {  	_ =	shalt  }
0x48: {  	_ =	shalt  }
0x49: {  	_ =	shalt  }
0x4a: {  	_ =	shalt  }
0x4b: {  	_ =	shalt  }
0x4c: {  	_ =	shalt  }
0x4d: {  	_ =	shalt  }
0x4e: {  	_ =	shalt  }
0x4f: {  	_ =	shalt  }
0x50: {  	_ =	shalt  }
0x51: {  	_ =	shalt  }
0x52: {  	_ =	shalt  }
0x53: {  	_ =	shalt  }
0x54: {  	_ =	shalt  }
0x55: {  	_ =	shalt  }
0x56: {  	_ =	shalt  }
0x57: {  	_ =	shalt  }
0x58: {  	_ =	shalt  }
0x59: {  	_ =	shalt  }
0x5a: {  	_ =	shalt  }
0x5b: {  	_ =	shalt  }
0x5c: {  	_ =	shalt  }
0x5d: {  	_ =	shalt  }
0x5e: {  	_ =	shalt  }
0x5f: {  	_ =	shalt  }
0x60: {  	_ =	shalt  }
0x61: {  	_ =	shalt  }
0x62: {  	_ =	shalt  }
0x63: {  	_ =	shalt  }
0x64: {  	_ =	shalt  }
0x65: {  	_ =	shalt  }
0x66: {  	_ =	shalt  }
0x67: {  	_ =	shalt  }
0x68: {  	_ =	shalt  }
0x69: {  	_ =	shalt  }
0x6a: {  	_ =	shalt  }
0x6b: {  	_ =	shalt  }
0x6c: {  	_ =	shalt  }
0x6d: {  	_ =	shalt  }
0x6e: {  	_ =	shalt  }
0x6f: {  	_ =	shalt  }
0x70: {  	_ =	shalt  }
0x71: {  	_ =	shalt  }
0x72: {  	_ =	shalt  }
0x73: {  	_ =	shalt  }
0x74: {  	_ =	shalt  }
0x75: {  	_ =	shalt  }
0x76: {  	_ =	shalt  }
0x77: {  	_ =	shalt  }
0x78: {  	_ =	shalt  }
0x79: {  	_ =	shalt  }
0x7a: {  	_ =	shalt  }
0x7b: {  	_ =	shalt  }
0x7c: {  	_ =	shalt  }
0x7d: {  	_ =	shalt  }
0x7e: {  	_ =	shalt  }
0x7f: {  	_ =	shalt  }
0x80: {  	_ =	shalt  }
0x81: {  	_ =	shalt  }
0x82: {  	_ =	shalt  }
0x83: {  	_ =	shalt  }
0x84: {  	_ =	shalt  }
0x85: {  	_ =	shalt  }
0x86: {  	_ =	shalt  }
0x87: {  	_ =	shalt  }
.Lfunc_end0:
.L_simem_size_0:
called_computation.2_lowered:
.L_overlay_start_0:
0x88: {  	s2 =	sld [smem:$0x3FD9]  }
0x89: {  	s3 =	sld [smem:$0x3FFE];
	_ =	sdelay $0x1  }
0x8a: {  	s1 =	srdreg.scid  }
0x8b: {  	s0 =	sand.u32 $0x1, s1  }
0x8c: {  	s14 =	sshll.u32 s0, $0xA;
	s2 =	sadd.s32 s3, s2  }
0x8d: {  	s2 =	sadd.s32 s2, s14  }
0x8e: {  	[smem:$0x3FAF] =	sst s2  }
0x8f: {  	_ = 	snop  }
0x90: {  	s2 =	sld [smem:$0x3FD0];
	_ =	sdelay $0x2  }
0x91: {  	s15 =	simm.s32 $0xB;
	s4 =	simm.s32 $0x10  }
0x92: {  	[smem:s4], [sflag:s15] =	dma.local [hbm:s2], $0x1  }
0x93: {  	_ =	swait.eq [sflag:s15], $0x1  }
0x94: {  	[sflag:s15] =	ssyncset.done $0x0  }
0x95: {  	[sflag:s15] =	ssyncadd.s32 $0xFFFFFFFF  }
0x96: {  	s16 =	sld [smem:$0x10];
	(tm) =	ssettm $0x1  }
0x97: {  	s17 =	sld [smem:$0x3FFB];
	_ =	sdelay $0x3  }
0x98: {  	_ =	strace s17  }
0x99: {  	s3 =	sld [smem:$0x3FFC];
	_ =	sdelay $0x3  }
0x9a: {  	_ =	strace s3  }
0x9b: {  	s3 =	sld [smem:$0x3FFD];
	_ =	sdelay $0x3  }
0x9c: {  	_ =	strace s3  }
0x9d: {  	_ =	strace $0x8FFFFFFF  }
0x9e: {  	s18 =	sld [smem:$0x3FDB];
	_ =	sdelay $0x1  }
0x9f: {  	s19 =	simm.s32 $_scs_section_size  }
0xa0: {  	s5 =	simm.s32 $_size__tile_overlayer_lowered;
	s6 =	simm.s32 $_tile_overlayer_lowered  }
0xa1: {  	s22 =	simm.s32 $0x1BFF;
	s21 =	sshll.u32 s6, $0x1;
	s3 =	sadd.s32 s19, s18  }
0xa2: {  	s7 =	simm.s32 $0x0;
	s20 =	sshll.u32 s5, $0x1;
	s5 =	sadd.s32 s21, s3  }
0xa3: {  	[timem:s7], [sflag:s22] =	dma.local [hbm:s5], s20  }
0xa4: {  	_ =	swait.ge [sflag:s22], s20  }
0xa5: {  	s4 =	ssub.s32 $0x0, s20;
	[sflag:s22] =	ssyncset.done $0x0  }
0xa6: {  	[sflag:s22] =	ssyncadd.s32 s4;
	_ =	sdelay $0x1  }
0xa7: {  	s23 =	simm.s32 $0x1B8B  }
0xa8: {  	_ =	swait.ge [sflag:s23], $0x1  }
0xa9: {  	[sflag:s23] =	ssyncset.done $0x0  }
0xaa: {  	s25 =	simm.s32 $0x1B8E;
	s24 =	sld [smem:$0x3FFE];
	[sflag:s23] =	ssyncadd.s32 $0xFFFFFFFF  }
0xab: {  	s26 =	simm.s32 $execute0_lowered;
	[smem:$0x3FD2] =	sst s25  }
0xac: {  	s5 =	sshll.u32 s26, $0x1;
	_ =	strace $0x8000004C;
	[dreg:$0x1] =	wrdreg $0xFFFFFFFF  }
0xad: {  	s28 =	simm.s32 $_size_execute0_lowered;
	s3 =	sadd.s32 s3, s5;
	[dreg:$0x0] =	wrdreg $0x0  }
0xae: {  	s5 =	sshll.u32 s28, $0x1;
	[dreg:$0x2] =	wrdreg s3  }
0xaf: {  	[dreg:$0x3] =	wrdreg s5  }
0xb0: {  	[dreg:$0x4] =	wrdreg $0xC0  }
0xb1: {  	_ =	task [dreg:s7], $0x5FFFF  }
0xb2: {  	[dreg:$0x1] =	wrdreg $0xFFFFFFFF  }
0xb3: {  	[dreg:$0x0] =	wrdreg $0x60  }
0xb4: {  	[dreg:$0x2] =	wrdreg s24  }
0xb5: {  	[dreg:$0x3] =	wrdreg s16  }
0xb6: {  	[dreg:$0x4] =	wrdreg $0x9  }
0xb7: {  	_ =	task.clear_ibuf [dreg:s7], $0x5FFFF;
	_ =	strace $0x9000004C  }
0xb8: {  	s29 =	simm.s32 $0x9;
	_ =	strace $0x8000004E  }
0xb9: {  	_ =	swait.ge [sflag:s29], $0x1  }
0xba: {  	[sflag:s29] =	ssyncadd.s32 $0xFFFFFFFF  }
0xbb: {  	_ =	strace $0x9000004E  }
0xbc: {  	_ =	sfence  }
0xbd: {  	s30 =	sld [smem:$0x0];
	_ =	sdelay $0x2  }
0xbe: {  	s31 =	sshll.u32 s1, $0xD;
	s1 =	sshrl.u32 s1, $0x2  }
0xbf: {  	s3 =	sand.u32 $0x4000, s31;
	s1 =	sadd.s32 s1, s30  }
0xc0: {  	s0 =	sor.u32 s3, s0;
	s1 =	sshll.u32 s1, $0x11  }
0xc1: {  	s0 =	sor.u32 s1, s0  }
0xc2: {  	s0 =	sadd.s32 $0x8F2B, s0  }
0xc3: {  	[sflag:s0] =	ssyncadd.remote.s32 $0x1  }
0xc4: {  	_ =	sfence.sel $0xFFFF  }
0xc5: {  	[dreg:$0x0] =	wrdreg $0xFFFFFFFF;
	(pc) =	sbr.abs _section_cstart, $3  }
0xc6: {  	[dreg:$0x1] =	wrdreg $0xFFFFFFFF  }
0xc7: {  	_ =	task.clear_ibuf [dreg:s7], $0x2FFFF;
	_ =	strace $0x9FFFFFFF  }
0xc8: {  	(tm) =	ssettm $0x7FFFFFFF  }
0xc9: {  	_ =	shalt  }
tec
execute0_lowered:
.L_overlay_start_1:
0x0: {  	(tag) =	ssettag $0x1  }
0x1: {  	s1 =	srdreg.scid;
	s0 =	stileid.u32  }
0x2: {  	s9 =	rddreg [dreg:$0x0];
	s13 =	sand.u32 $0x1, s1;
	s31 =	sshll.u32 s0, $0x1  }
0x3: {  	s3 =	rddreg [dreg:$0x1];
	s6 =	sor.u32 s13, s31  }
0x4: {  	s2 =	simm.s32 $0x0;
	s1 =	rddreg [dreg:$0x2];
	s4 =	smul.u32 $0x78, s6  }
0x5: {  	[smem:$0x7FF] =	sst s2  }
0x6: {  	_ =	strace $0x8000004D;
	s4 =	sadd.s32 s3, s4;
	s3 =	simm.s32 $0x2  }
0x7: {  	[tilespmem:s2], [sflag:$0x2] =	stream.linear.gather [hbm4b:s4+s2], $0x3C0, $0x38;
	[tilespmem:$0x7C00] =	vst v63  }
0x8: {  	s7 =	simm.s32 $0x400;
	_ =	swait.ge [sflag:s3], $0x3C0  }
0x9: {  	s8 =	simm.s32 $0x1;
	s5 =	sadd.s32 $0xF5200, s9;
	[sflag:s3] =	ssyncset.done $0x0  }
0xa: {  	s10 =	smul.u32 $0x3C00, s6;
	s6 =	simm.s32 $0xF0;
	[sflag:s3] =	ssyncadd.s32 $0xFFFFFC40  }
0xb: {  	[tilespmem:s7], [sflag:$0x1] =	stream.indirect.gather [hbm4b:s5+s6], $0x80, s2, s6, $0xb8;
	[tilespmem:$0x7C00] =	vst v63  }
0xc: {  	_ =	swait.ge [sflag:s8], $0x7800  }
0xd: {  	s14 =	sadd.s32 s10, s9;
	[sflag:s8] =	ssyncset.done $0x0  }
0xe: {  	s9 =	sadd.s32 $0x11C400, s14;
	[sflag:s8] =	ssyncadd.s32 $0xFFFF8800  }
0xf: {  	[hbm4b:s9+s2] =	stream.linear.scatter [tilespmem:s7], [sflag:$0x2], $0x7800, $0x38;
	[tilespmem:$0x7C00] =	vst v63  }
0x10: {  	_ =	swait.ge [sflag:s3], $0x7800  }
0x11: {  	[sflag:s3] =	ssyncset.done $0x0  }
0x12: {  	[sflag:s3] =	ssyncadd.s32 $0xFFFF8800  }
0x13: {  	[tilespmem:s7], [sflag:$0x1] =	stream.indirect.gather [hbm4b:s5+s6], $0x80, s6, s6, $0xb8;
	[tilespmem:$0x7C00] =	vst v63  }
0x14: {  	_ =	swait.ge [sflag:s8], $0x7800  }
0x15: {  	[sflag:s8] =	ssyncset.done $0x0  }
0x16: {  	s10 =	sadd.s32 $0x11D300, s14;
	[sflag:s8] =	ssyncadd.s32 $0xFFFF8800  }
0x17: {  	[hbm4b:s10+s2] =	stream.linear.scatter [tilespmem:s7], [sflag:$0x2], $0x7800, $0x38;
	[tilespmem:$0x7C00] =	vst v63  }
0x18: {  	_ =	swait.ge [sflag:s3], $0x7800  }
0x19: {  	[sflag:s3] =	ssyncset.done $0x0  }
0x1a: {  	s11 =	simm.s32 $0x1E0;
	[sflag:s3] =	ssyncadd.s32 $0xFFFF8800  }
0x1b: {  	[tilespmem:s7], [sflag:$0x1] =	stream.indirect.gather [hbm4b:s5+s6], $0x80, s11, s6, $0xb8;
	[tilespmem:$0x7C00] =	vst v63  }
0x1c: {  	_ =	swait.ge [sflag:s8], $0x7800  }
0x1d: {  	[sflag:s8] =	ssyncset.done $0x0  }
0x1e: {  	s15 =	ssub.s32 $0x2, s13;
	s12 =	sadd.s32 $0x11E200, s14;
	[sflag:s8] =	ssyncadd.s32 $0xFFFF8800  }
0x1f: {  	[hbm4b:s12+s2] =	stream.linear.scatter [tilespmem:s7], [sflag:$0x2], $0x7800, $0x38;
	[tilespmem:$0x7C00] =	vst v63  }
0x20: {  	s16 =	sshrl.u32 s15, $0x1;
	_ =	swait.ge [sflag:s3], $0x7800  }
0x21: {  	s15 =	ssub.s32 s15, s16;
	[sflag:s3] =	ssyncset.done $0x0  }
0x22: {  	s13 =	simm.s32 $0x2D0;
	s15 =	smax.u32 s15, $0x1;
	[sflag:s3] =	ssyncadd.s32 $0xFFFF8800  }
0x23: {  	[tilespmem:s7], [sflag:$0x1] =	stream.indirect.gather [hbm4b:s5+s6], $0x80, s13, s6, $0xb8;
	[tilespmem:$0x7C00] =	vst v63  }
0x24: {  	p0 =	sne.s32 s15, $0x1;
	_ =	swait.ge [sflag:s8], $0x7800  }
.Ltmp0:
0x25: {  	[sflag:s8] =	ssyncset.done $0x0;
	(pc) =	sbr.rel @!p0 .LBB2_2-.Ltmp0, $4  }
0x26: {  	s14 =	sadd.s32 $0x11F100, s14;
	[sflag:s8] =	ssyncadd.s32 $0xFFFF8800  }
0x27: {  	[hbm4b:s14+s2] =	stream.linear.scatter [tilespmem:s7], [sflag:$0x2], $0x7800, $0x38;
	[tilespmem:$0x7C00] =	vst v63  }
0x28: {  	_ =	swait.ge [sflag:s3], $0x7800  }
0x29: {  	s15 =	sadd.s32 $0xFFFFFFFF, s15;
	[sflag:s3] =	ssyncset.done $0x0  }
.LBB2_1:
0x2a: {  	p0 =	sne.s32 s15, $0x1;
	s15 =	sadd.s32 $0xFFFFFFFF, s15;
	[sflag:s3] =	ssyncadd.s32 $0xFFFF8800  }
0x2b: {  	[tilespmem:s2], [sflag:$0x2] =	stream.linear.gather [hbm4b:s4+s2], $0x3C0, $0x38;
	[tilespmem:$0x7C00] =	vst v63  }
0x2c: {  	_ =	swait.ge [sflag:s3], $0x3C0  }
0x2d: {  	[sflag:s3] =	ssyncset.done $0x0  }
0x2e: {  	[sflag:s3] =	ssyncadd.s32 $0xFFFFFC40  }
0x2f: {  	[tilespmem:s7], [sflag:$0x1] =	stream.indirect.gather [hbm4b:s5+s6], $0x80, s2, s6, $0xb8;
	[tilespmem:$0x7C00] =	vst v63  }
0x30: {  	_ =	swait.ge [sflag:s8], $0x7800  }
0x31: {  	[sflag:s8] =	ssyncset.done $0x0  }
0x32: {  	[sflag:s8] =	ssyncadd.s32 $0xFFFF8800  }
0x33: {  	[hbm4b:s9+s2] =	stream.linear.scatter [tilespmem:s7], [sflag:$0x2], $0x7800, $0x38;
	[tilespmem:$0x7C00] =	vst v63  }
0x34: {  	_ =	swait.ge [sflag:s3], $0x7800  }
0x35: {  	[sflag:s3] =	ssyncset.done $0x0  }
0x36: {  	[sflag:s3] =	ssyncadd.s32 $0xFFFF8800  }
0x37: {  	[tilespmem:s7], [sflag:$0x1] =	stream.indirect.gather [hbm4b:s5+s6], $0x80, s6, s6, $0xb8;
	[tilespmem:$0x7C00] =	vst v63  }
0x38: {  	_ =	swait.ge [sflag:s8], $0x7800  }
0x39: {  	[sflag:s8] =	ssyncset.done $0x0  }
0x3a: {  	[sflag:s8] =	ssyncadd.s32 $0xFFFF8800  }
0x3b: {  	[hbm4b:s10+s2] =	stream.linear.scatter [tilespmem:s7], [sflag:$0x2], $0x7800, $0x38;
	[tilespmem:$0x7C00] =	vst v63  }
0x3c: {  	_ =	swait.ge [sflag:s3], $0x7800  }
0x3d: {  	[sflag:s3] =	ssyncset.done $0x0  }
0x3e: {  	[sflag:s3] =	ssyncadd.s32 $0xFFFF8800  }
0x3f: {  	[tilespmem:s7], [sflag:$0x1] =	stream.indirect.gather [hbm4b:s5+s6], $0x80, s11, s6, $0xb8;
	[tilespmem:$0x7C00] =	vst v63  }
0x40: {  	_ =	swait.ge [sflag:s8], $0x7800  }
0x41: {  	[sflag:s8] =	ssyncset.done $0x0  }
0x42: {  	[sflag:s8] =	ssyncadd.s32 $0xFFFF8800  }
0x43: {  	[hbm4b:s12+s2] =	stream.linear.scatter [tilespmem:s7], [sflag:$0x2], $0x7800, $0x38;
	[tilespmem:$0x7C00] =	vst v63  }
0x44: {  	_ =	swait.ge [sflag:s3], $0x7800  }
0x45: {  	[sflag:s3] =	ssyncset.done $0x0  }
0x46: {  	[sflag:s3] =	ssyncadd.s32 $0xFFFF8800  }
0x47: {  	[tilespmem:s7], [sflag:$0x1] =	stream.indirect.gather [hbm4b:s5+s6], $0x80, s13, s6, $0xb8;
	[tilespmem:$0x7C00] =	vst v63  }
0x48: {  	_ =	swait.ge [sflag:s8], $0x7800  }
.Ltmp1:
0x49: {  	[sflag:s8] =	ssyncset.done $0x0;
	(pc) =	sbr.rel @p0 .LBB2_1-.Ltmp1, $4  }
0x4a: {  	[sflag:s8] =	ssyncadd.s32 $0xFFFF8800  }
0x4b: {  	[hbm4b:s14+s2] =	stream.linear.scatter [tilespmem:s7], [sflag:$0x2], $0x7800, $0x38;
	[tilespmem:$0x7C00] =	vst v63  }
0x4c: {  	_ =	swait.ge [sflag:s3], $0x7800  }
0x4d: {  	[sflag:s3] =	ssyncset.done $0x0  }
.LBB2_2:
0x4e: {  	[sflag:s3] =	ssyncadd.s32 $0xFFFF8800  }
0x4f: {  	_ =	sfence.sel $0x180000  }
0x50: {  	[bflag:$0x0] =	sbarrier.arrive $0xFFFF  }
0x51: {  	p0 =	sne.s32 s0, $0x0;
	_ =	strace $0x9000004D  }
0x52: {  	s0 =	sadd.s32 @!p0 $0x100000, s1;
	[bflag:$0x2] =	sbarrier.arrive $0xFFFF  }
0x53: {  	[sflag:s0] =	ssyncadd.tile.s32 @!p0 $0x1;
	_ =	shalt  }
.Lfunc_end2:
_tile_overlayer_lowered:
.L_overlay_start_2:
0x54: {  	(tag) =	ssettag $0x2  }
0x55: {  	s0 =	rddreg [dreg:$0x0];
	s2 =	stileid.u32  }
0x56: {  	s1 =	rddreg [dreg:$0x1];
	p0 =	sne.s32 s2, $0x0  }
0x57: {  	s3 =	rddreg [dreg:$0x2];
	[bflag:$0x3] =	sbarrier.arrive $0xFFFF;
	s2 =	simm.s32 @!p0 $0x1C02  }
0x58: {  	[timem:s3], [sflag:s2] =	dma.local @!p0 [hbm:s0], s1  }
0x59: {  	s0 =	simm.s32 @!p0 $0x2  }
0x5a: {  	_ =	swait.ge @!p0 [sflag:s0], s1  }
0x5b: {  	s1 =	ssub.s32 @!p0 $0x0, s1;
	[sflag:s0] =	ssyncset.done @!p0 $0x0  }
0x5c: {  	[sflag:s0] =	ssyncadd.s32 @!p0 s1  }
0x5d: {  	[bflag:$0x3] =	sbarrier.arrive $0xFFFF  }
0x5e: {  	_ =	shalt  }

// kernel: kernel.32.cloned.1.call-start
scs
__scs_entry_jumppad:
0x0: {  	(pc) =	sbr.rel $0x88, $3  }
0x1: {  	(tag) =	ssettag $0x0;
	lr =	simm.s32 $0x1  }
0x2: {  	[smem:$0x3F88] =	sst lr;
	_ =	strace $0xD0000000  }
0x3: {  	_ = 	snop  }
0x4: {  	_ = 	snop  }
0x5: {  	_ = 	snop  }
0x6: {  	_ = 	snop  }
0x7: {  	_ = 	snop  }
__scs_overlays_trampoline_lowered:
0x8: {  	[smem:$0x3F97] =	sst s0  }
0x9: {  	[smem:$0x3F98] =	sst s1  }
0xa: {  	[smem:$0x3F99] =	sst s2  }
0xb: {  	[smem:$0x3F9A] =	sst s3  }
0xc: {  	[smem:$0x3F9B] =	sst s4  }
0xd: {  	[smem:$0x3F9C] =	sst s5  }
0xe: {  	[smem:$0x3F9D] =	sst s6  }
0xf: {  	[smem:$0x3F9E] =	sst s7  }
0x10: {  	[smem:$0x3F9F] =	sst s8  }
0x11: {  	[smem:$0x3FA0] =	sst s9;
	s0 =	simm.s32 @!p0 $0x0  }
0x12: {  	s1 =	sld [smem:$0x3F86];
	s0 =	simm.s32 @p0 $0x1  }
0x13: {  	[smem:$0x3FA1] =	sst s0;
	s0 =	simm.s32 @!p1 $0x0  }
0x14: {  	s2 =	sld [smem:$0x3F85];
	s0 =	simm.s32 @p1 $0x1  }
0x15: {  	[smem:$0x3FA2] =	sst s0;
	s0 =	simm.s32 @!p2 $0x0  }
0x16: {  	s3 =	sld [smem:$0x3FDB];
	s0 =	simm.s32 @p2 $0x1  }
0x17: {  	s4 =	simm.s32 $0x1BF5;
	[smem:$0x3FA4] =	sst s0  }
0x18: {  	s0 =	sld [smem:$0x3F87];
	_ =	swait.ge [sflag:s4], $0x0  }
0x19: {  	s7 =	sld [smem:$0x3F88]  }
0x1a: {  	s8 =	sadd.s32 $0xFFFFE003, lr  }
0x1b: {  	s9 =	sadd.s32 $0xFFFFFEF7, lr;
	s5 =	simm.s32 $0xFFFFFFFF;
	p2 =	slt.u32 s8, $0xFFFFF086  }
0x1c: {  	p1 =	slt.u32 s9, $0xF7A;
	s5 =	simm.s32 @!p2 $0x0  }
0x1d: {  	s5 =	simm.s32 @p1 $0x1;
	p0 =	seq.s32 s7, s2  }
0x1e: {  	s7 =	smul.u32 @!p0 $0xF7A, s2;
	p2 =	seq.s32 @!p0 s5, $0x0  }
0x1f: {  	s9 =	smul.u32 $0xF7A, s1;
	s8 =	simm.s32 @!p0 $0x1BF5;
	p2 =	por !p2, p0  }
0x20: {  	[sflag:s8] =	ssyncset.s32 @!p0 $0xFFFFF086;
	s6 =	sadd.s32 @!p0 s3, s7;
	s7 =	simm.s32 @!p0 $0x108  }
0x21: {  	s3 =	sadd.s32 s3, s9;
	s6 =	sadd.s32 @!p0 $0x88, s6;
	s7 =	simm.s32 @p2 $0x1082  }
0x22: {  	[simem:s7], [sflag:s8] =	dma.local @!p0 [hbm:s6], $0xF7A  }
0x23: {  	s9 =	sor.u32 $0xD0000000, s2;
	s6 =	simm.s32 $0x108;
	_ =	swait.ge @!p0 [sflag:s8], $0x0  }
0x24: {  	s3 =	sadd.s32 $0x88, s3;
	s6 =	simm.s32 @!p1 $0x1082;
	[sflag:s4] =	ssyncset.s32 $0xFFFFF086  }
0x25: {  	[simem:s6], [sflag:s4] =	dma.local [hbm:s3], $0xF7A  }
0x26: {  	[smem:$0x3F88] =	sst s1;
	(tag) =	ssettag s2;
	_ =	strace s9  }
0x27: {  	s1 =	sld [smem:$0x3F98]  }
0x28: {  	s2 =	sld [smem:$0x3F99]  }
0x29: {  	s4 =	sld [smem:$0x3F9B]  }
0x2a: {  	p0 =	seq.s32 s5, $0x0;
	s5 =	sld [smem:$0x3F9C]  }
0x2b: {  	s6 =	sld [smem:$0x3F9D]  }
0x2c: {  	s7 =	sld [smem:$0x3F9E]  }
0x2d: {  	s3 =	simm.s32 $0x108;
	s8 =	sld [smem:$0x3F9F]  }
0x2e: {  	s3 =	simm.s32 @!p0 $0x1082;
	s9 =	sld [smem:$0x3FA0]  }
0x2f: {  	lr =	sadd.s32 s0, s3;
	s0 =	sld [smem:$0x3F97]  }
0x30: {  	s3 =	sld [smem:$0x3F9A]  }
0x31: {  	[smem:$0x3FA3] =	sst s10  }
0x32: {  	s10 =	sld [smem:$0x3FA1];
	_ =	sdelay $0x3  }
0x33: {  	p0 =	seq.s32 s10, $0x1;
	s10 =	sld [smem:$0x3FA3];
	_ =	sdelay $0x3  }
0x34: {  	[smem:$0x3FA3] =	sst s10  }
0x35: {  	s10 =	sld [smem:$0x3FA2];
	_ =	sdelay $0x3  }
0x36: {  	p1 =	seq.s32 s10, $0x1;
	s10 =	sld [smem:$0x3FA3];
	_ =	sdelay $0x3  }
0x37: {  	[smem:$0x3FA3] =	sst s10  }
0x38: {  	s10 =	sld [smem:$0x3FA4]  }
0x39: {  	_ = 	snop;
	(pc) =	sbr.ind lr, $3  }
0x3a: {  	_ = 	snop  }
0x3b: {  	_ = 	snop  }
0x3c: {  	p2 =	seq.s32 s10, $0x1;
	s10 =	sld [smem:$0x3FA3]  }
0x3d: {  	_ =	shalt  }
0x3e: {  	_ =	shalt  }
0x3f: {  	_ =	shalt  }
0x40: {  	_ =	shalt  }
0x41: {  	_ =	shalt  }
0x42: {  	_ =	shalt  }
0x43: {  	_ =	shalt  }
0x44: {  	_ =	shalt  }
0x45: {  	_ =	shalt  }
0x46: {  	_ =	shalt  }
0x47: {  	_ =	shalt  }
0x48: {  	_ =	shalt  }
0x49: {  	_ =	shalt  }
0x4a: {  	_ =	shalt  }
0x4b: {  	_ =	shalt  }
0x4c: {  	_ =	shalt  }
0x4d: {  	_ =	shalt  }
0x4e: {  	_ =	shalt  }
0x4f: {  	_ =	shalt  }
0x50: {  	_ =	shalt  }
0x51: {  	_ =	shalt  }
0x52: {  	_ =	shalt  }
0x53: {  	_ =	shalt  }
0x54: {  	_ =	shalt  }
0x55: {  	_ =	shalt  }
0x56: {  	_ =	shalt  }
0x57: {  	_ =	shalt  }
0x58: {  	_ =	shalt  }
0x59: {  	_ =	shalt  }
0x5a: {  	_ =	shalt  }
0x5b: {  	_ =	shalt  }
0x5c: {  	_ =	shalt  }
0x5d: {  	_ =	shalt  }
0x5e: {  	_ =	shalt  }
0x5f: {  	_ =	shalt  }
0x60: {  	_ =	shalt  }
0x61: {  	_ =	shalt  }
0x62: {  	_ =	shalt  }
0x63: {  	_ =	shalt  }
0x64: {  	_ =	shalt  }
0x65: {  	_ =	shalt  }
0x66: {  	_ =	shalt  }
0x67: {  	_ =	shalt  }
0x68: {  	_ =	shalt  }
0x69: {  	_ =	shalt  }
0x6a: {  	_ =	shalt  }
0x6b: {  	_ =	shalt  }
0x6c: {  	_ =	shalt  }
0x6d: {  	_ =	shalt  }
0x6e: {  	_ =	shalt  }
0x6f: {  	_ =	shalt  }
0x70: {  	_ =	shalt  }
0x71: {  	_ =	shalt  }
0x72: {  	_ =	shalt  }
0x73: {  	_ =	shalt  }
0x74: {  	_ =	shalt  }
0x75: {  	_ =	shalt  }
0x76: {  	_ =	shalt  }
0x77: {  	_ =	shalt  }
0x78: {  	_ =	shalt  }
0x79: {  	_ =	shalt  }
0x7a: {  	_ =	shalt  }
0x7b: {  	_ =	shalt  }
0x7c: {  	_ =	shalt  }
0x7d: {  	_ =	shalt  }
0x7e: {  	_ =	shalt  }
0x7f: {  	_ =	shalt  }
0x80: {  	_ =	shalt  }
0x81: {  	_ =	shalt  }
0x82: {  	_ =	shalt  }
0x83: {  	_ =	shalt  }
0x84: {  	_ =	shalt  }
0x85: {  	_ =	shalt  }
0x86: {  	_ =	shalt  }
0x87: {  	_ =	shalt  }
.Lfunc_end0:
.L_simem_size_0:
called_computation.3_lowered:
.L_overlay_start_0:
0x88: {  	s2 =	sld [smem:$0x3FD9]  }
0x89: {  	s3 =	sld [smem:$0x3FFE];
	_ =	sdelay $0x1  }
0x8a: {  	s1 =	srdreg.scid  }
0x8b: {  	s0 =	sand.u32 $0x1, s1  }
0x8c: {  	s15 =	sshll.u32 s0, $0xA;
	s2 =	sadd.s32 s3, s2  }
0x8d: {  	s2 =	sadd.s32 s2, s15  }
0x8e: {  	[smem:$0x3FAF] =	sst s2  }
0x8f: {  	_ = 	snop  }
0x90: {  	s2 =	sld [smem:$0x3FD0];
	_ =	sdelay $0x2  }
0x91: {  	s16 =	simm.s32 $0xB;
	s4 =	simm.s32 $0x10  }
0x92: {  	[smem:s4], [sflag:s16] =	dma.local [hbm:s2], $0x1  }
0x93: {  	_ =	swait.eq [sflag:s16], $0x1  }
0x94: {  	[sflag:s16] =	ssyncset.done $0x0  }
0x95: {  	[sflag:s16] =	ssyncadd.s32 $0xFFFFFFFF  }
0x96: {  	s17 =	sld [smem:$0x10];
	(tm) =	ssettm $0x1  }
0x97: {  	s18 =	sld [smem:$0x3FFB];
	_ =	sdelay $0x3  }
0x98: {  	_ =	strace s18  }
0x99: {  	s2 =	sld [smem:$0x3FFC];
	_ =	sdelay $0x3  }
0x9a: {  	_ =	strace s2  }
0x9b: {  	s2 =	sld [smem:$0x3FFD];
	_ =	sdelay $0x3  }
0x9c: {  	_ =	strace s2  }
0x9d: {  	_ =	strace $0x8FFFFFFF  }
0x9e: {  	s19 =	sld [smem:$0x3FDB];
	_ =	sdelay $0x1  }
0x9f: {  	s20 =	simm.s32 $_scs_section_size  }
0xa0: {  	s5 =	simm.s32 $_size__tile_overlayer_lowered;
	s6 =	simm.s32 $_tile_overlayer_lowered  }
0xa1: {  	s7 =	simm.s32 $0x1BFF;
	s21 =	sshll.u32 s6, $0x1;
	s4 =	sadd.s32 s20, s19  }
0xa2: {  	s22 =	simm.s32 $0x0;
	s5 =	sshll.u32 s5, $0x1;
	s6 =	sadd.s32 s21, s4  }
0xa3: {  	[timem:s22], [sflag:s7] =	dma.local [hbm:s6], s5  }
0xa4: {  	_ =	swait.ge [sflag:s7], s5  }
0xa5: {  	s5 =	ssub.s32 $0x0, s5;
	[sflag:s7] =	ssyncset.done $0x0  }
0xa6: {  	[sflag:s7] =	ssyncadd.s32 s5;
	_ =	sdelay $0x1  }
0xa7: {  	s23 =	simm.s32 $0x1B8B  }
0xa8: {  	_ =	swait.ge [sflag:s23], $0x1  }
0xa9: {  	[sflag:s23] =	ssyncset.done $0x0  }
0xaa: {  	[sflag:s23] =	ssyncadd.s32 $0xFFFFFFFF  }
0xab: {  	s5 =	sld [smem:$0x0]  }
0xac: {  	s6 =	sand.u32 $0xFFFFFFFE, s1  }
0xad: {  	p0 =	sne.s32 s1, s6  }
0xae: {  	s6 =	sshll.u32 @p0 s6, $0xE  }
0xaf: {  	s6 =	sadd.s32 @p0 $0x11B8D, s6;
	s7 =	sshll.u32 @p0 s5, $0x11  }
0xb0: {  	s6 =	sor.u32 @p0 s7, s6  }
0xb1: {  	[sflag:s6] =	ssyncadd.remote.s32 @p0 $0x1;
	_ =	sdelay $0x1  }
0xb2: {  	s6 =	simm.s32 @p0 $0x1B8D  }
0xb3: {  	_ =	swait.eq @p0 [sflag:s6], $0x1  }
0xb4: {  	[sflag:s6] =	ssyncadd.s32 @p0 $0xFFFFFFFF  }
0xb5: {  	s7 =	sshll.u32 @!p0 s1, $0xE  }
0xb6: {  	s7 =	sor.u32 @!p0 $0x4000, s7;
	s6 =	simm.s32 @!p0 $0x1B8D  }
0xb7: {  	s5 =	sshll.u32 @!p0 s5, $0x11;
	s7 =	sadd.s32 @!p0 $0x11B8D, s7;
	_ =	swait.eq @!p0 [sflag:s6], $0x1  }
0xb8: {  	s5 =	sor.u32 @!p0 s5, s7;
	[sflag:s6] =	ssyncadd.s32 @!p0 $0xFFFFFFFF  }
0xb9: {  	s25 =	simm.s32 $0x1B8E;
	s24 =	sld [smem:$0x3FFE];
	[sflag:s5] =	ssyncadd.remote.s32 @!p0 $0x1  }
0xba: {  	s26 =	simm.s32 $execute0_lowered;
	[smem:$0x3FD2] =	sst s25  }
0xbb: {  	s6 =	sshll.u32 s26, $0x1;
	_ =	strace $0x80000052;
	[dreg:$0x1] =	wrdreg $0xFFFFFFFF  }
0xbc: {  	s28 =	simm.s32 $_size_execute0_lowered;
	s4 =	sadd.s32 s4, s6;
	[dreg:$0x0] =	wrdreg $0x0  }
0xbd: {  	s6 =	sshll.u32 s28, $0x1;
	[dreg:$0x2] =	wrdreg s4  }
0xbe: {  	[dreg:$0x3] =	wrdreg s6  }
0xbf: {  	[dreg:$0x4] =	wrdreg $0xC0  }
0xc0: {  	_ =	task [dreg:s22], $0x5FFFF  }
0xc1: {  	[dreg:$0x1] =	wrdreg $0xFFFFFFFF  }
0xc2: {  	[dreg:$0x0] =	wrdreg $0x60  }
0xc3: {  	[dreg:$0x2] =	wrdreg s24  }
0xc4: {  	[dreg:$0x3] =	wrdreg s17  }
0xc5: {  	[dreg:$0x4] =	wrdreg $0x9  }
0xc6: {  	_ =	task.clear_ibuf [dreg:s22], $0x5FFFF;
	_ =	strace $0x90000052  }
0xc7: {  	s29 =	simm.s32 $0x9;
	_ =	strace $0x80000054  }
0xc8: {  	_ =	swait.ge [sflag:s29], $0x1  }
0xc9: {  	[sflag:s29] =	ssyncadd.s32 $0xFFFFFFFF  }
0xca: {  	_ =	strace $0x90000054  }
0xcb: {  	_ =	sfence  }
0xcc: {  	s30 =	sld [smem:$0x0];
	_ =	sdelay $0x2  }
0xcd: {  	s31 =	sshll.u32 s1, $0xD;
	s1 =	sshrl.u32 s1, $0x2  }
0xce: {  	s4 =	sand.u32 $0x4000, s31;
	s1 =	sadd.s32 s1, s30  }
0xcf: {  	s0 =	sor.u32 s4, s0;
	s1 =	sshll.u32 s1, $0x11  }
0xd0: {  	s0 =	sor.u32 s1, s0  }
0xd1: {  	s0 =	sadd.s32 $0x8F2B, s0  }
0xd2: {  	[sflag:s0] =	ssyncadd.remote.s32 $0x1  }
0xd3: {  	_ =	sfence.sel $0xFFFF  }
0xd4: {  	[dreg:$0x0] =	wrdreg $0xFFFFFFFF;
	(pc) =	sbr.abs _section_cstart, $3  }
0xd5: {  	[dreg:$0x1] =	wrdreg $0xFFFFFFFF  }
0xd6: {  	_ =	task.clear_ibuf [dreg:s22], $0x2FFFF;
	_ =	strace $0x9FFFFFFF  }
0xd7: {  	(tm) =	ssettm $0x7FFFFFFF  }
tec
execute0_lowered:
.L_overlay_start_1:
0x0: {  	(tag) =	ssettag $0x1  }
0x1: {  	s1 =	srdreg.scid;
	s0 =	stileid.u32  }
0x2: {  	s9 =	rddreg [dreg:$0x0];
	s13 =	sand.u32 $0x1, s1;
	s31 =	sshll.u32 s0, $0x1  }
0x3: {  	s3 =	rddreg [dreg:$0x1];
	s6 =	sor.u32 s13, s31  }
0x4: {  	s2 =	simm.s32 $0x0;
	s1 =	rddreg [dreg:$0x2];
	s4 =	smul.u32 $0x78, s6  }
0x5: {  	[smem:$0x7FF] =	sst s2  }
0x6: {  	_ =	strace $0x80000053;
	s4 =	sadd.s32 s3, s4;
	s3 =	simm.s32 $0x2  }
0x7: {  	[tilespmem:s2], [sflag:$0x2] =	stream.linear.gather [hbm4b:s4+s2], $0x3C0, $0x38;
	[tilespmem:$0x7C00] =	vst v63  }
0x8: {  	s7 =	simm.s32 $0x400;
	_ =	swait.ge [sflag:s3], $0x3C0  }
0x9: {  	s8 =	simm.s32 $0x1;
	s5 =	sadd.s32 $0xA200, s9;
	[sflag:s3] =	ssyncset.done $0x0  }
0xa: {  	s10 =	smul.u32 $0x3C00, s6;
	s6 =	simm.s32 $0xF0;
	[sflag:s3] =	ssyncadd.s32 $0xFFFFFC40  }
0xb: {  	[tilespmem:s7], [sflag:$0x1] =	stream.indirect.gather [hbm4b:s5+s6], $0x80, s2, s6, $0xb8;
	[tilespmem:$0x7C00] =	vst v63  }
0xc: {  	_ =	swait.ge [sflag:s8], $0x7800  }
0xd: {  	s14 =	sadd.s32 s10, s9;
	[sflag:s8] =	ssyncset.done $0x0  }
0xe: {  	s9 =	sadd.s32 $0x1BE000, s14;
	[sflag:s8] =	ssyncadd.s32 $0xFFFF8800  }
0xf: {  	[hbm4b:s9+s2] =	stream.linear.scatter [tilespmem:s7], [sflag:$0x2], $0x7800, $0x38;
	[tilespmem:$0x7C00] =	vst v63  }
0x10: {  	_ =	swait.ge [sflag:s3], $0x7800  }
0x11: {  	[sflag:s3] =	ssyncset.done $0x0  }
0x12: {  	[sflag:s3] =	ssyncadd.s32 $0xFFFF8800  }
0x13: {  	[tilespmem:s7], [sflag:$0x1] =	stream.indirect.gather [hbm4b:s5+s6], $0x80, s6, s6, $0xb8;
	[tilespmem:$0x7C00] =	vst v63  }
0x14: {  	_ =	swait.ge [sflag:s8], $0x7800  }
0x15: {  	[sflag:s8] =	ssyncset.done $0x0  }
0x16: {  	s10 =	sadd.s32 $0x1BEF00, s14;
	[sflag:s8] =	ssyncadd.s32 $0xFFFF8800  }
0x17: {  	[hbm4b:s10+s2] =	stream.linear.scatter [tilespmem:s7], [sflag:$0x2], $0x7800, $0x38;
	[tilespmem:$0x7C00] =	vst v63  }
0x18: {  	_ =	swait.ge [sflag:s3], $0x7800  }
0x19: {  	[sflag:s3] =	ssyncset.done $0x0  }
0x1a: {  	s11 =	simm.s32 $0x1E0;
	[sflag:s3] =	ssyncadd.s32 $0xFFFF8800  }
0x1b: {  	[tilespmem:s7], [sflag:$0x1] =	stream.indirect.gather [hbm4b:s5+s6], $0x80, s11, s6, $0xb8;
	[tilespmem:$0x7C00] =	vst v63  }
0x1c: {  	_ =	swait.ge [sflag:s8], $0x7800  }
0x1d: {  	[sflag:s8] =	ssyncset.done $0x0  }
0x1e: {  	s15 =	ssub.s32 $0x2, s13;
	s12 =	sadd.s32 $0x1BFE00, s14;
	[sflag:s8] =	ssyncadd.s32 $0xFFFF8800  }
0x1f: {  	[hbm4b:s12+s2] =	stream.linear.scatter [tilespmem:s7], [sflag:$0x2], $0x7800, $0x38;
	[tilespmem:$0x7C00] =	vst v63  }
0x20: {  	s16 =	sshrl.u32 s15, $0x1;
	_ =	swait.ge [sflag:s3], $0x7800  }
0x21: {  	s15 =	ssub.s32 s15, s16;
	[sflag:s3] =	ssyncset.done $0x0  }
0x22: {  	s13 =	simm.s32 $0x2D0;
	s15 =	smax.u32 s15, $0x1;
	[sflag:s3] =	ssyncadd.s32 $0xFFFF8800  }
0x23: {  	[tilespmem:s7], [sflag:$0x1] =	stream.indirect.gather [hbm4b:s5+s6], $0x80, s13, s6, $0xb8;
	[tilespmem:$0x7C00] =	vst v63  }
0x24: {  	p0 =	sne.s32 s15, $0x1;
	_ =	swait.ge [sflag:s8], $0x7800  }
.Ltmp0:
0x25: {  	[sflag:s8] =	ssyncset.done $0x0;
	(pc) =	sbr.rel @!p0 .LBB2_2-.Ltmp0, $4  }
0x26: {  	s14 =	sadd.s32 $0x1C0D00, s14;
	[sflag:s8] =	ssyncadd.s32 $0xFFFF8800  }
0x27: {  	[hbm4b:s14+s2] =	stream.linear.scatter [tilespmem:s7], [sflag:$0x2], $0x7800, $0x38;
	[tilespmem:$0x7C00] =	vst v63  }
0x28: {  	_ =	swait.ge [sflag:s3], $0x7800  }
0x29: {  	s15 =	sadd.s32 $0xFFFFFFFF, s15;
	[sflag:s3] =	ssyncset.done $0x0  }
.LBB2_1:
0x2a: {  	p0 =	sne.s32 s15, $0x1;
	s15 =	sadd.s32 $0xFFFFFFFF, s15;
	[sflag:s3] =	ssyncadd.s32 $0xFFFF8800  }
0x2b: {  	[tilespmem:s2], [sflag:$0x2] =	stream.linear.gather [hbm4b:s4+s2], $0x3C0, $0x38;
	[tilespmem:$0x7C00] =	vst v63  }
0x2c: {  	_ =	swait.ge [sflag:s3], $0x3C0  }
0x2d: {  	[sflag:s3] =	ssyncset.done $0x0  }
0x2e: {  	[sflag:s3] =	ssyncadd.s32 $0xFFFFFC40  }
0x2f: {  	[tilespmem:s7], [sflag:$0x1] =	stream.indirect.gather [hbm4b:s5+s6], $0x80, s2, s6, $0xb8;
	[tilespmem:$0x7C00] =	vst v63  }
0x30: {  	_ =	swait.ge [sflag:s8], $0x7800  }
0x31: {  	[sflag:s8] =	ssyncset.done $0x0  }
0x32: {  	[sflag:s8] =	ssyncadd.s32 $0xFFFF8800  }
0x33: {  	[hbm4b:s9+s2] =	stream.linear.scatter [tilespmem:s7], [sflag:$0x2], $0x7800, $0x38;
	[tilespmem:$0x7C00] =	vst v63  }
0x34: {  	_ =	swait.ge [sflag:s3], $0x7800  }
0x35: {  	[sflag:s3] =	ssyncset.done $0x0  }
0x36: {  	[sflag:s3] =	ssyncadd.s32 $0xFFFF8800  }
0x37: {  	[tilespmem:s7], [sflag:$0x1] =	stream.indirect.gather [hbm4b:s5+s6], $0x80, s6, s6, $0xb8;
	[tilespmem:$0x7C00] =	vst v63  }
0x38: {  	_ =	swait.ge [sflag:s8], $0x7800  }
0x39: {  	[sflag:s8] =	ssyncset.done $0x0  }
0x3a: {  	[sflag:s8] =	ssyncadd.s32 $0xFFFF8800  }
0x3b: {  	[hbm4b:s10+s2] =	stream.linear.scatter [tilespmem:s7], [sflag:$0x2], $0x7800, $0x38;
	[tilespmem:$0x7C00] =	vst v63  }
0x3c: {  	_ =	swait.ge [sflag:s3], $0x7800  }
0x3d: {  	[sflag:s3] =	ssyncset.done $0x0  }
0x3e: {  	[sflag:s3] =	ssyncadd.s32 $0xFFFF8800  }
0x3f: {  	[tilespmem:s7], [sflag:$0x1] =	stream.indirect.gather [hbm4b:s5+s6], $0x80, s11, s6, $0xb8;
	[tilespmem:$0x7C00] =	vst v63  }
0x40: {  	_ =	swait.ge [sflag:s8], $0x7800  }
0x41: {  	[sflag:s8] =	ssyncset.done $0x0  }
0x42: {  	[sflag:s8] =	ssyncadd.s32 $0xFFFF8800  }
0x43: {  	[hbm4b:s12+s2] =	stream.linear.scatter [tilespmem:s7], [sflag:$0x2], $0x7800, $0x38;
	[tilespmem:$0x7C00] =	vst v63  }
0x44: {  	_ =	swait.ge [sflag:s3], $0x7800  }
0x45: {  	[sflag:s3] =	ssyncset.done $0x0  }
0x46: {  	[sflag:s3] =	ssyncadd.s32 $0xFFFF8800  }
0x47: {  	[tilespmem:s7], [sflag:$0x1] =	stream.indirect.gather [hbm4b:s5+s6], $0x80, s13, s6, $0xb8;
	[tilespmem:$0x7C00] =	vst v63  }
0x48: {  	_ =	swait.ge [sflag:s8], $0x7800  }
.Ltmp1:
0x49: {  	[sflag:s8] =	ssyncset.done $0x0;
	(pc) =	sbr.rel @p0 .LBB2_1-.Ltmp1, $4  }
0x4a: {  	[sflag:s8] =	ssyncadd.s32 $0xFFFF8800  }
0x4b: {  	[hbm4b:s14+s2] =	stream.linear.scatter [tilespmem:s7], [sflag:$0x2], $0x7800, $0x38;
	[tilespmem:$0x7C00] =	vst v63  }
0x4c: {  	_ =	swait.ge [sflag:s3], $0x7800  }
0x4d: {  	[sflag:s3] =	ssyncset.done $0x0  }
.LBB2_2:
0x4e: {  	[sflag:s3] =	ssyncadd.s32 $0xFFFF8800  }
0x4f: {  	_ =	sfence.sel $0x180000  }
0x50: {  	[bflag:$0x0] =	sbarrier.arrive $0xFFFF  }
0x51: {  	p0 =	sne.s32 s0, $0x0;
	_ =	strace $0x90000053  }
0x52: {  	s0 =	sadd.s32 @!p0 $0x100000, s1;
	[bflag:$0x2] =	sbarrier.arrive $0xFFFF  }
0x53: {  	[sflag:s0] =	ssyncadd.tile.s32 @!p0 $0x1;
	_ =	shalt  }
.Lfunc_end2:
_tile_overlayer_lowered:
.L_overlay_start_2:
0x54: {  	(tag) =	ssettag $0x2  }
0x55: {  	s0 =	rddreg [dreg:$0x0];
	s2 =	stileid.u32  }
0x56: {  	s1 =	rddreg [dreg:$0x1];
	p0 =	sne.s32 s2, $0x0  }
0x57: {  	s3 =	rddreg [dreg:$0x2];
	[bflag:$0x3] =	sbarrier.arrive $0xFFFF;
	s2 =	simm.s32 @!p0 $0x1C02  }
0x58: {  	[timem:s3], [sflag:s2] =	dma.local @!p0 [hbm:s0], s1  }
0x59: {  	s0 =	simm.s32 @!p0 $0x2  }
0x5a: {  	_ =	swait.ge @!p0 [sflag:s0], s1  }
0x5b: {  	s1 =	ssub.s32 @!p0 $0x0, s1;
	[sflag:s0] =	ssyncset.done @!p0 $0x0  }
0x5c: {  	[sflag:s0] =	ssyncadd.s32 @!p0 s1  }
0x5d: {  	[bflag:$0x3] =	sbarrier.arrive $0xFFFF  }
0x5e: {  	_ =	shalt  }

// kernel: kernel.35.cloned.1.call-start
scs
__scs_entry_jumppad:
0x0: {  	(pc) =	sbr.rel $0x88, $3  }
0x1: {  	(tag) =	ssettag $0x0;
	lr =	simm.s32 $0x1  }
0x2: {  	[smem:$0x3F88] =	sst lr;
	_ =	strace $0xD0000000  }
0x3: {  	_ = 	snop  }
0x4: {  	_ = 	snop  }
0x5: {  	_ = 	snop  }
0x6: {  	_ = 	snop  }
0x7: {  	_ = 	snop  }
__scs_overlays_trampoline_lowered:
0x8: {  	[smem:$0x3F97] =	sst s0  }
0x9: {  	[smem:$0x3F98] =	sst s1  }
0xa: {  	[smem:$0x3F99] =	sst s2  }
0xb: {  	[smem:$0x3F9A] =	sst s3  }
0xc: {  	[smem:$0x3F9B] =	sst s4  }
0xd: {  	[smem:$0x3F9C] =	sst s5  }
0xe: {  	[smem:$0x3F9D] =	sst s6  }
0xf: {  	[smem:$0x3F9E] =	sst s7  }
0x10: {  	[smem:$0x3F9F] =	sst s8  }
0x11: {  	[smem:$0x3FA0] =	sst s9;
	s0 =	simm.s32 @!p0 $0x0  }
0x12: {  	s1 =	sld [smem:$0x3F86];
	s0 =	simm.s32 @p0 $0x1  }
0x13: {  	[smem:$0x3FA1] =	sst s0;
	s0 =	simm.s32 @!p1 $0x0  }
0x14: {  	s2 =	sld [smem:$0x3F85];
	s0 =	simm.s32 @p1 $0x1  }
0x15: {  	[smem:$0x3FA2] =	sst s0;
	s0 =	simm.s32 @!p2 $0x0  }
0x16: {  	s3 =	sld [smem:$0x3FDB];
	s0 =	simm.s32 @p2 $0x1  }
0x17: {  	s4 =	simm.s32 $0x1BF5;
	[smem:$0x3FA4] =	sst s0  }
0x18: {  	s0 =	sld [smem:$0x3F87];
	_ =	swait.ge [sflag:s4], $0x0  }
0x19: {  	s7 =	sld [smem:$0x3F88]  }
0x1a: {  	s8 =	sadd.s32 $0xFFFFE003, lr  }
0x1b: {  	s9 =	sadd.s32 $0xFFFFFEF7, lr;
	s5 =	simm.s32 $0xFFFFFFFF;
	p2 =	slt.u32 s8, $0xFFFFF086  }
0x1c: {  	p1 =	slt.u32 s9, $0xF7A;
	s5 =	simm.s32 @!p2 $0x0  }
0x1d: {  	s5 =	simm.s32 @p1 $0x1;
	p0 =	seq.s32 s7, s2  }
0x1e: {  	s7 =	smul.u32 @!p0 $0xF7A, s2;
	p2 =	seq.s32 @!p0 s5, $0x0  }
0x1f: {  	s9 =	smul.u32 $0xF7A, s1;
	s8 =	simm.s32 @!p0 $0x1BF5;
	p2 =	por !p2, p0  }
0x20: {  	[sflag:s8] =	ssyncset.s32 @!p0 $0xFFFFF086;
	s6 =	sadd.s32 @!p0 s3, s7;
	s7 =	simm.s32 @!p0 $0x108  }
0x21: {  	s3 =	sadd.s32 s3, s9;
	s6 =	sadd.s32 @!p0 $0x88, s6;
	s7 =	simm.s32 @p2 $0x1082  }
0x22: {  	[simem:s7], [sflag:s8] =	dma.local @!p0 [hbm:s6], $0xF7A  }
0x23: {  	s9 =	sor.u32 $0xD0000000, s2;
	s6 =	simm.s32 $0x108;
	_ =	swait.ge @!p0 [sflag:s8], $0x0  }
0x24: {  	s3 =	sadd.s32 $0x88, s3;
	s6 =	simm.s32 @!p1 $0x1082;
	[sflag:s4] =	ssyncset.s32 $0xFFFFF086  }
0x25: {  	[simem:s6], [sflag:s4] =	dma.local [hbm:s3], $0xF7A  }
0x26: {  	[smem:$0x3F88] =	sst s1;
	(tag) =	ssettag s2;
	_ =	strace s9  }
0x27: {  	s1 =	sld [smem:$0x3F98]  }
0x28: {  	s2 =	sld [smem:$0x3F99]  }
0x29: {  	s4 =	sld [smem:$0x3F9B]  }
0x2a: {  	p0 =	seq.s32 s5, $0x0;
	s5 =	sld [smem:$0x3F9C]  }
0x2b: {  	s6 =	sld [smem:$0x3F9D]  }
0x2c: {  	s7 =	sld [smem:$0x3F9E]  }
0x2d: {  	s3 =	simm.s32 $0x108;
	s8 =	sld [smem:$0x3F9F]  }
0x2e: {  	s3 =	simm.s32 @!p0 $0x1082;
	s9 =	sld [smem:$0x3FA0]  }
0x2f: {  	lr =	sadd.s32 s0, s3;
	s0 =	sld [smem:$0x3F97]  }
0x30: {  	s3 =	sld [smem:$0x3F9A]  }
0x31: {  	[smem:$0x3FA3] =	sst s10  }
0x32: {  	s10 =	sld [smem:$0x3FA1];
	_ =	sdelay $0x3  }
0x33: {  	p0 =	seq.s32 s10, $0x1;
	s10 =	sld [smem:$0x3FA3];
	_ =	sdelay $0x3  }
0x34: {  	[smem:$0x3FA3] =	sst s10  }
0x35: {  	s10 =	sld [smem:$0x3FA2];
	_ =	sdelay $0x3  }
0x36: {  	p1 =	seq.s32 s10, $0x1;
	s10 =	sld [smem:$0x3FA3];
	_ =	sdelay $0x3  }
0x37: {  	[smem:$0x3FA3] =	sst s10  }
0x38: {  	s10 =	sld [smem:$0x3FA4]  }
0x39: {  	_ = 	snop;
	(pc) =	sbr.ind lr, $3  }
0x3a: {  	_ = 	snop  }
0x3b: {  	_ = 	snop  }
0x3c: {  	p2 =	seq.s32 s10, $0x1;
	s10 =	sld [smem:$0x3FA3]  }
0x3d: {  	_ =	shalt  }
0x3e: {  	_ =	shalt  }
0x3f: {  	_ =	shalt  }
0x40: {  	_ =	shalt  }
0x41: {  	_ =	shalt  }
0x42: {  	_ =	shalt  }
0x43: {  	_ =	shalt  }
0x44: {  	_ =	shalt  }
0x45: {  	_ =	shalt  }
0x46: {  	_ =	shalt  }
0x47: {  	_ =	shalt  }
0x48: {  	_ =	shalt  }
0x49: {  	_ =	shalt  }
0x4a: {  	_ =	shalt  }
0x4b: {  	_ =	shalt  }
0x4c: {  	_ =	shalt  }
0x4d: {  	_ =	shalt  }
0x4e: {  	_ =	shalt  }
0x4f: {  	_ =	shalt  }
0x50: {  	_ =	shalt  }
0x51: {  	_ =	shalt  }
0x52: {  	_ =	shalt  }
0x53: {  	_ =	shalt  }
0x54: {  	_ =	shalt  }
0x55: {  	_ =	shalt  }
0x56: {  	_ =	shalt  }
0x57: {  	_ =	shalt  }
0x58: {  	_ =	shalt  }
0x59: {  	_ =	shalt  }
0x5a: {  	_ =	shalt  }
0x5b: {  	_ =	shalt  }
0x5c: {  	_ =	shalt  }
0x5d: {  	_ =	shalt  }
0x5e: {  	_ =	shalt  }
0x5f: {  	_ =	shalt  }
0x60: {  	_ =	shalt  }
0x61: {  	_ =	shalt  }
0x62: {  	_ =	shalt  }
0x63: {  	_ =	shalt  }
0x64: {  	_ =	shalt  }
0x65: {  	_ =	shalt  }
0x66: {  	_ =	shalt  }
0x67: {  	_ =	shalt  }
0x68: {  	_ =	shalt  }
0x69: {  	_ =	shalt  }
0x6a: {  	_ =	shalt  }
0x6b: {  	_ =	shalt  }
0x6c: {  	_ =	shalt  }
0x6d: {  	_ =	shalt  }
0x6e: {  	_ =	shalt  }
0x6f: {  	_ =	shalt  }
0x70: {  	_ =	shalt  }
0x71: {  	_ =	shalt  }
0x72: {  	_ =	shalt  }
0x73: {  	_ =	shalt  }
0x74: {  	_ =	shalt  }
0x75: {  	_ =	shalt  }
0x76: {  	_ =	shalt  }
0x77: {  	_ =	shalt  }
0x78: {  	_ =	shalt  }
0x79: {  	_ =	shalt  }
0x7a: {  	_ =	shalt  }
0x7b: {  	_ =	shalt  }
0x7c: {  	_ =	shalt  }
0x7d: {  	_ =	shalt  }
0x7e: {  	_ =	shalt  }
0x7f: {  	_ =	shalt  }
0x80: {  	_ =	shalt  }
0x81: {  	_ =	shalt  }
0x82: {  	_ =	shalt  }
0x83: {  	_ =	shalt  }
0x84: {  	_ =	shalt  }
0x85: {  	_ =	shalt  }
0x86: {  	_ =	shalt  }
0x87: {  	_ =	shalt  }
.Lfunc_end0:
.L_simem_size_0:
called_computation.4_lowered:
.L_overlay_start_0:
0x88: {  	s2 =	sld [smem:$0x3FD9]  }
0x89: {  	s3 =	sld [smem:$0x3FFE];
	_ =	sdelay $0x1  }
0x8a: {  	s1 =	srdreg.scid  }
0x8b: {  	s0 =	sand.u32 $0x1, s1  }
0x8c: {  	s14 =	sshll.u32 s0, $0xA;
	s2 =	sadd.s32 s3, s2  }
0x8d: {  	s2 =	sadd.s32 s2, s14  }
0x8e: {  	[smem:$0x3FAF] =	sst s2  }
0x8f: {  	_ = 	snop  }
0x90: {  	s2 =	sld [smem:$0x3FD0];
	_ =	sdelay $0x2  }
0x91: {  	s15 =	simm.s32 $0xB;
	s4 =	simm.s32 $0x10  }
0x92: {  	[smem:s4], [sflag:s15] =	dma.local [hbm:s2], $0x1  }
0x93: {  	_ =	swait.eq [sflag:s15], $0x1  }
0x94: {  	[sflag:s15] =	ssyncset.done $0x0  }
0x95: {  	[sflag:s15] =	ssyncadd.s32 $0xFFFFFFFF  }
0x96: {  	s16 =	sld [smem:$0x10];
	(tm) =	ssettm $0x1  }
0x97: {  	s17 =	sld [smem:$0x3FFB];
	_ =	sdelay $0x3  }
0x98: {  	_ =	strace s17  }
0x99: {  	s3 =	sld [smem:$0x3FFC];
	_ =	sdelay $0x3  }
0x9a: {  	_ =	strace s3  }
0x9b: {  	s3 =	sld [smem:$0x3FFD];
	_ =	sdelay $0x3  }
0x9c: {  	_ =	strace s3  }
0x9d: {  	_ =	strace $0x8FFFFFFF  }
0x9e: {  	s18 =	sld [smem:$0x3FDB];
	_ =	sdelay $0x1  }
0x9f: {  	s19 =	simm.s32 $_scs_section_size  }
0xa0: {  	s5 =	simm.s32 $_size__tile_overlayer_lowered;
	s6 =	simm.s32 $_tile_overlayer_lowered  }
0xa1: {  	s22 =	simm.s32 $0x1BFF;
	s21 =	sshll.u32 s6, $0x1;
	s3 =	sadd.s32 s19, s18  }
0xa2: {  	s7 =	simm.s32 $0x0;
	s20 =	sshll.u32 s5, $0x1;
	s5 =	sadd.s32 s21, s3  }
0xa3: {  	[timem:s7], [sflag:s22] =	dma.local [hbm:s5], s20  }
0xa4: {  	_ =	swait.ge [sflag:s22], s20  }
0xa5: {  	s4 =	ssub.s32 $0x0, s20;
	[sflag:s22] =	ssyncset.done $0x0  }
0xa6: {  	[sflag:s22] =	ssyncadd.s32 s4;
	_ =	sdelay $0x1  }
0xa7: {  	s23 =	simm.s32 $0x1B8B  }
0xa8: {  	_ =	swait.ge [sflag:s23], $0x1  }
0xa9: {  	[sflag:s23] =	ssyncset.done $0x0  }
0xaa: {  	s25 =	simm.s32 $0x1B8E;
	s24 =	sld [smem:$0x3FFE];
	[sflag:s23] =	ssyncadd.s32 $0xFFFFFFFF  }
0xab: {  	s26 =	simm.s32 $execute0_lowered;
	[smem:$0x3FD2] =	sst s25  }
0xac: {  	s5 =	sshll.u32 s26, $0x1;
	_ =	strace $0x8000004F;
	[dreg:$0x1] =	wrdreg $0xFFFFFFFF  }
0xad: {  	s28 =	simm.s32 $_size_execute0_lowered;
	s3 =	sadd.s32 s3, s5;
	[dreg:$0x0] =	wrdreg $0x0  }
0xae: {  	s5 =	sshll.u32 s28, $0x1;
	[dreg:$0x2] =	wrdreg s3  }
0xaf: {  	[dreg:$0x3] =	wrdreg s5  }
0xb0: {  	[dreg:$0x4] =	wrdreg $0xC0  }
0xb1: {  	_ =	task [dreg:s7], $0x5FFFF  }
0xb2: {  	[dreg:$0x1] =	wrdreg $0xFFFFFFFF  }
0xb3: {  	[dreg:$0x0] =	wrdreg $0x60  }
0xb4: {  	[dreg:$0x2] =	wrdreg s24  }
0xb5: {  	[dreg:$0x3] =	wrdreg s16  }
0xb6: {  	[dreg:$0x4] =	wrdreg $0xA  }
0xb7: {  	_ =	task.clear_ibuf [dreg:s7], $0x5FFFF;
	_ =	strace $0x9000004F  }
0xb8: {  	s29 =	simm.s32 $0xA;
	_ =	strace $0x80000051  }
0xb9: {  	_ =	swait.ge [sflag:s29], $0x1  }
0xba: {  	[sflag:s29] =	ssyncadd.s32 $0xFFFFFFFF  }
0xbb: {  	_ =	strace $0x90000051  }
0xbc: {  	_ =	sfence  }
0xbd: {  	s30 =	sld [smem:$0x0];
	_ =	sdelay $0x2  }
0xbe: {  	s31 =	sshll.u32 s1, $0xD;
	s1 =	sshrl.u32 s1, $0x2  }
0xbf: {  	s3 =	sand.u32 $0x4000, s31;
	s1 =	sadd.s32 s1, s30  }
0xc0: {  	s0 =	sor.u32 s3, s0;
	s1 =	sshll.u32 s1, $0x11  }
0xc1: {  	s0 =	sor.u32 s1, s0  }
0xc2: {  	s0 =	sadd.s32 $0x8F2B, s0  }
0xc3: {  	[sflag:s0] =	ssyncadd.remote.s32 $0x1  }
0xc4: {  	_ =	sfence.sel $0xFFFF  }
0xc5: {  	[dreg:$0x0] =	wrdreg $0xFFFFFFFF;
	(pc) =	sbr.abs _section_cstart, $3  }
0xc6: {  	[dreg:$0x1] =	wrdreg $0xFFFFFFFF  }
0xc7: {  	_ =	task.clear_ibuf [dreg:s7], $0x2FFFF;
	_ =	strace $0x9FFFFFFF  }
0xc8: {  	(tm) =	ssettm $0x7FFFFFFF  }
0xc9: {  	_ =	shalt  }
tec
execute0_lowered:
.L_overlay_start_1:
0x0: {  	(tag) =	ssettag $0x1  }
0x1: {  	s0 =	rddreg [dreg:$0x0]  }
0x2: {  	s1 =	rddreg [dreg:$0x1]  }
0x3: {  	s7 =	stileid.u32;
	s3 =	srdreg.scid  }
0x4: {  	s2 =	simm.s32 $0x0;
	s19 =	simm.s32 $0xC00;
	s20 =	simm.s32 $0x1400  }
0x5: {  	s21 =	simm.s32 $0x1C00;
	s22 =	simm.s32 $0x2400;
	s23 =	simm.s32 $0x2C00  }
0x6: {  	s24 =	simm.s32 $0x3400;
	s25 =	simm.s32 $0x3C00;
	s26 =	simm.s32 $0x4400  }
0x7: {  	s8 =	simm.s32 $0x4C00;
	s9 =	simm.s32 $0x5400;
	s10 =	simm.s32 $0x5C00  }
0x8: {  	s11 =	simm.s32 $0x6400;
	s12 =	simm.s32 $0x6C00;
	s13 =	simm.s32 $0x7400  }
0x9: {  	s14 =	simm.s32 $0x7C00;
	s15 =	simm.s32 $0x8400;
	[smem:$0x7FF] =	sst s2  }
0xa: {  	s16 =	simm.s32 $0x8C00;
	_ =	strace $0x80000050;
	[dreg:$0x4] =	wrdreg s19  }
0xb: {  	s28 =	simm.s32 $0xE400;
	s29 =	simm.s32 $0xEC00;
	[dreg:$0x5] =	wrdreg s20  }
0xc: {  	s30 =	simm.s32 $0x1;
	s31 =	simm.s32 $0x0;
	[dreg:$0x6] =	wrdreg s21  }
0xd: {  	s4 =	smul.u32 $0xF000, s7;
	s5 =	sand.u32 $0x1, s3;
	[dreg:$0x7] =	wrdreg s22  }
0xe: {  	s3 =	sadd.s32 $0x7FE00, s0;
	s7 =	sshll.u32 s7, $0x1;
	[dreg:$0x8] =	wrdreg s23  }
0xf: {  	s6 =	smul.u32 $0x7800, s5;
	s17 =	ssub.s32 $0x2, s5;
	[dreg:$0x9] =	wrdreg s24  }
0x10: {  	s5 =	sor.u32 s5, s7;
	s7 =	simm.s32 $0x400;
	[dreg:$0xa] =	wrdreg s25  }
0x11: {  	[dreg:$0xb] =	wrdreg s26;
	s19 =	simm.s32 $0xA400;
	s20 =	simm.s32 $0xAC00  }
0x12: {  	s21 =	simm.s32 $0xB400;
	s22 =	simm.s32 $0xBC00;
	s23 =	simm.s32 $0xC400  }
0x13: {  	s24 =	simm.s32 $0xCC00;
	s25 =	simm.s32 $0xD400;
	s4 =	sadd.s32 s4, s0  }
0x14: {  	s18 =	sshrl.u32 s17, $0x1;
	s5 =	smul.u32 $0x3C0, s5;
	s4 =	sadd.s32 s6, s4  }
0x15: {  	s26 =	simm.s32 $0xDC00;
	s0 =	ssub.s32 s17, s18;
	s4 =	sadd.s32 $0xCE000, s4  }
0x16: {  	v2 =	vlaneseq.u32;
	s5 =	sshrl.u32 s5, $0x3;
	s0 =	smax.u32 s0, $0x1;
	[dreg:$0x3] =	wrdreg s4  }
0x17: {  	vm0 =	vmmov $0xffff;
	v1 =	vshrl.u32 v2, $0x3;
	s6 =	simm.s32 $0x2;
	s1 =	sadd.s32 s1, s5;
	[dreg:$0xd] =	wrdreg s0  }
0x18: {  	v0 =	vand.u32 $0x7, v2;
	v2 =	vor.u32 $0x8, v2;
	v1 =	vmul.u32 $0x8, v1;
	s17 =	simm.s32 $0x9400;
	s18 =	simm.s32 $0x9C00;
	[dreg:$0xc] =	wrdreg s1  }
.LBB2_1:
0x19: {  	s0 =	rddreg [dreg:$0xc]  }
0x1a: {  	[tilespmem:s2], [sflag:$0x2] =	stream.linear.gather [hbm4b:s0+s2], $0x3C0, $0x38;
	[tilespmem:$0xF400] =	vst v63  }
0x1b: {  	_ =	swait.ge [sflag:s6], $0x3C0  }
0x1c: {  	[sflag:s6] =	ssyncset.done $0x0  }
0x1d: {  	s1 =	simm.s32 $0x0;
	s0 =	simm.s32 $0x70;
	[sflag:s6] =	ssyncadd.s32 $0xFFFFFC40  }
.LBB2_2:
0x1e: {  	v3 =	vld [tilespmem:s0+$0xFFFFFF90];
	_ =	sdelay $0x4  }
0x1f: {  	v4 =	vshll.u32 v3, $0x1  }
0x20: {  	v3 =	vand.u32 $0x7, v3;
	v4 =	vand.u32 $0xFFFFFFF0, v4  }
0x21: {  	v3 =	vor.u32 v3, v4  }
0x22: {  	v4 =	vperm.xlane v3, v0;
	_ =	sdelay $0x1  }
0x23: {  	v3 =	vperm.xlane v3, v2;
	v4 =	vadd.s32 v1, v4;
	_ =	sdelay $0x1  }
0x24: {  	v3 =	vadd.s32 v1, v3;
	_ =	sdelay $0x2  }
0x25: {  	[tilespmem:s7], [sflag:$0x1] =	stream.indirect_vreg.gather [hbm4b:s3+s2], $0x80, v4, vm0, $0xb8;
	[tilespmem:$0xF400] =	vst v63  }
0x26: {  	s4 =	rddreg [dreg:$0x4]  }
0x27: {  	[tilespmem:s4], [sflag:$0x1] =	stream.indirect_vreg.gather [hbm4b:s3+s2], $0x80, v3, vm0, $0xb8;
	[tilespmem:$0xF400] =	vst v63  }
0x28: {  	v3 =	vld [tilespmem:s0+$0xFFFFFFA0];
	_ =	sdelay $0x4  }
0x29: {  	v50 =	vshll.u32 v3, $0x1  }
0x2a: {  	v3 =	vand.u32 $0x7, v3;
	v4 =	vand.u32 $0xFFFFFFF0, v50  }
0x2b: {  	v3 =	vor.u32 v3, v4  }
0x2c: {  	v4 =	vperm.xlane v3, v0;
	_ =	sdelay $0x1  }
0x2d: {  	v3 =	vperm.xlane v3, v2;
	v4 =	vadd.s32 v1, v4;
	_ =	sdelay $0x1  }
0x2e: {  	v3 =	vadd.s32 v1, v3;
	_ =	sdelay $0x1  }
0x2f: {  	s4 =	rddreg [dreg:$0x5]  }
0x30: {  	[tilespmem:s4], [sflag:$0x1] =	stream.indirect_vreg.gather [hbm4b:s3+s2], $0x80, v4, vm0, $0xb8;
	[tilespmem:$0xF400] =	vst v63  }
0x31: {  	s5 =	rddreg [dreg:$0x6]  }
0x32: {  	[tilespmem:s5], [sflag:$0x1] =	stream.indirect_vreg.gather [hbm4b:s3+s2], $0x80, v3, vm0, $0xb8;
	[tilespmem:$0xF400] =	vst v63  }
0x33: {  	v3 =	vld [tilespmem:s0+$0xFFFFFFB0];
	_ =	sdelay $0x4  }
0x34: {  	v51 =	vshll.u32 v3, $0x1  }
0x35: {  	v3 =	vand.u32 $0x7, v3;
	v4 =	vand.u32 $0xFFFFFFF0, v51  }
0x36: {  	v3 =	vor.u32 v3, v4  }
0x37: {  	v4 =	vperm.xlane v3, v0;
	_ =	sdelay $0x1  }
0x38: {  	v3 =	vperm.xlane v3, v2;
	v4 =	vadd.s32 v1, v4;
	_ =	sdelay $0x1  }
0x39: {  	v3 =	vadd.s32 v1, v3;
	_ =	sdelay $0x1  }
0x3a: {  	s4 =	rddreg [dreg:$0x7]  }
0x3b: {  	[tilespmem:s4], [sflag:$0x1] =	stream.indirect_vreg.gather [hbm4b:s3+s2], $0x80, v4, vm0, $0xb8;
	[tilespmem:$0xF400] =	vst v63  }
0x3c: {  	s5 =	rddreg [dreg:$0x8]  }
0x3d: {  	[tilespmem:s5], [sflag:$0x1] =	stream.indirect_vreg.gather [hbm4b:s3+s2], $0x80, v3, vm0, $0xb8;
	[tilespmem:$0xF400] =	vst v63  }
0x3e: {  	v3 =	vld [tilespmem:s0+$0xFFFFFFC0];
	_ =	sdelay $0x4  }
0x3f: {  	v52 =	vshll.u32 v3, $0x1  }
0x40: {  	v3 =	vand.u32 $0x7, v3;
	v4 =	vand.u32 $0xFFFFFFF0, v52  }
0x41: {  	v3 =	vor.u32 v3, v4  }
0x42: {  	v4 =	vperm.xlane v3, v0;
	_ =	sdelay $0x1  }
0x43: {  	v3 =	vperm.xlane v3, v2;
	v4 =	vadd.s32 v1, v4;
	_ =	sdelay $0x1  }
0x44: {  	v3 =	vadd.s32 v1, v3;
	_ =	sdelay $0x1  }
0x45: {  	s4 =	rddreg [dreg:$0x9]  }
0x46: {  	[tilespmem:s4], [sflag:$0x1] =	stream.indirect_vreg.gather [hbm4b:s3+s2], $0x80, v4, vm0, $0xb8;
	[tilespmem:$0xF400] =	vst v63  }
0x47: {  	s5 =	rddreg [dreg:$0xa]  }
0x48: {  	[tilespmem:s5], [sflag:$0x1] =	stream.indirect_vreg.gather [hbm4b:s3+s2], $0x80, v3, vm0, $0xb8;
	[tilespmem:$0xF400] =	vst v63  }
0x49: {  	v3 =	vld [tilespmem:s0+$0xFFFFFFD0];
	_ =	sdelay $0x4  }
0x4a: {  	v53 =	vshll.u32 v3, $0x1  }
0x4b: {  	v3 =	vand.u32 $0x7, v3;
	v4 =	vand.u32 $0xFFFFFFF0, v53  }
0x4c: {  	v3 =	vor.u32 v3, v4  }
0x4d: {  	v4 =	vperm.xlane v3, v0;
	_ =	sdelay $0x1  }
0x4e: {  	v3 =	vperm.xlane v3, v2;
	v4 =	vadd.s32 v1, v4;
	_ =	sdelay $0x1  }
0x4f: {  	v3 =	vadd.s32 v1, v3;
	_ =	sdelay $0x1  }
0x50: {  	s5 =	rddreg [dreg:$0xb]  }
0x51: {  	[tilespmem:s5], [sflag:$0x1] =	stream.indirect_vreg.gather [hbm4b:s3+s2], $0x80, v4, vm0, $0xb8;
	[tilespmem:$0xF400] =	vst v63  }
0x52: {  	_ = 	snop  }
0x53: {  	[tilespmem:s8], [sflag:$0x1] =	stream.indirect_vreg.gather [hbm4b:s3+s2], $0x80, v3, vm0, $0xb8;
	[tilespmem:$0xF400] =	vst v63  }
0x54: {  	v3 =	vld [tilespmem:s0+$0xFFFFFFE0];
	_ =	sdelay $0x4  }
0x55: {  	v54 =	vshll.u32 v3, $0x1  }
0x56: {  	v3 =	vand.u32 $0x7, v3;
	v4 =	vand.u32 $0xFFFFFFF0, v54  }
0x57: {  	v3 =	vor.u32 v3, v4  }
0x58: {  	v4 =	vperm.xlane v3, v0;
	_ =	sdelay $0x1  }
0x59: {  	v3 =	vperm.xlane v3, v2;
	v4 =	vadd.s32 v1, v4;
	_ =	sdelay $0x1  }
0x5a: {  	v3 =	vadd.s32 v1, v3;
	_ =	sdelay $0x2  }
0x5b: {  	[tilespmem:s9], [sflag:$0x1] =	stream.indirect_vreg.gather [hbm4b:s3+s2], $0x80, v4, vm0, $0xb8;
	[tilespmem:$0xF400] =	vst v63  }
0x5c: {  	_ = 	snop  }
0x5d: {  	[tilespmem:s10], [sflag:$0x1] =	stream.indirect_vreg.gather [hbm4b:s3+s2], $0x80, v3, vm0, $0xb8;
	[tilespmem:$0xF400] =	vst v63  }
0x5e: {  	v3 =	vld [tilespmem:s0+$0xFFFFFFF0];
	_ =	sdelay $0x4  }
0x5f: {  	v55 =	vshll.u32 v3, $0x1  }
0x60: {  	v3 =	vand.u32 $0x7, v3;
	v4 =	vand.u32 $0xFFFFFFF0, v55  }
0x61: {  	v3 =	vor.u32 v3, v4  }
0x62: {  	v4 =	vperm.xlane v3, v0;
	_ =	sdelay $0x1  }
0x63: {  	v3 =	vperm.xlane v3, v2;
	v4 =	vadd.s32 v1, v4;
	_ =	sdelay $0x1  }
0x64: {  	v3 =	vadd.s32 v1, v3;
	_ =	sdelay $0x2  }
0x65: {  	[tilespmem:s11], [sflag:$0x1] =	stream.indirect_vreg.gather [hbm4b:s3+s2], $0x80, v4, vm0, $0xb8;
	[tilespmem:$0xF400] =	vst v63  }
0x66: {  	_ = 	snop  }
0x67: {  	[tilespmem:s12], [sflag:$0x1] =	stream.indirect_vreg.gather [hbm4b:s3+s2], $0x80, v3, vm0, $0xb8;
	[tilespmem:$0xF400] =	vst v63  }
0x68: {  	v3 =	vld [tilespmem:s0+$0x0];
	_ =	sdelay $0x4  }
0x69: {  	v56 =	vshll.u32 v3, $0x1  }
0x6a: {  	v3 =	vand.u32 $0x7, v3;
	v4 =	vand.u32 $0xFFFFFFF0, v56  }
0x6b: {  	v3 =	vor.u32 v3, v4  }
0x6c: {  	v4 =	vperm.xlane v3, v0;
	_ =	sdelay $0x1  }
0x6d: {  	v3 =	vperm.xlane v3, v2;
	v4 =	vadd.s32 v1, v4;
	_ =	sdelay $0x1  }
0x6e: {  	v3 =	vadd.s32 v1, v3;
	_ =	sdelay $0x2  }
0x6f: {  	[tilespmem:s13], [sflag:$0x1] =	stream.indirect_vreg.gather [hbm4b:s3+s2], $0x80, v4, vm0, $0xb8;
	[tilespmem:$0xF400] =	vst v63  }
0x70: {  	_ = 	snop  }
0x71: {  	[tilespmem:s14], [sflag:$0x1] =	stream.indirect_vreg.gather [hbm4b:s3+s2], $0x80, v3, vm0, $0xb8;
	[tilespmem:$0xF400] =	vst v63  }
0x72: {  	v3 =	vld [tilespmem:s0+$0x10];
	_ =	sdelay $0x4  }
0x73: {  	v57 =	vshll.u32 v3, $0x1  }
0x74: {  	v3 =	vand.u32 $0x7, v3;
	v4 =	vand.u32 $0xFFFFFFF0, v57  }
0x75: {  	v3 =	vor.u32 v3, v4  }
0x76: {  	v4 =	vperm.xlane v3, v0;
	_ =	sdelay $0x1  }
0x77: {  	v3 =	vperm.xlane v3, v2;
	v4 =	vadd.s32 v1, v4;
	_ =	sdelay $0x1  }
0x78: {  	v3 =	vadd.s32 v1, v3;
	_ =	sdelay $0x2  }
0x79: {  	[tilespmem:s15], [sflag:$0x1] =	stream.indirect_vreg.gather [hbm4b:s3+s2], $0x80, v4, vm0, $0xb8;
	[tilespmem:$0xF400] =	vst v63  }
0x7a: {  	_ = 	snop  }
0x7b: {  	[tilespmem:s16], [sflag:$0x1] =	stream.indirect_vreg.gather [hbm4b:s3+s2], $0x80, v3, vm0, $0xb8;
	[tilespmem:$0xF400] =	vst v63  }
0x7c: {  	v3 =	vld [tilespmem:s0+$0x20];
	_ =	sdelay $0x4  }
0x7d: {  	v58 =	vshll.u32 v3, $0x1  }
0x7e: {  	v3 =	vand.u32 $0x7, v3;
	v4 =	vand.u32 $0xFFFFFFF0, v58  }
0x7f: {  	v3 =	vor.u32 v3, v4  }
0x80: {  	v4 =	vperm.xlane v3, v0;
	_ =	sdelay $0x1  }
0x81: {  	v3 =	vperm.xlane v3, v2;
	v4 =	vadd.s32 v1, v4;
	_ =	sdelay $0x1  }
0x82: {  	v3 =	vadd.s32 v1, v3;
	_ =	sdelay $0x2  }
0x83: {  	[tilespmem:s17], [sflag:$0x1] =	stream.indirect_vreg.gather [hbm4b:s3+s2], $0x80, v4, vm0, $0xb8;
	[tilespmem:$0xF400] =	vst v63  }
0x84: {  	_ = 	snop  }
0x85: {  	[tilespmem:s18], [sflag:$0x1] =	stream.indirect_vreg.gather [hbm4b:s3+s2], $0x80, v3, vm0, $0xb8;
	[tilespmem:$0xF400] =	vst v63  }
0x86: {  	v3 =	vld [tilespmem:s0+$0x30];
	_ =	sdelay $0x4  }
0x87: {  	v59 =	vshll.u32 v3, $0x1  }
0x88: {  	v3 =	vand.u32 $0x7, v3;
	v4 =	vand.u32 $0xFFFFFFF0, v59  }
0x89: {  	v3 =	vor.u32 v3, v4  }
0x8a: {  	v4 =	vperm.xlane v3, v0;
	_ =	sdelay $0x1  }
0x8b: {  	v3 =	vperm.xlane v3, v2;
	v4 =	vadd.s32 v1, v4;
	_ =	sdelay $0x1  }
0x8c: {  	v3 =	vadd.s32 v1, v3;
	_ =	sdelay $0x2  }
0x8d: {  	[tilespmem:s19], [sflag:$0x1] =	stream.indirect_vreg.gather [hbm4b:s3+s2], $0x80, v4, vm0, $0xb8;
	[tilespmem:$0xF400] =	vst v63  }
0x8e: {  	_ = 	snop  }
0x8f: {  	[tilespmem:s20], [sflag:$0x1] =	stream.indirect_vreg.gather [hbm4b:s3+s2], $0x80, v3, vm0, $0xb8;
	[tilespmem:$0xF400] =	vst v63  }
0x90: {  	v3 =	vld [tilespmem:s0+$0x40];
	_ =	sdelay $0x4  }
0x91: {  	v60 =	vshll.u32 v3, $0x1  }
0x92: {  	v3 =	vand.u32 $0x7, v3;
	v4 =	vand.u32 $0xFFFFFFF0, v60  }
0x93: {  	v3 =	vor.u32 v3, v4  }
0x94: {  	v4 =	vperm.xlane v3, v0;
	_ =	sdelay $0x1  }
0x95: {  	v3 =	vperm.xlane v3, v2;
	v4 =	vadd.s32 v1, v4;
	_ =	sdelay $0x1  }
0x96: {  	v3 =	vadd.s32 v1, v3;
	_ =	sdelay $0x2  }
0x97: {  	[tilespmem:s21], [sflag:$0x1] =	stream.indirect_vreg.gather [hbm4b:s3+s2], $0x80, v4, vm0, $0xb8;
	[tilespmem:$0xF400] =	vst v63  }
0x98: {  	_ = 	snop  }
0x99: {  	[tilespmem:s22], [sflag:$0x1] =	stream.indirect_vreg.gather [hbm4b:s3+s2], $0x80, v3, vm0, $0xb8;
	[tilespmem:$0xF400] =	vst v63  }
0x9a: {  	v3 =	vld [tilespmem:s0+$0x50];
	_ =	sdelay $0x4  }
0x9b: {  	v61 =	vshll.u32 v3, $0x1  }
0x9c: {  	v3 =	vand.u32 $0x7, v3;
	v4 =	vand.u32 $0xFFFFFFF0, v61  }
0x9d: {  	v3 =	vor.u32 v3, v4  }
0x9e: {  	v4 =	vperm.xlane v3, v0;
	_ =	sdelay $0x1  }
0x9f: {  	v3 =	vperm.xlane v3, v2;
	v4 =	vadd.s32 v1, v4;
	_ =	sdelay $0x1  }
0xa0: {  	v3 =	vadd.s32 v1, v3;
	_ =	sdelay $0x2  }
0xa1: {  	[tilespmem:s23], [sflag:$0x1] =	stream.indirect_vreg.gather [hbm4b:s3+s2], $0x80, v4, vm0, $0xb8;
	[tilespmem:$0xF400] =	vst v63  }
0xa2: {  	_ = 	snop  }
0xa3: {  	[tilespmem:s24], [sflag:$0x1] =	stream.indirect_vreg.gather [hbm4b:s3+s2], $0x80, v3, vm0, $0xb8;
	[tilespmem:$0xF400] =	vst v63  }
0xa4: {  	v3 =	vld [tilespmem:s0+$0x60];
	_ =	sdelay $0x4  }
0xa5: {  	v62 =	vshll.u32 v3, $0x1  }
0xa6: {  	v3 =	vand.u32 $0x7, v3;
	v4 =	vand.u32 $0xFFFFFFF0, v62  }
0xa7: {  	v3 =	vor.u32 v3, v4  }
0xa8: {  	v4 =	vperm.xlane v3, v0;
	_ =	sdelay $0x1  }
0xa9: {  	v3 =	vperm.xlane v3, v2;
	v4 =	vadd.s32 v1, v4;
	_ =	sdelay $0x1  }
0xaa: {  	v3 =	vadd.s32 v1, v3;
	_ =	sdelay $0x2  }
0xab: {  	[tilespmem:s25], [sflag:$0x1] =	stream.indirect_vreg.gather [hbm4b:s3+s2], $0x80, v4, vm0, $0xb8;
	[tilespmem:$0xF400] =	vst v63  }
0xac: {  	_ = 	snop  }
0xad: {  	[tilespmem:s26], [sflag:$0x1] =	stream.indirect_vreg.gather [hbm4b:s3+s2], $0x80, v3, vm0, $0xb8;
	[tilespmem:$0xF400] =	vst v63  }
0xae: {  	v3 =	vld [tilespmem:s0+$0x70];
	_ =	sdelay $0x4  }
0xaf: {  	v63 =	vshll.u32 v3, $0x1  }
0xb0: {  	v3 =	vand.u32 $0x7, v3;
	v4 =	vand.u32 $0xFFFFFFF0, v63  }
0xb1: {  	v3 =	vor.u32 v3, v4  }
0xb2: {  	v4 =	vperm.xlane v3, v0;
	_ =	sdelay $0x1  }
0xb3: {  	v3 =	vperm.xlane v3, v2;
	v4 =	vadd.s32 v1, v4;
	_ =	sdelay $0x1  }
0xb4: {  	v3 =	vadd.s32 v1, v3;
	_ =	sdelay $0x2  }
0xb5: {  	[tilespmem:s28], [sflag:$0x1] =	stream.indirect_vreg.gather [hbm4b:s3+s2], $0x80, v4, vm0, $0xb8;
	[tilespmem:$0xF400] =	vst v63  }
0xb6: {  	_ = 	snop  }
0xb7: {  	[tilespmem:s29], [sflag:$0x1] =	stream.indirect_vreg.gather [hbm4b:s3+s2], $0x80, v3, vm0, $0xb8;
	[tilespmem:$0xF400] =	vst v63  }
0xb8: {  	_ =	swait.ge [sflag:s30], $0xF000  }
0xb9: {  	p0 =	sne.s32 s1, $0x5A00;
	s5 =	rddreg [dreg:$0x3];
	[sflag:s30] =	ssyncset.done $0x0  }
.Ltmp0:
0xba: {  	[sflag:s30] =	ssyncadd.s32 $0xFFFF1000;
	s4 =	sadd.s32 s1, s5;
	(pc) =	sbr.rel @p0 .LBB2_2-.Ltmp0, $4  }
0xbb: {  	[hbm4b:s4+s2] =	stream.linear.scatter [tilespmem:s7], [sflag:$0x2], $0xF000, $0x38;
	[tilespmem:$0xF400] =	vst v63  }
0xbc: {  	_ =	swait.ge [sflag:s6], $0xF000  }
0xbd: {  	[sflag:s6] =	ssyncset.done $0x0  }
0xbe: {  	s0 =	sadd.s32 $0xF0, s0;
	s1 =	sadd.s32 $0x1E00, s1;
	[sflag:s6] =	ssyncadd.s32 $0xFFFF1000  }
0xbf: {  	s31 =	sadd.s32 $0x1, s31;
	s0 =	rddreg [dreg:$0xd]  }
0xc0: {  	p0 =	sne.s32 s31, s0  }
.Ltmp1:
0xc1: {  	_ = 	snop;
	(pc) =	sbr.rel @p0 .LBB2_1-.Ltmp1, $1  }
0xc2: {  	_ =	sdelay $0x3  }
0xc3: {  	_ =	sfence.sel $0x180000  }
0xc4: {  	[bflag:$0x0] =	sbarrier.arrive $0xFFFF  }
0xc5: {  	_ =	strace $0x90000050  }
0xc6: {  	s0 =	stileid.u32;
	[bflag:$0x2] =	sbarrier.arrive $0xFFFF  }
0xc7: {  	p0 =	sne.s32 s0, $0x0;
	s0 =	rddreg [dreg:$0x2]  }
0xc8: {  	s0 =	sadd.s32 @!p0 $0x100000, s0  }
0xc9: {  	[sflag:s0] =	ssyncadd.tile.s32 @!p0 $0x1;
	_ =	shalt  }
.Lfunc_end2:
_tile_overlayer_lowered:
.L_overlay_start_2:
0xca: {  	(tag) =	ssettag $0x2  }
0xcb: {  	s0 =	rddreg [dreg:$0x0];
	s2 =	stileid.u32  }
0xcc: {  	s1 =	rddreg [dreg:$0x1];
	p0 =	sne.s32 s2, $0x0  }
0xcd: {  	s3 =	rddreg [dreg:$0x2];
	[bflag:$0x3] =	sbarrier.arrive $0xFFFF;
	s2 =	simm.s32 @!p0 $0x1C02  }
0xce: {  	[timem:s3], [sflag:s2] =	dma.local @!p0 [hbm:s0], s1  }
0xcf: {  	s0 =	simm.s32 @!p0 $0x2  }
0xd0: {  	_ =	swait.ge @!p0 [sflag:s0], s1  }
0xd1: {  	s1 =	ssub.s32 @!p0 $0x0, s1;
	[sflag:s0] =	ssyncset.done @!p0 $0x0  }
0xd2: {  	[sflag:s0] =	ssyncadd.s32 @!p0 s1  }
0xd3: {  	[bflag:$0x3] =	sbarrier.arrive $0xFFFF  }
0xd4: {  	_ =	shalt  }

// kernel: kernel.38.cloned.1.call-start
scs
__scs_entry_jumppad:
0x0: {  	(pc) =	sbr.rel $0x88, $3  }
0x1: {  	(tag) =	ssettag $0x0;
	lr =	simm.s32 $0x1  }
0x2: {  	[smem:$0x3F88] =	sst lr;
	_ =	strace $0xD0000000  }
0x3: {  	_ = 	snop  }
0x4: {  	_ = 	snop  }
0x5: {  	_ = 	snop  }
0x6: {  	_ = 	snop  }
0x7: {  	_ = 	snop  }
__scs_overlays_trampoline_lowered:
0x8: {  	[smem:$0x3F97] =	sst s0  }
0x9: {  	[smem:$0x3F98] =	sst s1  }
0xa: {  	[smem:$0x3F99] =	sst s2  }
0xb: {  	[smem:$0x3F9A] =	sst s3  }
0xc: {  	[smem:$0x3F9B] =	sst s4  }
0xd: {  	[smem:$0x3F9C] =	sst s5  }
0xe: {  	[smem:$0x3F9D] =	sst s6  }
0xf: {  	[smem:$0x3F9E] =	sst s7  }
0x10: {  	[smem:$0x3F9F] =	sst s8  }
0x11: {  	[smem:$0x3FA0] =	sst s9;
	s0 =	simm.s32 @!p0 $0x0  }
0x12: {  	s1 =	sld [smem:$0x3F86];
	s0 =	simm.s32 @p0 $0x1  }
0x13: {  	[smem:$0x3FA1] =	sst s0;
	s0 =	simm.s32 @!p1 $0x0  }
0x14: {  	s2 =	sld [smem:$0x3F85];
	s0 =	simm.s32 @p1 $0x1  }
0x15: {  	[smem:$0x3FA2] =	sst s0;
	s0 =	simm.s32 @!p2 $0x0  }
0x16: {  	s3 =	sld [smem:$0x3FDB];
	s0 =	simm.s32 @p2 $0x1  }
0x17: {  	s4 =	simm.s32 $0x1BF5;
	[smem:$0x3FA4] =	sst s0  }
0x18: {  	s0 =	sld [smem:$0x3F87];
	_ =	swait.ge [sflag:s4], $0x0  }
0x19: {  	s7 =	sld [smem:$0x3F88]  }
0x1a: {  	s8 =	sadd.s32 $0xFFFFE003, lr  }
0x1b: {  	s9 =	sadd.s32 $0xFFFFFEF7, lr;
	s5 =	simm.s32 $0xFFFFFFFF;
	p2 =	slt.u32 s8, $0xFFFFF086  }
0x1c: {  	p1 =	slt.u32 s9, $0xF7A;
	s5 =	simm.s32 @!p2 $0x0  }
0x1d: {  	s5 =	simm.s32 @p1 $0x1;
	p0 =	seq.s32 s7, s2  }
0x1e: {  	s7 =	smul.u32 @!p0 $0xF7A, s2;
	p2 =	seq.s32 @!p0 s5, $0x0  }
0x1f: {  	s9 =	smul.u32 $0xF7A, s1;
	s8 =	simm.s32 @!p0 $0x1BF5;
	p2 =	por !p2, p0  }
0x20: {  	[sflag:s8] =	ssyncset.s32 @!p0 $0xFFFFF086;
	s6 =	sadd.s32 @!p0 s3, s7;
	s7 =	simm.s32 @!p0 $0x108  }
0x21: {  	s3 =	sadd.s32 s3, s9;
	s6 =	sadd.s32 @!p0 $0x88, s6;
	s7 =	simm.s32 @p2 $0x1082  }
0x22: {  	[simem:s7], [sflag:s8] =	dma.local @!p0 [hbm:s6], $0xF7A  }
0x23: {  	s9 =	sor.u32 $0xD0000000, s2;
	s6 =	simm.s32 $0x108;
	_ =	swait.ge @!p0 [sflag:s8], $0x0  }
0x24: {  	s3 =	sadd.s32 $0x88, s3;
	s6 =	simm.s32 @!p1 $0x1082;
	[sflag:s4] =	ssyncset.s32 $0xFFFFF086  }
0x25: {  	[simem:s6], [sflag:s4] =	dma.local [hbm:s3], $0xF7A  }
0x26: {  	[smem:$0x3F88] =	sst s1;
	(tag) =	ssettag s2;
	_ =	strace s9  }
0x27: {  	s1 =	sld [smem:$0x3F98]  }
0x28: {  	s2 =	sld [smem:$0x3F99]  }
0x29: {  	s4 =	sld [smem:$0x3F9B]  }
0x2a: {  	p0 =	seq.s32 s5, $0x0;
	s5 =	sld [smem:$0x3F9C]  }
0x2b: {  	s6 =	sld [smem:$0x3F9D]  }
0x2c: {  	s7 =	sld [smem:$0x3F9E]  }
0x2d: {  	s3 =	simm.s32 $0x108;
	s8 =	sld [smem:$0x3F9F]  }
0x2e: {  	s3 =	simm.s32 @!p0 $0x1082;
	s9 =	sld [smem:$0x3FA0]  }
0x2f: {  	lr =	sadd.s32 s0, s3;
	s0 =	sld [smem:$0x3F97]  }
0x30: {  	s3 =	sld [smem:$0x3F9A]  }
0x31: {  	[smem:$0x3FA3] =	sst s10  }
0x32: {  	s10 =	sld [smem:$0x3FA1];
	_ =	sdelay $0x3  }
0x33: {  	p0 =	seq.s32 s10, $0x1;
	s10 =	sld [smem:$0x3FA3];
	_ =	sdelay $0x3  }
0x34: {  	[smem:$0x3FA3] =	sst s10  }
0x35: {  	s10 =	sld [smem:$0x3FA2];
	_ =	sdelay $0x3  }
0x36: {  	p1 =	seq.s32 s10, $0x1;
	s10 =	sld [smem:$0x3FA3];
	_ =	sdelay $0x3  }
0x37: {  	[smem:$0x3FA3] =	sst s10  }
0x38: {  	s10 =	sld [smem:$0x3FA4]  }
0x39: {  	_ = 	snop;
	(pc) =	sbr.ind lr, $3  }
0x3a: {  	_ = 	snop  }
0x3b: {  	_ = 	snop  }
0x3c: {  	p2 =	seq.s32 s10, $0x1;
	s10 =	sld [smem:$0x3FA3]  }
0x3d: {  	_ =	shalt  }
0x3e: {  	_ =	shalt  }
0x3f: {  	_ =	shalt  }
0x40: {  	_ =	shalt  }
0x41: {  	_ =	shalt  }
0x42: {  	_ =	shalt  }
0x43: {  	_ =	shalt  }
0x44: {  	_ =	shalt  }
0x45: {  	_ =	shalt  }
0x46: {  	_ =	shalt  }
0x47: {  	_ =	shalt  }
0x48: {  	_ =	shalt  }
0x49: {  	_ =	shalt  }
0x4a: {  	_ =	shalt  }
0x4b: {  	_ =	shalt  }
0x4c: {  	_ =	shalt  }
0x4d: {  	_ =	shalt  }
0x4e: {  	_ =	shalt  }
0x4f: {  	_ =	shalt  }
0x50: {  	_ =	shalt  }
0x51: {  	_ =	shalt  }
0x52: {  	_ =	shalt  }
0x53: {  	_ =	shalt  }
0x54: {  	_ =	shalt  }
0x55: {  	_ =	shalt  }
0x56: {  	_ =	shalt  }
0x57: {  	_ =	shalt  }
0x58: {  	_ =	shalt  }
0x59: {  	_ =	shalt  }
0x5a: {  	_ =	shalt  }
0x5b: {  	_ =	shalt  }
0x5c: {  	_ =	shalt  }
0x5d: {  	_ =	shalt  }
0x5e: {  	_ =	shalt  }
0x5f: {  	_ =	shalt  }
0x60: {  	_ =	shalt  }
0x61: {  	_ =	shalt  }
0x62: {  	_ =	shalt  }
0x63: {  	_ =	shalt  }
0x64: {  	_ =	shalt  }
0x65: {  	_ =	shalt  }
0x66: {  	_ =	shalt  }
0x67: {  	_ =	shalt  }
0x68: {  	_ =	shalt  }
0x69: {  	_ =	shalt  }
0x6a: {  	_ =	shalt  }
0x6b: {  	_ =	shalt  }
0x6c: {  	_ =	shalt  }
0x6d: {  	_ =	shalt  }
0x6e: {  	_ =	shalt  }
0x6f: {  	_ =	shalt  }
0x70: {  	_ =	shalt  }
0x71: {  	_ =	shalt  }
0x72: {  	_ =	shalt  }
0x73: {  	_ =	shalt  }
0x74: {  	_ =	shalt  }
0x75: {  	_ =	shalt  }
0x76: {  	_ =	shalt  }
0x77: {  	_ =	shalt  }
0x78: {  	_ =	shalt  }
0x79: {  	_ =	shalt  }
0x7a: {  	_ =	shalt  }
0x7b: {  	_ =	shalt  }
0x7c: {  	_ =	shalt  }
0x7d: {  	_ =	shalt  }
0x7e: {  	_ =	shalt  }
0x7f: {  	_ =	shalt  }
0x80: {  	_ =	shalt  }
0x81: {  	_ =	shalt  }
0x82: {  	_ =	shalt  }
0x83: {  	_ =	shalt  }
0x84: {  	_ =	shalt  }
0x85: {  	_ =	shalt  }
0x86: {  	_ =	shalt  }
0x87: {  	_ =	shalt  }
.Lfunc_end0:
.L_simem_size_0:
called_computation.5_lowered:
.L_overlay_start_0:
0x88: {  	s2 =	sld [smem:$0x3FD9]  }
0x89: {  	s3 =	sld [smem:$0x3FFE];
	_ =	sdelay $0x1  }
0x8a: {  	s1 =	srdreg.scid  }
0x8b: {  	s0 =	sand.u32 $0x1, s1  }
0x8c: {  	s14 =	sshll.u32 s0, $0xA;
	s2 =	sadd.s32 s3, s2  }
0x8d: {  	s2 =	sadd.s32 s2, s14  }
0x8e: {  	[smem:$0x3FAF] =	sst s2  }
0x8f: {  	_ = 	snop  }
0x90: {  	s2 =	sld [smem:$0x3FD0];
	_ =	sdelay $0x2  }
0x91: {  	s15 =	simm.s32 $0xB;
	s4 =	simm.s32 $0x10  }
0x92: {  	[smem:s4], [sflag:s15] =	dma.local [hbm:s2], $0x1  }
0x93: {  	_ =	swait.eq [sflag:s15], $0x1  }
0x94: {  	[sflag:s15] =	ssyncset.done $0x0  }
0x95: {  	[sflag:s15] =	ssyncadd.s32 $0xFFFFFFFF  }
0x96: {  	s16 =	sld [smem:$0x10];
	(tm) =	ssettm $0x1  }
0x97: {  	s17 =	sld [smem:$0x3FFB];
	_ =	sdelay $0x3  }
0x98: {  	_ =	strace s17  }
0x99: {  	s3 =	sld [smem:$0x3FFC];
	_ =	sdelay $0x3  }
0x9a: {  	_ =	strace s3  }
0x9b: {  	s3 =	sld [smem:$0x3FFD];
	_ =	sdelay $0x3  }
0x9c: {  	_ =	strace s3  }
0x9d: {  	_ =	strace $0x8FFFFFFF  }
0x9e: {  	s18 =	sld [smem:$0x3FDB];
	_ =	sdelay $0x1  }
0x9f: {  	s19 =	simm.s32 $_scs_section_size  }
0xa0: {  	s5 =	simm.s32 $_size__tile_overlayer_lowered;
	s6 =	simm.s32 $_tile_overlayer_lowered  }
0xa1: {  	s22 =	simm.s32 $0x1BFF;
	s21 =	sshll.u32 s6, $0x1;
	s3 =	sadd.s32 s19, s18  }
0xa2: {  	s7 =	simm.s32 $0x0;
	s20 =	sshll.u32 s5, $0x1;
	s5 =	sadd.s32 s21, s3  }
0xa3: {  	[timem:s7], [sflag:s22] =	dma.local [hbm:s5], s20  }
0xa4: {  	_ =	swait.ge [sflag:s22], s20  }
0xa5: {  	s4 =	ssub.s32 $0x0, s20;
	[sflag:s22] =	ssyncset.done $0x0  }
0xa6: {  	[sflag:s22] =	ssyncadd.s32 s4;
	_ =	sdelay $0x1  }
0xa7: {  	s23 =	simm.s32 $0x1B8B  }
0xa8: {  	_ =	swait.ge [sflag:s23], $0x1  }
0xa9: {  	[sflag:s23] =	ssyncset.done $0x0  }
0xaa: {  	s25 =	simm.s32 $0x1B8E;
	s24 =	sld [smem:$0x3FFE];
	[sflag:s23] =	ssyncadd.s32 $0xFFFFFFFF  }
0xab: {  	s26 =	simm.s32 $execute0_lowered;
	[smem:$0x3FD2] =	sst s25  }
0xac: {  	s5 =	sshll.u32 s26, $0x1;
	_ =	strace $0x80000055;
	[dreg:$0x1] =	wrdreg $0xFFFFFFFF  }
0xad: {  	s28 =	simm.s32 $_size_execute0_lowered;
	s3 =	sadd.s32 s3, s5;
	[dreg:$0x0] =	wrdreg $0x0  }
0xae: {  	s5 =	sshll.u32 s28, $0x1;
	[dreg:$0x2] =	wrdreg s3  }
0xaf: {  	[dreg:$0x3] =	wrdreg s5  }
0xb0: {  	[dreg:$0x4] =	wrdreg $0xC0  }
0xb1: {  	_ =	task [dreg:s7], $0x5FFFF  }
0xb2: {  	[dreg:$0x1] =	wrdreg $0xFFFFFFFF  }
0xb3: {  	[dreg:$0x0] =	wrdreg $0x60  }
0xb4: {  	[dreg:$0x2] =	wrdreg s24  }
0xb5: {  	[dreg:$0x3] =	wrdreg s16  }
0xb6: {  	[dreg:$0x4] =	wrdreg $0x9  }
0xb7: {  	_ =	task.clear_ibuf [dreg:s7], $0x5FFFF;
	_ =	strace $0x90000055  }
0xb8: {  	s29 =	simm.s32 $0x9;
	_ =	strace $0x80000057  }
0xb9: {  	_ =	swait.ge [sflag:s29], $0x1  }
0xba: {  	[sflag:s29] =	ssyncadd.s32 $0xFFFFFFFF  }
0xbb: {  	_ =	strace $0x90000057  }
0xbc: {  	_ =	sfence  }
0xbd: {  	s30 =	sld [smem:$0x0];
	_ =	sdelay $0x2  }
0xbe: {  	s31 =	sshll.u32 s1, $0xD;
	s1 =	sshrl.u32 s1, $0x2  }
0xbf: {  	s3 =	sand.u32 $0x4000, s31;
	s1 =	sadd.s32 s1, s30  }
0xc0: {  	s0 =	sor.u32 s3, s0;
	s1 =	sshll.u32 s1, $0x11  }
0xc1: {  	s0 =	sor.u32 s1, s0  }
0xc2: {  	s0 =	sadd.s32 $0x8F2B, s0  }
0xc3: {  	[sflag:s0] =	ssyncadd.remote.s32 $0x1  }
0xc4: {  	_ =	sfence.sel $0xFFFF  }
0xc5: {  	[dreg:$0x0] =	wrdreg $0xFFFFFFFF;
	(pc) =	sbr.abs _section_cstart, $3  }
0xc6: {  	[dreg:$0x1] =	wrdreg $0xFFFFFFFF  }
0xc7: {  	_ =	task.clear_ibuf [dreg:s7], $0x2FFFF;
	_ =	strace $0x9FFFFFFF  }
0xc8: {  	(tm) =	ssettm $0x7FFFFFFF  }
0xc9: {  	_ =	shalt  }
tec
execute0_lowered:
.L_overlay_start_1:
0x0: {  	(tag) =	ssettag $0x1  }
0x1: {  	s0 =	rddreg [dreg:$0x0]  }
0x2: {  	s1 =	rddreg [dreg:$0x1]  }
0x3: {  	s7 =	stileid.u32;
	s3 =	srdreg.scid  }
0x4: {  	s2 =	simm.s32 $0x0;
	s19 =	simm.s32 $0xC00;
	s20 =	simm.s32 $0x1400  }
0x5: {  	s21 =	simm.s32 $0x1C00;
	s22 =	simm.s32 $0x2400;
	s23 =	simm.s32 $0x2C00  }
0x6: {  	s24 =	simm.s32 $0x3400;
	s25 =	simm.s32 $0x3C00;
	s26 =	simm.s32 $0x4400  }
0x7: {  	s8 =	simm.s32 $0x4C00;
	s9 =	simm.s32 $0x5400;
	s10 =	simm.s32 $0x5C00  }
0x8: {  	s11 =	simm.s32 $0x6400;
	s12 =	simm.s32 $0x6C00;
	s13 =	simm.s32 $0x7400  }
0x9: {  	s14 =	simm.s32 $0x7C00;
	s15 =	simm.s32 $0x8400;
	[smem:$0x7FF] =	sst s2  }
0xa: {  	s16 =	simm.s32 $0x8C00;
	_ =	strace $0x80000056;
	[dreg:$0x4] =	wrdreg s19  }
0xb: {  	s28 =	simm.s32 $0xE400;
	s29 =	simm.s32 $0xEC00;
	[dreg:$0x5] =	wrdreg s20  }
0xc: {  	s30 =	simm.s32 $0x1;
	s31 =	simm.s32 $0x0;
	[dreg:$0x6] =	wrdreg s21  }
0xd: {  	s4 =	smul.u32 $0xF000, s7;
	s5 =	sand.u32 $0x1, s3;
	[dreg:$0x7] =	wrdreg s22  }
0xe: {  	s3 =	sadd.s32 $0xCE000, s0;
	s7 =	sshll.u32 s7, $0x1;
	[dreg:$0x8] =	wrdreg s23  }
0xf: {  	s6 =	smul.u32 $0x7800, s5;
	s17 =	ssub.s32 $0x2, s5;
	[dreg:$0x9] =	wrdreg s24  }
0x10: {  	s5 =	sor.u32 s5, s7;
	s7 =	simm.s32 $0x400;
	[dreg:$0xa] =	wrdreg s25  }
0x11: {  	[dreg:$0xb] =	wrdreg s26;
	s19 =	simm.s32 $0xA400;
	s20 =	simm.s32 $0xAC00  }
0x12: {  	s21 =	simm.s32 $0xB400;
	s22 =	simm.s32 $0xBC00;
	s23 =	simm.s32 $0xC400  }
0x13: {  	s24 =	simm.s32 $0xCC00;
	s25 =	simm.s32 $0xD400;
	s4 =	sadd.s32 s4, s0  }
0x14: {  	s18 =	sshrl.u32 s17, $0x1;
	s5 =	smul.u32 $0x3C0, s5;
	s4 =	sadd.s32 s6, s4  }
0x15: {  	s26 =	simm.s32 $0xDC00;
	s0 =	ssub.s32 s17, s18;
	s4 =	sadd.s32 $0x22DA00, s4  }
0x16: {  	v2 =	vlaneseq.u32;
	s5 =	sshrl.u32 s5, $0x3;
	s0 =	smax.u32 s0, $0x1;
	[dreg:$0x3] =	wrdreg s4  }
0x17: {  	vm0 =	vmmov $0xffff;
	v1 =	vshrl.u32 v2, $0x3;
	s6 =	simm.s32 $0x2;
	s1 =	sadd.s32 s1, s5;
	[dreg:$0xd] =	wrdreg s0  }
0x18: {  	v0 =	vand.u32 $0x7, v2;
	v2 =	vor.u32 $0x8, v2;
	v1 =	vmul.u32 $0x8, v1;
	s17 =	simm.s32 $0x9400;
	s18 =	simm.s32 $0x9C00;
	[dreg:$0xc] =	wrdreg s1  }
.LBB2_1:
0x19: {  	s0 =	rddreg [dreg:$0xc]  }
0x1a: {  	[tilespmem:s2], [sflag:$0x2] =	stream.linear.gather [hbm4b:s0+s2], $0x3C0, $0x38;
	[tilespmem:$0xF400] =	vst v63  }
0x1b: {  	_ =	swait.ge [sflag:s6], $0x3C0  }
0x1c: {  	[sflag:s6] =	ssyncset.done $0x0  }
0x1d: {  	s1 =	simm.s32 $0x0;
	s0 =	simm.s32 $0x70;
	[sflag:s6] =	ssyncadd.s32 $0xFFFFFC40  }
.LBB2_2:
0x1e: {  	v3 =	vld [tilespmem:s0+$0xFFFFFF90];
	_ =	sdelay $0x4  }
0x1f: {  	v4 =	vshll.u32 v3, $0x1  }
0x20: {  	v3 =	vand.u32 $0x7, v3;
	v4 =	vand.u32 $0xFFFFFFF0, v4  }
0x21: {  	v3 =	vor.u32 v3, v4  }
0x22: {  	v4 =	vperm.xlane v3, v0;
	_ =	sdelay $0x1  }
0x23: {  	v3 =	vperm.xlane v3, v2;
	v4 =	vadd.s32 v1, v4;
	_ =	sdelay $0x1  }
0x24: {  	v3 =	vadd.s32 v1, v3;
	_ =	sdelay $0x2  }
0x25: {  	[tilespmem:s7], [sflag:$0x1] =	stream.indirect_vreg.gather [hbm4b:s3+s2], $0x80, v4, vm0, $0xb8;
	[tilespmem:$0xF400] =	vst v63  }
0x26: {  	s4 =	rddreg [dreg:$0x4]  }
0x27: {  	[tilespmem:s4], [sflag:$0x1] =	stream.indirect_vreg.gather [hbm4b:s3+s2], $0x80, v3, vm0, $0xb8;
	[tilespmem:$0xF400] =	vst v63  }
0x28: {  	v3 =	vld [tilespmem:s0+$0xFFFFFFA0];
	_ =	sdelay $0x4  }
0x29: {  	v50 =	vshll.u32 v3, $0x1  }
0x2a: {  	v3 =	vand.u32 $0x7, v3;
	v4 =	vand.u32 $0xFFFFFFF0, v50  }
0x2b: {  	v3 =	vor.u32 v3, v4  }
0x2c: {  	v4 =	vperm.xlane v3, v0;
	_ =	sdelay $0x1  }
0x2d: {  	v3 =	vperm.xlane v3, v2;
	v4 =	vadd.s32 v1, v4;
	_ =	sdelay $0x1  }
0x2e: {  	v3 =	vadd.s32 v1, v3;
	_ =	sdelay $0x1  }
0x2f: {  	s4 =	rddreg [dreg:$0x5]  }
0x30: {  	[tilespmem:s4], [sflag:$0x1] =	stream.indirect_vreg.gather [hbm4b:s3+s2], $0x80, v4, vm0, $0xb8;
	[tilespmem:$0xF400] =	vst v63  }
0x31: {  	s5 =	rddreg [dreg:$0x6]  }
0x32: {  	[tilespmem:s5], [sflag:$0x1] =	stream.indirect_vreg.gather [hbm4b:s3+s2], $0x80, v3, vm0, $0xb8;
	[tilespmem:$0xF400] =	vst v63  }
0x33: {  	v3 =	vld [tilespmem:s0+$0xFFFFFFB0];
	_ =	sdelay $0x4  }
0x34: {  	v51 =	vshll.u32 v3, $0x1  }
0x35: {  	v3 =	vand.u32 $0x7, v3;
	v4 =	vand.u32 $0xFFFFFFF0, v51  }
0x36: {  	v3 =	vor.u32 v3, v4  }
0x37: {  	v4 =	vperm.xlane v3, v0;
	_ =	sdelay $0x1  }
0x38: {  	v3 =	vperm.xlane v3, v2;
	v4 =	vadd.s32 v1, v4;
	_ =	sdelay $0x1  }
0x39: {  	v3 =	vadd.s32 v1, v3;
	_ =	sdelay $0x1  }
0x3a: {  	s4 =	rddreg [dreg:$0x7]  }
0x3b: {  	[tilespmem:s4], [sflag:$0x1] =	stream.indirect_vreg.gather [hbm4b:s3+s2], $0x80, v4, vm0, $0xb8;
	[tilespmem:$0xF400] =	vst v63  }
0x3c: {  	s5 =	rddreg [dreg:$0x8]  }
0x3d: {  	[tilespmem:s5], [sflag:$0x1] =	stream.indirect_vreg.gather [hbm4b:s3+s2], $0x80, v3, vm0, $0xb8;
	[tilespmem:$0xF400] =	vst v63  }
0x3e: {  	v3 =	vld [tilespmem:s0+$0xFFFFFFC0];
	_ =	sdelay $0x4  }
0x3f: {  	v52 =	vshll.u32 v3, $0x1  }
0x40: {  	v3 =	vand.u32 $0x7, v3;
	v4 =	vand.u32 $0xFFFFFFF0, v52  }
0x41: {  	v3 =	vor.u32 v3, v4  }
0x42: {  	v4 =	vperm.xlane v3, v0;
	_ =	sdelay $0x1  }
0x43: {  	v3 =	vperm.xlane v3, v2;
	v4 =	vadd.s32 v1, v4;
	_ =	sdelay $0x1  }
0x44: {  	v3 =	vadd.s32 v1, v3;
	_ =	sdelay $0x1  }
0x45: {  	s4 =	rddreg [dreg:$0x9]  }
0x46: {  	[tilespmem:s4], [sflag:$0x1] =	stream.indirect_vreg.gather [hbm4b:s3+s2], $0x80, v4, vm0, $0xb8;
	[tilespmem:$0xF400] =	vst v63  }
0x47: {  	s5 =	rddreg [dreg:$0xa]  }
0x48: {  	[tilespmem:s5], [sflag:$0x1] =	stream.indirect_vreg.gather [hbm4b:s3+s2], $0x80, v3, vm0, $0xb8;
	[tilespmem:$0xF400] =	vst v63  }
0x49: {  	v3 =	vld [tilespmem:s0+$0xFFFFFFD0];
	_ =	sdelay $0x4  }
0x4a: {  	v53 =	vshll.u32 v3, $0x1  }
0x4b: {  	v3 =	vand.u32 $0x7, v3;
	v4 =	vand.u32 $0xFFFFFFF0, v53  }
0x4c: {  	v3 =	vor.u32 v3, v4  }
0x4d: {  	v4 =	vperm.xlane v3, v0;
	_ =	sdelay $0x1  }
0x4e: {  	v3 =	vperm.xlane v3, v2;
	v4 =	vadd.s32 v1, v4;
	_ =	sdelay $0x1  }
0x4f: {  	v3 =	vadd.s32 v1, v3;
	_ =	sdelay $0x1  }
0x50: {  	s5 =	rddreg [dreg:$0xb]  }
0x51: {  	[tilespmem:s5], [sflag:$0x1] =	stream.indirect_vreg.gather [hbm4b:s3+s2], $0x80, v4, vm0, $0xb8;
	[tilespmem:$0xF400] =	vst v63  }
0x52: {  	_ = 	snop  }
0x53: {  	[tilespmem:s8], [sflag:$0x1] =	stream.indirect_vreg.gather [hbm4b:s3+s2], $0x80, v3, vm0, $0xb8;
	[tilespmem:$0xF400] =	vst v63  }
0x54: {  	v3 =	vld [tilespmem:s0+$0xFFFFFFE0];
	_ =	sdelay $0x4  }
0x55: {  	v54 =	vshll.u32 v3, $0x1  }
0x56: {  	v3 =	vand.u32 $0x7, v3;
	v4 =	vand.u32 $0xFFFFFFF0, v54  }
0x57: {  	v3 =	vor.u32 v3, v4  }
0x58: {  	v4 =	vperm.xlane v3, v0;
	_ =	sdelay $0x1  }
0x59: {  	v3 =	vperm.xlane v3, v2;
	v4 =	vadd.s32 v1, v4;
	_ =	sdelay $0x1  }
0x5a: {  	v3 =	vadd.s32 v1, v3;
	_ =	sdelay $0x2  }
0x5b: {  	[tilespmem:s9], [sflag:$0x1] =	stream.indirect_vreg.gather [hbm4b:s3+s2], $0x80, v4, vm0, $0xb8;
	[tilespmem:$0xF400] =	vst v63  }
0x5c: {  	_ = 	snop  }
0x5d: {  	[tilespmem:s10], [sflag:$0x1] =	stream.indirect_vreg.gather [hbm4b:s3+s2], $0x80, v3, vm0, $0xb8;
	[tilespmem:$0xF400] =	vst v63  }
0x5e: {  	v3 =	vld [tilespmem:s0+$0xFFFFFFF0];
	_ =	sdelay $0x4  }
0x5f: {  	v55 =	vshll.u32 v3, $0x1  }
0x60: {  	v3 =	vand.u32 $0x7, v3;
	v4 =	vand.u32 $0xFFFFFFF0, v55  }
0x61: {  	v3 =	vor.u32 v3, v4  }
0x62: {  	v4 =	vperm.xlane v3, v0;
	_ =	sdelay $0x1  }
0x63: {  	v3 =	vperm.xlane v3, v2;
	v4 =	vadd.s32 v1, v4;
	_ =	sdelay $0x1  }
0x64: {  	v3 =	vadd.s32 v1, v3;
	_ =	sdelay $0x2  }
0x65: {  	[tilespmem:s11], [sflag:$0x1] =	stream.indirect_vreg.gather [hbm4b:s3+s2], $0x80, v4, vm0, $0xb8;
	[tilespmem:$0xF400] =	vst v63  }
0x66: {  	_ = 	snop  }
0x67: {  	[tilespmem:s12], [sflag:$0x1] =	stream.indirect_vreg.gather [hbm4b:s3+s2], $0x80, v3, vm0, $0xb8;
	[tilespmem:$0xF400] =	vst v63  }
0x68: {  	v3 =	vld [tilespmem:s0+$0x0];
	_ =	sdelay $0x4  }
0x69: {  	v56 =	vshll.u32 v3, $0x1  }
0x6a: {  	v3 =	vand.u32 $0x7, v3;
	v4 =	vand.u32 $0xFFFFFFF0, v56  }
0x6b: {  	v3 =	vor.u32 v3, v4  }
0x6c: {  	v4 =	vperm.xlane v3, v0;
	_ =	sdelay $0x1  }
0x6d: {  	v3 =	vperm.xlane v3, v2;
	v4 =	vadd.s32 v1, v4;
	_ =	sdelay $0x1  }
0x6e: {  	v3 =	vadd.s32 v1, v3;
	_ =	sdelay $0x2  }
0x6f: {  	[tilespmem:s13], [sflag:$0x1] =	stream.indirect_vreg.gather [hbm4b:s3+s2], $0x80, v4, vm0, $0xb8;
	[tilespmem:$0xF400] =	vst v63  }
0x70: {  	_ = 	snop  }
0x71: {  	[tilespmem:s14], [sflag:$0x1] =	stream.indirect_vreg.gather [hbm4b:s3+s2], $0x80, v3, vm0, $0xb8;
	[tilespmem:$0xF400] =	vst v63  }
0x72: {  	v3 =	vld [tilespmem:s0+$0x10];
	_ =	sdelay $0x4  }
0x73: {  	v57 =	vshll.u32 v3, $0x1  }
0x74: {  	v3 =	vand.u32 $0x7, v3;
	v4 =	vand.u32 $0xFFFFFFF0, v57  }
0x75: {  	v3 =	vor.u32 v3, v4  }
0x76: {  	v4 =	vperm.xlane v3, v0;
	_ =	sdelay $0x1  }
0x77: {  	v3 =	vperm.xlane v3, v2;
	v4 =	vadd.s32 v1, v4;
	_ =	sdelay $0x1  }
0x78: {  	v3 =	vadd.s32 v1, v3;
	_ =	sdelay $0x2  }
0x79: {  	[tilespmem:s15], [sflag:$0x1] =	stream.indirect_vreg.gather [hbm4b:s3+s2], $0x80, v4, vm0, $0xb8;
	[tilespmem:$0xF400] =	vst v63  }
0x7a: {  	_ = 	snop  }
0x7b: {  	[tilespmem:s16], [sflag:$0x1] =	stream.indirect_vreg.gather [hbm4b:s3+s2], $0x80, v3, vm0, $0xb8;
	[tilespmem:$0xF400] =	vst v63  }
0x7c: {  	v3 =	vld [tilespmem:s0+$0x20];
	_ =	sdelay $0x4  }
0x7d: {  	v58 =	vshll.u32 v3, $0x1  }
0x7e: {  	v3 =	vand.u32 $0x7, v3;
	v4 =	vand.u32 $0xFFFFFFF0, v58  }
0x7f: {  	v3 =	vor.u32 v3, v4  }
0x80: {  	v4 =	vperm.xlane v3, v0;
	_ =	sdelay $0x1  }
0x81: {  	v3 =	vperm.xlane v3, v2;
	v4 =	vadd.s32 v1, v4;
	_ =	sdelay $0x1  }
0x82: {  	v3 =	vadd.s32 v1, v3;
	_ =	sdelay $0x2  }
0x83: {  	[tilespmem:s17], [sflag:$0x1] =	stream.indirect_vreg.gather [hbm4b:s3+s2], $0x80, v4, vm0, $0xb8;
	[tilespmem:$0xF400] =	vst v63  }
0x84: {  	_ = 	snop  }
0x85: {  	[tilespmem:s18], [sflag:$0x1] =	stream.indirect_vreg.gather [hbm4b:s3+s2], $0x80, v3, vm0, $0xb8;
	[tilespmem:$0xF400] =	vst v63  }
0x86: {  	v3 =	vld [tilespmem:s0+$0x30];
	_ =	sdelay $0x4  }
0x87: {  	v59 =	vshll.u32 v3, $0x1  }
0x88: {  	v3 =	vand.u32 $0x7, v3;
	v4 =	vand.u32 $0xFFFFFFF0, v59  }
0x89: {  	v3 =	vor.u32 v3, v4  }
0x8a: {  	v4 =	vperm.xlane v3, v0;
	_ =	sdelay $0x1  }
0x8b: {  	v3 =	vperm.xlane v3, v2;
	v4 =	vadd.s32 v1, v4;
	_ =	sdelay $0x1  }
0x8c: {  	v3 =	vadd.s32 v1, v3;
	_ =	sdelay $0x2  }
0x8d: {  	[tilespmem:s19], [sflag:$0x1] =	stream.indirect_vreg.gather [hbm4b:s3+s2], $0x80, v4, vm0, $0xb8;
	[tilespmem:$0xF400] =	vst v63  }
0x8e: {  	_ = 	snop  }
0x8f: {  	[tilespmem:s20], [sflag:$0x1] =	stream.indirect_vreg.gather [hbm4b:s3+s2], $0x80, v3, vm0, $0xb8;
	[tilespmem:$0xF400] =	vst v63  }
0x90: {  	v3 =	vld [tilespmem:s0+$0x40];
	_ =	sdelay $0x4  }
0x91: {  	v60 =	vshll.u32 v3, $0x1  }
0x92: {  	v3 =	vand.u32 $0x7, v3;
	v4 =	vand.u32 $0xFFFFFFF0, v60  }
0x93: {  	v3 =	vor.u32 v3, v4  }
0x94: {  	v4 =	vperm.xlane v3, v0;
	_ =	sdelay $0x1  }
0x95: {  	v3 =	vperm.xlane v3, v2;
	v4 =	vadd.s32 v1, v4;
	_ =	sdelay $0x1  }
0x96: {  	v3 =	vadd.s32 v1, v3;
	_ =	sdelay $0x2  }
0x97: {  	[tilespmem:s21], [sflag:$0x1] =	stream.indirect_vreg.gather [hbm4b:s3+s2], $0x80, v4, vm0, $0xb8;
	[tilespmem:$0xF400] =	vst v63  }
0x98: {  	_ = 	snop  }
0x99: {  	[tilespmem:s22], [sflag:$0x1] =	stream.indirect_vreg.gather [hbm4b:s3+s2], $0x80, v3, vm0, $0xb8;
	[tilespmem:$0xF400] =	vst v63  }
0x9a: {  	v3 =	vld [tilespmem:s0+$0x50];
	_ =	sdelay $0x4  }
0x9b: {  	v61 =	vshll.u32 v3, $0x1  }
0x9c: {  	v3 =	vand.u32 $0x7, v3;
	v4 =	vand.u32 $0xFFFFFFF0, v61  }
0x9d: {  	v3 =	vor.u32 v3, v4  }
0x9e: {  	v4 =	vperm.xlane v3, v0;
	_ =	sdelay $0x1  }
0x9f: {  	v3 =	vperm.xlane v3, v2;
	v4 =	vadd.s32 v1, v4;
	_ =	sdelay $0x1  }
0xa0: {  	v3 =	vadd.s32 v1, v3;
	_ =	sdelay $0x2  }
0xa1: {  	[tilespmem:s23], [sflag:$0x1] =	stream.indirect_vreg.gather [hbm4b:s3+s2], $0x80, v4, vm0, $0xb8;
	[tilespmem:$0xF400] =	vst v63  }
0xa2: {  	_ = 	snop  }
0xa3: {  	[tilespmem:s24], [sflag:$0x1] =	stream.indirect_vreg.gather [hbm4b:s3+s2], $0x80, v3, vm0, $0xb8;
	[tilespmem:$0xF400] =	vst v63  }
0xa4: {  	v3 =	vld [tilespmem:s0+$0x60];
	_ =	sdelay $0x4  }
0xa5: {  	v62 =	vshll.u32 v3, $0x1  }
0xa6: {  	v3 =	vand.u32 $0x7, v3;
	v4 =	vand.u32 $0xFFFFFFF0, v62  }
0xa7: {  	v3 =	vor.u32 v3, v4  }
0xa8: {  	v4 =	vperm.xlane v3, v0;
	_ =	sdelay $0x1  }
0xa9: {  	v3 =	vperm.xlane v3, v2;
	v4 =	vadd.s32 v1, v4;
	_ =	sdelay $0x1  }
0xaa: {  	v3 =	vadd.s32 v1, v3;
	_ =	sdelay $0x2  }
0xab: {  	[tilespmem:s25], [sflag:$0x1] =	stream.indirect_vreg.gather [hbm4b:s3+s2], $0x80, v4, vm0, $0xb8;
	[tilespmem:$0xF400] =	vst v63  }
0xac: {  	_ = 	snop  }
0xad: {  	[tilespmem:s26], [sflag:$0x1] =	stream.indirect_vreg.gather [hbm4b:s3+s2], $0x80, v3, vm0, $0xb8;
	[tilespmem:$0xF400] =	vst v63  }
0xae: {  	v3 =	vld [tilespmem:s0+$0x70];
	_ =	sdelay $0x4  }
0xaf: {  	v63 =	vshll.u32 v3, $0x1  }
0xb0: {  	v3 =	vand.u32 $0x7, v3;
	v4 =	vand.u32 $0xFFFFFFF0, v63  }
0xb1: {  	v3 =	vor.u32 v3, v4  }
0xb2: {  	v4 =	vperm.xlane v3, v0;
	_ =	sdelay $0x1  }
0xb3: {  	v3 =	vperm.xlane v3, v2;
	v4 =	vadd.s32 v1, v4;
	_ =	sdelay $0x1  }
0xb4: {  	v3 =	vadd.s32 v1, v3;
	_ =	sdelay $0x2  }
0xb5: {  	[tilespmem:s28], [sflag:$0x1] =	stream.indirect_vreg.gather [hbm4b:s3+s2], $0x80, v4, vm0, $0xb8;
	[tilespmem:$0xF400] =	vst v63  }
0xb6: {  	_ = 	snop  }
0xb7: {  	[tilespmem:s29], [sflag:$0x1] =	stream.indirect_vreg.gather [hbm4b:s3+s2], $0x80, v3, vm0, $0xb8;
	[tilespmem:$0xF400] =	vst v63  }
0xb8: {  	_ =	swait.ge [sflag:s30], $0xF000  }
0xb9: {  	p0 =	sne.s32 s1, $0x5A00;
	s5 =	rddreg [dreg:$0x3];
	[sflag:s30] =	ssyncset.done $0x0  }
.Ltmp0:
0xba: {  	[sflag:s30] =	ssyncadd.s32 $0xFFFF1000;
	s4 =	sadd.s32 s1, s5;
	(pc) =	sbr.rel @p0 .LBB2_2-.Ltmp0, $4  }
0xbb: {  	[hbm4b:s4+s2] =	stream.linear.scatter [tilespmem:s7], [sflag:$0x2], $0xF000, $0x38;
	[tilespmem:$0xF400] =	vst v63  }
0xbc: {  	_ =	swait.ge [sflag:s6], $0xF000  }
0xbd: {  	[sflag:s6] =	ssyncset.done $0x0  }
0xbe: {  	s0 =	sadd.s32 $0xF0, s0;
	s1 =	sadd.s32 $0x1E00, s1;
	[sflag:s6] =	ssyncadd.s32 $0xFFFF1000  }
0xbf: {  	s31 =	sadd.s32 $0x1, s31;
	s0 =	rddreg [dreg:$0xd]  }
0xc0: {  	p0 =	sne.s32 s31, s0  }
.Ltmp1:
0xc1: {  	_ = 	snop;
	(pc) =	sbr.rel @p0 .LBB2_1-.Ltmp1, $1  }
0xc2: {  	_ =	sdelay $0x3  }
0xc3: {  	_ =	sfence.sel $0x180000  }
0xc4: {  	[bflag:$0x0] =	sbarrier.arrive $0xFFFF  }
0xc5: {  	_ =	strace $0x90000056  }
0xc6: {  	s0 =	stileid.u32;
	[bflag:$0x2] =	sbarrier.arrive $0xFFFF  }
0xc7: {  	p0 =	sne.s32 s0, $0x0;
	s0 =	rddreg [dreg:$0x2]  }
0xc8: {  	s0 =	sadd.s32 @!p0 $0x100000, s0  }
0xc9: {  	[sflag:s0] =	ssyncadd.tile.s32 @!p0 $0x1;
	_ =	shalt  }
.Lfunc_end2:
_tile_overlayer_lowered:
.L_overlay_start_2:
0xca: {  	(tag) =	ssettag $0x2  }
0xcb: {  	s0 =	rddreg [dreg:$0x0];
	s2 =	stileid.u32  }
0xcc: {  	s1 =	rddreg [dreg:$0x1];
	p0 =	sne.s32 s2, $0x0  }
0xcd: {  	s3 =	rddreg [dreg:$0x2];
	[bflag:$0x3] =	sbarrier.arrive $0xFFFF;
	s2 =	simm.s32 @!p0 $0x1C02  }
0xce: {  	[timem:s3], [sflag:s2] =	dma.local @!p0 [hbm:s0], s1  }
0xcf: {  	s0 =	simm.s32 @!p0 $0x2  }
0xd0: {  	_ =	swait.ge @!p0 [sflag:s0], s1  }
0xd1: {  	s1 =	ssub.s32 @!p0 $0x0, s1;
	[sflag:s0] =	ssyncset.done @!p0 $0x0  }
0xd2: {  	[sflag:s0] =	ssyncadd.s32 @!p0 s1  }
0xd3: {  	[bflag:$0x3] =	sbarrier.arrive $0xFFFF  }
0xd4: {  	_ =	shalt  }

</sc_bundles>
